<compile_context>
chip_gen: v7x
topology: tpu7x:2x2x1
jax: 0.10.2.dev20260603
libtpu: 0.0.44.dev20260713+nightly
codegen_flags: <defaults>
</compile_context>

<pallas_src>
import functools

import jax
import jax.numpy as jnp
from jax import lax
from jax.experimental import pallas as pl
from jax.experimental.pallas import tpu as pltpu
from jax.experimental.pallas import tpu_sc as plsc

_INFO = plsc.get_sparse_core_info()
_NC = _INFO.num_cores
_NS = _INFO.num_subcores
_NW = _NC * _NS
_LANES = _INFO.num_lanes

_PADW = 128
_H0 = 104


@functools.lru_cache(maxsize=None)
def _build(B, L, D, V):
    assert B % _NW == 0 and D % _LANES == 0
    seq_per_w = B // _NW
    assert seq_per_w % 2 == 0
    nvec = D // _LANES
    row_blk = 8
    h0 = min(_H0, L)
    h1 = L - h0
    assert h0 % row_blk == 0 and (h1 == 0 or h1 % row_blk == 0)
    halves = ((0, h0), (h0, h1)) if h1 else ((0, h0),)
    nh = len(halves)
    hmax = max(h for _, h in halves)

    mesh = plsc.VectorSubcoreMesh(core_axis_name="c", subcore_axis_name="s")

    @functools.partial(
        pl.kernel,
        out_type=jax.ShapeDtypeStruct((B, L, D), jnp.float32),
        mesh=mesh,
        scratch_types=[
            [pltpu.VMEM((L,), jnp.int32)] * 2,
            pltpu.VMEM((L, D), jnp.float32),
            [pltpu.VMEM((hmax, _PADW), jnp.float32)] * (2 * nh),
            [pltpu.VMEM((hmax, D), jnp.float32)] * nh,
            [pltpu.SemaphoreType.DMA] * 2,
            [pltpu.SemaphoreType.DMA] * (2 * nh),
            [pltpu.SemaphoreType.DMA] * nh,
        ],
    )
    def emb_kernel(x_hbm, tok_hbm, pos_hbm, out_hbm, idx_bufs, pos_v,
                   tok_bufs, out_bufs, isems, gsems, osems):
        cid = lax.axis_index("c")
        sid = lax.axis_index("s")
        wid = sid * _NC + cid
        seq0 = wid * seq_per_w

        pltpu.sync_copy(pos_hbm, pos_v)

        def start_idx(s, ib):
            pltpu.async_copy(x_hbm.at[pl.ds((seq0 + s) * L, L)],
                             idx_bufs[ib], isems[ib])

        def wait_idx(ib):
            pltpu.make_async_copy(x_hbm.at[pl.ds(0, L)], idx_bufs[ib],
                                  isems[ib]).wait()

        def start_gather(ib, h, tb):
            base, rows = halves[h]
            pltpu.async_copy(
                tok_hbm.at[idx_bufs[ib].at[pl.ds(base, rows)]],
                tok_bufs[tb].at[pl.ds(0, rows)], gsems[tb])

        def wait_gather(h, tb):
            base, rows = halves[h]
            pltpu.make_async_copy(
                tok_hbm.at[idx_bufs[0].at[pl.ds(0, rows)]],
                tok_bufs[tb].at[pl.ds(0, rows)], gsems[tb]).wait()

        def start_out(s, h):
            base, rows = halves[h]
            pltpu.async_copy(out_bufs[h].at[pl.ds(0, rows)],
                             out_hbm.at[seq0 + s, pl.ds(base, rows)],
                             osems[h])

        def wait_out(h):
            base, rows = halves[h]
            pltpu.make_async_copy(out_bufs[h].at[pl.ds(0, rows)],
                                  out_hbm.at[seq0, pl.ds(base, rows)],
                                  osems[h]).wait()

        def add_pos(h, tb):
            t = tok_bufs[tb]
            ob = out_bufs[h]
            base, rows = halves[h]

            @pl.loop(0, rows, step=row_blk)
            def _(r):
                for rr in range(row_blk):
                    for j in range(nvec):
                        sl = pl.ds(j * _LANES, _LANES)
                        ob[r + rr, sl] = (t[r + rr, sl]
                                          + pos_v[base + r + rr, sl])

        start_idx(0, 0)
        wait_idx(0)
        for h in range(nh):
            start_gather(0, h, h)
        start_idx(1, 1)

        @pl.loop(0, seq_per_w, step=2)
        def _(g):
            for b in range(2):
                s = g + b
                ib = b
                nib = 1 - b
                tbs = [(2 * s0 + h) % (2 * nh)
                       for s0, h in ((b, 0), (b, 1), (b + 1, 0), (b + 1, 1))]

                @pl.when(s + 1 < seq_per_w)
                def _():
                    wait_idx(nib)
                    for h in range(nh):
                        start_gather(nib, h, tbs[2 + h])

                for h in range(nh):
                    wait_gather(h, tbs[h])

                @pl.when(s + 2 < seq_per_w)
                def _():
                    start_idx(s + 2, ib)

                for h in range(nh):
                    @pl.when(s >= 1)
                    def _():
                        wait_out(h)

                    add_pos(h, tbs[h])
                    start_out(s, h)

        for h in range(nh):
            wait_out(h)

    return emb_kernel


def kernel(x, token_table, pos_table):
    B, L = x.shape
    V, D = token_table.shape
    fn = _build(B, L, D, V)
    tt = jnp.pad(token_table, ((0, 0), (0, _PADW - D)))
    return fn(x.astype(jnp.int32).reshape(B * L), tt, pos_table)

# --- scband reference (transcript-rebuilt; emitter-appended) ---
"""Pipeline reference for scband-positional-embedding-8358006358029 (READ-ONLY COPY).

The authoritative reference and input builder live on the scoring server;
editing this copy changes nothing except your own understanding.
"""

import jax, jax.numpy as jnp
import numpy as np

VOCAB = 100000
EMBED = 64
MAXLEN = 200
BATCH = 1024

def setup_inputs(seed: int = 0) -> dict:
    key = jax.random.key(seed)
    k1, k2, k3 = jax.random.split(key, 3)
    x = jax.random.randint(k1, (BATCH, MAXLEN), 0, VOCAB, dtype=jnp.int64 if jax.config.jax_enable_x64 else jnp.int32)
    token_table = jax.random.normal(k2, (VOCAB, EMBED), dtype=jnp.float32) * 0.05
    pos_table = jax.random.normal(k3, (MAXLEN, EMBED), dtype=jnp.float32) * 0.05
    return {"x": x, "token_table": token_table, "pos_table": pos_table}

def reference(x, token_table, pos_table):
    seq_len = x.shape[-1]
    positions = jnp.arange(seq_len)
    pos_emb = jnp.take(pos_table, positions, axis=0)  # [L, D]
    tok_emb = jnp.take(token_table, x, axis=0)        # [B, L, D]
    return tok_emb + pos_emb

if __name__ == "__main__":
    import jax
    _d = setup_inputs()
    print(jax.jit(kernel)(*tuple(_d.values())))

</pallas_src>

<mosaic_0001>
#map = affine_map<(d0, d1) -> (0)>
#map1 = affine_map<(d0, d1) -> (0, 0)>
#map2 = affine_map<(d0, d1) -> (0, 0, 0)>
module attributes {stable_mosaic.version = 14 : i64} {
  func.func @emb_kernel(%arg0: i32, %arg1: i32, %arg2: memref<204800xi32, #tpu.memory_space<hbm>>, %arg3: memref<100000x128xf32, #tpu.memory_space<hbm>>, %arg4: memref<200x64xf32, #tpu.memory_space<hbm>>, %arg5: memref<1024x200x64xf32, #tpu.memory_space<hbm>>, %arg6: memref<200xi32, #tpu.memory_space<vmem>>, %arg7: memref<200xi32, #tpu.memory_space<vmem>>, %arg8: memref<200x64xf32, #tpu.memory_space<vmem>>, %arg9: memref<104x128xf32, #tpu.memory_space<vmem>>, %arg10: memref<104x128xf32, #tpu.memory_space<vmem>>, %arg11: memref<104x128xf32, #tpu.memory_space<vmem>>, %arg12: memref<104x128xf32, #tpu.memory_space<vmem>>, %arg13: memref<104x64xf32, #tpu.memory_space<vmem>>, %arg14: memref<104x64xf32, #tpu.memory_space<vmem>>, %arg15: memref<!tpu.dma_semaphore, #tpu.memory_space<semaphore_mem>>, %arg16: memref<!tpu.dma_semaphore, #tpu.memory_space<semaphore_mem>>, %arg17: memref<!tpu.dma_semaphore, #tpu.memory_space<semaphore_mem>>, %arg18: memref<!tpu.dma_semaphore, #tpu.memory_space<semaphore_mem>>, %arg19: memref<!tpu.dma_semaphore, #tpu.memory_space<semaphore_mem>>, %arg20: memref<!tpu.dma_semaphore, #tpu.memory_space<semaphore_mem>>, %arg21: memref<!tpu.dma_semaphore, #tpu.memory_space<semaphore_mem>>, %arg22: memref<!tpu.dma_semaphore, #tpu.memory_space<semaphore_mem>>) attributes {dimension_semantics = [#tpu.dimension_semantics<core_parallel>, #tpu.dimension_semantics<subcore_parallel>], iteration_bounds = array<i64: 2, 16>, scalar_prefetch = 0 : i64, scratch_operands = 17 : i64, tpu.core_type = #tpu.core_type<sc_vector_subcore>, window_params = [{transform_indices = #map}, {transform_indices = #map1}, {transform_indices = #map1}, {transform_indices = #map2}]} {
    %mul3A = arith.constant 2 : i32
    %mul3A_0 = arith.muli %arg1, %mul3A : i32
    %add3A = arith.addi %mul3A_0, %arg0 : i32
    %mul3A_1 = arith.constant 32 : i32
    %mul3A_2 = arith.muli %add3A, %mul3A_1 : i32
    "tpu.region"() ({
      %run_scoped3A = tpu.sem_alloc : memref<!tpu.dma_semaphore, #tpu.memory_space<semaphore_mem>>
      tpu.enqueue_dma source(%arg4 : memref<200x64xf32, #tpu.memory_space<hbm>>) target(%arg8 : memref<200x64xf32, #tpu.memory_space<vmem>>) target_semaphore(%run_scoped3A : memref<!tpu.dma_semaphore, #tpu.memory_space<semaphore_mem>>)
      tpu.wait_dma2 semaphore(%run_scoped3A : memref<!tpu.dma_semaphore, #tpu.memory_space<semaphore_mem>>) src(%arg4 : memref<200x64xf32, #tpu.memory_space<hbm>>) dst(%arg8 : memref<200x64xf32, #tpu.memory_space<vmem>>)
      tpu.yield
    }) : () -> ()
    %add3A_3 = arith.constant 0 : i32
    %add3A_4 = arith.addi %mul3A_2, %add3A_3 : i32
    %mul3A_5 = arith.constant 200 : i32
    %mul3A_6 = arith.muli %add3A_4, %mul3A_5 : i32
    %dma_start3A = tpu.memref_slice %arg2[%mul3A_6] : memref<204800xi32, #tpu.memory_space<hbm>> -> memref<200xi32, #tpu.memory_space<hbm>>
    %dma_start3A_7 = tpu.memref_slice %arg2[%mul3A_6] : memref<204800xi32, #tpu.memory_space<hbm>> -> memref<200xi32, #tpu.memory_space<hbm>>
    tpu.enqueue_dma source(%dma_start3A_7 : memref<200xi32, #tpu.memory_space<hbm>>) target(%arg6 : memref<200xi32, #tpu.memory_space<vmem>>) target_semaphore(%arg15 : memref<!tpu.dma_semaphore, #tpu.memory_space<semaphore_mem>>)
    %dma_wait3A = arith.constant 0 : i32
    %dma_wait3A_8 = tpu.memref_slice %arg2[%dma_wait3A] : memref<204800xi32, #tpu.memory_space<hbm>> -> memref<200xi32, #tpu.memory_space<hbm>>
    %dma_wait3A_9 = arith.constant 0 : i32
    %dma_wait3A_10 = tpu.memref_slice %arg2[%dma_wait3A_9] : memref<204800xi32, #tpu.memory_space<hbm>> -> memref<200xi32, #tpu.memory_space<hbm>>
    tpu.wait_dma2 semaphore(%arg15 : memref<!tpu.dma_semaphore, #tpu.memory_space<semaphore_mem>>) src(%dma_wait3A_10 : memref<200xi32, #tpu.memory_space<hbm>>) dst(%arg6 : memref<200xi32, #tpu.memory_space<vmem>>)
    %dma_start3A_11 = arith.constant 0 : i32
    %dma_start3A_12 = arith.constant 0 : i32
    %dma_start3A_13 = tpu.memref_slice %arg9[%dma_start3A_11, %dma_start3A_12] : memref<104x128xf32, #tpu.memory_space<vmem>> -> memref<104x128xf32, #tpu.memory_space<vmem>>
    %dma_start3A_14 = arith.constant 0 : i32
    %dma_start3A_15 = tpu.memref_slice %arg6[%dma_start3A_14] : memref<200xi32, #tpu.memory_space<vmem>> -> memref<104xi32, #tpu.memory_space<vmem>>
    %dma_start3A_16 = arith.constant 0 : i32
    %dma_start3A_17 = arith.constant 0 : i32
    %dma_start3A_18 = tpu.memref_slice %arg3[%dma_start3A_16, %dma_start3A_17] : memref<100000x128xf32, #tpu.memory_space<hbm>> -> memref<100000x128xf32, #tpu.memory_space<hbm>>
    tpu.enqueue_indirect_dma source(%dma_start3A_18 : memref<100000x128xf32, #tpu.memory_space<hbm>>) target(%dma_start3A_13 : memref<104x128xf32, #tpu.memory_space<vmem>>) offsets(%dma_start3A_15 : memref<104xi32, #tpu.memory_space<vmem>>) semaphore(%arg17 : memref<!tpu.dma_semaphore, #tpu.memory_space<semaphore_mem>>)
    %dma_start3A_19 = arith.constant 0 : i32
    %dma_start3A_20 = arith.constant 0 : i32
    %dma_start3A_21 = tpu.memref_slice %arg10[%dma_start3A_19, %dma_start3A_20] : memref<104x128xf32, #tpu.memory_space<vmem>> -> memref<96x128xf32, #tpu.memory_space<vmem>>
    %dma_start3A_22 = arith.constant 104 : i32
    %dma_start3A_23 = tpu.memref_slice %arg6[%dma_start3A_22] : memref<200xi32, #tpu.memory_space<vmem>> -> memref<96xi32, #tpu.memory_space<vmem>>
    %dma_start3A_24 = arith.constant 0 : i32
    %dma_start3A_25 = arith.constant 0 : i32
    %dma_start3A_26 = tpu.memref_slice %arg3[%dma_start3A_24, %dma_start3A_25] : memref<100000x128xf32, #tpu.memory_space<hbm>> -> memref<100000x128xf32, #tpu.memory_space<hbm>>
    tpu.enqueue_indirect_dma source(%dma_start3A_26 : memref<100000x128xf32, #tpu.memory_space<hbm>>) target(%dma_start3A_21 : memref<96x128xf32, #tpu.memory_space<vmem>>) offsets(%dma_start3A_23 : memref<96xi32, #tpu.memory_space<vmem>>) semaphore(%arg18 : memref<!tpu.dma_semaphore, #tpu.memory_space<semaphore_mem>>)
    %add3A_27 = arith.constant 1 : i32
    %add3A_28 = arith.addi %mul3A_2, %add3A_27 : i32
    %mul3A_29 = arith.constant 200 : i32
    %mul3A_30 = arith.muli %add3A_28, %mul3A_29 : i32
    %dma_start3A_31 = tpu.memref_slice %arg2[%mul3A_30] : memref<204800xi32, #tpu.memory_space<hbm>> -> memref<200xi32, #tpu.memory_space<hbm>>
    %dma_start3A_32 = tpu.memref_slice %arg2[%mul3A_30] : memref<204800xi32, #tpu.memory_space<hbm>> -> memref<200xi32, #tpu.memory_space<hbm>>
    tpu.enqueue_dma source(%dma_start3A_32 : memref<200xi32, #tpu.memory_space<hbm>>) target(%arg7 : memref<200xi32, #tpu.memory_space<vmem>>) target_semaphore(%arg16 : memref<!tpu.dma_semaphore, #tpu.memory_space<semaphore_mem>>)
    %scan3A = arith.constant 0 : i32
    %scan3A_33 = arith.constant 16 : i32
    %scan3A_34 = arith.addi %scan3A, %scan3A_33 : i32
    %scan3A_35 = arith.constant 1 : i32
    scf.for %scan3A_65 = %scan3A to %scan3A_34 step %scan3A_35  : i32 {
      %mul3A_66 = arith.constant 2 : i32
      %mul3A_67 = arith.muli %scan3A_65, %mul3A_66 : i32
      %add3A_68 = arith.constant 0 : i32
      %add3A_69 = arith.addi %add3A_68, %mul3A_67 : i32
      %add3A_70 = arith.constant 0 : i32
      %add3A_71 = arith.addi %add3A_69, %add3A_70 : i32
      %add3A_72 = arith.constant 1 : i32
      %add3A_73 = arith.addi %add3A_71, %add3A_72 : i32
      %lt3A = arith.constant 32 : i32
      %lt3A_74 = arith.cmpi slt, %add3A_73, %lt3A : i32
      %convert_element_type3A = arith.extui %lt3A_74 : i1 to i32
      %cond3A = arith.constant 0 : i32
      %cond3A_75 = arith.cmpi ne, %convert_element_type3A, %cond3A : i32
      scf.if %cond3A_75 {
        %dma_wait3A_230 = arith.constant 0 : i32
        %dma_wait3A_231 = tpu.memref_slice %arg2[%dma_wait3A_230] : memref<204800xi32, #tpu.memory_space<hbm>> -> memref<200xi32, #tpu.memory_space<hbm>>
        %dma_wait3A_232 = arith.constant 0 : i32
        %dma_wait3A_233 = tpu.memref_slice %arg2[%dma_wait3A_232] : memref<204800xi32, #tpu.memory_space<hbm>> -> memref<200xi32, #tpu.memory_space<hbm>>
        tpu.wait_dma2 semaphore(%arg16 : memref<!tpu.dma_semaphore, #tpu.memory_space<semaphore_mem>>) src(%dma_wait3A_233 : memref<200xi32, #tpu.memory_space<hbm>>) dst(%arg7 : memref<200xi32, #tpu.memory_space<vmem>>)
        %dma_start3A_234 = arith.constant 0 : i32
        %dma_start3A_235 = arith.constant 0 : i32
        %dma_start3A_236 = tpu.memref_slice %arg11[%dma_start3A_234, %dma_start3A_235] : memref<104x128xf32, #tpu.memory_space<vmem>> -> memref<104x128xf32, #tpu.memory_space<vmem>>
        %dma_start3A_237 = arith.constant 0 : i32
        %dma_start3A_238 = tpu.memref_slice %arg7[%dma_start3A_237] : memref<200xi32, #tpu.memory_space<vmem>> -> memref<104xi32, #tpu.memory_space<vmem>>
        %dma_start3A_239 = arith.constant 0 : i32
        %dma_start3A_240 = arith.constant 0 : i32
        %dma_start3A_241 = tpu.memref_slice %arg3[%dma_start3A_239, %dma_start3A_240] : memref<100000x128xf32, #tpu.memory_space<hbm>> -> memref<100000x128xf32, #tpu.memory_space<hbm>>
        tpu.enqueue_indirect_dma source(%dma_start3A_241 : memref<100000x128xf32, #tpu.memory_space<hbm>>) target(%dma_start3A_236 : memref<104x128xf32, #tpu.memory_space<vmem>>) offsets(%dma_start3A_238 : memref<104xi32, #tpu.memory_space<vmem>>) semaphore(%arg19 : memref<!tpu.dma_semaphore, #tpu.memory_space<semaphore_mem>>)
        %dma_start3A_242 = arith.constant 0 : i32
        %dma_start3A_243 = arith.constant 0 : i32
        %dma_start3A_244 = tpu.memref_slice %arg12[%dma_start3A_242, %dma_start3A_243] : memref<104x128xf32, #tpu.memory_space<vmem>> -> memref<96x128xf32, #tpu.memory_space<vmem>>
        %dma_start3A_245 = arith.constant 104 : i32
        %dma_start3A_246 = tpu.memref_slice %arg7[%dma_start3A_245] : memref<200xi32, #tpu.memory_space<vmem>> -> memref<96xi32, #tpu.memory_space<vmem>>
        %dma_start3A_247 = arith.constant 0 : i32
        %dma_start3A_248 = arith.constant 0 : i32
        %dma_start3A_249 = tpu.memref_slice %arg3[%dma_start3A_247, %dma_start3A_248] : memref<100000x128xf32, #tpu.memory_space<hbm>> -> memref<100000x128xf32, #tpu.memory_space<hbm>>
        tpu.enqueue_indirect_dma source(%dma_start3A_249 : memref<100000x128xf32, #tpu.memory_space<hbm>>) target(%dma_start3A_244 : memref<96x128xf32, #tpu.memory_space<vmem>>) offsets(%dma_start3A_246 : memref<96xi32, #tpu.memory_space<vmem>>) semaphore(%arg20 : memref<!tpu.dma_semaphore, #tpu.memory_space<semaphore_mem>>)
      } else {
      }
      %dma_wait3A_76 = arith.constant 0 : i32
      %dma_wait3A_77 = arith.constant 0 : i32
      %dma_wait3A_78 = tpu.memref_slice %arg9[%dma_wait3A_76, %dma_wait3A_77] : memref<104x128xf32, #tpu.memory_space<vmem>> -> memref<104x128xf32, #tpu.memory_space<vmem>>
      %dma_wait3A_79 = arith.constant 0 : i32
      %dma_wait3A_80 = tpu.memref_slice %arg6[%dma_wait3A_79] : memref<200xi32, #tpu.memory_space<vmem>> -> memref<104xi32, #tpu.memory_space<vmem>>
      %dma_wait3A_81 = arith.constant 0 : i32
      %dma_wait3A_82 = arith.constant 0 : i32
      %dma_wait3A_83 = tpu.memref_slice %arg3[%dma_wait3A_81, %dma_wait3A_82] : memref<100000x128xf32, #tpu.memory_space<hbm>> -> memref<100000x128xf32, #tpu.memory_space<hbm>>
      tpu.wait_indirect_dma semaphore(%arg17 : memref<!tpu.dma_semaphore, #tpu.memory_space<semaphore_mem>>) src(%dma_wait3A_83 : memref<100000x128xf32, #tpu.memory_space<hbm>>) dst(%dma_wait3A_78 : memref<104x128xf32, #tpu.memory_space<vmem>>)
      %dma_wait3A_84 = arith.constant 0 : i32
      %dma_wait3A_85 = arith.constant 0 : i32
      %dma_wait3A_86 = tpu.memref_slice %arg10[%dma_wait3A_84, %dma_wait3A_85] : memref<104x128xf32, #tpu.memory_space<vmem>> -> memref<96x128xf32, #tpu.memory_space<vmem>>
      %dma_wait3A_87 = arith.constant 0 : i32
      %dma_wait3A_88 = tpu.memref_slice %arg6[%dma_wait3A_87] : memref<200xi32, #tpu.memory_space<vmem>> -> memref<96xi32, #tpu.memory_space<vmem>>
      %dma_wait3A_89 = arith.constant 0 : i32
      %dma_wait3A_90 = arith.constant 0 : i32
      %dma_wait3A_91 = tpu.memref_slice %arg3[%dma_wait3A_89, %dma_wait3A_90] : memref<100000x128xf32, #tpu.memory_space<hbm>> -> memref<100000x128xf32, #tpu.memory_space<hbm>>
      tpu.wait_indirect_dma semaphore(%arg18 : memref<!tpu.dma_semaphore, #tpu.memory_space<semaphore_mem>>) src(%dma_wait3A_91 : memref<100000x128xf32, #tpu.memory_space<hbm>>) dst(%dma_wait3A_86 : memref<96x128xf32, #tpu.memory_space<vmem>>)
      %add3A_92 = arith.constant 2 : i32
      %add3A_93 = arith.addi %add3A_71, %add3A_92 : i32
      %lt3A_94 = arith.constant 32 : i32
      %lt3A_95 = arith.cmpi slt, %add3A_93, %lt3A_94 : i32
      %convert_element_type3A_96 = arith.extui %lt3A_95 : i1 to i32
      %cond3A_97 = arith.constant 0 : i32
      %cond3A_98 = arith.cmpi ne, %convert_element_type3A_96, %cond3A_97 : i32
      scf.if %cond3A_98 {
        %add3A_230 = arith.constant 2 : i32
        %add3A_231 = arith.addi %add3A_71, %add3A_230 : i32
        %add3A_232 = arith.addi %mul3A_2, %add3A_231 : i32
        %mul3A_233 = arith.constant 200 : i32
        %mul3A_234 = arith.muli %add3A_232, %mul3A_233 : i32
        %dma_start3A_235 = tpu.memref_slice %arg2[%mul3A_234] : memref<204800xi32, #tpu.memory_space<hbm>> -> memref<200xi32, #tpu.memory_space<hbm>>
        %dma_start3A_236 = tpu.memref_slice %arg2[%mul3A_234] : memref<204800xi32, #tpu.memory_space<hbm>> -> memref<200xi32, #tpu.memory_space<hbm>>
        tpu.enqueue_dma source(%dma_start3A_236 : memref<200xi32, #tpu.memory_space<hbm>>) target(%arg6 : memref<200xi32, #tpu.memory_space<vmem>>) target_semaphore(%arg15 : memref<!tpu.dma_semaphore, #tpu.memory_space<semaphore_mem>>)
      } else {
      }
      %ge3A = arith.constant 1 : i32
      %ge3A_99 = arith.cmpi sge, %add3A_71, %ge3A : i32
      %convert_element_type3A_100 = arith.extui %ge3A_99 : i1 to i32
      %cond3A_101 = arith.constant 0 : i32
      %cond3A_102 = arith.cmpi ne, %convert_element_type3A_100, %cond3A_101 : i32
      scf.if %cond3A_102 {
        %dma_wait3A_230 = arith.constant 0 : i32
        %dma_wait3A_231 = arith.constant 0 : i32
        %dma_wait3A_232 = tpu.memref_slice %arg13[%dma_wait3A_230, %dma_wait3A_231] : memref<104x64xf32, #tpu.memory_space<vmem>> -> memref<104x64xf32, #tpu.memory_space<vmem>>
        %dma_wait3A_233 = arith.constant 0 : i32
        %dma_wait3A_234 = arith.constant 0 : i32
        %dma_wait3A_235 = tpu.memref_slice %arg5[%mul3A_2, %dma_wait3A_233, %dma_wait3A_234] : memref<1024x200x64xf32, #tpu.memory_space<hbm>> -> memref<1x104x64xf32, #tpu.memory_space<hbm>>
        %dma_wait3A_236 = tpu.memref_squeeze %dma_wait3A_235 : memref<1x104x64xf32, #tpu.memory_space<hbm>> -> memref<104x64xf32, #tpu.memory_space<hbm>>
        %dma_wait3A_237 = arith.constant 0 : i32
        %dma_wait3A_238 = arith.constant 0 : i32
        %dma_wait3A_239 = tpu.memref_slice %arg5[%mul3A_2, %dma_wait3A_237, %dma_wait3A_238] : memref<1024x200x64xf32, #tpu.memory_space<hbm>> -> memref<1x104x64xf32, #tpu.memory_space<hbm>>
        %dma_wait3A_240 = tpu.memref_squeeze %dma_wait3A_239 : memref<1x104x64xf32, #tpu.memory_space<hbm>> -> memref<104x64xf32, #tpu.memory_space<hbm>>
        %dma_wait3A_241 = arith.constant 0 : i32
        %dma_wait3A_242 = arith.constant 0 : i32
        %dma_wait3A_243 = tpu.memref_slice %arg13[%dma_wait3A_241, %dma_wait3A_242] : memref<104x64xf32, #tpu.memory_space<vmem>> -> memref<104x64xf32, #tpu.memory_space<vmem>>
        tpu.wait_dma2 semaphore(%arg21 : memref<!tpu.dma_semaphore, #tpu.memory_space<semaphore_mem>>) src(%dma_wait3A_243 : memref<104x64xf32, #tpu.memory_space<vmem>>) dst(%dma_wait3A_240 : memref<104x64xf32, #tpu.memory_space<hbm>>)
      } else {
      }
      %scan3A_103 = arith.constant 0 : i32
      %scan3A_104 = arith.constant 13 : i32
      %scan3A_105 = arith.addi %scan3A_103, %scan3A_104 : i32
      %scan3A_106 = arith.constant 1 : i32
      scf.for %scan3A_230 = %scan3A_103 to %scan3A_105 step %scan3A_106  : i32 {
        %mul3A_231 = arith.constant 8 : i32
        %mul3A_232 = arith.muli %scan3A_230, %mul3A_231 : i32
        %add3A_233 = arith.constant 0 : i32
        %add3A_234 = arith.addi %add3A_233, %mul3A_232 : i32
        %add3A_235 = arith.constant 0 : i32
        %add3A_236 = arith.addi %add3A_234, %add3A_235 : i32
        %get3A = arith.index_cast %add3A_236 : i32 to index
        %get3A_237 = arith.constant 0 : index
        %get3A_238 = tpu.vector_load %arg9[%get3A, %get3A_237] {strides = array<i32>} : memref<104x128xf32, #tpu.memory_space<vmem>>, vector<1x16xf32>,
        %get3A_239 = vector.shape_cast %get3A_238 : vector<1x16xf32> to vector<16xf32>
        %add3A_240 = arith.constant 0 : i32
        %add3A_241 = arith.addi %add3A_240, %add3A_234 : i32
        %add3A_242 = arith.constant 0 : i32
        %add3A_243 = arith.addi %add3A_241, %add3A_242 : i32
        %get3A_244 = arith.index_cast %add3A_243 : i32 to index
        %get3A_245 = arith.constant 0 : index
        %get3A_246 = tpu.vector_load %arg8[%get3A_244, %get3A_245] {strides = array<i32>} : memref<200x64xf32, #tpu.memory_space<vmem>>, vector<1x16xf32>,
        %get3A_247 = vector.shape_cast %get3A_246 : vector<1x16xf32> to vector<16xf32>
        %add3A_248 = arith.addf %get3A_239, %get3A_247 : vector<16xf32>
        %add3A_249 = arith.constant 0 : i32
        %add3A_250 = arith.addi %add3A_234, %add3A_249 : i32
        %swap3A = arith.index_cast %add3A_250 : i32 to index
        %swap3A_251 = arith.constant 0 : index
        %swap3A_252 = tpu.vector_load %arg13[%swap3A, %swap3A_251] {strides = array<i32>} : memref<104x64xf32, #tpu.memory_space<vmem>>, vector<1x16xf32>,
        %swap3A_253 = vector.shape_cast %swap3A_252 : vector<1x16xf32> to vector<16xf32>
        %swap3A_254 = vector.shape_cast %add3A_248 : vector<16xf32> to vector<1x16xf32>
        tpu.vector_store %arg13[%swap3A, %swap3A_251], %swap3A_254 {strides = array<i32>} : memref<104x64xf32, #tpu.memory_space<vmem>>, vector<1x16xf32>,
        %add3A_255 = arith.constant 0 : i32
        %add3A_256 = arith.addi %add3A_234, %add3A_255 : i32
        %get3A_257 = arith.index_cast %add3A_256 : i32 to index
        %get3A_258 = arith.constant 16 : index
        %get3A_259 = tpu.vector_load %arg9[%get3A_257, %get3A_258] {strides = array<i32>} : memref<104x128xf32, #tpu.memory_space<vmem>>, vector<1x16xf32>,
        %get3A_260 = vector.shape_cast %get3A_259 : vector<1x16xf32> to vector<16xf32>
        %add3A_261 = arith.constant 0 : i32
        %add3A_262 = arith.addi %add3A_261, %add3A_234 : i32
        %add3A_263 = arith.constant 0 : i32
        %add3A_264 = arith.addi %add3A_262, %add3A_263 : i32
        %get3A_265 = arith.index_cast %add3A_264 : i32 to index
        %get3A_266 = arith.constant 16 : index
        %get3A_267 = tpu.vector_load %arg8[%get3A_265, %get3A_266] {strides = array<i32>} : memref<200x64xf32, #tpu.memory_space<vmem>>, vector<1x16xf32>,
        %get3A_268 = vector.shape_cast %get3A_267 : vector<1x16xf32> to vector<16xf32>
        %add3A_269 = arith.addf %get3A_260, %get3A_268 : vector<16xf32>
        %add3A_270 = arith.constant 0 : i32
        %add3A_271 = arith.addi %add3A_234, %add3A_270 : i32
        %swap3A_272 = arith.index_cast %add3A_271 : i32 to index
        %swap3A_273 = arith.constant 16 : index
        %swap3A_274 = tpu.vector_load %arg13[%swap3A_272, %swap3A_273] {strides = array<i32>} : memref<104x64xf32, #tpu.memory_space<vmem>>, vector<1x16xf32>,
        %swap3A_275 = vector.shape_cast %swap3A_274 : vector<1x16xf32> to vector<16xf32>
        %swap3A_276 = vector.shape_cast %add3A_269 : vector<16xf32> to vector<1x16xf32>
        tpu.vector_store %arg13[%swap3A_272, %swap3A_273], %swap3A_276 {strides = array<i32>} : memref<104x64xf32, #tpu.memory_space<vmem>>, vector<1x16xf32>,
        %add3A_277 = arith.constant 0 : i32
        %add3A_278 = arith.addi %add3A_234, %add3A_277 : i32
        %get3A_279 = arith.index_cast %add3A_278 : i32 to index
        %get3A_280 = arith.constant 32 : index
        %get3A_281 = tpu.vector_load %arg9[%get3A_279, %get3A_280] {strides = array<i32>} : memref<104x128xf32, #tpu.memory_space<vmem>>, vector<1x16xf32>,
        %get3A_282 = vector.shape_cast %get3A_281 : vector<1x16xf32> to vector<16xf32>
        %add3A_283 = arith.constant 0 : i32
        %add3A_284 = arith.addi %add3A_283, %add3A_234 : i32
        %add3A_285 = arith.constant 0 : i32
        %add3A_286 = arith.addi %add3A_284, %add3A_285 : i32
        %get3A_287 = arith.index_cast %add3A_286 : i32 to index
        %get3A_288 = arith.constant 32 : index
        %get3A_289 = tpu.vector_load %arg8[%get3A_287, %get3A_288] {strides = array<i32>} : memref<200x64xf32, #tpu.memory_space<vmem>>, vector<1x16xf32>,
        %get3A_290 = vector.shape_cast %get3A_289 : vector<1x16xf32> to vector<16xf32>
        %add3A_291 = arith.addf %get3A_282, %get3A_290 : vector<16xf32>
        %add3A_292 = arith.constant 0 : i32
        %add3A_293 = arith.addi %add3A_234, %add3A_292 : i32
        %swap3A_294 = arith.index_cast %add3A_293 : i32 to index
        %swap3A_295 = arith.constant 32 : index
        %swap3A_296 = tpu.vector_load %arg13[%swap3A_294, %swap3A_295] {strides = array<i32>} : memref<104x64xf32, #tpu.memory_space<vmem>>, vector<1x16xf32>,
        %swap3A_297 = vector.shape_cast %swap3A_296 : vector<1x16xf32> to vector<16xf32>
        %swap3A_298 = vector.shape_cast %add3A_291 : vector<16xf32> to vector<1x16xf32>
        tpu.vector_store %arg13[%swap3A_294, %swap3A_295], %swap3A_298 {strides = array<i32>} : memref<104x64xf32, #tpu.memory_space<vmem>>, vector<1x16xf32>,
        %add3A_299 = arith.constant 0 : i32
        %add3A_300 = arith.addi %add3A_234, %add3A_299 : i32
        %get3A_301 = arith.index_cast %add3A_300 : i32 to index
        %get3A_302 = arith.constant 48 : index
        %get3A_303 = tpu.vector_load %arg9[%get3A_301, %get3A_302] {strides = array<i32>} : memref<104x128xf32, #tpu.memory_space<vmem>>, vector<1x16xf32>,
        %get3A_304 = vector.shape_cast %get3A_303 : vector<1x16xf32> to vector<16xf32>
        %add3A_305 = arith.constant 0 : i32
        %add3A_306 = arith.addi %add3A_305, %add3A_234 : i32
        %add3A_307 = arith.constant 0 : i32
        %add3A_308 = arith.addi %add3A_306, %add3A_307 : i32
        %get3A_309 = arith.index_cast %add3A_308 : i32 to index
        %get3A_310 = arith.constant 48 : index
        %get3A_311 = tpu.vector_load %arg8[%get3A_309, %get3A_310] {strides = array<i32>} : memref<200x64xf32, #tpu.memory_space<vmem>>, vector<1x16xf32>,
        %get3A_312 = vector.shape_cast %get3A_311 : vector<1x16xf32> to vector<16xf32>
        %add3A_313 = arith.addf %get3A_304, %get3A_312 : vector<16xf32>
        %add3A_314 = arith.constant 0 : i32
        %add3A_315 = arith.addi %add3A_234, %add3A_314 : i32
        %swap3A_316 = arith.index_cast %add3A_315 : i32 to index
        %swap3A_317 = arith.constant 48 : index
        %swap3A_318 = tpu.vector_load %arg13[%swap3A_316, %swap3A_317] {strides = array<i32>} : memref<104x64xf32, #tpu.memory_space<vmem>>, vector<1x16xf32>,
        %swap3A_319 = vector.shape_cast %swap3A_318 : vector<1x16xf32> to vector<16xf32>
        %swap3A_320 = vector.shape_cast %add3A_313 : vector<16xf32> to vector<1x16xf32>
        tpu.vector_store %arg13[%swap3A_316, %swap3A_317], %swap3A_320 {strides = array<i32>} : memref<104x64xf32, #tpu.memory_space<vmem>>, vector<1x16xf32>,
        %add3A_321 = arith.constant 1 : i32
        %add3A_322 = arith.addi %add3A_234, %add3A_321 : i32
        %get3A_323 = arith.index_cast %add3A_322 : i32 to index
        %get3A_324 = arith.constant 0 : index
        %get3A_325 = tpu.vector_load %arg9[%get3A_323, %get3A_324] {strides = array<i32>} : memref<104x128xf32, #tpu.memory_space<vmem>>, vector<1x16xf32>,
        %get3A_326 = vector.shape_cast %get3A_325 : vector<1x16xf32> to vector<16xf32>
        %add3A_327 = arith.constant 0 : i32
        %add3A_328 = arith.addi %add3A_327, %add3A_234 : i32
        %add3A_329 = arith.constant 1 : i32
        %add3A_330 = arith.addi %add3A_328, %add3A_329 : i32
        %get3A_331 = arith.index_cast %add3A_330 : i32 to index
        %get3A_332 = arith.constant 0 : index
        %get3A_333 = tpu.vector_load %arg8[%get3A_331, %get3A_332] {strides = array<i32>} : memref<200x64xf32, #tpu.memory_space<vmem>>, vector<1x16xf32>,
        %get3A_334 = vector.shape_cast %get3A_333 : vector<1x16xf32> to vector<16xf32>
        %add3A_335 = arith.addf %get3A_326, %get3A_334 : vector<16xf32>
        %add3A_336 = arith.constant 1 : i32
        %add3A_337 = arith.addi %add3A_234, %add3A_336 : i32
        %swap3A_338 = arith.index_cast %add3A_337 : i32 to index
        %swap3A_339 = arith.constant 0 : index
        %swap3A_340 = tpu.vector_load %arg13[%swap3A_338, %swap3A_339] {strides = array<i32>} : memref<104x64xf32, #tpu.memory_space<vmem>>, vector<1x16xf32>,
        %swap3A_341 = vector.shape_cast %swap3A_340 : vector<1x16xf32> to vector<16xf32>
        %swap3A_342 = vector.shape_cast %add3A_335 : vector<16xf32> to vector<1x16xf32>
        tpu.vector_store %arg13[%swap3A_338, %swap3A_339], %swap3A_342 {strides = array<i32>} : memref<104x64xf32, #tpu.memory_space<vmem>>, vector<1x16xf32>,
        %add3A_343 = arith.constant 1 : i32
        %add3A_344 = arith.addi %add3A_234, %add3A_343 : i32
        %get3A_345 = arith.index_cast %add3A_344 : i32 to index
        %get3A_346 = arith.constant 16 : index
        %get3A_347 = tpu.vector_load %arg9[%get3A_345, %get3A_346] {strides = array<i32>} : memref<104x128xf32, #tpu.memory_space<vmem>>, vector<1x16xf32>,
        %get3A_348 = vector.shape_cast %get3A_347 : vector<1x16xf32> to vector<16xf32>
        %add3A_349 = arith.constant 0 : i32
        %add3A_350 = arith.addi %add3A_349, %add3A_234 : i32
        %add3A_351 = arith.constant 1 : i32
        %add3A_352 = arith.addi %add3A_350, %add3A_351 : i32
        %get3A_353 = arith.index_cast %add3A_352 : i32 to index
        %get3A_354 = arith.constant 16 : index
        %get3A_355 = tpu.vector_load %arg8[%get3A_353, %get3A_354] {strides = array<i32>} : memref<200x64xf32, #tpu.memory_space<vmem>>, vector<1x16xf32>,
        %get3A_356 = vector.shape_cast %get3A_355 : vector<1x16xf32> to vector<16xf32>
        %add3A_357 = arith.addf %get3A_348, %get3A_356 : vector<16xf32>
        %add3A_358 = arith.constant 1 : i32
        %add3A_359 = arith.addi %add3A_234, %add3A_358 : i32
        %swap3A_360 = arith.index_cast %add3A_359 : i32 to index
        %swap3A_361 = arith.constant 16 : index
        %swap3A_362 = tpu.vector_load %arg13[%swap3A_360, %swap3A_361] {strides = array<i32>} : memref<104x64xf32, #tpu.memory_space<vmem>>, vector<1x16xf32>,
        %swap3A_363 = vector.shape_cast %swap3A_362 : vector<1x16xf32> to vector<16xf32>
        %swap3A_364 = vector.shape_cast %add3A_357 : vector<16xf32> to vector<1x16xf32>
        tpu.vector_store %arg13[%swap3A_360, %swap3A_361], %swap3A_364 {strides = array<i32>} : memref<104x64xf32, #tpu.memory_space<vmem>>, vector<1x16xf32>,
        %add3A_365 = arith.constant 1 : i32
        %add3A_366 = arith.addi %add3A_234, %add3A_365 : i32
        %get3A_367 = arith.index_cast %add3A_366 : i32 to index
        %get3A_368 = arith.constant 32 : index
        %get3A_369 = tpu.vector_load %arg9[%get3A_367, %get3A_368] {strides = array<i32>} : memref<104x128xf32, #tpu.memory_space<vmem>>, vector<1x16xf32>,
        %get3A_370 = vector.shape_cast %get3A_369 : vector<1x16xf32> to vector<16xf32>
        %add3A_371 = arith.constant 0 : i32
        %add3A_372 = arith.addi %add3A_371, %add3A_234 : i32
        %add3A_373 = arith.constant 1 : i32
        %add3A_374 = arith.addi %add3A_372, %add3A_373 : i32
        %get3A_375 = arith.index_cast %add3A_374 : i32 to index
        %get3A_376 = arith.constant 32 : index
        %get3A_377 = tpu.vector_load %arg8[%get3A_375, %get3A_376] {strides = array<i32>} : memref<200x64xf32, #tpu.memory_space<vmem>>, vector<1x16xf32>,
        %get3A_378 = vector.shape_cast %get3A_377 : vector<1x16xf32> to vector<16xf32>
        %add3A_379 = arith.addf %get3A_370, %get3A_378 : vector<16xf32>
        %add3A_380 = arith.constant 1 : i32
        %add3A_381 = arith.addi %add3A_234, %add3A_380 : i32
        %swap3A_382 = arith.index_cast %add3A_381 : i32 to index
        %swap3A_383 = arith.constant 32 : index
        %swap3A_384 = tpu.vector_load %arg13[%swap3A_382, %swap3A_383] {strides = array<i32>} : memref<104x64xf32, #tpu.memory_space<vmem>>, vector<1x16xf32>,
        %swap3A_385 = vector.shape_cast %swap3A_384 : vector<1x16xf32> to vector<16xf32>
        %swap3A_386 = vector.shape_cast %add3A_379 : vector<16xf32> to vector<1x16xf32>
        tpu.vector_store %arg13[%swap3A_382, %swap3A_383], %swap3A_386 {strides = array<i32>} : memref<104x64xf32, #tpu.memory_space<vmem>>, vector<1x16xf32>,
        %add3A_387 = arith.constant 1 : i32
        %add3A_388 = arith.addi %add3A_234, %add3A_387 : i32
        %get3A_389 = arith.index_cast %add3A_388 : i32 to index
        %get3A_390 = arith.constant 48 : index
        %get3A_391 = tpu.vector_load %arg9[%get3A_389, %get3A_390] {strides = array<i32>} : memref<104x128xf32, #tpu.memory_space<vmem>>, vector<1x16xf32>,
        %get3A_392 = vector.shape_cast %get3A_391 : vector<1x16xf32> to vector<16xf32>
        %add3A_393 = arith.constant 0 : i32
        %add3A_394 = arith.addi %add3A_393, %add3A_234 : i32
        %add3A_395 = arith.constant 1 : i32
        %add3A_396 = arith.addi %add3A_394, %add3A_395 : i32
        %get3A_397 = arith.index_cast %add3A_396 : i32 to index
        %get3A_398 = arith.constant 48 : index
        %get3A_399 = tpu.vector_load %arg8[%get3A_397, %get3A_398] {strides = array<i32>} : memref<200x64xf32, #tpu.memory_space<vmem>>, vector<1x16xf32>,
        %get3A_400 = vector.shape_cast %get3A_399 : vector<1x16xf32> to vector<16xf32>
        %add3A_401 = arith.addf %get3A_392, %get3A_400 : vector<16xf32>
        %add3A_402 = arith.constant 1 : i32
        %add3A_403 = arith.addi %add3A_234, %add3A_402 : i32
        %swap3A_404 = arith.index_cast %add3A_403 : i32 to index
        %swap3A_405 = arith.constant 48 : index
        %swap3A_406 = tpu.vector_load %arg13[%swap3A_404, %swap3A_405] {strides = array<i32>} : memref<104x64xf32, #tpu.memory_space<vmem>>, vector<1x16xf32>,
        %swap3A_407 = vector.shape_cast %swap3A_406 : vector<1x16xf32> to vector<16xf32>
        %swap3A_408 = vector.shape_cast %add3A_401 : vector<16xf32> to vector<1x16xf32>
        tpu.vector_store %arg13[%swap3A_404, %swap3A_405], %swap3A_408 {strides = array<i32>} : memref<104x64xf32, #tpu.memory_space<vmem>>, vector<1x16xf32>,
        %add3A_409 = arith.constant 2 : i32
        %add3A_410 = arith.addi %add3A_234, %add3A_409 : i32
        %get3A_411 = arith.index_cast %add3A_410 : i32 to index
        %get3A_412 = arith.constant 0 : index
        %get3A_413 = tpu.vector_load %arg9[%get3A_411, %get3A_412] {strides = array<i32>} : memref<104x128xf32, #tpu.memory_space<vmem>>, vector<1x16xf32>,
        %get3A_414 = vector.shape_cast %get3A_413 : vector<1x16xf32> to vector<16xf32>
        %add3A_415 = arith.constant 0 : i32
        %add3A_416 = arith.addi %add3A_415, %add3A_234 : i32
        %add3A_417 = arith.constant 2 : i32
        %add3A_418 = arith.addi %add3A_416, %add3A_417 : i32
        %get3A_419 = arith.index_cast %add3A_418 : i32 to index
        %get3A_420 = arith.constant 0 : index
        %get3A_421 = tpu.vector_load %arg8[%get3A_419, %get3A_420] {strides = array<i32>} : memref<200x64xf32, #tpu.memory_space<vmem>>, vector<1x16xf32>,
        %get3A_422 = vector.shape_cast %get3A_421 : vector<1x16xf32> to vector<16xf32>
        %add3A_423 = arith.addf %get3A_414, %get3A_422 : vector<16xf32>
        %add3A_424 = arith.constant 2 : i32
        %add3A_425 = arith.addi %add3A_234, %add3A_424 : i32
        %swap3A_426 = arith.index_cast %add3A_425 : i32 to index
        %swap3A_427 = arith.constant 0 : index
        %swap3A_428 = tpu.vector_load %arg13[%swap3A_426, %swap3A_427] {strides = array<i32>} : memref<104x64xf32, #tpu.memory_space<vmem>>, vector<1x16xf32>,
        %swap3A_429 = vector.shape_cast %swap3A_428 : vector<1x16xf32> to vector<16xf32>
        %swap3A_430 = vector.shape_cast %add3A_423 : vector<16xf32> to vector<1x16xf32>
        tpu.vector_store %arg13[%swap3A_426, %swap3A_427], %swap3A_430 {strides = array<i32>} : memref<104x64xf32, #tpu.memory_space<vmem>>, vector<1x16xf32>,
        %add3A_431 = arith.constant 2 : i32
        %add3A_432 = arith.addi %add3A_234, %add3A_431 : i32
        %get3A_433 = arith.index_cast %add3A_432 : i32 to index
        %get3A_434 = arith.constant 16 : index
        %get3A_435 = tpu.vector_load %arg9[%get3A_433, %get3A_434] {strides = array<i32>} : memref<104x128xf32, #tpu.memory_space<vmem>>, vector<1x16xf32>,
        %get3A_436 = vector.shape_cast %get3A_435 : vector<1x16xf32> to vector<16xf32>
        %add3A_437 = arith.constant 0 : i32
        %add3A_438 = arith.addi %add3A_437, %add3A_234 : i32
        %add3A_439 = arith.constant 2 : i32
        %add3A_440 = arith.addi %add3A_438, %add3A_439 : i32
        %get3A_441 = arith.index_cast %add3A_440 : i32 to index
        %get3A_442 = arith.constant 16 : index
        %get3A_443 = tpu.vector_load %arg8[%get3A_441, %get3A_442] {strides = array<i32>} : memref<200x64xf32, #tpu.memory_space<vmem>>, vector<1x16xf32>,
        %get3A_444 = vector.shape_cast %get3A_443 : vector<1x16xf32> to vector<16xf32>
        %add3A_445 = arith.addf %get3A_436, %get3A_444 : vector<16xf32>
        %add3A_446 = arith.constant 2 : i32
        %add3A_447 = arith.addi %add3A_234, %add3A_446 : i32
        %swap3A_448 = arith.index_cast %add3A_447 : i32 to index
        %swap3A_449 = arith.constant 16 : index
        %swap3A_450 = tpu.vector_load %arg13[%swap3A_448, %swap3A_449] {strides = array<i32>} : memref<104x64xf32, #tpu.memory_space<vmem>>, vector<1x16xf32>,
        %swap3A_451 = vector.shape_cast %swap3A_450 : vector<1x16xf32> to vector<16xf32>
        %swap3A_452 = vector.shape_cast %add3A_445 : vector<16xf32> to vector<1x16xf32>
        tpu.vector_store %arg13[%swap3A_448, %swap3A_449], %swap3A_452 {strides = array<i32>} : memref<104x64xf32, #tpu.memory_space<vmem>>, vector<1x16xf32>,
        %add3A_453 = arith.constant 2 : i32
        %add3A_454 = arith.addi %add3A_234, %add3A_453 : i32
        %get3A_455 = arith.index_cast %add3A_454 : i32 to index
        %get3A_456 = arith.constant 32 : index
        %get3A_457 = tpu.vector_load %arg9[%get3A_455, %get3A_456] {strides = array<i32>} : memref<104x128xf32, #tpu.memory_space<vmem>>, vector<1x16xf32>,
        %get3A_458 = vector.shape_cast %get3A_457 : vector<1x16xf32> to vector<16xf32>
        %add3A_459 = arith.constant 0 : i32
        %add3A_460 = arith.addi %add3A_459, %add3A_234 : i32
        %add3A_461 = arith.constant 2 : i32
        %add3A_462 = arith.addi %add3A_460, %add3A_461 : i32
        %get3A_463 = arith.index_cast %add3A_462 : i32 to index
        %get3A_464 = arith.constant 32 : index
        %get3A_465 = tpu.vector_load %arg8[%get3A_463, %get3A_464] {strides = array<i32>} : memref<200x64xf32, #tpu.memory_space<vmem>>, vector<1x16xf32>,
        %get3A_466 = vector.shape_cast %get3A_465 : vector<1x16xf32> to vector<16xf32>
        %add3A_467 = arith.addf %get3A_458, %get3A_466 : vector<16xf32>
        %add3A_468 = arith.constant 2 : i32
        %add3A_469 = arith.addi %add3A_234, %add3A_468 : i32
        %swap3A_470 = arith.index_cast %add3A_469 : i32 to index
        %swap3A_471 = arith.constant 32 : index
        %swap3A_472 = tpu.vector_load %arg13[%swap3A_470, %swap3A_471] {strides = array<i32>} : memref<104x64xf32, #tpu.memory_space<vmem>>, vector<1x16xf32>,
        %swap3A_473 = vector.shape_cast %swap3A_472 : vector<1x16xf32> to vector<16xf32>
        %swap3A_474 = vector.shape_cast %add3A_467 : vector<16xf32> to vector<1x16xf32>
        tpu.vector_store %arg13[%swap3A_470, %swap3A_471], %swap3A_474 {strides = array<i32>} : memref<104x64xf32, #tpu.memory_space<vmem>>, vector<1x16xf32>,
        %add3A_475 = arith.constant 2 : i32
        %add3A_476 = arith.addi %add3A_234, %add3A_475 : i32
        %get3A_477 = arith.index_cast %add3A_476 : i32 to index
        %get3A_478 = arith.constant 48 : index
        %get3A_479 = tpu.vector_load %arg9[%get3A_477, %get3A_478] {strides = array<i32>} : memref<104x128xf32, #tpu.memory_space<vmem>>, vector<1x16xf32>,
        %get3A_480 = vector.shape_cast %get3A_479 : vector<1x16xf32> to vector<16xf32>
        %add3A_481 = arith.constant 0 : i32
        %add3A_482 = arith.addi %add3A_481, %add3A_234 : i32
        %add3A_483 = arith.constant 2 : i32
        %add3A_484 = arith.addi %add3A_482, %add3A_483 : i32
        %get3A_485 = arith.index_cast %add3A_484 : i32 to index
        %get3A_486 = arith.constant 48 : index
        %get3A_487 = tpu.vector_load %arg8[%get3A_485, %get3A_486] {strides = array<i32>} : memref<200x64xf32, #tpu.memory_space<vmem>>, vector<1x16xf32>,
        %get3A_488 = vector.shape_cast %get3A_487 : vector<1x16xf32> to vector<16xf32>
        %add3A_489 = arith.addf %get3A_480, %get3A_488 : vector<16xf32>
        %add3A_490 = arith.constant 2 : i32
        %add3A_491 = arith.addi %add3A_234, %add3A_490 : i32
        %swap3A_492 = arith.index_cast %add3A_491 : i32 to index
        %swap3A_493 = arith.constant 48 : index
        %swap3A_494 = tpu.vector_load %arg13[%swap3A_492, %swap3A_493] {strides = array<i32>} : memref<104x64xf32, #tpu.memory_space<vmem>>, vector<1x16xf32>,
        %swap3A_495 = vector.shape_cast %swap3A_494 : vector<1x16xf32> to vector<16xf32>
        %swap3A_496 = vector.shape_cast %add3A_489 : vector<16xf32> to vector<1x16xf32>
        tpu.vector_store %arg13[%swap3A_492, %swap3A_493], %swap3A_496 {strides = array<i32>} : memref<104x64xf32, #tpu.memory_space<vmem>>, vector<1x16xf32>,
        %add3A_497 = arith.constant 3 : i32
        %add3A_498 = arith.addi %add3A_234, %add3A_497 : i32
        %get3A_499 = arith.index_cast %add3A_498 : i32 to index
        %get3A_500 = arith.constant 0 : index
        %get3A_501 = tpu.vector_load %arg9[%get3A_499, %get3A_500] {strides = array<i32>} : memref<104x128xf32, #tpu.memory_space<vmem>>, vector<1x16xf32>,
        %get3A_502 = vector.shape_cast %get3A_501 : vector<1x16xf32> to vector<16xf32>
        %add3A_503 = arith.constant 0 : i32
        %add3A_504 = arith.addi %add3A_503, %add3A_234 : i32
        %add3A_505 = arith.constant 3 : i32
        %add3A_506 = arith.addi %add3A_504, %add3A_505 : i32
        %get3A_507 = arith.index_cast %add3A_506 : i32 to index
        %get3A_508 = arith.constant 0 : index
        %get3A_509 = tpu.vector_load %arg8[%get3A_507, %get3A_508] {strides = array<i32>} : memref<200x64xf32, #tpu.memory_space<vmem>>, vector<1x16xf32>,
        %get3A_510 = vector.shape_cast %get3A_509 : vector<1x16xf32> to vector<16xf32>
        %add3A_511 = arith.addf %get3A_502, %get3A_510 : vector<16xf32>
        %add3A_512 = arith.constant 3 : i32
        %add3A_513 = arith.addi %add3A_234, %add3A_512 : i32
        %swap3A_514 = arith.index_cast %add3A_513 : i32 to index
        %swap3A_515 = arith.constant 0 : index
        %swap3A_516 = tpu.vector_load %arg13[%swap3A_514, %swap3A_515] {strides = array<i32>} : memref<104x64xf32, #tpu.memory_space<vmem>>, vector<1x16xf32>,
        %swap3A_517 = vector.shape_cast %swap3A_516 : vector<1x16xf32> to vector<16xf32>
        %swap3A_518 = vector.shape_cast %add3A_511 : vector<16xf32> to vector<1x16xf32>
        tpu.vector_store %arg13[%swap3A_514, %swap3A_515], %swap3A_518 {strides = array<i32>} : memref<104x64xf32, #tpu.memory_space<vmem>>, vector<1x16xf32>,
        %add3A_519 = arith.constant 3 : i32
        %add3A_520 = arith.addi %add3A_234, %add3A_519 : i32
        %get3A_521 = arith.index_cast %add3A_520 : i32 to index
        %get3A_522 = arith.constant 16 : index
        %get3A_523 = tpu.vector_load %arg9[%get3A_521, %get3A_522] {strides = array<i32>} : memref<104x128xf32, #tpu.memory_space<vmem>>, vector<1x16xf32>,
        %get3A_524 = vector.shape_cast %get3A_523 : vector<1x16xf32> to vector<16xf32>
        %add3A_525 = arith.constant 0 : i32
        %add3A_526 = arith.addi %add3A_525, %add3A_234 : i32
        %add3A_527 = arith.constant 3 : i32
        %add3A_528 = arith.addi %add3A_526, %add3A_527 : i32
        %get3A_529 = arith.index_cast %add3A_528 : i32 to index
        %get3A_530 = arith.constant 16 : index
        %get3A_531 = tpu.vector_load %arg8[%get3A_529, %get3A_530] {strides = array<i32>} : memref<200x64xf32, #tpu.memory_space<vmem>>, vector<1x16xf32>,
        %get3A_532 = vector.shape_cast %get3A_531 : vector<1x16xf32> to vector<16xf32>
        %add3A_533 = arith.addf %get3A_524, %get3A_532 : vector<16xf32>
        %add3A_534 = arith.constant 3 : i32
        %add3A_535 = arith.addi %add3A_234, %add3A_534 : i32
        %swap3A_536 = arith.index_cast %add3A_535 : i32 to index
        %swap3A_537 = arith.constant 16 : index
        %swap3A_538 = tpu.vector_load %arg13[%swap3A_536, %swap3A_537] {strides = array<i32>} : memref<104x64xf32, #tpu.memory_space<vmem>>, vector<1x16xf32>,
        %swap3A_539 = vector.shape_cast %swap3A_538 : vector<1x16xf32> to vector<16xf32>
        %swap3A_540 = vector.shape_cast %add3A_533 : vector<16xf32> to vector<1x16xf32>
        tpu.vector_store %arg13[%swap3A_536, %swap3A_537], %swap3A_540 {strides = array<i32>} : memref<104x64xf32, #tpu.memory_space<vmem>>, vector<1x16xf32>,
        %add3A_541 = arith.constant 3 : i32
        %add3A_542 = arith.addi %add3A_234, %add3A_541 : i32
        %get3A_543 = arith.index_cast %add3A_542 : i32 to index
        %get3A_544 = arith.constant 32 : index
        %get3A_545 = tpu.vector_load %arg9[%get3A_543, %get3A_544] {strides = array<i32>} : memref<104x128xf32, #tpu.memory_space<vmem>>, vector<1x16xf32>,
        %get3A_546 = vector.shape_cast %get3A_545 : vector<1x16xf32> to vector<16xf32>
        %add3A_547 = arith.constant 0 : i32
        %add3A_548 = arith.addi %add3A_547, %add3A_234 : i32
        %add3A_549 = arith.constant 3 : i32
        %add3A_550 = arith.addi %add3A_548, %add3A_549 : i32
        %get3A_551 = arith.index_cast %add3A_550 : i32 to index
        %get3A_552 = arith.constant 32 : index
        %get3A_553 = tpu.vector_load %arg8[%get3A_551, %get3A_552] {strides = array<i32>} : memref<200x64xf32, #tpu.memory_space<vmem>>, vector<1x16xf32>,
        %get3A_554 = vector.shape_cast %get3A_553 : vector<1x16xf32> to vector<16xf32>
        %add3A_555 = arith.addf %get3A_546, %get3A_554 : vector<16xf32>
        %add3A_556 = arith.constant 3 : i32
        %add3A_557 = arith.addi %add3A_234, %add3A_556 : i32
        %swap3A_558 = arith.index_cast %add3A_557 : i32 to index
        %swap3A_559 = arith.constant 32 : index
        %swap3A_560 = tpu.vector_load %arg13[%swap3A_558, %swap3A_559] {strides = array<i32>} : memref<104x64xf32, #tpu.memory_space<vmem>>, vector<1x16xf32>,
        %swap3A_561 = vector.shape_cast %swap3A_560 : vector<1x16xf32> to vector<16xf32>
        %swap3A_562 = vector.shape_cast %add3A_555 : vector<16xf32> to vector<1x16xf32>
        tpu.vector_store %arg13[%swap3A_558, %swap3A_559], %swap3A_562 {strides = array<i32>} : memref<104x64xf32, #tpu.memory_space<vmem>>, vector<1x16xf32>,
        %add3A_563 = arith.constant 3 : i32
        %add3A_564 = arith.addi %add3A_234, %add3A_563 : i32
        %get3A_565 = arith.index_cast %add3A_564 : i32 to index
        %get3A_566 = arith.constant 48 : index
        %get3A_567 = tpu.vector_load %arg9[%get3A_565, %get3A_566] {strides = array<i32>} : memref<104x128xf32, #tpu.memory_space<vmem>>, vector<1x16xf32>,
        %get3A_568 = vector.shape_cast %get3A_567 : vector<1x16xf32> to vector<16xf32>
        %add3A_569 = arith.constant 0 : i32
        %add3A_570 = arith.addi %add3A_569, %add3A_234 : i32
        %add3A_571 = arith.constant 3 : i32
        %add3A_572 = arith.addi %add3A_570, %add3A_571 : i32
        %get3A_573 = arith.index_cast %add3A_572 : i32 to index
        %get3A_574 = arith.constant 48 : index
        %get3A_575 = tpu.vector_load %arg8[%get3A_573, %get3A_574] {strides = array<i32>} : memref<200x64xf32, #tpu.memory_space<vmem>>, vector<1x16xf32>,
        %get3A_576 = vector.shape_cast %get3A_575 : vector<1x16xf32> to vector<16xf32>
        %add3A_577 = arith.addf %get3A_568, %get3A_576 : vector<16xf32>
        %add3A_578 = arith.constant 3 : i32
        %add3A_579 = arith.addi %add3A_234, %add3A_578 : i32
        %swap3A_580 = arith.index_cast %add3A_579 : i32 to index
        %swap3A_581 = arith.constant 48 : index
        %swap3A_582 = tpu.vector_load %arg13[%swap3A_580, %swap3A_581] {strides = array<i32>} : memref<104x64xf32, #tpu.memory_space<vmem>>, vector<1x16xf32>,
        %swap3A_583 = vector.shape_cast %swap3A_582 : vector<1x16xf32> to vector<16xf32>
        %swap3A_584 = vector.shape_cast %add3A_577 : vector<16xf32> to vector<1x16xf32>
        tpu.vector_store %arg13[%swap3A_580, %swap3A_581], %swap3A_584 {strides = array<i32>} : memref<104x64xf32, #tpu.memory_space<vmem>>, vector<1x16xf32>,
        %add3A_585 = arith.constant 4 : i32
        %add3A_586 = arith.addi %add3A_234, %add3A_585 : i32
        %get3A_587 = arith.index_cast %add3A_586 : i32 to index
        %get3A_588 = arith.constant 0 : index
        %get3A_589 = tpu.vector_load %arg9[%get3A_587, %get3A_588] {strides = array<i32>} : memref<104x128xf32, #tpu.memory_space<vmem>>, vector<1x16xf32>,
        %get3A_590 = vector.shape_cast %get3A_589 : vector<1x16xf32> to vector<16xf32>
        %add3A_591 = arith.constant 0 : i32
        %add3A_592 = arith.addi %add3A_591, %add3A_234 : i32
        %add3A_593 = arith.constant 4 : i32
        %add3A_594 = arith.addi %add3A_592, %add3A_593 : i32
        %get3A_595 = arith.index_cast %add3A_594 : i32 to index
        %get3A_596 = arith.constant 0 : index
        %get3A_597 = tpu.vector_load %arg8[%get3A_595, %get3A_596] {strides = array<i32>} : memref<200x64xf32, #tpu.memory_space<vmem>>, vector<1x16xf32>,
        %get3A_598 = vector.shape_cast %get3A_597 : vector<1x16xf32> to vector<16xf32>
        %add3A_599 = arith.addf %get3A_590, %get3A_598 : vector<16xf32>
        %add3A_600 = arith.constant 4 : i32
        %add3A_601 = arith.addi %add3A_234, %add3A_600 : i32
        %swap3A_602 = arith.index_cast %add3A_601 : i32 to index
        %swap3A_603 = arith.constant 0 : index
        %swap3A_604 = tpu.vector_load %arg13[%swap3A_602, %swap3A_603] {strides = array<i32>} : memref<104x64xf32, #tpu.memory_space<vmem>>, vector<1x16xf32>,
        %swap3A_605 = vector.shape_cast %swap3A_604 : vector<1x16xf32> to vector<16xf32>
        %swap3A_606 = vector.shape_cast %add3A_599 : vector<16xf32> to vector<1x16xf32>
        tpu.vector_store %arg13[%swap3A_602, %swap3A_603], %swap3A_606 {strides = array<i32>} : memref<104x64xf32, #tpu.memory_space<vmem>>, vector<1x16xf32>,
        %add3A_607 = arith.constant 4 : i32
        %add3A_608 = arith.addi %add3A_234, %add3A_607 : i32
        %get3A_609 = arith.index_cast %add3A_608 : i32 to index
        %get3A_610 = arith.constant 16 : index
        %get3A_611 = tpu.vector_load %arg9[%get3A_609, %get3A_610] {strides = array<i32>} : memref<104x128xf32, #tpu.memory_space<vmem>>, vector<1x16xf32>,
        %get3A_612 = vector.shape_cast %get3A_611 : vector<1x16xf32> to vector<16xf32>
        %add3A_613 = arith.constant 0 : i32
        %add3A_614 = arith.addi %add3A_613, %add3A_234 : i32
        %add3A_615 = arith.constant 4 : i32
        %add3A_616 = arith.addi %add3A_614, %add3A_615 : i32
        %get3A_617 = arith.index_cast %add3A_616 : i32 to index
        %get3A_618 = arith.constant 16 : index
        %get3A_619 = tpu.vector_load %arg8[%get3A_617, %get3A_618] {strides = array<i32>} : memref<200x64xf32, #tpu.memory_space<vmem>>, vector<1x16xf32>,
        %get3A_620 = vector.shape_cast %get3A_619 : vector<1x16xf32> to vector<16xf32>
        %add3A_621 = arith.addf %get3A_612, %get3A_620 : vector<16xf32>
        %add3A_622 = arith.constant 4 : i32
        %add3A_623 = arith.addi %add3A_234, %add3A_622 : i32
        %swap3A_624 = arith.index_cast %add3A_623 : i32 to index
        %swap3A_625 = arith.constant 16 : index
        %swap3A_626 = tpu.vector_load %arg13[%swap3A_624, %swap3A_625] {strides = array<i32>} : memref<104x64xf32, #tpu.memory_space<vmem>>, vector<1x16xf32>,
        %swap3A_627 = vector.shape_cast %swap3A_626 : vector<1x16xf32> to vector<16xf32>
        %swap3A_628 = vector.shape_cast %add3A_621 : vector<16xf32> to vector<1x16xf32>
        tpu.vector_store %arg13[%swap3A_624, %swap3A_625], %swap3A_628 {strides = array<i32>} : memref<104x64xf32, #tpu.memory_space<vmem>>, vector<1x16xf32>,
        %add3A_629 = arith.constant 4 : i32
        %add3A_630 = arith.addi %add3A_234, %add3A_629 : i32
        %get3A_631 = arith.index_cast %add3A_630 : i32 to index
        %get3A_632 = arith.constant 32 : index
        %get3A_633 = tpu.vector_load %arg9[%get3A_631, %get3A_632] {strides = array<i32>} : memref<104x128xf32, #tpu.memory_space<vmem>>, vector<1x16xf32>,
        %get3A_634 = vector.shape_cast %get3A_633 : vector<1x16xf32> to vector<16xf32>
        %add3A_635 = arith.constant 0 : i32
        %add3A_636 = arith.addi %add3A_635, %add3A_234 : i32
        %add3A_637 = arith.constant 4 : i32
        %add3A_638 = arith.addi %add3A_636, %add3A_637 : i32
        %get3A_639 = arith.index_cast %add3A_638 : i32 to index
        %get3A_640 = arith.constant 32 : index
        %get3A_641 = tpu.vector_load %arg8[%get3A_639, %get3A_640] {strides = array<i32>} : memref<200x64xf32, #tpu.memory_space<vmem>>, vector<1x16xf32>,
        %get3A_642 = vector.shape_cast %get3A_641 : vector<1x16xf32> to vector<16xf32>
        %add3A_643 = arith.addf %get3A_634, %get3A_642 : vector<16xf32>
        %add3A_644 = arith.constant 4 : i32
        %add3A_645 = arith.addi %add3A_234, %add3A_644 : i32
        %swap3A_646 = arith.index_cast %add3A_645 : i32 to index
        %swap3A_647 = arith.constant 32 : index
        %swap3A_648 = tpu.vector_load %arg13[%swap3A_646, %swap3A_647] {strides = array<i32>} : memref<104x64xf32, #tpu.memory_space<vmem>>, vector<1x16xf32>,
        %swap3A_649 = vector.shape_cast %swap3A_648 : vector<1x16xf32> to vector<16xf32>
        %swap3A_650 = vector.shape_cast %add3A_643 : vector<16xf32> to vector<1x16xf32>
        tpu.vector_store %arg13[%swap3A_646, %swap3A_647], %swap3A_650 {strides = array<i32>} : memref<104x64xf32, #tpu.memory_space<vmem>>, vector<1x16xf32>,
        %add3A_651 = arith.constant 4 : i32
        %add3A_652 = arith.addi %add3A_234, %add3A_651 : i32
        %get3A_653 = arith.index_cast %add3A_652 : i32 to index
        %get3A_654 = arith.constant 48 : index
        %get3A_655 = tpu.vector_load %arg9[%get3A_653, %get3A_654] {strides = array<i32>} : memref<104x128xf32, #tpu.memory_space<vmem>>, vector<1x16xf32>,
        %get3A_656 = vector.shape_cast %get3A_655 : vector<1x16xf32> to vector<16xf32>
        %add3A_657 = arith.constant 0 : i32
        %add3A_658 = arith.addi %add3A_657, %add3A_234 : i32
        %add3A_659 = arith.constant 4 : i32
        %add3A_660 = arith.addi %add3A_658, %add3A_659 : i32
        %get3A_661 = arith.index_cast %add3A_660 : i32 to index
        %get3A_662 = arith.constant 48 : index
        %get3A_663 = tpu.vector_load %arg8[%get3A_661, %get3A_662] {strides = array<i32>} : memref<200x64xf32, #tpu.memory_space<vmem>>, vector<1x16xf32>,
        %get3A_664 = vector.shape_cast %get3A_663 : vector<1x16xf32> to vector<16xf32>
        %add3A_665 = arith.addf %get3A_656, %get3A_664 : vector<16xf32>
        %add3A_666 = arith.constant 4 : i32
        %add3A_667 = arith.addi %add3A_234, %add3A_666 : i32
        %swap3A_668 = arith.index_cast %add3A_667 : i32 to index
        %swap3A_669 = arith.constant 48 : index
        %swap3A_670 = tpu.vector_load %arg13[%swap3A_668, %swap3A_669] {strides = array<i32>} : memref<104x64xf32, #tpu.memory_space<vmem>>, vector<1x16xf32>,
        %swap3A_671 = vector.shape_cast %swap3A_670 : vector<1x16xf32> to vector<16xf32>
        %swap3A_672 = vector.shape_cast %add3A_665 : vector<16xf32> to vector<1x16xf32>
        tpu.vector_store %arg13[%swap3A_668, %swap3A_669], %swap3A_672 {strides = array<i32>} : memref<104x64xf32, #tpu.memory_space<vmem>>, vector<1x16xf32>,
        %add3A_673 = arith.constant 5 : i32
        %add3A_674 = arith.addi %add3A_234, %add3A_673 : i32
        %get3A_675 = arith.index_cast %add3A_674 : i32 to index
        %get3A_676 = arith.constant 0 : index
        %get3A_677 = tpu.vector_load %arg9[%get3A_675, %get3A_676] {strides = array<i32>} : memref<104x128xf32, #tpu.memory_space<vmem>>, vector<1x16xf32>,
        %get3A_678 = vector.shape_cast %get3A_677 : vector<1x16xf32> to vector<16xf32>
        %add3A_679 = arith.constant 0 : i32
        %add3A_680 = arith.addi %add3A_679, %add3A_234 : i32
        %add3A_681 = arith.constant 5 : i32
        %add3A_682 = arith.addi %add3A_680, %add3A_681 : i32
        %get3A_683 = arith.index_cast %add3A_682 : i32 to index
        %get3A_684 = arith.constant 0 : index
        %get3A_685 = tpu.vector_load %arg8[%get3A_683, %get3A_684] {strides = array<i32>} : memref<200x64xf32, #tpu.memory_space<vmem>>, vector<1x16xf32>,
        %get3A_686 = vector.shape_cast %get3A_685 : vector<1x16xf32> to vector<16xf32>
        %add3A_687 = arith.addf %get3A_678, %get3A_686 : vector<16xf32>
        %add3A_688 = arith.constant 5 : i32
        %add3A_689 = arith.addi %add3A_234, %add3A_688 : i32
        %swap3A_690 = arith.index_cast %add3A_689 : i32 to index
        %swap3A_691 = arith.constant 0 : index
        %swap3A_692 = tpu.vector_load %arg13[%swap3A_690, %swap3A_691] {strides = array<i32>} : memref<104x64xf32, #tpu.memory_space<vmem>>, vector<1x16xf32>,
        %swap3A_693 = vector.shape_cast %swap3A_692 : vector<1x16xf32> to vector<16xf32>
        %swap3A_694 = vector.shape_cast %add3A_687 : vector<16xf32> to vector<1x16xf32>
        tpu.vector_store %arg13[%swap3A_690, %swap3A_691], %swap3A_694 {strides = array<i32>} : memref<104x64xf32, #tpu.memory_space<vmem>>, vector<1x16xf32>,
        %add3A_695 = arith.constant 5 : i32
        %add3A_696 = arith.addi %add3A_234, %add3A_695 : i32
        %get3A_697 = arith.index_cast %add3A_696 : i32 to index
        %get3A_698 = arith.constant 16 : index
        %get3A_699 = tpu.vector_load %arg9[%get3A_697, %get3A_698] {strides = array<i32>} : memref<104x128xf32, #tpu.memory_space<vmem>>, vector<1x16xf32>,
        %get3A_700 = vector.shape_cast %get3A_699 : vector<1x16xf32> to vector<16xf32>
        %add3A_701 = arith.constant 0 : i32
        %add3A_702 = arith.addi %add3A_701, %add3A_234 : i32
        %add3A_703 = arith.constant 5 : i32
        %add3A_704 = arith.addi %add3A_702, %add3A_703 : i32
        %get3A_705 = arith.index_cast %add3A_704 : i32 to index
        %get3A_706 = arith.constant 16 : index
        %get3A_707 = tpu.vector_load %arg8[%get3A_705, %get3A_706] {strides = array<i32>} : memref<200x64xf32, #tpu.memory_space<vmem>>, vector<1x16xf32>,
        %get3A_708 = vector.shape_cast %get3A_707 : vector<1x16xf32> to vector<16xf32>
        %add3A_709 = arith.addf %get3A_700, %get3A_708 : vector<16xf32>
        %add3A_710 = arith.constant 5 : i32
        %add3A_711 = arith.addi %add3A_234, %add3A_710 : i32
        %swap3A_712 = arith.index_cast %add3A_711 : i32 to index
        %swap3A_713 = arith.constant 16 : index
        %swap3A_714 = tpu.vector_load %arg13[%swap3A_712, %swap3A_713] {strides = array<i32>} : memref<104x64xf32, #tpu.memory_space<vmem>>, vector<1x16xf32>,
        %swap3A_715 = vector.shape_cast %swap3A_714 : vector<1x16xf32> to vector<16xf32>
        %swap3A_716 = vector.shape_cast %add3A_709 : vector<16xf32> to vector<1x16xf32>
        tpu.vector_store %arg13[%swap3A_712, %swap3A_713], %swap3A_716 {strides = array<i32>} : memref<104x64xf32, #tpu.memory_space<vmem>>, vector<1x16xf32>,
        %add3A_717 = arith.constant 5 : i32
        %add3A_718 = arith.addi %add3A_234, %add3A_717 : i32
        %get3A_719 = arith.index_cast %add3A_718 : i32 to index
        %get3A_720 = arith.constant 32 : index
        %get3A_721 = tpu.vector_load %arg9[%get3A_719, %get3A_720] {strides = array<i32>} : memref<104x128xf32, #tpu.memory_space<vmem>>, vector<1x16xf32>,
        %get3A_722 = vector.shape_cast %get3A_721 : vector<1x16xf32> to vector<16xf32>
        %add3A_723 = arith.constant 0 : i32
        %add3A_724 = arith.addi %add3A_723, %add3A_234 : i32
        %add3A_725 = arith.constant 5 : i32
        %add3A_726 = arith.addi %add3A_724, %add3A_725 : i32
        %get3A_727 = arith.index_cast %add3A_726 : i32 to index
        %get3A_728 = arith.constant 32 : index
        %get3A_729 = tpu.vector_load %arg8[%get3A_727, %get3A_728] {strides = array<i32>} : memref<200x64xf32, #tpu.memory_space<vmem>>, vector<1x16xf32>,
        %get3A_730 = vector.shape_cast %get3A_729 : vector<1x16xf32> to vector<16xf32>
        %add3A_731 = arith.addf %get3A_722, %get3A_730 : vector<16xf32>
        %add3A_732 = arith.constant 5 : i32
        %add3A_733 = arith.addi %add3A_234, %add3A_732 : i32
        %swap3A_734 = arith.index_cast %add3A_733 : i32 to index
        %swap3A_735 = arith.constant 32 : index
        %swap3A_736 = tpu.vector_load %arg13[%swap3A_734, %swap3A_735] {strides = array<i32>} : memref<104x64xf32, #tpu.memory_space<vmem>>, vector<1x16xf32>,
        %swap3A_737 = vector.shape_cast %swap3A_736 : vector<1x16xf32> to vector<16xf32>
        %swap3A_738 = vector.shape_cast %add3A_731 : vector<16xf32> to vector<1x16xf32>
        tpu.vector_store %arg13[%swap3A_734, %swap3A_735], %swap3A_738 {strides = array<i32>} : memref<104x64xf32, #tpu.memory_space<vmem>>, vector<1x16xf32>,
        %add3A_739 = arith.constant 5 : i32
        %add3A_740 = arith.addi %add3A_234, %add3A_739 : i32
        %get3A_741 = arith.index_cast %add3A_740 : i32 to index
        %get3A_742 = arith.constant 48 : index
        %get3A_743 = tpu.vector_load %arg9[%get3A_741, %get3A_742] {strides = array<i32>} : memref<104x128xf32, #tpu.memory_space<vmem>>, vector<1x16xf32>,
        %get3A_744 = vector.shape_cast %get3A_743 : vector<1x16xf32> to vector<16xf32>
        %add3A_745 = arith.constant 0 : i32
        %add3A_746 = arith.addi %add3A_745, %add3A_234 : i32
        %add3A_747 = arith.constant 5 : i32
        %add3A_748 = arith.addi %add3A_746, %add3A_747 : i32
        %get3A_749 = arith.index_cast %add3A_748 : i32 to index
        %get3A_750 = arith.constant 48 : index
        %get3A_751 = tpu.vector_load %arg8[%get3A_749, %get3A_750] {strides = array<i32>} : memref<200x64xf32, #tpu.memory_space<vmem>>, vector<1x16xf32>,
        %get3A_752 = vector.shape_cast %get3A_751 : vector<1x16xf32> to vector<16xf32>
        %add3A_753 = arith.addf %get3A_744, %get3A_752 : vector<16xf32>
        %add3A_754 = arith.constant 5 : i32
        %add3A_755 = arith.addi %add3A_234, %add3A_754 : i32
        %swap3A_756 = arith.index_cast %add3A_755 : i32 to index
        %swap3A_757 = arith.constant 48 : index
        %swap3A_758 = tpu.vector_load %arg13[%swap3A_756, %swap3A_757] {strides = array<i32>} : memref<104x64xf32, #tpu.memory_space<vmem>>, vector<1x16xf32>,
        %swap3A_759 = vector.shape_cast %swap3A_758 : vector<1x16xf32> to vector<16xf32>
        %swap3A_760 = vector.shape_cast %add3A_753 : vector<16xf32> to vector<1x16xf32>
        tpu.vector_store %arg13[%swap3A_756, %swap3A_757], %swap3A_760 {strides = array<i32>} : memref<104x64xf32, #tpu.memory_space<vmem>>, vector<1x16xf32>,
        %add3A_761 = arith.constant 6 : i32
        %add3A_762 = arith.addi %add3A_234, %add3A_761 : i32
        %get3A_763 = arith.index_cast %add3A_762 : i32 to index
        %get3A_764 = arith.constant 0 : index
        %get3A_765 = tpu.vector_load %arg9[%get3A_763, %get3A_764] {strides = array<i32>} : memref<104x128xf32, #tpu.memory_space<vmem>>, vector<1x16xf32>,
        %get3A_766 = vector.shape_cast %get3A_765 : vector<1x16xf32> to vector<16xf32>
        %add3A_767 = arith.constant 0 : i32
        %add3A_768 = arith.addi %add3A_767, %add3A_234 : i32
        %add3A_769 = arith.constant 6 : i32
        %add3A_770 = arith.addi %add3A_768, %add3A_769 : i32
        %get3A_771 = arith.index_cast %add3A_770 : i32 to index
        %get3A_772 = arith.constant 0 : index
        %get3A_773 = tpu.vector_load %arg8[%get3A_771, %get3A_772] {strides = array<i32>} : memref<200x64xf32, #tpu.memory_space<vmem>>, vector<1x16xf32>,
        %get3A_774 = vector.shape_cast %get3A_773 : vector<1x16xf32> to vector<16xf32>
        %add3A_775 = arith.addf %get3A_766, %get3A_774 : vector<16xf32>
        %add3A_776 = arith.constant 6 : i32
        %add3A_777 = arith.addi %add3A_234, %add3A_776 : i32
        %swap3A_778 = arith.index_cast %add3A_777 : i32 to index
        %swap3A_779 = arith.constant 0 : index
        %swap3A_780 = tpu.vector_load %arg13[%swap3A_778, %swap3A_779] {strides = array<i32>} : memref<104x64xf32, #tpu.memory_space<vmem>>, vector<1x16xf32>,
        %swap3A_781 = vector.shape_cast %swap3A_780 : vector<1x16xf32> to vector<16xf32>
        %swap3A_782 = vector.shape_cast %add3A_775 : vector<16xf32> to vector<1x16xf32>
        tpu.vector_store %arg13[%swap3A_778, %swap3A_779], %swap3A_782 {strides = array<i32>} : memref<104x64xf32, #tpu.memory_space<vmem>>, vector<1x16xf32>,
        %add3A_783 = arith.constant 6 : i32
        %add3A_784 = arith.addi %add3A_234, %add3A_783 : i32
        %get3A_785 = arith.index_cast %add3A_784 : i32 to index
        %get3A_786 = arith.constant 16 : index
        %get3A_787 = tpu.vector_load %arg9[%get3A_785, %get3A_786] {strides = array<i32>} : memref<104x128xf32, #tpu.memory_space<vmem>>, vector<1x16xf32>,
        %get3A_788 = vector.shape_cast %get3A_787 : vector<1x16xf32> to vector<16xf32>
        %add3A_789 = arith.constant 0 : i32
        %add3A_790 = arith.addi %add3A_789, %add3A_234 : i32
        %add3A_791 = arith.constant 6 : i32
        %add3A_792 = arith.addi %add3A_790, %add3A_791 : i32
        %get3A_793 = arith.index_cast %add3A_792 : i32 to index
        %get3A_794 = arith.constant 16 : index
        %get3A_795 = tpu.vector_load %arg8[%get3A_793, %get3A_794] {strides = array<i32>} : memref<200x64xf32, #tpu.memory_space<vmem>>, vector<1x16xf32>,
        %get3A_796 = vector.shape_cast %get3A_795 : vector<1x16xf32> to vector<16xf32>
        %add3A_797 = arith.addf %get3A_788, %get3A_796 : vector<16xf32>
        %add3A_798 = arith.constant 6 : i32
        %add3A_799 = arith.addi %add3A_234, %add3A_798 : i32
        %swap3A_800 = arith.index_cast %add3A_799 : i32 to index
        %swap3A_801 = arith.constant 16 : index
        %swap3A_802 = tpu.vector_load %arg13[%swap3A_800, %swap3A_801] {strides = array<i32>} : memref<104x64xf32, #tpu.memory_space<vmem>>, vector<1x16xf32>,
        %swap3A_803 = vector.shape_cast %swap3A_802 : vector<1x16xf32> to vector<16xf32>
        %swap3A_804 = vector.shape_cast %add3A_797 : vector<16xf32> to vector<1x16xf32>
        tpu.vector_store %arg13[%swap3A_800, %swap3A_801], %swap3A_804 {strides = array<i32>} : memref<104x64xf32, #tpu.memory_space<vmem>>, vector<1x16xf32>,
        %add3A_805 = arith.constant 6 : i32
        %add3A_806 = arith.addi %add3A_234, %add3A_805 : i32
        %get3A_807 = arith.index_cast %add3A_806 : i32 to index
        %get3A_808 = arith.constant 32 : index
        %get3A_809 = tpu.vector_load %arg9[%get3A_807, %get3A_808] {strides = array<i32>} : memref<104x128xf32, #tpu.memory_space<vmem>>, vector<1x16xf32>,
        %get3A_810 = vector.shape_cast %get3A_809 : vector<1x16xf32> to vector<16xf32>
        %add3A_811 = arith.constant 0 : i32
        %add3A_812 = arith.addi %add3A_811, %add3A_234 : i32
        %add3A_813 = arith.constant 6 : i32
        %add3A_814 = arith.addi %add3A_812, %add3A_813 : i32
        %get3A_815 = arith.index_cast %add3A_814 : i32 to index
        %get3A_816 = arith.constant 32 : index
        %get3A_817 = tpu.vector_load %arg8[%get3A_815, %get3A_816] {strides = array<i32>} : memref<200x64xf32, #tpu.memory_space<vmem>>, vector<1x16xf32>,
        %get3A_818 = vector.shape_cast %get3A_817 : vector<1x16xf32> to vector<16xf32>
        %add3A_819 = arith.addf %get3A_810, %get3A_818 : vector<16xf32>
        %add3A_820 = arith.constant 6 : i32
        %add3A_821 = arith.addi %add3A_234, %add3A_820 : i32
        %swap3A_822 = arith.index_cast %add3A_821 : i32 to index
        %swap3A_823 = arith.constant 32 : index
        %swap3A_824 = tpu.vector_load %arg13[%swap3A_822, %swap3A_823] {strides = array<i32>} : memref<104x64xf32, #tpu.memory_space<vmem>>, vector<1x16xf32>,
        %swap3A_825 = vector.shape_cast %swap3A_824 : vector<1x16xf32> to vector<16xf32>
        %swap3A_826 = vector.shape_cast %add3A_819 : vector<16xf32> to vector<1x16xf32>
        tpu.vector_store %arg13[%swap3A_822, %swap3A_823], %swap3A_826 {strides = array<i32>} : memref<104x64xf32, #tpu.memory_space<vmem>>, vector<1x16xf32>,
        %add3A_827 = arith.constant 6 : i32
        %add3A_828 = arith.addi %add3A_234, %add3A_827 : i32
        %get3A_829 = arith.index_cast %add3A_828 : i32 to index
        %get3A_830 = arith.constant 48 : index
        %get3A_831 = tpu.vector_load %arg9[%get3A_829, %get3A_830] {strides = array<i32>} : memref<104x128xf32, #tpu.memory_space<vmem>>, vector<1x16xf32>,
        %get3A_832 = vector.shape_cast %get3A_831 : vector<1x16xf32> to vector<16xf32>
        %add3A_833 = arith.constant 0 : i32
        %add3A_834 = arith.addi %add3A_833, %add3A_234 : i32
        %add3A_835 = arith.constant 6 : i32
        %add3A_836 = arith.addi %add3A_834, %add3A_835 : i32
        %get3A_837 = arith.index_cast %add3A_836 : i32 to index
        %get3A_838 = arith.constant 48 : index
        %get3A_839 = tpu.vector_load %arg8[%get3A_837, %get3A_838] {strides = array<i32>} : memref<200x64xf32, #tpu.memory_space<vmem>>, vector<1x16xf32>,
        %get3A_840 = vector.shape_cast %get3A_839 : vector<1x16xf32> to vector<16xf32>
        %add3A_841 = arith.addf %get3A_832, %get3A_840 : vector<16xf32>
        %add3A_842 = arith.constant 6 : i32
        %add3A_843 = arith.addi %add3A_234, %add3A_842 : i32
        %swap3A_844 = arith.index_cast %add3A_843 : i32 to index
        %swap3A_845 = arith.constant 48 : index
        %swap3A_846 = tpu.vector_load %arg13[%swap3A_844, %swap3A_845] {strides = array<i32>} : memref<104x64xf32, #tpu.memory_space<vmem>>, vector<1x16xf32>,
        %swap3A_847 = vector.shape_cast %swap3A_846 : vector<1x16xf32> to vector<16xf32>
        %swap3A_848 = vector.shape_cast %add3A_841 : vector<16xf32> to vector<1x16xf32>
        tpu.vector_store %arg13[%swap3A_844, %swap3A_845], %swap3A_848 {strides = array<i32>} : memref<104x64xf32, #tpu.memory_space<vmem>>, vector<1x16xf32>,
        %add3A_849 = arith.constant 7 : i32
        %add3A_850 = arith.addi %add3A_234, %add3A_849 : i32
        %get3A_851 = arith.index_cast %add3A_850 : i32 to index
        %get3A_852 = arith.constant 0 : index
        %get3A_853 = tpu.vector_load %arg9[%get3A_851, %get3A_852] {strides = array<i32>} : memref<104x128xf32, #tpu.memory_space<vmem>>, vector<1x16xf32>,
        %get3A_854 = vector.shape_cast %get3A_853 : vector<1x16xf32> to vector<16xf32>
        %add3A_855 = arith.constant 0 : i32
        %add3A_856 = arith.addi %add3A_855, %add3A_234 : i32
        %add3A_857 = arith.constant 7 : i32
        %add3A_858 = arith.addi %add3A_856, %add3A_857 : i32
        %get3A_859 = arith.index_cast %add3A_858 : i32 to index
        %get3A_860 = arith.constant 0 : index
        %get3A_861 = tpu.vector_load %arg8[%get3A_859, %get3A_860] {strides = array<i32>} : memref<200x64xf32, #tpu.memory_space<vmem>>, vector<1x16xf32>,
        %get3A_862 = vector.shape_cast %get3A_861 : vector<1x16xf32> to vector<16xf32>
        %add3A_863 = arith.addf %get3A_854, %get3A_862 : vector<16xf32>
        %add3A_864 = arith.constant 7 : i32
        %add3A_865 = arith.addi %add3A_234, %add3A_864 : i32
        %swap3A_866 = arith.index_cast %add3A_865 : i32 to index
        %swap3A_867 = arith.constant 0 : index
        %swap3A_868 = tpu.vector_load %arg13[%swap3A_866, %swap3A_867] {strides = array<i32>} : memref<104x64xf32, #tpu.memory_space<vmem>>, vector<1x16xf32>,
        %swap3A_869 = vector.shape_cast %swap3A_868 : vector<1x16xf32> to vector<16xf32>
        %swap3A_870 = vector.shape_cast %add3A_863 : vector<16xf32> to vector<1x16xf32>
        tpu.vector_store %arg13[%swap3A_866, %swap3A_867], %swap3A_870 {strides = array<i32>} : memref<104x64xf32, #tpu.memory_space<vmem>>, vector<1x16xf32>,
        %add3A_871 = arith.constant 7 : i32
        %add3A_872 = arith.addi %add3A_234, %add3A_871 : i32
        %get3A_873 = arith.index_cast %add3A_872 : i32 to index
        %get3A_874 = arith.constant 16 : index
        %get3A_875 = tpu.vector_load %arg9[%get3A_873, %get3A_874] {strides = array<i32>} : memref<104x128xf32, #tpu.memory_space<vmem>>, vector<1x16xf32>,
        %get3A_876 = vector.shape_cast %get3A_875 : vector<1x16xf32> to vector<16xf32>
        %add3A_877 = arith.constant 0 : i32
        %add3A_878 = arith.addi %add3A_877, %add3A_234 : i32
        %add3A_879 = arith.constant 7 : i32
        %add3A_880 = arith.addi %add3A_878, %add3A_879 : i32
        %get3A_881 = arith.index_cast %add3A_880 : i32 to index
        %get3A_882 = arith.constant 16 : index
        %get3A_883 = tpu.vector_load %arg8[%get3A_881, %get3A_882] {strides = array<i32>} : memref<200x64xf32, #tpu.memory_space<vmem>>, vector<1x16xf32>,
        %get3A_884 = vector.shape_cast %get3A_883 : vector<1x16xf32> to vector<16xf32>
        %add3A_885 = arith.addf %get3A_876, %get3A_884 : vector<16xf32>
        %add3A_886 = arith.constant 7 : i32
        %add3A_887 = arith.addi %add3A_234, %add3A_886 : i32
        %swap3A_888 = arith.index_cast %add3A_887 : i32 to index
        %swap3A_889 = arith.constant 16 : index
        %swap3A_890 = tpu.vector_load %arg13[%swap3A_888, %swap3A_889] {strides = array<i32>} : memref<104x64xf32, #tpu.memory_space<vmem>>, vector<1x16xf32>,
        %swap3A_891 = vector.shape_cast %swap3A_890 : vector<1x16xf32> to vector<16xf32>
        %swap3A_892 = vector.shape_cast %add3A_885 : vector<16xf32> to vector<1x16xf32>
        tpu.vector_store %arg13[%swap3A_888, %swap3A_889], %swap3A_892 {strides = array<i32>} : memref<104x64xf32, #tpu.memory_space<vmem>>, vector<1x16xf32>,
        %add3A_893 = arith.constant 7 : i32
        %add3A_894 = arith.addi %add3A_234, %add3A_893 : i32
        %get3A_895 = arith.index_cast %add3A_894 : i32 to index
        %get3A_896 = arith.constant 32 : index
        %get3A_897 = tpu.vector_load %arg9[%get3A_895, %get3A_896] {strides = array<i32>} : memref<104x128xf32, #tpu.memory_space<vmem>>, vector<1x16xf32>,
        %get3A_898 = vector.shape_cast %get3A_897 : vector<1x16xf32> to vector<16xf32>
        %add3A_899 = arith.constant 0 : i32
        %add3A_900 = arith.addi %add3A_899, %add3A_234 : i32
        %add3A_901 = arith.constant 7 : i32
        %add3A_902 = arith.addi %add3A_900, %add3A_901 : i32
        %get3A_903 = arith.index_cast %add3A_902 : i32 to index
        %get3A_904 = arith.constant 32 : index
        %get3A_905 = tpu.vector_load %arg8[%get3A_903, %get3A_904] {strides = array<i32>} : memref<200x64xf32, #tpu.memory_space<vmem>>, vector<1x16xf32>,
        %get3A_906 = vector.shape_cast %get3A_905 : vector<1x16xf32> to vector<16xf32>
        %add3A_907 = arith.addf %get3A_898, %get3A_906 : vector<16xf32>
        %add3A_908 = arith.constant 7 : i32
        %add3A_909 = arith.addi %add3A_234, %add3A_908 : i32
        %swap3A_910 = arith.index_cast %add3A_909 : i32 to index
        %swap3A_911 = arith.constant 32 : index
        %swap3A_912 = tpu.vector_load %arg13[%swap3A_910, %swap3A_911] {strides = array<i32>} : memref<104x64xf32, #tpu.memory_space<vmem>>, vector<1x16xf32>,
        %swap3A_913 = vector.shape_cast %swap3A_912 : vector<1x16xf32> to vector<16xf32>
        %swap3A_914 = vector.shape_cast %add3A_907 : vector<16xf32> to vector<1x16xf32>
        tpu.vector_store %arg13[%swap3A_910, %swap3A_911], %swap3A_914 {strides = array<i32>} : memref<104x64xf32, #tpu.memory_space<vmem>>, vector<1x16xf32>,
        %add3A_915 = arith.constant 7 : i32
        %add3A_916 = arith.addi %add3A_234, %add3A_915 : i32
        %get3A_917 = arith.index_cast %add3A_916 : i32 to index
        %get3A_918 = arith.constant 48 : index
        %get3A_919 = tpu.vector_load %arg9[%get3A_917, %get3A_918] {strides = array<i32>} : memref<104x128xf32, #tpu.memory_space<vmem>>, vector<1x16xf32>,
        %get3A_920 = vector.shape_cast %get3A_919 : vector<1x16xf32> to vector<16xf32>
        %add3A_921 = arith.constant 0 : i32
        %add3A_922 = arith.addi %add3A_921, %add3A_234 : i32
        %add3A_923 = arith.constant 7 : i32
        %add3A_924 = arith.addi %add3A_922, %add3A_923 : i32
        %get3A_925 = arith.index_cast %add3A_924 : i32 to index
        %get3A_926 = arith.constant 48 : index
        %get3A_927 = tpu.vector_load %arg8[%get3A_925, %get3A_926] {strides = array<i32>} : memref<200x64xf32, #tpu.memory_space<vmem>>, vector<1x16xf32>,
        %get3A_928 = vector.shape_cast %get3A_927 : vector<1x16xf32> to vector<16xf32>
        %add3A_929 = arith.addf %get3A_920, %get3A_928 : vector<16xf32>
        %add3A_930 = arith.constant 7 : i32
        %add3A_931 = arith.addi %add3A_234, %add3A_930 : i32
        %swap3A_932 = arith.index_cast %add3A_931 : i32 to index
        %swap3A_933 = arith.constant 48 : index
        %swap3A_934 = tpu.vector_load %arg13[%swap3A_932, %swap3A_933] {strides = array<i32>} : memref<104x64xf32, #tpu.memory_space<vmem>>, vector<1x16xf32>,
        %swap3A_935 = vector.shape_cast %swap3A_934 : vector<1x16xf32> to vector<16xf32>
        %swap3A_936 = vector.shape_cast %add3A_929 : vector<16xf32> to vector<1x16xf32>
        tpu.vector_store %arg13[%swap3A_932, %swap3A_933], %swap3A_936 {strides = array<i32>} : memref<104x64xf32, #tpu.memory_space<vmem>>, vector<1x16xf32>,
      }
      %scan3A_107 = arith.constant 13 : i32
      %add3A_108 = arith.addi %mul3A_2, %add3A_71 : i32
      %dma_start3A_109 = arith.constant 0 : i32
      %dma_start3A_110 = arith.constant 0 : i32
      %dma_start3A_111 = tpu.memref_slice %arg13[%dma_start3A_109, %dma_start3A_110] : memref<104x64xf32, #tpu.memory_space<vmem>> -> memref<104x64xf32, #tpu.memory_space<vmem>>
      %dma_start3A_112 = arith.constant 0 : i32
      %dma_start3A_113 = arith.constant 0 : i32
      %dma_start3A_114 = tpu.memref_slice %arg5[%add3A_108, %dma_start3A_112, %dma_start3A_113] : memref<1024x200x64xf32, #tpu.memory_space<hbm>> -> memref<1x104x64xf32, #tpu.memory_space<hbm>>
      %dma_start3A_115 = tpu.memref_squeeze %dma_start3A_114 : memref<1x104x64xf32, #tpu.memory_space<hbm>> -> memref<104x64xf32, #tpu.memory_space<hbm>>
      %dma_start3A_116 = arith.constant 0 : i32
      %dma_start3A_117 = arith.constant 0 : i32
      %dma_start3A_118 = tpu.memref_slice %arg5[%add3A_108, %dma_start3A_116, %dma_start3A_117] : memref<1024x200x64xf32, #tpu.memory_space<hbm>> -> memref<1x104x64xf32, #tpu.memory_space<hbm>>
      %dma_start3A_119 = tpu.memref_squeeze %dma_start3A_118 : memref<1x104x64xf32, #tpu.memory_space<hbm>> -> memref<104x64xf32, #tpu.memory_space<hbm>>
      %dma_start3A_120 = arith.constant 0 : i32
      %dma_start3A_121 = arith.constant 0 : i32
      %dma_start3A_122 = tpu.memref_slice %arg13[%dma_start3A_120, %dma_start3A_121] : memref<104x64xf32, #tpu.memory_space<vmem>> -> memref<104x64xf32, #tpu.memory_space<vmem>>
      tpu.enqueue_dma source(%dma_start3A_122 : memref<104x64xf32, #tpu.memory_space<vmem>>) target(%dma_start3A_119 : memref<104x64xf32, #tpu.memory_space<hbm>>) target_semaphore(%arg21 : memref<!tpu.dma_semaphore, #tpu.memory_space<semaphore_mem>>)
      %ge3A_123 = arith.constant 1 : i32
      %ge3A_124 = arith.cmpi sge, %add3A_71, %ge3A_123 : i32
      %convert_element_type3A_125 = arith.extui %ge3A_124 : i1 to i32
      %cond3A_126 = arith.constant 0 : i32
      %cond3A_127 = arith.cmpi ne, %convert_element_type3A_125, %cond3A_126 : i32
      scf.if %cond3A_127 {
        %dma_wait3A_230 = arith.constant 0 : i32
        %dma_wait3A_231 = arith.constant 0 : i32
        %dma_wait3A_232 = tpu.memref_slice %arg14[%dma_wait3A_230, %dma_wait3A_231] : memref<104x64xf32, #tpu.memory_space<vmem>> -> memref<96x64xf32, #tpu.memory_space<vmem>>
        %dma_wait3A_233 = arith.constant 104 : i32
        %dma_wait3A_234 = arith.constant 0 : i32
        %dma_wait3A_235 = tpu.memref_slice %arg5[%mul3A_2, %dma_wait3A_233, %dma_wait3A_234] : memref<1024x200x64xf32, #tpu.memory_space<hbm>> -> memref<1x96x64xf32, #tpu.memory_space<hbm>>
        %dma_wait3A_236 = tpu.memref_squeeze %dma_wait3A_235 : memref<1x96x64xf32, #tpu.memory_space<hbm>> -> memref<96x64xf32, #tpu.memory_space<hbm>>
        %dma_wait3A_237 = arith.constant 104 : i32
        %dma_wait3A_238 = arith.constant 0 : i32
        %dma_wait3A_239 = tpu.memref_slice %arg5[%mul3A_2, %dma_wait3A_237, %dma_wait3A_238] : memref<1024x200x64xf32, #tpu.memory_space<hbm>> -> memref<1x96x64xf32, #tpu.memory_space<hbm>>
        %dma_wait3A_240 = tpu.memref_squeeze %dma_wait3A_239 : memref<1x96x64xf32, #tpu.memory_space<hbm>> -> memref<96x64xf32, #tpu.memory_space<hbm>>
        %dma_wait3A_241 = arith.constant 0 : i32
        %dma_wait3A_242 = arith.constant 0 : i32
        %dma_wait3A_243 = tpu.memref_slice %arg14[%dma_wait3A_241, %dma_wait3A_242] : memref<104x64xf32, #tpu.memory_space<vmem>> -> memref<96x64xf32, #tpu.memory_space<vmem>>
        tpu.wait_dma2 semaphore(%arg22 : memref<!tpu.dma_semaphore, #tpu.memory_space<semaphore_mem>>) src(%dma_wait3A_243 : memref<96x64xf32, #tpu.memory_space<vmem>>) dst(%dma_wait3A_240 : memref<96x64xf32, #tpu.memory_space<hbm>>)
      } else {
      }
      %scan3A_128 = arith.constant 0 : i32
      %scan3A_129 = arith.constant 12 : i32
      %scan3A_130 = arith.addi %scan3A_128, %scan3A_129 : i32
      %scan3A_131 = arith.constant 1 : i32
      scf.for %scan3A_230 = %scan3A_128 to %scan3A_130 step %scan3A_131  : i32 {
        %mul3A_231 = arith.constant 8 : i32
        %mul3A_232 = arith.muli %scan3A_230, %mul3A_231 : i32
        %add3A_233 = arith.constant 0 : i32
        %add3A_234 = arith.addi %add3A_233, %mul3A_232 : i32
        %add3A_235 = arith.constant 0 : i32
        %add3A_236 = arith.addi %add3A_234, %add3A_235 : i32
        %get3A = arith.index_cast %add3A_236 : i32 to index
        %get3A_237 = arith.constant 0 : index
        %get3A_238 = tpu.vector_load %arg10[%get3A, %get3A_237] {strides = array<i32>} : memref<104x128xf32, #tpu.memory_space<vmem>>, vector<1x16xf32>,
        %get3A_239 = vector.shape_cast %get3A_238 : vector<1x16xf32> to vector<16xf32>
        %add3A_240 = arith.constant 104 : i32
        %add3A_241 = arith.addi %add3A_240, %add3A_234 : i32
        %add3A_242 = arith.constant 0 : i32
        %add3A_243 = arith.addi %add3A_241, %add3A_242 : i32
        %get3A_244 = arith.index_cast %add3A_243 : i32 to index
        %get3A_245 = arith.constant 0 : index
        %get3A_246 = tpu.vector_load %arg8[%get3A_244, %get3A_245] {strides = array<i32>} : memref<200x64xf32, #tpu.memory_space<vmem>>, vector<1x16xf32>,
        %get3A_247 = vector.shape_cast %get3A_246 : vector<1x16xf32> to vector<16xf32>
        %add3A_248 = arith.addf %get3A_239, %get3A_247 : vector<16xf32>
        %add3A_249 = arith.constant 0 : i32
        %add3A_250 = arith.addi %add3A_234, %add3A_249 : i32
        %swap3A = arith.index_cast %add3A_250 : i32 to index
        %swap3A_251 = arith.constant 0 : index
        %swap3A_252 = tpu.vector_load %arg14[%swap3A, %swap3A_251] {strides = array<i32>} : memref<104x64xf32, #tpu.memory_space<vmem>>, vector<1x16xf32>,
        %swap3A_253 = vector.shape_cast %swap3A_252 : vector<1x16xf32> to vector<16xf32>
        %swap3A_254 = vector.shape_cast %add3A_248 : vector<16xf32> to vector<1x16xf32>
        tpu.vector_store %arg14[%swap3A, %swap3A_251], %swap3A_254 {strides = array<i32>} : memref<104x64xf32, #tpu.memory_space<vmem>>, vector<1x16xf32>,
        %add3A_255 = arith.constant 0 : i32
        %add3A_256 = arith.addi %add3A_234, %add3A_255 : i32
        %get3A_257 = arith.index_cast %add3A_256 : i32 to index
        %get3A_258 = arith.constant 16 : index
        %get3A_259 = tpu.vector_load %arg10[%get3A_257, %get3A_258] {strides = array<i32>} : memref<104x128xf32, #tpu.memory_space<vmem>>, vector<1x16xf32>,
        %get3A_260 = vector.shape_cast %get3A_259 : vector<1x16xf32> to vector<16xf32>
        %add3A_261 = arith.constant 104 : i32
        %add3A_262 = arith.addi %add3A_261, %add3A_234 : i32
        %add3A_263 = arith.constant 0 : i32
        %add3A_264 = arith.addi %add3A_262, %add3A_263 : i32
        %get3A_265 = arith.index_cast %add3A_264 : i32 to index
        %get3A_266 = arith.constant 16 : index
        %get3A_267 = tpu.vector_load %arg8[%get3A_265, %get3A_266] {strides = array<i32>} : memref<200x64xf32, #tpu.memory_space<vmem>>, vector<1x16xf32>,
        %get3A_268 = vector.shape_cast %get3A_267 : vector<1x16xf32> to vector<16xf32>
        %add3A_269 = arith.addf %get3A_260, %get3A_268 : vector<16xf32>
        %add3A_270 = arith.constant 0 : i32
        %add3A_271 = arith.addi %add3A_234, %add3A_270 : i32
        %swap3A_272 = arith.index_cast %add3A_271 : i32 to index
        %swap3A_273 = arith.constant 16 : index
        %swap3A_274 = tpu.vector_load %arg14[%swap3A_272, %swap3A_273] {strides = array<i32>} : memref<104x64xf32, #tpu.memory_space<vmem>>, vector<1x16xf32>,
        %swap3A_275 = vector.shape_cast %swap3A_274 : vector<1x16xf32> to vector<16xf32>
        %swap3A_276 = vector.shape_cast %add3A_269 : vector<16xf32> to vector<1x16xf32>
        tpu.vector_store %arg14[%swap3A_272, %swap3A_273], %swap3A_276 {strides = array<i32>} : memref<104x64xf32, #tpu.memory_space<vmem>>, vector<1x16xf32>,
        %add3A_277 = arith.constant 0 : i32
        %add3A_278 = arith.addi %add3A_234, %add3A_277 : i32
        %get3A_279 = arith.index_cast %add3A_278 : i32 to index
        %get3A_280 = arith.constant 32 : index
        %get3A_281 = tpu.vector_load %arg10[%get3A_279, %get3A_280] {strides = array<i32>} : memref<104x128xf32, #tpu.memory_space<vmem>>, vector<1x16xf32>,
        %get3A_282 = vector.shape_cast %get3A_281 : vector<1x16xf32> to vector<16xf32>
        %add3A_283 = arith.constant 104 : i32
        %add3A_284 = arith.addi %add3A_283, %add3A_234 : i32
        %add3A_285 = arith.constant 0 : i32
        %add3A_286 = arith.addi %add3A_284, %add3A_285 : i32
        %get3A_287 = arith.index_cast %add3A_286 : i32 to index
        %get3A_288 = arith.constant 32 : index
        %get3A_289 = tpu.vector_load %arg8[%get3A_287, %get3A_288] {strides = array<i32>} : memref<200x64xf32, #tpu.memory_space<vmem>>, vector<1x16xf32>,
        %get3A_290 = vector.shape_cast %get3A_289 : vector<1x16xf32> to vector<16xf32>
        %add3A_291 = arith.addf %get3A_282, %get3A_290 : vector<16xf32>
        %add3A_292 = arith.constant 0 : i32
        %add3A_293 = arith.addi %add3A_234, %add3A_292 : i32
        %swap3A_294 = arith.index_cast %add3A_293 : i32 to index
        %swap3A_295 = arith.constant 32 : index
        %swap3A_296 = tpu.vector_load %arg14[%swap3A_294, %swap3A_295] {strides = array<i32>} : memref<104x64xf32, #tpu.memory_space<vmem>>, vector<1x16xf32>,
        %swap3A_297 = vector.shape_cast %swap3A_296 : vector<1x16xf32> to vector<16xf32>
        %swap3A_298 = vector.shape_cast %add3A_291 : vector<16xf32> to vector<1x16xf32>
        tpu.vector_store %arg14[%swap3A_294, %swap3A_295], %swap3A_298 {strides = array<i32>} : memref<104x64xf32, #tpu.memory_space<vmem>>, vector<1x16xf32>,
        %add3A_299 = arith.constant 0 : i32
        %add3A_300 = arith.addi %add3A_234, %add3A_299 : i32
        %get3A_301 = arith.index_cast %add3A_300 : i32 to index
        %get3A_302 = arith.constant 48 : index
        %get3A_303 = tpu.vector_load %arg10[%get3A_301, %get3A_302] {strides = array<i32>} : memref<104x128xf32, #tpu.memory_space<vmem>>, vector<1x16xf32>,
        %get3A_304 = vector.shape_cast %get3A_303 : vector<1x16xf32> to vector<16xf32>
        %add3A_305 = arith.constant 104 : i32
        %add3A_306 = arith.addi %add3A_305, %add3A_234 : i32
        %add3A_307 = arith.constant 0 : i32
        %add3A_308 = arith.addi %add3A_306, %add3A_307 : i32
        %get3A_309 = arith.index_cast %add3A_308 : i32 to index
        %get3A_310 = arith.constant 48 : index
        %get3A_311 = tpu.vector_load %arg8[%get3A_309, %get3A_310] {strides = array<i32>} : memref<200x64xf32, #tpu.memory_space<vmem>>, vector<1x16xf32>,
        %get3A_312 = vector.shape_cast %get3A_311 : vector<1x16xf32> to vector<16xf32>
        %add3A_313 = arith.addf %get3A_304, %get3A_312 : vector<16xf32>
        %add3A_314 = arith.constant 0 : i32
        %add3A_315 = arith.addi %add3A_234, %add3A_314 : i32
        %swap3A_316 = arith.index_cast %add3A_315 : i32 to index
        %swap3A_317 = arith.constant 48 : index
        %swap3A_318 = tpu.vector_load %arg14[%swap3A_316, %swap3A_317] {strides = array<i32>} : memref<104x64xf32, #tpu.memory_space<vmem>>, vector<1x16xf32>,
        %swap3A_319 = vector.shape_cast %swap3A_318 : vector<1x16xf32> to vector<16xf32>
        %swap3A_320 = vector.shape_cast %add3A_313 : vector<16xf32> to vector<1x16xf32>
        tpu.vector_store %arg14[%swap3A_316, %swap3A_317], %swap3A_320 {strides = array<i32>} : memref<104x64xf32, #tpu.memory_space<vmem>>, vector<1x16xf32>,
        %add3A_321 = arith.constant 1 : i32
        %add3A_322 = arith.addi %add3A_234, %add3A_321 : i32
        %get3A_323 = arith.index_cast %add3A_322 : i32 to index
        %get3A_324 = arith.constant 0 : index
        %get3A_325 = tpu.vector_load %arg10[%get3A_323, %get3A_324] {strides = array<i32>} : memref<104x128xf32, #tpu.memory_space<vmem>>, vector<1x16xf32>,
        %get3A_326 = vector.shape_cast %get3A_325 : vector<1x16xf32> to vector<16xf32>
        %add3A_327 = arith.constant 104 : i32
        %add3A_328 = arith.addi %add3A_327, %add3A_234 : i32
        %add3A_329 = arith.constant 1 : i32
        %add3A_330 = arith.addi %add3A_328, %add3A_329 : i32
        %get3A_331 = arith.index_cast %add3A_330 : i32 to index
        %get3A_332 = arith.constant 0 : index
        %get3A_333 = tpu.vector_load %arg8[%get3A_331, %get3A_332] {strides = array<i32>} : memref<200x64xf32, #tpu.memory_space<vmem>>, vector<1x16xf32>,
        %get3A_334 = vector.shape_cast %get3A_333 : vector<1x16xf32> to vector<16xf32>
        %add3A_335 = arith.addf %get3A_326, %get3A_334 : vector<16xf32>
        %add3A_336 = arith.constant 1 : i32
        %add3A_337 = arith.addi %add3A_234, %add3A_336 : i32
        %swap3A_338 = arith.index_cast %add3A_337 : i32 to index
        %swap3A_339 = arith.constant 0 : index
        %swap3A_340 = tpu.vector_load %arg14[%swap3A_338, %swap3A_339] {strides = array<i32>} : memref<104x64xf32, #tpu.memory_space<vmem>>, vector<1x16xf32>,
        %swap3A_341 = vector.shape_cast %swap3A_340 : vector<1x16xf32> to vector<16xf32>
        %swap3A_342 = vector.shape_cast %add3A_335 : vector<16xf32> to vector<1x16xf32>
        tpu.vector_store %arg14[%swap3A_338, %swap3A_339], %swap3A_342 {strides = array<i32>} : memref<104x64xf32, #tpu.memory_space<vmem>>, vector<1x16xf32>,
        %add3A_343 = arith.constant 1 : i32
        %add3A_344 = arith.addi %add3A_234, %add3A_343 : i32
        %get3A_345 = arith.index_cast %add3A_344 : i32 to index
        %get3A_346 = arith.constant 16 : index
        %get3A_347 = tpu.vector_load %arg10[%get3A_345, %get3A_346] {strides = array<i32>} : memref<104x128xf32, #tpu.memory_space<vmem>>, vector<1x16xf32>,
        %get3A_348 = vector.shape_cast %get3A_347 : vector<1x16xf32> to vector<16xf32>
        %add3A_349 = arith.constant 104 : i32
        %add3A_350 = arith.addi %add3A_349, %add3A_234 : i32
        %add3A_351 = arith.constant 1 : i32
        %add3A_352 = arith.addi %add3A_350, %add3A_351 : i32
        %get3A_353 = arith.index_cast %add3A_352 : i32 to index
        %get3A_354 = arith.constant 16 : index
        %get3A_355 = tpu.vector_load %arg8[%get3A_353, %get3A_354] {strides = array<i32>} : memref<200x64xf32, #tpu.memory_space<vmem>>, vector<1x16xf32>,
        %get3A_356 = vector.shape_cast %get3A_355 : vector<1x16xf32> to vector<16xf32>
        %add3A_357 = arith.addf %get3A_348, %get3A_356 : vector<16xf32>
        %add3A_358 = arith.constant 1 : i32
        %add3A_359 = arith.addi %add3A_234, %add3A_358 : i32
        %swap3A_360 = arith.index_cast %add3A_359 : i32 to index
        %swap3A_361 = arith.constant 16 : index
        %swap3A_362 = tpu.vector_load %arg14[%swap3A_360, %swap3A_361] {strides = array<i32>} : memref<104x64xf32, #tpu.memory_space<vmem>>, vector<1x16xf32>,
        %swap3A_363 = vector.shape_cast %swap3A_362 : vector<1x16xf32> to vector<16xf32>
        %swap3A_364 = vector.shape_cast %add3A_357 : vector<16xf32> to vector<1x16xf32>
        tpu.vector_store %arg14[%swap3A_360, %swap3A_361], %swap3A_364 {strides = array<i32>} : memref<104x64xf32, #tpu.memory_space<vmem>>, vector<1x16xf32>,
        %add3A_365 = arith.constant 1 : i32
        %add3A_366 = arith.addi %add3A_234, %add3A_365 : i32
        %get3A_367 = arith.index_cast %add3A_366 : i32 to index
        %get3A_368 = arith.constant 32 : index
        %get3A_369 = tpu.vector_load %arg10[%get3A_367, %get3A_368] {strides = array<i32>} : memref<104x128xf32, #tpu.memory_space<vmem>>, vector<1x16xf32>,
        %get3A_370 = vector.shape_cast %get3A_369 : vector<1x16xf32> to vector<16xf32>
        %add3A_371 = arith.constant 104 : i32
        %add3A_372 = arith.addi %add3A_371, %add3A_234 : i32
        %add3A_373 = arith.constant 1 : i32
        %add3A_374 = arith.addi %add3A_372, %add3A_373 : i32
        %get3A_375 = arith.index_cast %add3A_374 : i32 to index
        %get3A_376 = arith.constant 32 : index
        %get3A_377 = tpu.vector_load %arg8[%get3A_375, %get3A_376] {strides = array<i32>} : memref<200x64xf32, #tpu.memory_space<vmem>>, vector<1x16xf32>,
        %get3A_378 = vector.shape_cast %get3A_377 : vector<1x16xf32> to vector<16xf32>
        %add3A_379 = arith.addf %get3A_370, %get3A_378 : vector<16xf32>
        %add3A_380 = arith.constant 1 : i32
        %add3A_381 = arith.addi %add3A_234, %add3A_380 : i32
        %swap3A_382 = arith.index_cast %add3A_381 : i32 to index
        %swap3A_383 = arith.constant 32 : index
        %swap3A_384 = tpu.vector_load %arg14[%swap3A_382, %swap3A_383] {strides = array<i32>} : memref<104x64xf32, #tpu.memory_space<vmem>>, vector<1x16xf32>,
        %swap3A_385 = vector.shape_cast %swap3A_384 : vector<1x16xf32> to vector<16xf32>
        %swap3A_386 = vector.shape_cast %add3A_379 : vector<16xf32> to vector<1x16xf32>
        tpu.vector_store %arg14[%swap3A_382, %swap3A_383], %swap3A_386 {strides = array<i32>} : memref<104x64xf32, #tpu.memory_space<vmem>>, vector<1x16xf32>,
        %add3A_387 = arith.constant 1 : i32
        %add3A_388 = arith.addi %add3A_234, %add3A_387 : i32
        %get3A_389 = arith.index_cast %add3A_388 : i32 to index
        %get3A_390 = arith.constant 48 : index
        %get3A_391 = tpu.vector_load %arg10[%get3A_389, %get3A_390] {strides = array<i32>} : memref<104x128xf32, #tpu.memory_space<vmem>>, vector<1x16xf32>,
        %get3A_392 = vector.shape_cast %get3A_391 : vector<1x16xf32> to vector<16xf32>
        %add3A_393 = arith.constant 104 : i32
        %add3A_394 = arith.addi %add3A_393, %add3A_234 : i32
        %add3A_395 = arith.constant 1 : i32
        %add3A_396 = arith.addi %add3A_394, %add3A_395 : i32
        %get3A_397 = arith.index_cast %add3A_396 : i32 to index
        %get3A_398 = arith.constant 48 : index
        %get3A_399 = tpu.vector_load %arg8[%get3A_397, %get3A_398] {strides = array<i32>} : memref<200x64xf32, #tpu.memory_space<vmem>>, vector<1x16xf32>,
        %get3A_400 = vector.shape_cast %get3A_399 : vector<1x16xf32> to vector<16xf32>
        %add3A_401 = arith.addf %get3A_392, %get3A_400 : vector<16xf32>
        %add3A_402 = arith.constant 1 : i32
        %add3A_403 = arith.addi %add3A_234, %add3A_402 : i32
        %swap3A_404 = arith.index_cast %add3A_403 : i32 to index
        %swap3A_405 = arith.constant 48 : index
        %swap3A_406 = tpu.vector_load %arg14[%swap3A_404, %swap3A_405] {strides = array<i32>} : memref<104x64xf32, #tpu.memory_space<vmem>>, vector<1x16xf32>,
        %swap3A_407 = vector.shape_cast %swap3A_406 : vector<1x16xf32> to vector<16xf32>
        %swap3A_408 = vector.shape_cast %add3A_401 : vector<16xf32> to vector<1x16xf32>
        tpu.vector_store %arg14[%swap3A_404, %swap3A_405], %swap3A_408 {strides = array<i32>} : memref<104x64xf32, #tpu.memory_space<vmem>>, vector<1x16xf32>,
        %add3A_409 = arith.constant 2 : i32
        %add3A_410 = arith.addi %add3A_234, %add3A_409 : i32
        %get3A_411 = arith.index_cast %add3A_410 : i32 to index
        %get3A_412 = arith.constant 0 : index
        %get3A_413 = tpu.vector_load %arg10[%get3A_411, %get3A_412] {strides = array<i32>} : memref<104x128xf32, #tpu.memory_space<vmem>>, vector<1x16xf32>,
        %get3A_414 = vector.shape_cast %get3A_413 : vector<1x16xf32> to vector<16xf32>
        %add3A_415 = arith.constant 104 : i32
        %add3A_416 = arith.addi %add3A_415, %add3A_234 : i32
        %add3A_417 = arith.constant 2 : i32
        %add3A_418 = arith.addi %add3A_416, %add3A_417 : i32
        %get3A_419 = arith.index_cast %add3A_418 : i32 to index
        %get3A_420 = arith.constant 0 : index
        %get3A_421 = tpu.vector_load %arg8[%get3A_419, %get3A_420] {strides = array<i32>} : memref<200x64xf32, #tpu.memory_space<vmem>>, vector<1x16xf32>,
        %get3A_422 = vector.shape_cast %get3A_421 : vector<1x16xf32> to vector<16xf32>
        %add3A_423 = arith.addf %get3A_414, %get3A_422 : vector<16xf32>
        %add3A_424 = arith.constant 2 : i32
        %add3A_425 = arith.addi %add3A_234, %add3A_424 : i32
        %swap3A_426 = arith.index_cast %add3A_425 : i32 to index
        %swap3A_427 = arith.constant 0 : index
        %swap3A_428 = tpu.vector_load %arg14[%swap3A_426, %swap3A_427] {strides = array<i32>} : memref<104x64xf32, #tpu.memory_space<vmem>>, vector<1x16xf32>,
        %swap3A_429 = vector.shape_cast %swap3A_428 : vector<1x16xf32> to vector<16xf32>
        %swap3A_430 = vector.shape_cast %add3A_423 : vector<16xf32> to vector<1x16xf32>
        tpu.vector_store %arg14[%swap3A_426, %swap3A_427], %swap3A_430 {strides = array<i32>} : memref<104x64xf32, #tpu.memory_space<vmem>>, vector<1x16xf32>,
        %add3A_431 = arith.constant 2 : i32
        %add3A_432 = arith.addi %add3A_234, %add3A_431 : i32
        %get3A_433 = arith.index_cast %add3A_432 : i32 to index
        %get3A_434 = arith.constant 16 : index
        %get3A_435 = tpu.vector_load %arg10[%get3A_433, %get3A_434] {strides = array<i32>} : memref<104x128xf32, #tpu.memory_space<vmem>>, vector<1x16xf32>,
        %get3A_436 = vector.shape_cast %get3A_435 : vector<1x16xf32> to vector<16xf32>
        %add3A_437 = arith.constant 104 : i32
        %add3A_438 = arith.addi %add3A_437, %add3A_234 : i32
        %add3A_439 = arith.constant 2 : i32
        %add3A_440 = arith.addi %add3A_438, %add3A_439 : i32
        %get3A_441 = arith.index_cast %add3A_440 : i32 to index
        %get3A_442 = arith.constant 16 : index
        %get3A_443 = tpu.vector_load %arg8[%get3A_441, %get3A_442] {strides = array<i32>} : memref<200x64xf32, #tpu.memory_space<vmem>>, vector<1x16xf32>,
        %get3A_444 = vector.shape_cast %get3A_443 : vector<1x16xf32> to vector<16xf32>
        %add3A_445 = arith.addf %get3A_436, %get3A_444 : vector<16xf32>
        %add3A_446 = arith.constant 2 : i32
        %add3A_447 = arith.addi %add3A_234, %add3A_446 : i32
        %swap3A_448 = arith.index_cast %add3A_447 : i32 to index
        %swap3A_449 = arith.constant 16 : index
        %swap3A_450 = tpu.vector_load %arg14[%swap3A_448, %swap3A_449] {strides = array<i32>} : memref<104x64xf32, #tpu.memory_space<vmem>>, vector<1x16xf32>,
        %swap3A_451 = vector.shape_cast %swap3A_450 : vector<1x16xf32> to vector<16xf32>
        %swap3A_452 = vector.shape_cast %add3A_445 : vector<16xf32> to vector<1x16xf32>
        tpu.vector_store %arg14[%swap3A_448, %swap3A_449], %swap3A_452 {strides = array<i32>} : memref<104x64xf32, #tpu.memory_space<vmem>>, vector<1x16xf32>,
        %add3A_453 = arith.constant 2 : i32
        %add3A_454 = arith.addi %add3A_234, %add3A_453 : i32
        %get3A_455 = arith.index_cast %add3A_454 : i32 to index
        %get3A_456 = arith.constant 32 : index
        %get3A_457 = tpu.vector_load %arg10[%get3A_455, %get3A_456] {strides = array<i32>} : memref<104x128xf32, #tpu.memory_space<vmem>>, vector<1x16xf32>,
        %get3A_458 = vector.shape_cast %get3A_457 : vector<1x16xf32> to vector<16xf32>
        %add3A_459 = arith.constant 104 : i32
        %add3A_460 = arith.addi %add3A_459, %add3A_234 : i32
        %add3A_461 = arith.constant 2 : i32
        %add3A_462 = arith.addi %add3A_460, %add3A_461 : i32
        %get3A_463 = arith.index_cast %add3A_462 : i32 to index
        %get3A_464 = arith.constant 32 : index
        %get3A_465 = tpu.vector_load %arg8[%get3A_463, %get3A_464] {strides = array<i32>} : memref<200x64xf32, #tpu.memory_space<vmem>>, vector<1x16xf32>,
        %get3A_466 = vector.shape_cast %get3A_465 : vector<1x16xf32> to vector<16xf32>
        %add3A_467 = arith.addf %get3A_458, %get3A_466 : vector<16xf32>
        %add3A_468 = arith.constant 2 : i32
        %add3A_469 = arith.addi %add3A_234, %add3A_468 : i32
        %swap3A_470 = arith.index_cast %add3A_469 : i32 to index
        %swap3A_471 = arith.constant 32 : index
        %swap3A_472 = tpu.vector_load %arg14[%swap3A_470, %swap3A_471] {strides = array<i32>} : memref<104x64xf32, #tpu.memory_space<vmem>>, vector<1x16xf32>,
        %swap3A_473 = vector.shape_cast %swap3A_472 : vector<1x16xf32> to vector<16xf32>
        %swap3A_474 = vector.shape_cast %add3A_467 : vector<16xf32> to vector<1x16xf32>
        tpu.vector_store %arg14[%swap3A_470, %swap3A_471], %swap3A_474 {strides = array<i32>} : memref<104x64xf32, #tpu.memory_space<vmem>>, vector<1x16xf32>,
        %add3A_475 = arith.constant 2 : i32
        %add3A_476 = arith.addi %add3A_234, %add3A_475 : i32
        %get3A_477 = arith.index_cast %add3A_476 : i32 to index
        %get3A_478 = arith.constant 48 : index
        %get3A_479 = tpu.vector_load %arg10[%get3A_477, %get3A_478] {strides = array<i32>} : memref<104x128xf32, #tpu.memory_space<vmem>>, vector<1x16xf32>,
        %get3A_480 = vector.shape_cast %get3A_479 : vector<1x16xf32> to vector<16xf32>
        %add3A_481 = arith.constant 104 : i32
        %add3A_482 = arith.addi %add3A_481, %add3A_234 : i32
        %add3A_483 = arith.constant 2 : i32
        %add3A_484 = arith.addi %add3A_482, %add3A_483 : i32
        %get3A_485 = arith.index_cast %add3A_484 : i32 to index
        %get3A_486 = arith.constant 48 : index
        %get3A_487 = tpu.vector_load %arg8[%get3A_485, %get3A_486] {strides = array<i32>} : memref<200x64xf32, #tpu.memory_space<vmem>>, vector<1x16xf32>,
        %get3A_488 = vector.shape_cast %get3A_487 : vector<1x16xf32> to vector<16xf32>
        %add3A_489 = arith.addf %get3A_480, %get3A_488 : vector<16xf32>
        %add3A_490 = arith.constant 2 : i32
        %add3A_491 = arith.addi %add3A_234, %add3A_490 : i32
        %swap3A_492 = arith.index_cast %add3A_491 : i32 to index
        %swap3A_493 = arith.constant 48 : index
        %swap3A_494 = tpu.vector_load %arg14[%swap3A_492, %swap3A_493] {strides = array<i32>} : memref<104x64xf32, #tpu.memory_space<vmem>>, vector<1x16xf32>,
        %swap3A_495 = vector.shape_cast %swap3A_494 : vector<1x16xf32> to vector<16xf32>
        %swap3A_496 = vector.shape_cast %add3A_489 : vector<16xf32> to vector<1x16xf32>
        tpu.vector_store %arg14[%swap3A_492, %swap3A_493], %swap3A_496 {strides = array<i32>} : memref<104x64xf32, #tpu.memory_space<vmem>>, vector<1x16xf32>,
        %add3A_497 = arith.constant 3 : i32
        %add3A_498 = arith.addi %add3A_234, %add3A_497 : i32
        %get3A_499 = arith.index_cast %add3A_498 : i32 to index
        %get3A_500 = arith.constant 0 : index
        %get3A_501 = tpu.vector_load %arg10[%get3A_499, %get3A_500] {strides = array<i32>} : memref<104x128xf32, #tpu.memory_space<vmem>>, vector<1x16xf32>,
        %get3A_502 = vector.shape_cast %get3A_501 : vector<1x16xf32> to vector<16xf32>
        %add3A_503 = arith.constant 104 : i32
        %add3A_504 = arith.addi %add3A_503, %add3A_234 : i32
        %add3A_505 = arith.constant 3 : i32
        %add3A_506 = arith.addi %add3A_504, %add3A_505 : i32
        %get3A_507 = arith.index_cast %add3A_506 : i32 to index
        %get3A_508 = arith.constant 0 : index
        %get3A_509 = tpu.vector_load %arg8[%get3A_507, %get3A_508] {strides = array<i32>} : memref<200x64xf32, #tpu.memory_space<vmem>>, vector<1x16xf32>,
        %get3A_510 = vector.shape_cast %get3A_509 : vector<1x16xf32> to vector<16xf32>
        %add3A_511 = arith.addf %get3A_502, %get3A_510 : vector<16xf32>
        %add3A_512 = arith.constant 3 : i32
        %add3A_513 = arith.addi %add3A_234, %add3A_512 : i32
        %swap3A_514 = arith.index_cast %add3A_513 : i32 to index
        %swap3A_515 = arith.constant 0 : index
        %swap3A_516 = tpu.vector_load %arg14[%swap3A_514, %swap3A_515] {strides = array<i32>} : memref<104x64xf32, #tpu.memory_space<vmem>>, vector<1x16xf32>,
        %swap3A_517 = vector.shape_cast %swap3A_516 : vector<1x16xf32> to vector<16xf32>
        %swap3A_518 = vector.shape_cast %add3A_511 : vector<16xf32> to vector<1x16xf32>
        tpu.vector_store %arg14[%swap3A_514, %swap3A_515], %swap3A_518 {strides = array<i32>} : memref<104x64xf32, #tpu.memory_space<vmem>>, vector<1x16xf32>,
        %add3A_519 = arith.constant 3 : i32
        %add3A_520 = arith.addi %add3A_234, %add3A_519 : i32
        %get3A_521 = arith.index_cast %add3A_520 : i32 to index
        %get3A_522 = arith.constant 16 : index
        %get3A_523 = tpu.vector_load %arg10[%get3A_521, %get3A_522] {strides = array<i32>} : memref<104x128xf32, #tpu.memory_space<vmem>>, vector<1x16xf32>,
        %get3A_524 = vector.shape_cast %get3A_523 : vector<1x16xf32> to vector<16xf32>
        %add3A_525 = arith.constant 104 : i32
        %add3A_526 = arith.addi %add3A_525, %add3A_234 : i32
        %add3A_527 = arith.constant 3 : i32
        %add3A_528 = arith.addi %add3A_526, %add3A_527 : i32
        %get3A_529 = arith.index_cast %add3A_528 : i32 to index
        %get3A_530 = arith.constant 16 : index
        %get3A_531 = tpu.vector_load %arg8[%get3A_529, %get3A_530] {strides = array<i32>} : memref<200x64xf32, #tpu.memory_space<vmem>>, vector<1x16xf32>,
        %get3A_532 = vector.shape_cast %get3A_531 : vector<1x16xf32> to vector<16xf32>
        %add3A_533 = arith.addf %get3A_524, %get3A_532 : vector<16xf32>
        %add3A_534 = arith.constant 3 : i32
        %add3A_535 = arith.addi %add3A_234, %add3A_534 : i32
        %swap3A_536 = arith.index_cast %add3A_535 : i32 to index
        %swap3A_537 = arith.constant 16 : index
        %swap3A_538 = tpu.vector_load %arg14[%swap3A_536, %swap3A_537] {strides = array<i32>} : memref<104x64xf32, #tpu.memory_space<vmem>>, vector<1x16xf32>,
        %swap3A_539 = vector.shape_cast %swap3A_538 : vector<1x16xf32> to vector<16xf32>
        %swap3A_540 = vector.shape_cast %add3A_533 : vector<16xf32> to vector<1x16xf32>
        tpu.vector_store %arg14[%swap3A_536, %swap3A_537], %swap3A_540 {strides = array<i32>} : memref<104x64xf32, #tpu.memory_space<vmem>>, vector<1x16xf32>,
        %add3A_541 = arith.constant 3 : i32
        %add3A_542 = arith.addi %add3A_234, %add3A_541 : i32
        %get3A_543 = arith.index_cast %add3A_542 : i32 to index
        %get3A_544 = arith.constant 32 : index
        %get3A_545 = tpu.vector_load %arg10[%get3A_543, %get3A_544] {strides = array<i32>} : memref<104x128xf32, #tpu.memory_space<vmem>>, vector<1x16xf32>,
        %get3A_546 = vector.shape_cast %get3A_545 : vector<1x16xf32> to vector<16xf32>
        %add3A_547 = arith.constant 104 : i32
        %add3A_548 = arith.addi %add3A_547, %add3A_234 : i32
        %add3A_549 = arith.constant 3 : i32
        %add3A_550 = arith.addi %add3A_548, %add3A_549 : i32
        %get3A_551 = arith.index_cast %add3A_550 : i32 to index
        %get3A_552 = arith.constant 32 : index
        %get3A_553 = tpu.vector_load %arg8[%get3A_551, %get3A_552] {strides = array<i32>} : memref<200x64xf32, #tpu.memory_space<vmem>>, vector<1x16xf32>,
        %get3A_554 = vector.shape_cast %get3A_553 : vector<1x16xf32> to vector<16xf32>
        %add3A_555 = arith.addf %get3A_546, %get3A_554 : vector<16xf32>
        %add3A_556 = arith.constant 3 : i32
        %add3A_557 = arith.addi %add3A_234, %add3A_556 : i32
        %swap3A_558 = arith.index_cast %add3A_557 : i32 to index
        %swap3A_559 = arith.constant 32 : index
        %swap3A_560 = tpu.vector_load %arg14[%swap3A_558, %swap3A_559] {strides = array<i32>} : memref<104x64xf32, #tpu.memory_space<vmem>>, vector<1x16xf32>,
        %swap3A_561 = vector.shape_cast %swap3A_560 : vector<1x16xf32> to vector<16xf32>
        %swap3A_562 = vector.shape_cast %add3A_555 : vector<16xf32> to vector<1x16xf32>
        tpu.vector_store %arg14[%swap3A_558, %swap3A_559], %swap3A_562 {strides = array<i32>} : memref<104x64xf32, #tpu.memory_space<vmem>>, vector<1x16xf32>,
        %add3A_563 = arith.constant 3 : i32
        %add3A_564 = arith.addi %add3A_234, %add3A_563 : i32
        %get3A_565 = arith.index_cast %add3A_564 : i32 to index
        %get3A_566 = arith.constant 48 : index
        %get3A_567 = tpu.vector_load %arg10[%get3A_565, %get3A_566] {strides = array<i32>} : memref<104x128xf32, #tpu.memory_space<vmem>>, vector<1x16xf32>,
        %get3A_568 = vector.shape_cast %get3A_567 : vector<1x16xf32> to vector<16xf32>
        %add3A_569 = arith.constant 104 : i32
        %add3A_570 = arith.addi %add3A_569, %add3A_234 : i32
        %add3A_571 = arith.constant 3 : i32
        %add3A_572 = arith.addi %add3A_570, %add3A_571 : i32
        %get3A_573 = arith.index_cast %add3A_572 : i32 to index
        %get3A_574 = arith.constant 48 : index
        %get3A_575 = tpu.vector_load %arg8[%get3A_573, %get3A_574] {strides = array<i32>} : memref<200x64xf32, #tpu.memory_space<vmem>>, vector<1x16xf32>,
        %get3A_576 = vector.shape_cast %get3A_575 : vector<1x16xf32> to vector<16xf32>
        %add3A_577 = arith.addf %get3A_568, %get3A_576 : vector<16xf32>
        %add3A_578 = arith.constant 3 : i32
        %add3A_579 = arith.addi %add3A_234, %add3A_578 : i32
        %swap3A_580 = arith.index_cast %add3A_579 : i32 to index
        %swap3A_581 = arith.constant 48 : index
        %swap3A_582 = tpu.vector_load %arg14[%swap3A_580, %swap3A_581] {strides = array<i32>} : memref<104x64xf32, #tpu.memory_space<vmem>>, vector<1x16xf32>,
        %swap3A_583 = vector.shape_cast %swap3A_582 : vector<1x16xf32> to vector<16xf32>
        %swap3A_584 = vector.shape_cast %add3A_577 : vector<16xf32> to vector<1x16xf32>
        tpu.vector_store %arg14[%swap3A_580, %swap3A_581], %swap3A_584 {strides = array<i32>} : memref<104x64xf32, #tpu.memory_space<vmem>>, vector<1x16xf32>,
        %add3A_585 = arith.constant 4 : i32
        %add3A_586 = arith.addi %add3A_234, %add3A_585 : i32
        %get3A_587 = arith.index_cast %add3A_586 : i32 to index
        %get3A_588 = arith.constant 0 : index
        %get3A_589 = tpu.vector_load %arg10[%get3A_587, %get3A_588] {strides = array<i32>} : memref<104x128xf32, #tpu.memory_space<vmem>>, vector<1x16xf32>,
        %get3A_590 = vector.shape_cast %get3A_589 : vector<1x16xf32> to vector<16xf32>
        %add3A_591 = arith.constant 104 : i32
        %add3A_592 = arith.addi %add3A_591, %add3A_234 : i32
        %add3A_593 = arith.constant 4 : i32
        %add3A_594 = arith.addi %add3A_592, %add3A_593 : i32
        %get3A_595 = arith.index_cast %add3A_594 : i32 to index
        %get3A_596 = arith.constant 0 : index
        %get3A_597 = tpu.vector_load %arg8[%get3A_595, %get3A_596] {strides = array<i32>} : memref<200x64xf32, #tpu.memory_space<vmem>>, vector<1x16xf32>,
        %get3A_598 = vector.shape_cast %get3A_597 : vector<1x16xf32> to vector<16xf32>
        %add3A_599 = arith.addf %get3A_590, %get3A_598 : vector<16xf32>
        %add3A_600 = arith.constant 4 : i32
        %add3A_601 = arith.addi %add3A_234, %add3A_600 : i32
        %swap3A_602 = arith.index_cast %add3A_601 : i32 to index
        %swap3A_603 = arith.constant 0 : index
        %swap3A_604 = tpu.vector_load %arg14[%swap3A_602, %swap3A_603] {strides = array<i32>} : memref<104x64xf32, #tpu.memory_space<vmem>>, vector<1x16xf32>,
        %swap3A_605 = vector.shape_cast %swap3A_604 : vector<1x16xf32> to vector<16xf32>
        %swap3A_606 = vector.shape_cast %add3A_599 : vector<16xf32> to vector<1x16xf32>
        tpu.vector_store %arg14[%swap3A_602, %swap3A_603], %swap3A_606 {strides = array<i32>} : memref<104x64xf32, #tpu.memory_space<vmem>>, vector<1x16xf32>,
        %add3A_607 = arith.constant 4 : i32
        %add3A_608 = arith.addi %add3A_234, %add3A_607 : i32
        %get3A_609 = arith.index_cast %add3A_608 : i32 to index
        %get3A_610 = arith.constant 16 : index
        %get3A_611 = tpu.vector_load %arg10[%get3A_609, %get3A_610] {strides = array<i32>} : memref<104x128xf32, #tpu.memory_space<vmem>>, vector<1x16xf32>,
        %get3A_612 = vector.shape_cast %get3A_611 : vector<1x16xf32> to vector<16xf32>
        %add3A_613 = arith.constant 104 : i32
        %add3A_614 = arith.addi %add3A_613, %add3A_234 : i32
        %add3A_615 = arith.constant 4 : i32
        %add3A_616 = arith.addi %add3A_614, %add3A_615 : i32
        %get3A_617 = arith.index_cast %add3A_616 : i32 to index
        %get3A_618 = arith.constant 16 : index
        %get3A_619 = tpu.vector_load %arg8[%get3A_617, %get3A_618] {strides = array<i32>} : memref<200x64xf32, #tpu.memory_space<vmem>>, vector<1x16xf32>,
        %get3A_620 = vector.shape_cast %get3A_619 : vector<1x16xf32> to vector<16xf32>
        %add3A_621 = arith.addf %get3A_612, %get3A_620 : vector<16xf32>
        %add3A_622 = arith.constant 4 : i32
        %add3A_623 = arith.addi %add3A_234, %add3A_622 : i32
        %swap3A_624 = arith.index_cast %add3A_623 : i32 to index
        %swap3A_625 = arith.constant 16 : index
        %swap3A_626 = tpu.vector_load %arg14[%swap3A_624, %swap3A_625] {strides = array<i32>} : memref<104x64xf32, #tpu.memory_space<vmem>>, vector<1x16xf32>,
        %swap3A_627 = vector.shape_cast %swap3A_626 : vector<1x16xf32> to vector<16xf32>
        %swap3A_628 = vector.shape_cast %add3A_621 : vector<16xf32> to vector<1x16xf32>
        tpu.vector_store %arg14[%swap3A_624, %swap3A_625], %swap3A_628 {strides = array<i32>} : memref<104x64xf32, #tpu.memory_space<vmem>>, vector<1x16xf32>,
        %add3A_629 = arith.constant 4 : i32
        %add3A_630 = arith.addi %add3A_234, %add3A_629 : i32
        %get3A_631 = arith.index_cast %add3A_630 : i32 to index
        %get3A_632 = arith.constant 32 : index
        %get3A_633 = tpu.vector_load %arg10[%get3A_631, %get3A_632] {strides = array<i32>} : memref<104x128xf32, #tpu.memory_space<vmem>>, vector<1x16xf32>,
        %get3A_634 = vector.shape_cast %get3A_633 : vector<1x16xf32> to vector<16xf32>
        %add3A_635 = arith.constant 104 : i32
        %add3A_636 = arith.addi %add3A_635, %add3A_234 : i32
        %add3A_637 = arith.constant 4 : i32
        %add3A_638 = arith.addi %add3A_636, %add3A_637 : i32
        %get3A_639 = arith.index_cast %add3A_638 : i32 to index
        %get3A_640 = arith.constant 32 : index
        %get3A_641 = tpu.vector_load %arg8[%get3A_639, %get3A_640] {strides = array<i32>} : memref<200x64xf32, #tpu.memory_space<vmem>>, vector<1x16xf32>,
        %get3A_642 = vector.shape_cast %get3A_641 : vector<1x16xf32> to vector<16xf32>
        %add3A_643 = arith.addf %get3A_634, %get3A_642 : vector<16xf32>
        %add3A_644 = arith.constant 4 : i32
        %add3A_645 = arith.addi %add3A_234, %add3A_644 : i32
        %swap3A_646 = arith.index_cast %add3A_645 : i32 to index
        %swap3A_647 = arith.constant 32 : index
        %swap3A_648 = tpu.vector_load %arg14[%swap3A_646, %swap3A_647] {strides = array<i32>} : memref<104x64xf32, #tpu.memory_space<vmem>>, vector<1x16xf32>,
        %swap3A_649 = vector.shape_cast %swap3A_648 : vector<1x16xf32> to vector<16xf32>
        %swap3A_650 = vector.shape_cast %add3A_643 : vector<16xf32> to vector<1x16xf32>
        tpu.vector_store %arg14[%swap3A_646, %swap3A_647], %swap3A_650 {strides = array<i32>} : memref<104x64xf32, #tpu.memory_space<vmem>>, vector<1x16xf32>,
        %add3A_651 = arith.constant 4 : i32
        %add3A_652 = arith.addi %add3A_234, %add3A_651 : i32
        %get3A_653 = arith.index_cast %add3A_652 : i32 to index
        %get3A_654 = arith.constant 48 : index
        %get3A_655 = tpu.vector_load %arg10[%get3A_653, %get3A_654] {strides = array<i32>} : memref<104x128xf32, #tpu.memory_space<vmem>>, vector<1x16xf32>,
        %get3A_656 = vector.shape_cast %get3A_655 : vector<1x16xf32> to vector<16xf32>
        %add3A_657 = arith.constant 104 : i32
        %add3A_658 = arith.addi %add3A_657, %add3A_234 : i32
        %add3A_659 = arith.constant 4 : i32
        %add3A_660 = arith.addi %add3A_658, %add3A_659 : i32
        %get3A_661 = arith.index_cast %add3A_660 : i32 to index
        %get3A_662 = arith.constant 48 : index
        %get3A_663 = tpu.vector_load %arg8[%get3A_661, %get3A_662] {strides = array<i32>} : memref<200x64xf32, #tpu.memory_space<vmem>>, vector<1x16xf32>,
        %get3A_664 = vector.shape_cast %get3A_663 : vector<1x16xf32> to vector<16xf32>
        %add3A_665 = arith.addf %get3A_656, %get3A_664 : vector<16xf32>
        %add3A_666 = arith.constant 4 : i32
        %add3A_667 = arith.addi %add3A_234, %add3A_666 : i32
        %swap3A_668 = arith.index_cast %add3A_667 : i32 to index
        %swap3A_669 = arith.constant 48 : index
        %swap3A_670 = tpu.vector_load %arg14[%swap3A_668, %swap3A_669] {strides = array<i32>} : memref<104x64xf32, #tpu.memory_space<vmem>>, vector<1x16xf32>,
        %swap3A_671 = vector.shape_cast %swap3A_670 : vector<1x16xf32> to vector<16xf32>
        %swap3A_672 = vector.shape_cast %add3A_665 : vector<16xf32> to vector<1x16xf32>
        tpu.vector_store %arg14[%swap3A_668, %swap3A_669], %swap3A_672 {strides = array<i32>} : memref<104x64xf32, #tpu.memory_space<vmem>>, vector<1x16xf32>,
        %add3A_673 = arith.constant 5 : i32
        %add3A_674 = arith.addi %add3A_234, %add3A_673 : i32
        %get3A_675 = arith.index_cast %add3A_674 : i32 to index
        %get3A_676 = arith.constant 0 : index
        %get3A_677 = tpu.vector_load %arg10[%get3A_675, %get3A_676] {strides = array<i32>} : memref<104x128xf32, #tpu.memory_space<vmem>>, vector<1x16xf32>,
        %get3A_678 = vector.shape_cast %get3A_677 : vector<1x16xf32> to vector<16xf32>
        %add3A_679 = arith.constant 104 : i32
        %add3A_680 = arith.addi %add3A_679, %add3A_234 : i32
        %add3A_681 = arith.constant 5 : i32
        %add3A_682 = arith.addi %add3A_680, %add3A_681 : i32
        %get3A_683 = arith.index_cast %add3A_682 : i32 to index
        %get3A_684 = arith.constant 0 : index
        %get3A_685 = tpu.vector_load %arg8[%get3A_683, %get3A_684] {strides = array<i32>} : memref<200x64xf32, #tpu.memory_space<vmem>>, vector<1x16xf32>,
        %get3A_686 = vector.shape_cast %get3A_685 : vector<1x16xf32> to vector<16xf32>
        %add3A_687 = arith.addf %get3A_678, %get3A_686 : vector<16xf32>
        %add3A_688 = arith.constant 5 : i32
        %add3A_689 = arith.addi %add3A_234, %add3A_688 : i32
        %swap3A_690 = arith.index_cast %add3A_689 : i32 to index
        %swap3A_691 = arith.constant 0 : index
        %swap3A_692 = tpu.vector_load %arg14[%swap3A_690, %swap3A_691] {strides = array<i32>} : memref<104x64xf32, #tpu.memory_space<vmem>>, vector<1x16xf32>,
        %swap3A_693 = vector.shape_cast %swap3A_692 : vector<1x16xf32> to vector<16xf32>
        %swap3A_694 = vector.shape_cast %add3A_687 : vector<16xf32> to vector<1x16xf32>
        tpu.vector_store %arg14[%swap3A_690, %swap3A_691], %swap3A_694 {strides = array<i32>} : memref<104x64xf32, #tpu.memory_space<vmem>>, vector<1x16xf32>,
        %add3A_695 = arith.constant 5 : i32
        %add3A_696 = arith.addi %add3A_234, %add3A_695 : i32
        %get3A_697 = arith.index_cast %add3A_696 : i32 to index
        %get3A_698 = arith.constant 16 : index
        %get3A_699 = tpu.vector_load %arg10[%get3A_697, %get3A_698] {strides = array<i32>} : memref<104x128xf32, #tpu.memory_space<vmem>>, vector<1x16xf32>,
        %get3A_700 = vector.shape_cast %get3A_699 : vector<1x16xf32> to vector<16xf32>
        %add3A_701 = arith.constant 104 : i32
        %add3A_702 = arith.addi %add3A_701, %add3A_234 : i32
        %add3A_703 = arith.constant 5 : i32
        %add3A_704 = arith.addi %add3A_702, %add3A_703 : i32
        %get3A_705 = arith.index_cast %add3A_704 : i32 to index
        %get3A_706 = arith.constant 16 : index
        %get3A_707 = tpu.vector_load %arg8[%get3A_705, %get3A_706] {strides = array<i32>} : memref<200x64xf32, #tpu.memory_space<vmem>>, vector<1x16xf32>,
        %get3A_708 = vector.shape_cast %get3A_707 : vector<1x16xf32> to vector<16xf32>
        %add3A_709 = arith.addf %get3A_700, %get3A_708 : vector<16xf32>
        %add3A_710 = arith.constant 5 : i32
        %add3A_711 = arith.addi %add3A_234, %add3A_710 : i32
        %swap3A_712 = arith.index_cast %add3A_711 : i32 to index
        %swap3A_713 = arith.constant 16 : index
        %swap3A_714 = tpu.vector_load %arg14[%swap3A_712, %swap3A_713] {strides = array<i32>} : memref<104x64xf32, #tpu.memory_space<vmem>>, vector<1x16xf32>,
        %swap3A_715 = vector.shape_cast %swap3A_714 : vector<1x16xf32> to vector<16xf32>
        %swap3A_716 = vector.shape_cast %add3A_709 : vector<16xf32> to vector<1x16xf32>
        tpu.vector_store %arg14[%swap3A_712, %swap3A_713], %swap3A_716 {strides = array<i32>} : memref<104x64xf32, #tpu.memory_space<vmem>>, vector<1x16xf32>,
        %add3A_717 = arith.constant 5 : i32
        %add3A_718 = arith.addi %add3A_234, %add3A_717 : i32
        %get3A_719 = arith.index_cast %add3A_718 : i32 to index
        %get3A_720 = arith.constant 32 : index
        %get3A_721 = tpu.vector_load %arg10[%get3A_719, %get3A_720] {strides = array<i32>} : memref<104x128xf32, #tpu.memory_space<vmem>>, vector<1x16xf32>,
        %get3A_722 = vector.shape_cast %get3A_721 : vector<1x16xf32> to vector<16xf32>
        %add3A_723 = arith.constant 104 : i32
        %add3A_724 = arith.addi %add3A_723, %add3A_234 : i32
        %add3A_725 = arith.constant 5 : i32
        %add3A_726 = arith.addi %add3A_724, %add3A_725 : i32
        %get3A_727 = arith.index_cast %add3A_726 : i32 to index
        %get3A_728 = arith.constant 32 : index
        %get3A_729 = tpu.vector_load %arg8[%get3A_727, %get3A_728] {strides = array<i32>} : memref<200x64xf32, #tpu.memory_space<vmem>>, vector<1x16xf32>,
        %get3A_730 = vector.shape_cast %get3A_729 : vector<1x16xf32> to vector<16xf32>
        %add3A_731 = arith.addf %get3A_722, %get3A_730 : vector<16xf32>
        %add3A_732 = arith.constant 5 : i32
        %add3A_733 = arith.addi %add3A_234, %add3A_732 : i32
        %swap3A_734 = arith.index_cast %add3A_733 : i32 to index
        %swap3A_735 = arith.constant 32 : index
        %swap3A_736 = tpu.vector_load %arg14[%swap3A_734, %swap3A_735] {strides = array<i32>} : memref<104x64xf32, #tpu.memory_space<vmem>>, vector<1x16xf32>,
        %swap3A_737 = vector.shape_cast %swap3A_736 : vector<1x16xf32> to vector<16xf32>
        %swap3A_738 = vector.shape_cast %add3A_731 : vector<16xf32> to vector<1x16xf32>
        tpu.vector_store %arg14[%swap3A_734, %swap3A_735], %swap3A_738 {strides = array<i32>} : memref<104x64xf32, #tpu.memory_space<vmem>>, vector<1x16xf32>,
        %add3A_739 = arith.constant 5 : i32
        %add3A_740 = arith.addi %add3A_234, %add3A_739 : i32
        %get3A_741 = arith.index_cast %add3A_740 : i32 to index
        %get3A_742 = arith.constant 48 : index
        %get3A_743 = tpu.vector_load %arg10[%get3A_741, %get3A_742] {strides = array<i32>} : memref<104x128xf32, #tpu.memory_space<vmem>>, vector<1x16xf32>,
        %get3A_744 = vector.shape_cast %get3A_743 : vector<1x16xf32> to vector<16xf32>
        %add3A_745 = arith.constant 104 : i32
        %add3A_746 = arith.addi %add3A_745, %add3A_234 : i32
        %add3A_747 = arith.constant 5 : i32
        %add3A_748 = arith.addi %add3A_746, %add3A_747 : i32
        %get3A_749 = arith.index_cast %add3A_748 : i32 to index
        %get3A_750 = arith.constant 48 : index
        %get3A_751 = tpu.vector_load %arg8[%get3A_749, %get3A_750] {strides = array<i32>} : memref<200x64xf32, #tpu.memory_space<vmem>>, vector<1x16xf32>,
        %get3A_752 = vector.shape_cast %get3A_751 : vector<1x16xf32> to vector<16xf32>
        %add3A_753 = arith.addf %get3A_744, %get3A_752 : vector<16xf32>
        %add3A_754 = arith.constant 5 : i32
        %add3A_755 = arith.addi %add3A_234, %add3A_754 : i32
        %swap3A_756 = arith.index_cast %add3A_755 : i32 to index
        %swap3A_757 = arith.constant 48 : index
        %swap3A_758 = tpu.vector_load %arg14[%swap3A_756, %swap3A_757] {strides = array<i32>} : memref<104x64xf32, #tpu.memory_space<vmem>>, vector<1x16xf32>,
        %swap3A_759 = vector.shape_cast %swap3A_758 : vector<1x16xf32> to vector<16xf32>
        %swap3A_760 = vector.shape_cast %add3A_753 : vector<16xf32> to vector<1x16xf32>
        tpu.vector_store %arg14[%swap3A_756, %swap3A_757], %swap3A_760 {strides = array<i32>} : memref<104x64xf32, #tpu.memory_space<vmem>>, vector<1x16xf32>,
        %add3A_761 = arith.constant 6 : i32
        %add3A_762 = arith.addi %add3A_234, %add3A_761 : i32
        %get3A_763 = arith.index_cast %add3A_762 : i32 to index
        %get3A_764 = arith.constant 0 : index
        %get3A_765 = tpu.vector_load %arg10[%get3A_763, %get3A_764] {strides = array<i32>} : memref<104x128xf32, #tpu.memory_space<vmem>>, vector<1x16xf32>,
        %get3A_766 = vector.shape_cast %get3A_765 : vector<1x16xf32> to vector<16xf32>
        %add3A_767 = arith.constant 104 : i32
        %add3A_768 = arith.addi %add3A_767, %add3A_234 : i32
        %add3A_769 = arith.constant 6 : i32
        %add3A_770 = arith.addi %add3A_768, %add3A_769 : i32
        %get3A_771 = arith.index_cast %add3A_770 : i32 to index
        %get3A_772 = arith.constant 0 : index
        %get3A_773 = tpu.vector_load %arg8[%get3A_771, %get3A_772] {strides = array<i32>} : memref<200x64xf32, #tpu.memory_space<vmem>>, vector<1x16xf32>,
        %get3A_774 = vector.shape_cast %get3A_773 : vector<1x16xf32> to vector<16xf32>
        %add3A_775 = arith.addf %get3A_766, %get3A_774 : vector<16xf32>
        %add3A_776 = arith.constant 6 : i32
        %add3A_777 = arith.addi %add3A_234, %add3A_776 : i32
        %swap3A_778 = arith.index_cast %add3A_777 : i32 to index
        %swap3A_779 = arith.constant 0 : index
        %swap3A_780 = tpu.vector_load %arg14[%swap3A_778, %swap3A_779] {strides = array<i32>} : memref<104x64xf32, #tpu.memory_space<vmem>>, vector<1x16xf32>,
        %swap3A_781 = vector.shape_cast %swap3A_780 : vector<1x16xf32> to vector<16xf32>
        %swap3A_782 = vector.shape_cast %add3A_775 : vector<16xf32> to vector<1x16xf32>
        tpu.vector_store %arg14[%swap3A_778, %swap3A_779], %swap3A_782 {strides = array<i32>} : memref<104x64xf32, #tpu.memory_space<vmem>>, vector<1x16xf32>,
        %add3A_783 = arith.constant 6 : i32
        %add3A_784 = arith.addi %add3A_234, %add3A_783 : i32
        %get3A_785 = arith.index_cast %add3A_784 : i32 to index
        %get3A_786 = arith.constant 16 : index
        %get3A_787 = tpu.vector_load %arg10[%get3A_785, %get3A_786] {strides = array<i32>} : memref<104x128xf32, #tpu.memory_space<vmem>>, vector<1x16xf32>,
        %get3A_788 = vector.shape_cast %get3A_787 : vector<1x16xf32> to vector<16xf32>
        %add3A_789 = arith.constant 104 : i32
        %add3A_790 = arith.addi %add3A_789, %add3A_234 : i32
        %add3A_791 = arith.constant 6 : i32
        %add3A_792 = arith.addi %add3A_790, %add3A_791 : i32
        %get3A_793 = arith.index_cast %add3A_792 : i32 to index
        %get3A_794 = arith.constant 16 : index
        %get3A_795 = tpu.vector_load %arg8[%get3A_793, %get3A_794] {strides = array<i32>} : memref<200x64xf32, #tpu.memory_space<vmem>>, vector<1x16xf32>,
        %get3A_796 = vector.shape_cast %get3A_795 : vector<1x16xf32> to vector<16xf32>
        %add3A_797 = arith.addf %get3A_788, %get3A_796 : vector<16xf32>
        %add3A_798 = arith.constant 6 : i32
        %add3A_799 = arith.addi %add3A_234, %add3A_798 : i32
        %swap3A_800 = arith.index_cast %add3A_799 : i32 to index
        %swap3A_801 = arith.constant 16 : index
        %swap3A_802 = tpu.vector_load %arg14[%swap3A_800, %swap3A_801] {strides = array<i32>} : memref<104x64xf32, #tpu.memory_space<vmem>>, vector<1x16xf32>,
        %swap3A_803 = vector.shape_cast %swap3A_802 : vector<1x16xf32> to vector<16xf32>
        %swap3A_804 = vector.shape_cast %add3A_797 : vector<16xf32> to vector<1x16xf32>
        tpu.vector_store %arg14[%swap3A_800, %swap3A_801], %swap3A_804 {strides = array<i32>} : memref<104x64xf32, #tpu.memory_space<vmem>>, vector<1x16xf32>,
        %add3A_805 = arith.constant 6 : i32
        %add3A_806 = arith.addi %add3A_234, %add3A_805 : i32
        %get3A_807 = arith.index_cast %add3A_806 : i32 to index
        %get3A_808 = arith.constant 32 : index
        %get3A_809 = tpu.vector_load %arg10[%get3A_807, %get3A_808] {strides = array<i32>} : memref<104x128xf32, #tpu.memory_space<vmem>>, vector<1x16xf32>,
        %get3A_810 = vector.shape_cast %get3A_809 : vector<1x16xf32> to vector<16xf32>
        %add3A_811 = arith.constant 104 : i32
        %add3A_812 = arith.addi %add3A_811, %add3A_234 : i32
        %add3A_813 = arith.constant 6 : i32
        %add3A_814 = arith.addi %add3A_812, %add3A_813 : i32
        %get3A_815 = arith.index_cast %add3A_814 : i32 to index
        %get3A_816 = arith.constant 32 : index
        %get3A_817 = tpu.vector_load %arg8[%get3A_815, %get3A_816] {strides = array<i32>} : memref<200x64xf32, #tpu.memory_space<vmem>>, vector<1x16xf32>,
        %get3A_818 = vector.shape_cast %get3A_817 : vector<1x16xf32> to vector<16xf32>
        %add3A_819 = arith.addf %get3A_810, %get3A_818 : vector<16xf32>
        %add3A_820 = arith.constant 6 : i32
        %add3A_821 = arith.addi %add3A_234, %add3A_820 : i32
        %swap3A_822 = arith.index_cast %add3A_821 : i32 to index
        %swap3A_823 = arith.constant 32 : index
        %swap3A_824 = tpu.vector_load %arg14[%swap3A_822, %swap3A_823] {strides = array<i32>} : memref<104x64xf32, #tpu.memory_space<vmem>>, vector<1x16xf32>,
        %swap3A_825 = vector.shape_cast %swap3A_824 : vector<1x16xf32> to vector<16xf32>
        %swap3A_826 = vector.shape_cast %add3A_819 : vector<16xf32> to vector<1x16xf32>
        tpu.vector_store %arg14[%swap3A_822, %swap3A_823], %swap3A_826 {strides = array<i32>} : memref<104x64xf32, #tpu.memory_space<vmem>>, vector<1x16xf32>,
        %add3A_827 = arith.constant 6 : i32
        %add3A_828 = arith.addi %add3A_234, %add3A_827 : i32
        %get3A_829 = arith.index_cast %add3A_828 : i32 to index
        %get3A_830 = arith.constant 48 : index
        %get3A_831 = tpu.vector_load %arg10[%get3A_829, %get3A_830] {strides = array<i32>} : memref<104x128xf32, #tpu.memory_space<vmem>>, vector<1x16xf32>,
        %get3A_832 = vector.shape_cast %get3A_831 : vector<1x16xf32> to vector<16xf32>
        %add3A_833 = arith.constant 104 : i32
        %add3A_834 = arith.addi %add3A_833, %add3A_234 : i32
        %add3A_835 = arith.constant 6 : i32
        %add3A_836 = arith.addi %add3A_834, %add3A_835 : i32
        %get3A_837 = arith.index_cast %add3A_836 : i32 to index
        %get3A_838 = arith.constant 48 : index
        %get3A_839 = tpu.vector_load %arg8[%get3A_837, %get3A_838] {strides = array<i32>} : memref<200x64xf32, #tpu.memory_space<vmem>>, vector<1x16xf32>,
        %get3A_840 = vector.shape_cast %get3A_839 : vector<1x16xf32> to vector<16xf32>
        %add3A_841 = arith.addf %get3A_832, %get3A_840 : vector<16xf32>
        %add3A_842 = arith.constant 6 : i32
        %add3A_843 = arith.addi %add3A_234, %add3A_842 : i32
        %swap3A_844 = arith.index_cast %add3A_843 : i32 to index
        %swap3A_845 = arith.constant 48 : index
        %swap3A_846 = tpu.vector_load %arg14[%swap3A_844, %swap3A_845] {strides = array<i32>} : memref<104x64xf32, #tpu.memory_space<vmem>>, vector<1x16xf32>,
        %swap3A_847 = vector.shape_cast %swap3A_846 : vector<1x16xf32> to vector<16xf32>
        %swap3A_848 = vector.shape_cast %add3A_841 : vector<16xf32> to vector<1x16xf32>
        tpu.vector_store %arg14[%swap3A_844, %swap3A_845], %swap3A_848 {strides = array<i32>} : memref<104x64xf32, #tpu.memory_space<vmem>>, vector<1x16xf32>,
        %add3A_849 = arith.constant 7 : i32
        %add3A_850 = arith.addi %add3A_234, %add3A_849 : i32
        %get3A_851 = arith.index_cast %add3A_850 : i32 to index
        %get3A_852 = arith.constant 0 : index
        %get3A_853 = tpu.vector_load %arg10[%get3A_851, %get3A_852] {strides = array<i32>} : memref<104x128xf32, #tpu.memory_space<vmem>>, vector<1x16xf32>,
        %get3A_854 = vector.shape_cast %get3A_853 : vector<1x16xf32> to vector<16xf32>
        %add3A_855 = arith.constant 104 : i32
        %add3A_856 = arith.addi %add3A_855, %add3A_234 : i32
        %add3A_857 = arith.constant 7 : i32
        %add3A_858 = arith.addi %add3A_856, %add3A_857 : i32
        %get3A_859 = arith.index_cast %add3A_858 : i32 to index
        %get3A_860 = arith.constant 0 : index
        %get3A_861 = tpu.vector_load %arg8[%get3A_859, %get3A_860] {strides = array<i32>} : memref<200x64xf32, #tpu.memory_space<vmem>>, vector<1x16xf32>,
        %get3A_862 = vector.shape_cast %get3A_861 : vector<1x16xf32> to vector<16xf32>
        %add3A_863 = arith.addf %get3A_854, %get3A_862 : vector<16xf32>
        %add3A_864 = arith.constant 7 : i32
        %add3A_865 = arith.addi %add3A_234, %add3A_864 : i32
        %swap3A_866 = arith.index_cast %add3A_865 : i32 to index
        %swap3A_867 = arith.constant 0 : index
        %swap3A_868 = tpu.vector_load %arg14[%swap3A_866, %swap3A_867] {strides = array<i32>} : memref<104x64xf32, #tpu.memory_space<vmem>>, vector<1x16xf32>,
        %swap3A_869 = vector.shape_cast %swap3A_868 : vector<1x16xf32> to vector<16xf32>
        %swap3A_870 = vector.shape_cast %add3A_863 : vector<16xf32> to vector<1x16xf32>
        tpu.vector_store %arg14[%swap3A_866, %swap3A_867], %swap3A_870 {strides = array<i32>} : memref<104x64xf32, #tpu.memory_space<vmem>>, vector<1x16xf32>,
        %add3A_871 = arith.constant 7 : i32
        %add3A_872 = arith.addi %add3A_234, %add3A_871 : i32
        %get3A_873 = arith.index_cast %add3A_872 : i32 to index
        %get3A_874 = arith.constant 16 : index
        %get3A_875 = tpu.vector_load %arg10[%get3A_873, %get3A_874] {strides = array<i32>} : memref<104x128xf32, #tpu.memory_space<vmem>>, vector<1x16xf32>,
        %get3A_876 = vector.shape_cast %get3A_875 : vector<1x16xf32> to vector<16xf32>
        %add3A_877 = arith.constant 104 : i32
        %add3A_878 = arith.addi %add3A_877, %add3A_234 : i32
        %add3A_879 = arith.constant 7 : i32
        %add3A_880 = arith.addi %add3A_878, %add3A_879 : i32
        %get3A_881 = arith.index_cast %add3A_880 : i32 to index
        %get3A_882 = arith.constant 16 : index
        %get3A_883 = tpu.vector_load %arg8[%get3A_881, %get3A_882] {strides = array<i32>} : memref<200x64xf32, #tpu.memory_space<vmem>>, vector<1x16xf32>,
        %get3A_884 = vector.shape_cast %get3A_883 : vector<1x16xf32> to vector<16xf32>
        %add3A_885 = arith.addf %get3A_876, %get3A_884 : vector<16xf32>
        %add3A_886 = arith.constant 7 : i32
        %add3A_887 = arith.addi %add3A_234, %add3A_886 : i32
        %swap3A_888 = arith.index_cast %add3A_887 : i32 to index
        %swap3A_889 = arith.constant 16 : index
        %swap3A_890 = tpu.vector_load %arg14[%swap3A_888, %swap3A_889] {strides = array<i32>} : memref<104x64xf32, #tpu.memory_space<vmem>>, vector<1x16xf32>,
        %swap3A_891 = vector.shape_cast %swap3A_890 : vector<1x16xf32> to vector<16xf32>
        %swap3A_892 = vector.shape_cast %add3A_885 : vector<16xf32> to vector<1x16xf32>
        tpu.vector_store %arg14[%swap3A_888, %swap3A_889], %swap3A_892 {strides = array<i32>} : memref<104x64xf32, #tpu.memory_space<vmem>>, vector<1x16xf32>,
        %add3A_893 = arith.constant 7 : i32
        %add3A_894 = arith.addi %add3A_234, %add3A_893 : i32
        %get3A_895 = arith.index_cast %add3A_894 : i32 to index
        %get3A_896 = arith.constant 32 : index
        %get3A_897 = tpu.vector_load %arg10[%get3A_895, %get3A_896] {strides = array<i32>} : memref<104x128xf32, #tpu.memory_space<vmem>>, vector<1x16xf32>,
        %get3A_898 = vector.shape_cast %get3A_897 : vector<1x16xf32> to vector<16xf32>
        %add3A_899 = arith.constant 104 : i32
        %add3A_900 = arith.addi %add3A_899, %add3A_234 : i32
        %add3A_901 = arith.constant 7 : i32
        %add3A_902 = arith.addi %add3A_900, %add3A_901 : i32
        %get3A_903 = arith.index_cast %add3A_902 : i32 to index
        %get3A_904 = arith.constant 32 : index
        %get3A_905 = tpu.vector_load %arg8[%get3A_903, %get3A_904] {strides = array<i32>} : memref<200x64xf32, #tpu.memory_space<vmem>>, vector<1x16xf32>,
        %get3A_906 = vector.shape_cast %get3A_905 : vector<1x16xf32> to vector<16xf32>
        %add3A_907 = arith.addf %get3A_898, %get3A_906 : vector<16xf32>
        %add3A_908 = arith.constant 7 : i32
        %add3A_909 = arith.addi %add3A_234, %add3A_908 : i32
        %swap3A_910 = arith.index_cast %add3A_909 : i32 to index
        %swap3A_911 = arith.constant 32 : index
        %swap3A_912 = tpu.vector_load %arg14[%swap3A_910, %swap3A_911] {strides = array<i32>} : memref<104x64xf32, #tpu.memory_space<vmem>>, vector<1x16xf32>,
        %swap3A_913 = vector.shape_cast %swap3A_912 : vector<1x16xf32> to vector<16xf32>
        %swap3A_914 = vector.shape_cast %add3A_907 : vector<16xf32> to vector<1x16xf32>
        tpu.vector_store %arg14[%swap3A_910, %swap3A_911], %swap3A_914 {strides = array<i32>} : memref<104x64xf32, #tpu.memory_space<vmem>>, vector<1x16xf32>,
        %add3A_915 = arith.constant 7 : i32
        %add3A_916 = arith.addi %add3A_234, %add3A_915 : i32
        %get3A_917 = arith.index_cast %add3A_916 : i32 to index
        %get3A_918 = arith.constant 48 : index
        %get3A_919 = tpu.vector_load %arg10[%get3A_917, %get3A_918] {strides = array<i32>} : memref<104x128xf32, #tpu.memory_space<vmem>>, vector<1x16xf32>,
        %get3A_920 = vector.shape_cast %get3A_919 : vector<1x16xf32> to vector<16xf32>
        %add3A_921 = arith.constant 104 : i32
        %add3A_922 = arith.addi %add3A_921, %add3A_234 : i32
        %add3A_923 = arith.constant 7 : i32
        %add3A_924 = arith.addi %add3A_922, %add3A_923 : i32
        %get3A_925 = arith.index_cast %add3A_924 : i32 to index
        %get3A_926 = arith.constant 48 : index
        %get3A_927 = tpu.vector_load %arg8[%get3A_925, %get3A_926] {strides = array<i32>} : memref<200x64xf32, #tpu.memory_space<vmem>>, vector<1x16xf32>,
        %get3A_928 = vector.shape_cast %get3A_927 : vector<1x16xf32> to vector<16xf32>
        %add3A_929 = arith.addf %get3A_920, %get3A_928 : vector<16xf32>
        %add3A_930 = arith.constant 7 : i32
        %add3A_931 = arith.addi %add3A_234, %add3A_930 : i32
        %swap3A_932 = arith.index_cast %add3A_931 : i32 to index
        %swap3A_933 = arith.constant 48 : index
        %swap3A_934 = tpu.vector_load %arg14[%swap3A_932, %swap3A_933] {strides = array<i32>} : memref<104x64xf32, #tpu.memory_space<vmem>>, vector<1x16xf32>,
        %swap3A_935 = vector.shape_cast %swap3A_934 : vector<1x16xf32> to vector<16xf32>
        %swap3A_936 = vector.shape_cast %add3A_929 : vector<16xf32> to vector<1x16xf32>
        tpu.vector_store %arg14[%swap3A_932, %swap3A_933], %swap3A_936 {strides = array<i32>} : memref<104x64xf32, #tpu.memory_space<vmem>>, vector<1x16xf32>,
      }
      %scan3A_132 = arith.constant 12 : i32
      %add3A_133 = arith.addi %mul3A_2, %add3A_71 : i32
      %dma_start3A_134 = arith.constant 0 : i32
      %dma_start3A_135 = arith.constant 0 : i32
      %dma_start3A_136 = tpu.memref_slice %arg14[%dma_start3A_134, %dma_start3A_135] : memref<104x64xf32, #tpu.memory_space<vmem>> -> memref<96x64xf32, #tpu.memory_space<vmem>>
      %dma_start3A_137 = arith.constant 104 : i32
      %dma_start3A_138 = arith.constant 0 : i32
      %dma_start3A_139 = tpu.memref_slice %arg5[%add3A_133, %dma_start3A_137, %dma_start3A_138] : memref<1024x200x64xf32, #tpu.memory_space<hbm>> -> memref<1x96x64xf32, #tpu.memory_space<hbm>>
      %dma_start3A_140 = tpu.memref_squeeze %dma_start3A_139 : memref<1x96x64xf32, #tpu.memory_space<hbm>> -> memref<96x64xf32, #tpu.memory_space<hbm>>
      %dma_start3A_141 = arith.constant 104 : i32
      %dma_start3A_142 = arith.constant 0 : i32
      %dma_start3A_143 = tpu.memref_slice %arg5[%add3A_133, %dma_start3A_141, %dma_start3A_142] : memref<1024x200x64xf32, #tpu.memory_space<hbm>> -> memref<1x96x64xf32, #tpu.memory_space<hbm>>
      %dma_start3A_144 = tpu.memref_squeeze %dma_start3A_143 : memref<1x96x64xf32, #tpu.memory_space<hbm>> -> memref<96x64xf32, #tpu.memory_space<hbm>>
      %dma_start3A_145 = arith.constant 0 : i32
      %dma_start3A_146 = arith.constant 0 : i32
      %dma_start3A_147 = tpu.memref_slice %arg14[%dma_start3A_145, %dma_start3A_146] : memref<104x64xf32, #tpu.memory_space<vmem>> -> memref<96x64xf32, #tpu.memory_space<vmem>>
      tpu.enqueue_dma source(%dma_start3A_147 : memref<96x64xf32, #tpu.memory_space<vmem>>) target(%dma_start3A_144 : memref<96x64xf32, #tpu.memory_space<hbm>>) target_semaphore(%arg22 : memref<!tpu.dma_semaphore, #tpu.memory_space<semaphore_mem>>)
      %add3A_148 = arith.constant 1 : i32
      %add3A_149 = arith.addi %add3A_69, %add3A_148 : i32
      %add3A_150 = arith.constant 1 : i32
      %add3A_151 = arith.addi %add3A_149, %add3A_150 : i32
      %lt3A_152 = arith.constant 32 : i32
      %lt3A_153 = arith.cmpi slt, %add3A_151, %lt3A_152 : i32
      %convert_element_type3A_154 = arith.extui %lt3A_153 : i1 to i32
      %cond3A_155 = arith.constant 0 : i32
      %cond3A_156 = arith.cmpi ne, %convert_element_type3A_154, %cond3A_155 : i32
      scf.if %cond3A_156 {
        %dma_wait3A_230 = arith.constant 0 : i32
        %dma_wait3A_231 = tpu.memref_slice %arg2[%dma_wait3A_230] : memref<204800xi32, #tpu.memory_space<hbm>> -> memref<200xi32, #tpu.memory_space<hbm>>
        %dma_wait3A_232 = arith.constant 0 : i32
        %dma_wait3A_233 = tpu.memref_slice %arg2[%dma_wait3A_232] : memref<204800xi32, #tpu.memory_space<hbm>> -> memref<200xi32, #tpu.memory_space<hbm>>
        tpu.wait_dma2 semaphore(%arg15 : memref<!tpu.dma_semaphore, #tpu.memory_space<semaphore_mem>>) src(%dma_wait3A_233 : memref<200xi32, #tpu.memory_space<hbm>>) dst(%arg6 : memref<200xi32, #tpu.memory_space<vmem>>)
        %dma_start3A_234 = arith.constant 0 : i32
        %dma_start3A_235 = arith.constant 0 : i32
        %dma_start3A_236 = tpu.memref_slice %arg9[%dma_start3A_234, %dma_start3A_235] : memref<104x128xf32, #tpu.memory_space<vmem>> -> memref<104x128xf32, #tpu.memory_space<vmem>>
        %dma_start3A_237 = arith.constant 0 : i32
        %dma_start3A_238 = tpu.memref_slice %arg6[%dma_start3A_237] : memref<200xi32, #tpu.memory_space<vmem>> -> memref<104xi32, #tpu.memory_space<vmem>>
        %dma_start3A_239 = arith.constant 0 : i32
        %dma_start3A_240 = arith.constant 0 : i32
        %dma_start3A_241 = tpu.memref_slice %arg3[%dma_start3A_239, %dma_start3A_240] : memref<100000x128xf32, #tpu.memory_space<hbm>> -> memref<100000x128xf32, #tpu.memory_space<hbm>>
        tpu.enqueue_indirect_dma source(%dma_start3A_241 : memref<100000x128xf32, #tpu.memory_space<hbm>>) target(%dma_start3A_236 : memref<104x128xf32, #tpu.memory_space<vmem>>) offsets(%dma_start3A_238 : memref<104xi32, #tpu.memory_space<vmem>>) semaphore(%arg17 : memref<!tpu.dma_semaphore, #tpu.memory_space<semaphore_mem>>)
        %dma_start3A_242 = arith.constant 0 : i32
        %dma_start3A_243 = arith.constant 0 : i32
        %dma_start3A_244 = tpu.memref_slice %arg10[%dma_start3A_242, %dma_start3A_243] : memref<104x128xf32, #tpu.memory_space<vmem>> -> memref<96x128xf32, #tpu.memory_space<vmem>>
        %dma_start3A_245 = arith.constant 104 : i32
        %dma_start3A_246 = tpu.memref_slice %arg6[%dma_start3A_245] : memref<200xi32, #tpu.memory_space<vmem>> -> memref<96xi32, #tpu.memory_space<vmem>>
        %dma_start3A_247 = arith.constant 0 : i32
        %dma_start3A_248 = arith.constant 0 : i32
        %dma_start3A_249 = tpu.memref_slice %arg3[%dma_start3A_247, %dma_start3A_248] : memref<100000x128xf32, #tpu.memory_space<hbm>> -> memref<100000x128xf32, #tpu.memory_space<hbm>>
        tpu.enqueue_indirect_dma source(%dma_start3A_249 : memref<100000x128xf32, #tpu.memory_space<hbm>>) target(%dma_start3A_244 : memref<96x128xf32, #tpu.memory_space<vmem>>) offsets(%dma_start3A_246 : memref<96xi32, #tpu.memory_space<vmem>>) semaphore(%arg18 : memref<!tpu.dma_semaphore, #tpu.memory_space<semaphore_mem>>)
      } else {
      }
      %dma_wait3A_157 = arith.constant 0 : i32
      %dma_wait3A_158 = arith.constant 0 : i32
      %dma_wait3A_159 = tpu.memref_slice %arg11[%dma_wait3A_157, %dma_wait3A_158] : memref<104x128xf32, #tpu.memory_space<vmem>> -> memref<104x128xf32, #tpu.memory_space<vmem>>
      %dma_wait3A_160 = arith.constant 0 : i32
      %dma_wait3A_161 = tpu.memref_slice %arg6[%dma_wait3A_160] : memref<200xi32, #tpu.memory_space<vmem>> -> memref<104xi32, #tpu.memory_space<vmem>>
      %dma_wait3A_162 = arith.constant 0 : i32
      %dma_wait3A_163 = arith.constant 0 : i32
      %dma_wait3A_164 = tpu.memref_slice %arg3[%dma_wait3A_162, %dma_wait3A_163] : memref<100000x128xf32, #tpu.memory_space<hbm>> -> memref<100000x128xf32, #tpu.memory_space<hbm>>
      tpu.wait_indirect_dma semaphore(%arg19 : memref<!tpu.dma_semaphore, #tpu.memory_space<semaphore_mem>>) src(%dma_wait3A_164 : memref<100000x128xf32, #tpu.memory_space<hbm>>) dst(%dma_wait3A_159 : memref<104x128xf32, #tpu.memory_space<vmem>>)
      %dma_wait3A_165 = arith.constant 0 : i32
      %dma_wait3A_166 = arith.constant 0 : i32
      %dma_wait3A_167 = tpu.memref_slice %arg12[%dma_wait3A_165, %dma_wait3A_166] : memref<104x128xf32, #tpu.memory_space<vmem>> -> memref<96x128xf32, #tpu.memory_space<vmem>>
      %dma_wait3A_168 = arith.constant 0 : i32
      %dma_wait3A_169 = tpu.memref_slice %arg6[%dma_wait3A_168] : memref<200xi32, #tpu.memory_space<vmem>> -> memref<96xi32, #tpu.memory_space<vmem>>
      %dma_wait3A_170 = arith.constant 0 : i32
      %dma_wait3A_171 = arith.constant 0 : i32
      %dma_wait3A_172 = tpu.memref_slice %arg3[%dma_wait3A_170, %dma_wait3A_171] : memref<100000x128xf32, #tpu.memory_space<hbm>> -> memref<100000x128xf32, #tpu.memory_space<hbm>>
      tpu.wait_indirect_dma semaphore(%arg20 : memref<!tpu.dma_semaphore, #tpu.memory_space<semaphore_mem>>) src(%dma_wait3A_172 : memref<100000x128xf32, #tpu.memory_space<hbm>>) dst(%dma_wait3A_167 : memref<96x128xf32, #tpu.memory_space<vmem>>)
      %add3A_173 = arith.constant 2 : i32
      %add3A_174 = arith.addi %add3A_149, %add3A_173 : i32
      %lt3A_175 = arith.constant 32 : i32
      %lt3A_176 = arith.cmpi slt, %add3A_174, %lt3A_175 : i32
      %convert_element_type3A_177 = arith.extui %lt3A_176 : i1 to i32
      %cond3A_178 = arith.constant 0 : i32
      %cond3A_179 = arith.cmpi ne, %convert_element_type3A_177, %cond3A_178 : i32
      scf.if %cond3A_179 {
        %add3A_230 = arith.constant 2 : i32
        %add3A_231 = arith.addi %add3A_149, %add3A_230 : i32
        %add3A_232 = arith.addi %mul3A_2, %add3A_231 : i32
        %mul3A_233 = arith.constant 200 : i32
        %mul3A_234 = arith.muli %add3A_232, %mul3A_233 : i32
        %dma_start3A_235 = tpu.memref_slice %arg2[%mul3A_234] : memref<204800xi32, #tpu.memory_space<hbm>> -> memref<200xi32, #tpu.memory_space<hbm>>
        %dma_start3A_236 = tpu.memref_slice %arg2[%mul3A_234] : memref<204800xi32, #tpu.memory_space<hbm>> -> memref<200xi32, #tpu.memory_space<hbm>>
        tpu.enqueue_dma source(%dma_start3A_236 : memref<200xi32, #tpu.memory_space<hbm>>) target(%arg7 : memref<200xi32, #tpu.memory_space<vmem>>) target_semaphore(%arg16 : memref<!tpu.dma_semaphore, #tpu.memory_space<semaphore_mem>>)
      } else {
      }
      %ge3A_180 = arith.constant 1 : i32
      %ge3A_181 = arith.cmpi sge, %add3A_149, %ge3A_180 : i32
      %convert_element_type3A_182 = arith.extui %ge3A_181 : i1 to i32
      %cond3A_183 = arith.constant 0 : i32
      %cond3A_184 = arith.cmpi ne, %convert_element_type3A_182, %cond3A_183 : i32
      scf.if %cond3A_184 {
        %dma_wait3A_230 = arith.constant 0 : i32
        %dma_wait3A_231 = arith.constant 0 : i32
        %dma_wait3A_232 = tpu.memref_slice %arg13[%dma_wait3A_230, %dma_wait3A_231] : memref<104x64xf32, #tpu.memory_space<vmem>> -> memref<104x64xf32, #tpu.memory_space<vmem>>
        %dma_wait3A_233 = arith.constant 0 : i32
        %dma_wait3A_234 = arith.constant 0 : i32
        %dma_wait3A_235 = tpu.memref_slice %arg5[%mul3A_2, %dma_wait3A_233, %dma_wait3A_234] : memref<1024x200x64xf32, #tpu.memory_space<hbm>> -> memref<1x104x64xf32, #tpu.memory_space<hbm>>
        %dma_wait3A_236 = tpu.memref_squeeze %dma_wait3A_235 : memref<1x104x64xf32, #tpu.memory_space<hbm>> -> memref<104x64xf32, #tpu.memory_space<hbm>>
        %dma_wait3A_237 = arith.constant 0 : i32
        %dma_wait3A_238 = arith.constant 0 : i32
        %dma_wait3A_239 = tpu.memref_slice %arg5[%mul3A_2, %dma_wait3A_237, %dma_wait3A_238] : memref<1024x200x64xf32, #tpu.memory_space<hbm>> -> memref<1x104x64xf32, #tpu.memory_space<hbm>>
        %dma_wait3A_240 = tpu.memref_squeeze %dma_wait3A_239 : memref<1x104x64xf32, #tpu.memory_space<hbm>> -> memref<104x64xf32, #tpu.memory_space<hbm>>
        %dma_wait3A_241 = arith.constant 0 : i32
        %dma_wait3A_242 = arith.constant 0 : i32
        %dma_wait3A_243 = tpu.memref_slice %arg13[%dma_wait3A_241, %dma_wait3A_242] : memref<104x64xf32, #tpu.memory_space<vmem>> -> memref<104x64xf32, #tpu.memory_space<vmem>>
        tpu.wait_dma2 semaphore(%arg21 : memref<!tpu.dma_semaphore, #tpu.memory_space<semaphore_mem>>) src(%dma_wait3A_243 : memref<104x64xf32, #tpu.memory_space<vmem>>) dst(%dma_wait3A_240 : memref<104x64xf32, #tpu.memory_space<hbm>>)
      } else {
      }
      %scan3A_185 = arith.constant 0 : i32
      %scan3A_186 = arith.constant 13 : i32
      %scan3A_187 = arith.addi %scan3A_185, %scan3A_186 : i32
      %scan3A_188 = arith.constant 1 : i32
      scf.for %scan3A_230 = %scan3A_185 to %scan3A_187 step %scan3A_188  : i32 {
        %mul3A_231 = arith.constant 8 : i32
        %mul3A_232 = arith.muli %scan3A_230, %mul3A_231 : i32
        %add3A_233 = arith.constant 0 : i32
        %add3A_234 = arith.addi %add3A_233, %mul3A_232 : i32
        %add3A_235 = arith.constant 0 : i32
        %add3A_236 = arith.addi %add3A_234, %add3A_235 : i32
        %get3A = arith.index_cast %add3A_236 : i32 to index
        %get3A_237 = arith.constant 0 : index
        %get3A_238 = tpu.vector_load %arg11[%get3A, %get3A_237] {strides = array<i32>} : memref<104x128xf32, #tpu.memory_space<vmem>>, vector<1x16xf32>,
        %get3A_239 = vector.shape_cast %get3A_238 : vector<1x16xf32> to vector<16xf32>
        %add3A_240 = arith.constant 0 : i32
        %add3A_241 = arith.addi %add3A_240, %add3A_234 : i32
        %add3A_242 = arith.constant 0 : i32
        %add3A_243 = arith.addi %add3A_241, %add3A_242 : i32
        %get3A_244 = arith.index_cast %add3A_243 : i32 to index
        %get3A_245 = arith.constant 0 : index
        %get3A_246 = tpu.vector_load %arg8[%get3A_244, %get3A_245] {strides = array<i32>} : memref<200x64xf32, #tpu.memory_space<vmem>>, vector<1x16xf32>,
        %get3A_247 = vector.shape_cast %get3A_246 : vector<1x16xf32> to vector<16xf32>
        %add3A_248 = arith.addf %get3A_239, %get3A_247 : vector<16xf32>
        %add3A_249 = arith.constant 0 : i32
        %add3A_250 = arith.addi %add3A_234, %add3A_249 : i32
        %swap3A = arith.index_cast %add3A_250 : i32 to index
        %swap3A_251 = arith.constant 0 : index
        %swap3A_252 = tpu.vector_load %arg13[%swap3A, %swap3A_251] {strides = array<i32>} : memref<104x64xf32, #tpu.memory_space<vmem>>, vector<1x16xf32>,
        %swap3A_253 = vector.shape_cast %swap3A_252 : vector<1x16xf32> to vector<16xf32>
        %swap3A_254 = vector.shape_cast %add3A_248 : vector<16xf32> to vector<1x16xf32>
        tpu.vector_store %arg13[%swap3A, %swap3A_251], %swap3A_254 {strides = array<i32>} : memref<104x64xf32, #tpu.memory_space<vmem>>, vector<1x16xf32>,
        %add3A_255 = arith.constant 0 : i32
        %add3A_256 = arith.addi %add3A_234, %add3A_255 : i32
        %get3A_257 = arith.index_cast %add3A_256 : i32 to index
        %get3A_258 = arith.constant 16 : index
        %get3A_259 = tpu.vector_load %arg11[%get3A_257, %get3A_258] {strides = array<i32>} : memref<104x128xf32, #tpu.memory_space<vmem>>, vector<1x16xf32>,
        %get3A_260 = vector.shape_cast %get3A_259 : vector<1x16xf32> to vector<16xf32>
        %add3A_261 = arith.constant 0 : i32
        %add3A_262 = arith.addi %add3A_261, %add3A_234 : i32
        %add3A_263 = arith.constant 0 : i32
        %add3A_264 = arith.addi %add3A_262, %add3A_263 : i32
        %get3A_265 = arith.index_cast %add3A_264 : i32 to index
        %get3A_266 = arith.constant 16 : index
        %get3A_267 = tpu.vector_load %arg8[%get3A_265, %get3A_266] {strides = array<i32>} : memref<200x64xf32, #tpu.memory_space<vmem>>, vector<1x16xf32>,
        %get3A_268 = vector.shape_cast %get3A_267 : vector<1x16xf32> to vector<16xf32>
        %add3A_269 = arith.addf %get3A_260, %get3A_268 : vector<16xf32>
        %add3A_270 = arith.constant 0 : i32
        %add3A_271 = arith.addi %add3A_234, %add3A_270 : i32
        %swap3A_272 = arith.index_cast %add3A_271 : i32 to index
        %swap3A_273 = arith.constant 16 : index
        %swap3A_274 = tpu.vector_load %arg13[%swap3A_272, %swap3A_273] {strides = array<i32>} : memref<104x64xf32, #tpu.memory_space<vmem>>, vector<1x16xf32>,
        %swap3A_275 = vector.shape_cast %swap3A_274 : vector<1x16xf32> to vector<16xf32>
        %swap3A_276 = vector.shape_cast %add3A_269 : vector<16xf32> to vector<1x16xf32>
        tpu.vector_store %arg13[%swap3A_272, %swap3A_273], %swap3A_276 {strides = array<i32>} : memref<104x64xf32, #tpu.memory_space<vmem>>, vector<1x16xf32>,
        %add3A_277 = arith.constant 0 : i32
        %add3A_278 = arith.addi %add3A_234, %add3A_277 : i32
        %get3A_279 = arith.index_cast %add3A_278 : i32 to index
        %get3A_280 = arith.constant 32 : index
        %get3A_281 = tpu.vector_load %arg11[%get3A_279, %get3A_280] {strides = array<i32>} : memref<104x128xf32, #tpu.memory_space<vmem>>, vector<1x16xf32>,
        %get3A_282 = vector.shape_cast %get3A_281 : vector<1x16xf32> to vector<16xf32>
        %add3A_283 = arith.constant 0 : i32
        %add3A_284 = arith.addi %add3A_283, %add3A_234 : i32
        %add3A_285 = arith.constant 0 : i32
        %add3A_286 = arith.addi %add3A_284, %add3A_285 : i32
        %get3A_287 = arith.index_cast %add3A_286 : i32 to index
        %get3A_288 = arith.constant 32 : index
        %get3A_289 = tpu.vector_load %arg8[%get3A_287, %get3A_288] {strides = array<i32>} : memref<200x64xf32, #tpu.memory_space<vmem>>, vector<1x16xf32>,
        %get3A_290 = vector.shape_cast %get3A_289 : vector<1x16xf32> to vector<16xf32>
        %add3A_291 = arith.addf %get3A_282, %get3A_290 : vector<16xf32>
        %add3A_292 = arith.constant 0 : i32
        %add3A_293 = arith.addi %add3A_234, %add3A_292 : i32
        %swap3A_294 = arith.index_cast %add3A_293 : i32 to index
        %swap3A_295 = arith.constant 32 : index
        %swap3A_296 = tpu.vector_load %arg13[%swap3A_294, %swap3A_295] {strides = array<i32>} : memref<104x64xf32, #tpu.memory_space<vmem>>, vector<1x16xf32>,
        %swap3A_297 = vector.shape_cast %swap3A_296 : vector<1x16xf32> to vector<16xf32>
        %swap3A_298 = vector.shape_cast %add3A_291 : vector<16xf32> to vector<1x16xf32>
        tpu.vector_store %arg13[%swap3A_294, %swap3A_295], %swap3A_298 {strides = array<i32>} : memref<104x64xf32, #tpu.memory_space<vmem>>, vector<1x16xf32>,
        %add3A_299 = arith.constant 0 : i32
        %add3A_300 = arith.addi %add3A_234, %add3A_299 : i32
        %get3A_301 = arith.index_cast %add3A_300 : i32 to index
        %get3A_302 = arith.constant 48 : index
        %get3A_303 = tpu.vector_load %arg11[%get3A_301, %get3A_302] {strides = array<i32>} : memref<104x128xf32, #tpu.memory_space<vmem>>, vector<1x16xf32>,
        %get3A_304 = vector.shape_cast %get3A_303 : vector<1x16xf32> to vector<16xf32>
        %add3A_305 = arith.constant 0 : i32
        %add3A_306 = arith.addi %add3A_305, %add3A_234 : i32
        %add3A_307 = arith.constant 0 : i32
        %add3A_308 = arith.addi %add3A_306, %add3A_307 : i32
        %get3A_309 = arith.index_cast %add3A_308 : i32 to index
        %get3A_310 = arith.constant 48 : index
        %get3A_311 = tpu.vector_load %arg8[%get3A_309, %get3A_310] {strides = array<i32>} : memref<200x64xf32, #tpu.memory_space<vmem>>, vector<1x16xf32>,
        %get3A_312 = vector.shape_cast %get3A_311 : vector<1x16xf32> to vector<16xf32>
        %add3A_313 = arith.addf %get3A_304, %get3A_312 : vector<16xf32>
        %add3A_314 = arith.constant 0 : i32
        %add3A_315 = arith.addi %add3A_234, %add3A_314 : i32
        %swap3A_316 = arith.index_cast %add3A_315 : i32 to index
        %swap3A_317 = arith.constant 48 : index
        %swap3A_318 = tpu.vector_load %arg13[%swap3A_316, %swap3A_317] {strides = array<i32>} : memref<104x64xf32, #tpu.memory_space<vmem>>, vector<1x16xf32>,
        %swap3A_319 = vector.shape_cast %swap3A_318 : vector<1x16xf32> to vector<16xf32>
        %swap3A_320 = vector.shape_cast %add3A_313 : vector<16xf32> to vector<1x16xf32>
        tpu.vector_store %arg13[%swap3A_316, %swap3A_317], %swap3A_320 {strides = array<i32>} : memref<104x64xf32, #tpu.memory_space<vmem>>, vector<1x16xf32>,
        %add3A_321 = arith.constant 1 : i32
        %add3A_322 = arith.addi %add3A_234, %add3A_321 : i32
        %get3A_323 = arith.index_cast %add3A_322 : i32 to index
        %get3A_324 = arith.constant 0 : index
        %get3A_325 = tpu.vector_load %arg11[%get3A_323, %get3A_324] {strides = array<i32>} : memref<104x128xf32, #tpu.memory_space<vmem>>, vector<1x16xf32>,
        %get3A_326 = vector.shape_cast %get3A_325 : vector<1x16xf32> to vector<16xf32>
        %add3A_327 = arith.constant 0 : i32
        %add3A_328 = arith.addi %add3A_327, %add3A_234 : i32
        %add3A_329 = arith.constant 1 : i32
        %add3A_330 = arith.addi %add3A_328, %add3A_329 : i32
        %get3A_331 = arith.index_cast %add3A_330 : i32 to index
        %get3A_332 = arith.constant 0 : index
        %get3A_333 = tpu.vector_load %arg8[%get3A_331, %get3A_332] {strides = array<i32>} : memref<200x64xf32, #tpu.memory_space<vmem>>, vector<1x16xf32>,
        %get3A_334 = vector.shape_cast %get3A_333 : vector<1x16xf32> to vector<16xf32>
        %add3A_335 = arith.addf %get3A_326, %get3A_334 : vector<16xf32>
        %add3A_336 = arith.constant 1 : i32
        %add3A_337 = arith.addi %add3A_234, %add3A_336 : i32
        %swap3A_338 = arith.index_cast %add3A_337 : i32 to index
        %swap3A_339 = arith.constant 0 : index
        %swap3A_340 = tpu.vector_load %arg13[%swap3A_338, %swap3A_339] {strides = array<i32>} : memref<104x64xf32, #tpu.memory_space<vmem>>, vector<1x16xf32>,
        %swap3A_341 = vector.shape_cast %swap3A_340 : vector<1x16xf32> to vector<16xf32>
        %swap3A_342 = vector.shape_cast %add3A_335 : vector<16xf32> to vector<1x16xf32>
        tpu.vector_store %arg13[%swap3A_338, %swap3A_339], %swap3A_342 {strides = array<i32>} : memref<104x64xf32, #tpu.memory_space<vmem>>, vector<1x16xf32>,
        %add3A_343 = arith.constant 1 : i32
        %add3A_344 = arith.addi %add3A_234, %add3A_343 : i32
        %get3A_345 = arith.index_cast %add3A_344 : i32 to index
        %get3A_346 = arith.constant 16 : index
        %get3A_347 = tpu.vector_load %arg11[%get3A_345, %get3A_346] {strides = array<i32>} : memref<104x128xf32, #tpu.memory_space<vmem>>, vector<1x16xf32>,
        %get3A_348 = vector.shape_cast %get3A_347 : vector<1x16xf32> to vector<16xf32>
        %add3A_349 = arith.constant 0 : i32
        %add3A_350 = arith.addi %add3A_349, %add3A_234 : i32
        %add3A_351 = arith.constant 1 : i32
        %add3A_352 = arith.addi %add3A_350, %add3A_351 : i32
        %get3A_353 = arith.index_cast %add3A_352 : i32 to index
        %get3A_354 = arith.constant 16 : index
        %get3A_355 = tpu.vector_load %arg8[%get3A_353, %get3A_354] {strides = array<i32>} : memref<200x64xf32, #tpu.memory_space<vmem>>, vector<1x16xf32>,
        %get3A_356 = vector.shape_cast %get3A_355 : vector<1x16xf32> to vector<16xf32>
        %add3A_357 = arith.addf %get3A_348, %get3A_356 : vector<16xf32>
        %add3A_358 = arith.constant 1 : i32
        %add3A_359 = arith.addi %add3A_234, %add3A_358 : i32
        %swap3A_360 = arith.index_cast %add3A_359 : i32 to index
        %swap3A_361 = arith.constant 16 : index
        %swap3A_362 = tpu.vector_load %arg13[%swap3A_360, %swap3A_361] {strides = array<i32>} : memref<104x64xf32, #tpu.memory_space<vmem>>, vector<1x16xf32>,
        %swap3A_363 = vector.shape_cast %swap3A_362 : vector<1x16xf32> to vector<16xf32>
        %swap3A_364 = vector.shape_cast %add3A_357 : vector<16xf32> to vector<1x16xf32>
        tpu.vector_store %arg13[%swap3A_360, %swap3A_361], %swap3A_364 {strides = array<i32>} : memref<104x64xf32, #tpu.memory_space<vmem>>, vector<1x16xf32>,
        %add3A_365 = arith.constant 1 : i32
        %add3A_366 = arith.addi %add3A_234, %add3A_365 : i32
        %get3A_367 = arith.index_cast %add3A_366 : i32 to index
        %get3A_368 = arith.constant 32 : index
        %get3A_369 = tpu.vector_load %arg11[%get3A_367, %get3A_368] {strides = array<i32>} : memref<104x128xf32, #tpu.memory_space<vmem>>, vector<1x16xf32>,
        %get3A_370 = vector.shape_cast %get3A_369 : vector<1x16xf32> to vector<16xf32>
        %add3A_371 = arith.constant 0 : i32
        %add3A_372 = arith.addi %add3A_371, %add3A_234 : i32
        %add3A_373 = arith.constant 1 : i32
        %add3A_374 = arith.addi %add3A_372, %add3A_373 : i32
        %get3A_375 = arith.index_cast %add3A_374 : i32 to index
        %get3A_376 = arith.constant 32 : index
        %get3A_377 = tpu.vector_load %arg8[%get3A_375, %get3A_376] {strides = array<i32>} : memref<200x64xf32, #tpu.memory_space<vmem>>, vector<1x16xf32>,
        %get3A_378 = vector.shape_cast %get3A_377 : vector<1x16xf32> to vector<16xf32>
        %add3A_379 = arith.addf %get3A_370, %get3A_378 : vector<16xf32>
        %add3A_380 = arith.constant 1 : i32
        %add3A_381 = arith.addi %add3A_234, %add3A_380 : i32
        %swap3A_382 = arith.index_cast %add3A_381 : i32 to index
        %swap3A_383 = arith.constant 32 : index
        %swap3A_384 = tpu.vector_load %arg13[%swap3A_382, %swap3A_383] {strides = array<i32>} : memref<104x64xf32, #tpu.memory_space<vmem>>, vector<1x16xf32>,
        %swap3A_385 = vector.shape_cast %swap3A_384 : vector<1x16xf32> to vector<16xf32>
        %swap3A_386 = vector.shape_cast %add3A_379 : vector<16xf32> to vector<1x16xf32>
        tpu.vector_store %arg13[%swap3A_382, %swap3A_383], %swap3A_386 {strides = array<i32>} : memref<104x64xf32, #tpu.memory_space<vmem>>, vector<1x16xf32>,
        %add3A_387 = arith.constant 1 : i32
        %add3A_388 = arith.addi %add3A_234, %add3A_387 : i32
        %get3A_389 = arith.index_cast %add3A_388 : i32 to index
        %get3A_390 = arith.constant 48 : index
        %get3A_391 = tpu.vector_load %arg11[%get3A_389, %get3A_390] {strides = array<i32>} : memref<104x128xf32, #tpu.memory_space<vmem>>, vector<1x16xf32>,
        %get3A_392 = vector.shape_cast %get3A_391 : vector<1x16xf32> to vector<16xf32>
        %add3A_393 = arith.constant 0 : i32
        %add3A_394 = arith.addi %add3A_393, %add3A_234 : i32
        %add3A_395 = arith.constant 1 : i32
        %add3A_396 = arith.addi %add3A_394, %add3A_395 : i32
        %get3A_397 = arith.index_cast %add3A_396 : i32 to index
        %get3A_398 = arith.constant 48 : index
        %get3A_399 = tpu.vector_load %arg8[%get3A_397, %get3A_398] {strides = array<i32>} : memref<200x64xf32, #tpu.memory_space<vmem>>, vector<1x16xf32>,
        %get3A_400 = vector.shape_cast %get3A_399 : vector<1x16xf32> to vector<16xf32>
        %add3A_401 = arith.addf %get3A_392, %get3A_400 : vector<16xf32>
        %add3A_402 = arith.constant 1 : i32
        %add3A_403 = arith.addi %add3A_234, %add3A_402 : i32
        %swap3A_404 = arith.index_cast %add3A_403 : i32 to index
        %swap3A_405 = arith.constant 48 : index
        %swap3A_406 = tpu.vector_load %arg13[%swap3A_404, %swap3A_405] {strides = array<i32>} : memref<104x64xf32, #tpu.memory_space<vmem>>, vector<1x16xf32>,
        %swap3A_407 = vector.shape_cast %swap3A_406 : vector<1x16xf32> to vector<16xf32>
        %swap3A_408 = vector.shape_cast %add3A_401 : vector<16xf32> to vector<1x16xf32>
        tpu.vector_store %arg13[%swap3A_404, %swap3A_405], %swap3A_408 {strides = array<i32>} : memref<104x64xf32, #tpu.memory_space<vmem>>, vector<1x16xf32>,
        %add3A_409 = arith.constant 2 : i32
        %add3A_410 = arith.addi %add3A_234, %add3A_409 : i32
        %get3A_411 = arith.index_cast %add3A_410 : i32 to index
        %get3A_412 = arith.constant 0 : index
        %get3A_413 = tpu.vector_load %arg11[%get3A_411, %get3A_412] {strides = array<i32>} : memref<104x128xf32, #tpu.memory_space<vmem>>, vector<1x16xf32>,
        %get3A_414 = vector.shape_cast %get3A_413 : vector<1x16xf32> to vector<16xf32>
        %add3A_415 = arith.constant 0 : i32
        %add3A_416 = arith.addi %add3A_415, %add3A_234 : i32
        %add3A_417 = arith.constant 2 : i32
        %add3A_418 = arith.addi %add3A_416, %add3A_417 : i32
        %get3A_419 = arith.index_cast %add3A_418 : i32 to index
        %get3A_420 = arith.constant 0 : index
        %get3A_421 = tpu.vector_load %arg8[%get3A_419, %get3A_420] {strides = array<i32>} : memref<200x64xf32, #tpu.memory_space<vmem>>, vector<1x16xf32>,
        %get3A_422 = vector.shape_cast %get3A_421 : vector<1x16xf32> to vector<16xf32>
        %add3A_423 = arith.addf %get3A_414, %get3A_422 : vector<16xf32>
        %add3A_424 = arith.constant 2 : i32
        %add3A_425 = arith.addi %add3A_234, %add3A_424 : i32
        %swap3A_426 = arith.index_cast %add3A_425 : i32 to index
        %swap3A_427 = arith.constant 0 : index
        %swap3A_428 = tpu.vector_load %arg13[%swap3A_426, %swap3A_427] {strides = array<i32>} : memref<104x64xf32, #tpu.memory_space<vmem>>, vector<1x16xf32>,
        %swap3A_429 = vector.shape_cast %swap3A_428 : vector<1x16xf32> to vector<16xf32>
        %swap3A_430 = vector.shape_cast %add3A_423 : vector<16xf32> to vector<1x16xf32>
        tpu.vector_store %arg13[%swap3A_426, %swap3A_427], %swap3A_430 {strides = array<i32>} : memref<104x64xf32, #tpu.memory_space<vmem>>, vector<1x16xf32>,
        %add3A_431 = arith.constant 2 : i32
        %add3A_432 = arith.addi %add3A_234, %add3A_431 : i32
        %get3A_433 = arith.index_cast %add3A_432 : i32 to index
        %get3A_434 = arith.constant 16 : index
        %get3A_435 = tpu.vector_load %arg11[%get3A_433, %get3A_434] {strides = array<i32>} : memref<104x128xf32, #tpu.memory_space<vmem>>, vector<1x16xf32>,
        %get3A_436 = vector.shape_cast %get3A_435 : vector<1x16xf32> to vector<16xf32>
        %add3A_437 = arith.constant 0 : i32
        %add3A_438 = arith.addi %add3A_437, %add3A_234 : i32
        %add3A_439 = arith.constant 2 : i32
        %add3A_440 = arith.addi %add3A_438, %add3A_439 : i32
        %get3A_441 = arith.index_cast %add3A_440 : i32 to index
        %get3A_442 = arith.constant 16 : index
        %get3A_443 = tpu.vector_load %arg8[%get3A_441, %get3A_442] {strides = array<i32>} : memref<200x64xf32, #tpu.memory_space<vmem>>, vector<1x16xf32>,
        %get3A_444 = vector.shape_cast %get3A_443 : vector<1x16xf32> to vector<16xf32>
        %add3A_445 = arith.addf %get3A_436, %get3A_444 : vector<16xf32>
        %add3A_446 = arith.constant 2 : i32
        %add3A_447 = arith.addi %add3A_234, %add3A_446 : i32
        %swap3A_448 = arith.index_cast %add3A_447 : i32 to index
        %swap3A_449 = arith.constant 16 : index
        %swap3A_450 = tpu.vector_load %arg13[%swap3A_448, %swap3A_449] {strides = array<i32>} : memref<104x64xf32, #tpu.memory_space<vmem>>, vector<1x16xf32>,
        %swap3A_451 = vector.shape_cast %swap3A_450 : vector<1x16xf32> to vector<16xf32>
        %swap3A_452 = vector.shape_cast %add3A_445 : vector<16xf32> to vector<1x16xf32>
        tpu.vector_store %arg13[%swap3A_448, %swap3A_449], %swap3A_452 {strides = array<i32>} : memref<104x64xf32, #tpu.memory_space<vmem>>, vector<1x16xf32>,
        %add3A_453 = arith.constant 2 : i32
        %add3A_454 = arith.addi %add3A_234, %add3A_453 : i32
        %get3A_455 = arith.index_cast %add3A_454 : i32 to index
        %get3A_456 = arith.constant 32 : index
        %get3A_457 = tpu.vector_load %arg11[%get3A_455, %get3A_456] {strides = array<i32>} : memref<104x128xf32, #tpu.memory_space<vmem>>, vector<1x16xf32>,
        %get3A_458 = vector.shape_cast %get3A_457 : vector<1x16xf32> to vector<16xf32>
        %add3A_459 = arith.constant 0 : i32
        %add3A_460 = arith.addi %add3A_459, %add3A_234 : i32
        %add3A_461 = arith.constant 2 : i32
        %add3A_462 = arith.addi %add3A_460, %add3A_461 : i32
        %get3A_463 = arith.index_cast %add3A_462 : i32 to index
        %get3A_464 = arith.constant 32 : index
        %get3A_465 = tpu.vector_load %arg8[%get3A_463, %get3A_464] {strides = array<i32>} : memref<200x64xf32, #tpu.memory_space<vmem>>, vector<1x16xf32>,
        %get3A_466 = vector.shape_cast %get3A_465 : vector<1x16xf32> to vector<16xf32>
        %add3A_467 = arith.addf %get3A_458, %get3A_466 : vector<16xf32>
        %add3A_468 = arith.constant 2 : i32
        %add3A_469 = arith.addi %add3A_234, %add3A_468 : i32
        %swap3A_470 = arith.index_cast %add3A_469 : i32 to index
        %swap3A_471 = arith.constant 32 : index
        %swap3A_472 = tpu.vector_load %arg13[%swap3A_470, %swap3A_471] {strides = array<i32>} : memref<104x64xf32, #tpu.memory_space<vmem>>, vector<1x16xf32>,
        %swap3A_473 = vector.shape_cast %swap3A_472 : vector<1x16xf32> to vector<16xf32>
        %swap3A_474 = vector.shape_cast %add3A_467 : vector<16xf32> to vector<1x16xf32>
        tpu.vector_store %arg13[%swap3A_470, %swap3A_471], %swap3A_474 {strides = array<i32>} : memref<104x64xf32, #tpu.memory_space<vmem>>, vector<1x16xf32>,
        %add3A_475 = arith.constant 2 : i32
        %add3A_476 = arith.addi %add3A_234, %add3A_475 : i32
        %get3A_477 = arith.index_cast %add3A_476 : i32 to index
        %get3A_478 = arith.constant 48 : index
        %get3A_479 = tpu.vector_load %arg11[%get3A_477, %get3A_478] {strides = array<i32>} : memref<104x128xf32, #tpu.memory_space<vmem>>, vector<1x16xf32>,
        %get3A_480 = vector.shape_cast %get3A_479 : vector<1x16xf32> to vector<16xf32>
        %add3A_481 = arith.constant 0 : i32
        %add3A_482 = arith.addi %add3A_481, %add3A_234 : i32
        %add3A_483 = arith.constant 2 : i32
        %add3A_484 = arith.addi %add3A_482, %add3A_483 : i32
        %get3A_485 = arith.index_cast %add3A_484 : i32 to index
        %get3A_486 = arith.constant 48 : index
        %get3A_487 = tpu.vector_load %arg8[%get3A_485, %get3A_486] {strides = array<i32>} : memref<200x64xf32, #tpu.memory_space<vmem>>, vector<1x16xf32>,
        %get3A_488 = vector.shape_cast %get3A_487 : vector<1x16xf32> to vector<16xf32>
        %add3A_489 = arith.addf %get3A_480, %get3A_488 : vector<16xf32>
        %add3A_490 = arith.constant 2 : i32
        %add3A_491 = arith.addi %add3A_234, %add3A_490 : i32
        %swap3A_492 = arith.index_cast %add3A_491 : i32 to index
        %swap3A_493 = arith.constant 48 : index
        %swap3A_494 = tpu.vector_load %arg13[%swap3A_492, %swap3A_493] {strides = array<i32>} : memref<104x64xf32, #tpu.memory_space<vmem>>, vector<1x16xf32>,
        %swap3A_495 = vector.shape_cast %swap3A_494 : vector<1x16xf32> to vector<16xf32>
        %swap3A_496 = vector.shape_cast %add3A_489 : vector<16xf32> to vector<1x16xf32>
        tpu.vector_store %arg13[%swap3A_492, %swap3A_493], %swap3A_496 {strides = array<i32>} : memref<104x64xf32, #tpu.memory_space<vmem>>, vector<1x16xf32>,
        %add3A_497 = arith.constant 3 : i32
        %add3A_498 = arith.addi %add3A_234, %add3A_497 : i32
        %get3A_499 = arith.index_cast %add3A_498 : i32 to index
        %get3A_500 = arith.constant 0 : index
        %get3A_501 = tpu.vector_load %arg11[%get3A_499, %get3A_500] {strides = array<i32>} : memref<104x128xf32, #tpu.memory_space<vmem>>, vector<1x16xf32>,
        %get3A_502 = vector.shape_cast %get3A_501 : vector<1x16xf32> to vector<16xf32>
        %add3A_503 = arith.constant 0 : i32
        %add3A_504 = arith.addi %add3A_503, %add3A_234 : i32
        %add3A_505 = arith.constant 3 : i32
        %add3A_506 = arith.addi %add3A_504, %add3A_505 : i32
        %get3A_507 = arith.index_cast %add3A_506 : i32 to index
        %get3A_508 = arith.constant 0 : index
        %get3A_509 = tpu.vector_load %arg8[%get3A_507, %get3A_508] {strides = array<i32>} : memref<200x64xf32, #tpu.memory_space<vmem>>, vector<1x16xf32>,
        %get3A_510 = vector.shape_cast %get3A_509 : vector<1x16xf32> to vector<16xf32>
        %add3A_511 = arith.addf %get3A_502, %get3A_510 : vector<16xf32>
        %add3A_512 = arith.constant 3 : i32
        %add3A_513 = arith.addi %add3A_234, %add3A_512 : i32
        %swap3A_514 = arith.index_cast %add3A_513 : i32 to index
        %swap3A_515 = arith.constant 0 : index
        %swap3A_516 = tpu.vector_load %arg13[%swap3A_514, %swap3A_515] {strides = array<i32>} : memref<104x64xf32, #tpu.memory_space<vmem>>, vector<1x16xf32>,
        %swap3A_517 = vector.shape_cast %swap3A_516 : vector<1x16xf32> to vector<16xf32>
        %swap3A_518 = vector.shape_cast %add3A_511 : vector<16xf32> to vector<1x16xf32>
        tpu.vector_store %arg13[%swap3A_514, %swap3A_515], %swap3A_518 {strides = array<i32>} : memref<104x64xf32, #tpu.memory_space<vmem>>, vector<1x16xf32>,
        %add3A_519 = arith.constant 3 : i32
        %add3A_520 = arith.addi %add3A_234, %add3A_519 : i32
        %get3A_521 = arith.index_cast %add3A_520 : i32 to index
        %get3A_522 = arith.constant 16 : index
        %get3A_523 = tpu.vector_load %arg11[%get3A_521, %get3A_522] {strides = array<i32>} : memref<104x128xf32, #tpu.memory_space<vmem>>, vector<1x16xf32>,
        %get3A_524 = vector.shape_cast %get3A_523 : vector<1x16xf32> to vector<16xf32>
        %add3A_525 = arith.constant 0 : i32
        %add3A_526 = arith.addi %add3A_525, %add3A_234 : i32
        %add3A_527 = arith.constant 3 : i32
        %add3A_528 = arith.addi %add3A_526, %add3A_527 : i32
        %get3A_529 = arith.index_cast %add3A_528 : i32 to index
        %get3A_530 = arith.constant 16 : index
        %get3A_531 = tpu.vector_load %arg8[%get3A_529, %get3A_530] {strides = array<i32>} : memref<200x64xf32, #tpu.memory_space<vmem>>, vector<1x16xf32>,
        %get3A_532 = vector.shape_cast %get3A_531 : vector<1x16xf32> to vector<16xf32>
        %add3A_533 = arith.addf %get3A_524, %get3A_532 : vector<16xf32>
        %add3A_534 = arith.constant 3 : i32
        %add3A_535 = arith.addi %add3A_234, %add3A_534 : i32
        %swap3A_536 = arith.index_cast %add3A_535 : i32 to index
        %swap3A_537 = arith.constant 16 : index
        %swap3A_538 = tpu.vector_load %arg13[%swap3A_536, %swap3A_537] {strides = array<i32>} : memref<104x64xf32, #tpu.memory_space<vmem>>, vector<1x16xf32>,
        %swap3A_539 = vector.shape_cast %swap3A_538 : vector<1x16xf32> to vector<16xf32>
        %swap3A_540 = vector.shape_cast %add3A_533 : vector<16xf32> to vector<1x16xf32>
        tpu.vector_store %arg13[%swap3A_536, %swap3A_537], %swap3A_540 {strides = array<i32>} : memref<104x64xf32, #tpu.memory_space<vmem>>, vector<1x16xf32>,
        %add3A_541 = arith.constant 3 : i32
        %add3A_542 = arith.addi %add3A_234, %add3A_541 : i32
        %get3A_543 = arith.index_cast %add3A_542 : i32 to index
        %get3A_544 = arith.constant 32 : index
        %get3A_545 = tpu.vector_load %arg11[%get3A_543, %get3A_544] {strides = array<i32>} : memref<104x128xf32, #tpu.memory_space<vmem>>, vector<1x16xf32>,
        %get3A_546 = vector.shape_cast %get3A_545 : vector<1x16xf32> to vector<16xf32>
        %add3A_547 = arith.constant 0 : i32
        %add3A_548 = arith.addi %add3A_547, %add3A_234 : i32
        %add3A_549 = arith.constant 3 : i32
        %add3A_550 = arith.addi %add3A_548, %add3A_549 : i32
        %get3A_551 = arith.index_cast %add3A_550 : i32 to index
        %get3A_552 = arith.constant 32 : index
        %get3A_553 = tpu.vector_load %arg8[%get3A_551, %get3A_552] {strides = array<i32>} : memref<200x64xf32, #tpu.memory_space<vmem>>, vector<1x16xf32>,
        %get3A_554 = vector.shape_cast %get3A_553 : vector<1x16xf32> to vector<16xf32>
        %add3A_555 = arith.addf %get3A_546, %get3A_554 : vector<16xf32>
        %add3A_556 = arith.constant 3 : i32
        %add3A_557 = arith.addi %add3A_234, %add3A_556 : i32
        %swap3A_558 = arith.index_cast %add3A_557 : i32 to index
        %swap3A_559 = arith.constant 32 : index
        %swap3A_560 = tpu.vector_load %arg13[%swap3A_558, %swap3A_559] {strides = array<i32>} : memref<104x64xf32, #tpu.memory_space<vmem>>, vector<1x16xf32>,
        %swap3A_561 = vector.shape_cast %swap3A_560 : vector<1x16xf32> to vector<16xf32>
        %swap3A_562 = vector.shape_cast %add3A_555 : vector<16xf32> to vector<1x16xf32>
        tpu.vector_store %arg13[%swap3A_558, %swap3A_559], %swap3A_562 {strides = array<i32>} : memref<104x64xf32, #tpu.memory_space<vmem>>, vector<1x16xf32>,
        %add3A_563 = arith.constant 3 : i32
        %add3A_564 = arith.addi %add3A_234, %add3A_563 : i32
        %get3A_565 = arith.index_cast %add3A_564 : i32 to index
        %get3A_566 = arith.constant 48 : index
        %get3A_567 = tpu.vector_load %arg11[%get3A_565, %get3A_566] {strides = array<i32>} : memref<104x128xf32, #tpu.memory_space<vmem>>, vector<1x16xf32>,
        %get3A_568 = vector.shape_cast %get3A_567 : vector<1x16xf32> to vector<16xf32>
        %add3A_569 = arith.constant 0 : i32
        %add3A_570 = arith.addi %add3A_569, %add3A_234 : i32
        %add3A_571 = arith.constant 3 : i32
        %add3A_572 = arith.addi %add3A_570, %add3A_571 : i32
        %get3A_573 = arith.index_cast %add3A_572 : i32 to index
        %get3A_574 = arith.constant 48 : index
        %get3A_575 = tpu.vector_load %arg8[%get3A_573, %get3A_574] {strides = array<i32>} : memref<200x64xf32, #tpu.memory_space<vmem>>, vector<1x16xf32>,
        %get3A_576 = vector.shape_cast %get3A_575 : vector<1x16xf32> to vector<16xf32>
        %add3A_577 = arith.addf %get3A_568, %get3A_576 : vector<16xf32>
        %add3A_578 = arith.constant 3 : i32
        %add3A_579 = arith.addi %add3A_234, %add3A_578 : i32
        %swap3A_580 = arith.index_cast %add3A_579 : i32 to index
        %swap3A_581 = arith.constant 48 : index
        %swap3A_582 = tpu.vector_load %arg13[%swap3A_580, %swap3A_581] {strides = array<i32>} : memref<104x64xf32, #tpu.memory_space<vmem>>, vector<1x16xf32>,
        %swap3A_583 = vector.shape_cast %swap3A_582 : vector<1x16xf32> to vector<16xf32>
        %swap3A_584 = vector.shape_cast %add3A_577 : vector<16xf32> to vector<1x16xf32>
        tpu.vector_store %arg13[%swap3A_580, %swap3A_581], %swap3A_584 {strides = array<i32>} : memref<104x64xf32, #tpu.memory_space<vmem>>, vector<1x16xf32>,
        %add3A_585 = arith.constant 4 : i32
        %add3A_586 = arith.addi %add3A_234, %add3A_585 : i32
        %get3A_587 = arith.index_cast %add3A_586 : i32 to index
        %get3A_588 = arith.constant 0 : index
        %get3A_589 = tpu.vector_load %arg11[%get3A_587, %get3A_588] {strides = array<i32>} : memref<104x128xf32, #tpu.memory_space<vmem>>, vector<1x16xf32>,
        %get3A_590 = vector.shape_cast %get3A_589 : vector<1x16xf32> to vector<16xf32>
        %add3A_591 = arith.constant 0 : i32
        %add3A_592 = arith.addi %add3A_591, %add3A_234 : i32
        %add3A_593 = arith.constant 4 : i32
        %add3A_594 = arith.addi %add3A_592, %add3A_593 : i32
        %get3A_595 = arith.index_cast %add3A_594 : i32 to index
        %get3A_596 = arith.constant 0 : index
        %get3A_597 = tpu.vector_load %arg8[%get3A_595, %get3A_596] {strides = array<i32>} : memref<200x64xf32, #tpu.memory_space<vmem>>, vector<1x16xf32>,
        %get3A_598 = vector.shape_cast %get3A_597 : vector<1x16xf32> to vector<16xf32>
        %add3A_599 = arith.addf %get3A_590, %get3A_598 : vector<16xf32>
        %add3A_600 = arith.constant 4 : i32
        %add3A_601 = arith.addi %add3A_234, %add3A_600 : i32
        %swap3A_602 = arith.index_cast %add3A_601 : i32 to index
        %swap3A_603 = arith.constant 0 : index
        %swap3A_604 = tpu.vector_load %arg13[%swap3A_602, %swap3A_603] {strides = array<i32>} : memref<104x64xf32, #tpu.memory_space<vmem>>, vector<1x16xf32>,
        %swap3A_605 = vector.shape_cast %swap3A_604 : vector<1x16xf32> to vector<16xf32>
        %swap3A_606 = vector.shape_cast %add3A_599 : vector<16xf32> to vector<1x16xf32>
        tpu.vector_store %arg13[%swap3A_602, %swap3A_603], %swap3A_606 {strides = array<i32>} : memref<104x64xf32, #tpu.memory_space<vmem>>, vector<1x16xf32>,
        %add3A_607 = arith.constant 4 : i32
        %add3A_608 = arith.addi %add3A_234, %add3A_607 : i32
        %get3A_609 = arith.index_cast %add3A_608 : i32 to index
        %get3A_610 = arith.constant 16 : index
        %get3A_611 = tpu.vector_load %arg11[%get3A_609, %get3A_610] {strides = array<i32>} : memref<104x128xf32, #tpu.memory_space<vmem>>, vector<1x16xf32>,
        %get3A_612 = vector.shape_cast %get3A_611 : vector<1x16xf32> to vector<16xf32>
        %add3A_613 = arith.constant 0 : i32
        %add3A_614 = arith.addi %add3A_613, %add3A_234 : i32
        %add3A_615 = arith.constant 4 : i32
        %add3A_616 = arith.addi %add3A_614, %add3A_615 : i32
        %get3A_617 = arith.index_cast %add3A_616 : i32 to index
        %get3A_618 = arith.constant 16 : index
        %get3A_619 = tpu.vector_load %arg8[%get3A_617, %get3A_618] {strides = array<i32>} : memref<200x64xf32, #tpu.memory_space<vmem>>, vector<1x16xf32>,
        %get3A_620 = vector.shape_cast %get3A_619 : vector<1x16xf32> to vector<16xf32>
        %add3A_621 = arith.addf %get3A_612, %get3A_620 : vector<16xf32>
        %add3A_622 = arith.constant 4 : i32
        %add3A_623 = arith.addi %add3A_234, %add3A_622 : i32
        %swap3A_624 = arith.index_cast %add3A_623 : i32 to index
        %swap3A_625 = arith.constant 16 : index
        %swap3A_626 = tpu.vector_load %arg13[%swap3A_624, %swap3A_625] {strides = array<i32>} : memref<104x64xf32, #tpu.memory_space<vmem>>, vector<1x16xf32>,
        %swap3A_627 = vector.shape_cast %swap3A_626 : vector<1x16xf32> to vector<16xf32>
        %swap3A_628 = vector.shape_cast %add3A_621 : vector<16xf32> to vector<1x16xf32>
        tpu.vector_store %arg13[%swap3A_624, %swap3A_625], %swap3A_628 {strides = array<i32>} : memref<104x64xf32, #tpu.memory_space<vmem>>, vector<1x16xf32>,
        %add3A_629 = arith.constant 4 : i32
        %add3A_630 = arith.addi %add3A_234, %add3A_629 : i32
        %get3A_631 = arith.index_cast %add3A_630 : i32 to index
        %get3A_632 = arith.constant 32 : index
        %get3A_633 = tpu.vector_load %arg11[%get3A_631, %get3A_632] {strides = array<i32>} : memref<104x128xf32, #tpu.memory_space<vmem>>, vector<1x16xf32>,
        %get3A_634 = vector.shape_cast %get3A_633 : vector<1x16xf32> to vector<16xf32>
        %add3A_635 = arith.constant 0 : i32
        %add3A_636 = arith.addi %add3A_635, %add3A_234 : i32
        %add3A_637 = arith.constant 4 : i32
        %add3A_638 = arith.addi %add3A_636, %add3A_637 : i32
        %get3A_639 = arith.index_cast %add3A_638 : i32 to index
        %get3A_640 = arith.constant 32 : index
        %get3A_641 = tpu.vector_load %arg8[%get3A_639, %get3A_640] {strides = array<i32>} : memref<200x64xf32, #tpu.memory_space<vmem>>, vector<1x16xf32>,
        %get3A_642 = vector.shape_cast %get3A_641 : vector<1x16xf32> to vector<16xf32>
        %add3A_643 = arith.addf %get3A_634, %get3A_642 : vector<16xf32>
        %add3A_644 = arith.constant 4 : i32
        %add3A_645 = arith.addi %add3A_234, %add3A_644 : i32
        %swap3A_646 = arith.index_cast %add3A_645 : i32 to index
        %swap3A_647 = arith.constant 32 : index
        %swap3A_648 = tpu.vector_load %arg13[%swap3A_646, %swap3A_647] {strides = array<i32>} : memref<104x64xf32, #tpu.memory_space<vmem>>, vector<1x16xf32>,
        %swap3A_649 = vector.shape_cast %swap3A_648 : vector<1x16xf32> to vector<16xf32>
        %swap3A_650 = vector.shape_cast %add3A_643 : vector<16xf32> to vector<1x16xf32>
        tpu.vector_store %arg13[%swap3A_646, %swap3A_647], %swap3A_650 {strides = array<i32>} : memref<104x64xf32, #tpu.memory_space<vmem>>, vector<1x16xf32>,
        %add3A_651 = arith.constant 4 : i32
        %add3A_652 = arith.addi %add3A_234, %add3A_651 : i32
        %get3A_653 = arith.index_cast %add3A_652 : i32 to index
        %get3A_654 = arith.constant 48 : index
        %get3A_655 = tpu.vector_load %arg11[%get3A_653, %get3A_654] {strides = array<i32>} : memref<104x128xf32, #tpu.memory_space<vmem>>, vector<1x16xf32>,
        %get3A_656 = vector.shape_cast %get3A_655 : vector<1x16xf32> to vector<16xf32>
        %add3A_657 = arith.constant 0 : i32
        %add3A_658 = arith.addi %add3A_657, %add3A_234 : i32
        %add3A_659 = arith.constant 4 : i32
        %add3A_660 = arith.addi %add3A_658, %add3A_659 : i32
        %get3A_661 = arith.index_cast %add3A_660 : i32 to index
        %get3A_662 = arith.constant 48 : index
        %get3A_663 = tpu.vector_load %arg8[%get3A_661, %get3A_662] {strides = array<i32>} : memref<200x64xf32, #tpu.memory_space<vmem>>, vector<1x16xf32>,
        %get3A_664 = vector.shape_cast %get3A_663 : vector<1x16xf32> to vector<16xf32>
        %add3A_665 = arith.addf %get3A_656, %get3A_664 : vector<16xf32>
        %add3A_666 = arith.constant 4 : i32
        %add3A_667 = arith.addi %add3A_234, %add3A_666 : i32
        %swap3A_668 = arith.index_cast %add3A_667 : i32 to index
        %swap3A_669 = arith.constant 48 : index
        %swap3A_670 = tpu.vector_load %arg13[%swap3A_668, %swap3A_669] {strides = array<i32>} : memref<104x64xf32, #tpu.memory_space<vmem>>, vector<1x16xf32>,
        %swap3A_671 = vector.shape_cast %swap3A_670 : vector<1x16xf32> to vector<16xf32>
        %swap3A_672 = vector.shape_cast %add3A_665 : vector<16xf32> to vector<1x16xf32>
        tpu.vector_store %arg13[%swap3A_668, %swap3A_669], %swap3A_672 {strides = array<i32>} : memref<104x64xf32, #tpu.memory_space<vmem>>, vector<1x16xf32>,
        %add3A_673 = arith.constant 5 : i32
        %add3A_674 = arith.addi %add3A_234, %add3A_673 : i32
        %get3A_675 = arith.index_cast %add3A_674 : i32 to index
        %get3A_676 = arith.constant 0 : index
        %get3A_677 = tpu.vector_load %arg11[%get3A_675, %get3A_676] {strides = array<i32>} : memref<104x128xf32, #tpu.memory_space<vmem>>, vector<1x16xf32>,
        %get3A_678 = vector.shape_cast %get3A_677 : vector<1x16xf32> to vector<16xf32>
        %add3A_679 = arith.constant 0 : i32
        %add3A_680 = arith.addi %add3A_679, %add3A_234 : i32
        %add3A_681 = arith.constant 5 : i32
        %add3A_682 = arith.addi %add3A_680, %add3A_681 : i32
        %get3A_683 = arith.index_cast %add3A_682 : i32 to index
        %get3A_684 = arith.constant 0 : index
        %get3A_685 = tpu.vector_load %arg8[%get3A_683, %get3A_684] {strides = array<i32>} : memref<200x64xf32, #tpu.memory_space<vmem>>, vector<1x16xf32>,
        %get3A_686 = vector.shape_cast %get3A_685 : vector<1x16xf32> to vector<16xf32>
        %add3A_687 = arith.addf %get3A_678, %get3A_686 : vector<16xf32>
        %add3A_688 = arith.constant 5 : i32
        %add3A_689 = arith.addi %add3A_234, %add3A_688 : i32
        %swap3A_690 = arith.index_cast %add3A_689 : i32 to index
        %swap3A_691 = arith.constant 0 : index
        %swap3A_692 = tpu.vector_load %arg13[%swap3A_690, %swap3A_691] {strides = array<i32>} : memref<104x64xf32, #tpu.memory_space<vmem>>, vector<1x16xf32>,
        %swap3A_693 = vector.shape_cast %swap3A_692 : vector<1x16xf32> to vector<16xf32>
        %swap3A_694 = vector.shape_cast %add3A_687 : vector<16xf32> to vector<1x16xf32>
        tpu.vector_store %arg13[%swap3A_690, %swap3A_691], %swap3A_694 {strides = array<i32>} : memref<104x64xf32, #tpu.memory_space<vmem>>, vector<1x16xf32>,
        %add3A_695 = arith.constant 5 : i32
        %add3A_696 = arith.addi %add3A_234, %add3A_695 : i32
        %get3A_697 = arith.index_cast %add3A_696 : i32 to index
        %get3A_698 = arith.constant 16 : index
        %get3A_699 = tpu.vector_load %arg11[%get3A_697, %get3A_698] {strides = array<i32>} : memref<104x128xf32, #tpu.memory_space<vmem>>, vector<1x16xf32>,
        %get3A_700 = vector.shape_cast %get3A_699 : vector<1x16xf32> to vector<16xf32>
        %add3A_701 = arith.constant 0 : i32
        %add3A_702 = arith.addi %add3A_701, %add3A_234 : i32
        %add3A_703 = arith.constant 5 : i32
        %add3A_704 = arith.addi %add3A_702, %add3A_703 : i32
        %get3A_705 = arith.index_cast %add3A_704 : i32 to index
        %get3A_706 = arith.constant 16 : index
        %get3A_707 = tpu.vector_load %arg8[%get3A_705, %get3A_706] {strides = array<i32>} : memref<200x64xf32, #tpu.memory_space<vmem>>, vector<1x16xf32>,
        %get3A_708 = vector.shape_cast %get3A_707 : vector<1x16xf32> to vector<16xf32>
        %add3A_709 = arith.addf %get3A_700, %get3A_708 : vector<16xf32>
        %add3A_710 = arith.constant 5 : i32
        %add3A_711 = arith.addi %add3A_234, %add3A_710 : i32
        %swap3A_712 = arith.index_cast %add3A_711 : i32 to index
        %swap3A_713 = arith.constant 16 : index
        %swap3A_714 = tpu.vector_load %arg13[%swap3A_712, %swap3A_713] {strides = array<i32>} : memref<104x64xf32, #tpu.memory_space<vmem>>, vector<1x16xf32>,
        %swap3A_715 = vector.shape_cast %swap3A_714 : vector<1x16xf32> to vector<16xf32>
        %swap3A_716 = vector.shape_cast %add3A_709 : vector<16xf32> to vector<1x16xf32>
        tpu.vector_store %arg13[%swap3A_712, %swap3A_713], %swap3A_716 {strides = array<i32>} : memref<104x64xf32, #tpu.memory_space<vmem>>, vector<1x16xf32>,
        %add3A_717 = arith.constant 5 : i32
        %add3A_718 = arith.addi %add3A_234, %add3A_717 : i32
        %get3A_719 = arith.index_cast %add3A_718 : i32 to index
        %get3A_720 = arith.constant 32 : index
        %get3A_721 = tpu.vector_load %arg11[%get3A_719, %get3A_720] {strides = array<i32>} : memref<104x128xf32, #tpu.memory_space<vmem>>, vector<1x16xf32>,
        %get3A_722 = vector.shape_cast %get3A_721 : vector<1x16xf32> to vector<16xf32>
        %add3A_723 = arith.constant 0 : i32
        %add3A_724 = arith.addi %add3A_723, %add3A_234 : i32
        %add3A_725 = arith.constant 5 : i32
        %add3A_726 = arith.addi %add3A_724, %add3A_725 : i32
        %get3A_727 = arith.index_cast %add3A_726 : i32 to index
        %get3A_728 = arith.constant 32 : index
        %get3A_729 = tpu.vector_load %arg8[%get3A_727, %get3A_728] {strides = array<i32>} : memref<200x64xf32, #tpu.memory_space<vmem>>, vector<1x16xf32>,
        %get3A_730 = vector.shape_cast %get3A_729 : vector<1x16xf32> to vector<16xf32>
        %add3A_731 = arith.addf %get3A_722, %get3A_730 : vector<16xf32>
        %add3A_732 = arith.constant 5 : i32
        %add3A_733 = arith.addi %add3A_234, %add3A_732 : i32
        %swap3A_734 = arith.index_cast %add3A_733 : i32 to index
        %swap3A_735 = arith.constant 32 : index
        %swap3A_736 = tpu.vector_load %arg13[%swap3A_734, %swap3A_735] {strides = array<i32>} : memref<104x64xf32, #tpu.memory_space<vmem>>, vector<1x16xf32>,
        %swap3A_737 = vector.shape_cast %swap3A_736 : vector<1x16xf32> to vector<16xf32>
        %swap3A_738 = vector.shape_cast %add3A_731 : vector<16xf32> to vector<1x16xf32>
        tpu.vector_store %arg13[%swap3A_734, %swap3A_735], %swap3A_738 {strides = array<i32>} : memref<104x64xf32, #tpu.memory_space<vmem>>, vector<1x16xf32>,
        %add3A_739 = arith.constant 5 : i32
        %add3A_740 = arith.addi %add3A_234, %add3A_739 : i32
        %get3A_741 = arith.index_cast %add3A_740 : i32 to index
        %get3A_742 = arith.constant 48 : index
        %get3A_743 = tpu.vector_load %arg11[%get3A_741, %get3A_742] {strides = array<i32>} : memref<104x128xf32, #tpu.memory_space<vmem>>, vector<1x16xf32>,
        %get3A_744 = vector.shape_cast %get3A_743 : vector<1x16xf32> to vector<16xf32>
        %add3A_745 = arith.constant 0 : i32
        %add3A_746 = arith.addi %add3A_745, %add3A_234 : i32
        %add3A_747 = arith.constant 5 : i32
        %add3A_748 = arith.addi %add3A_746, %add3A_747 : i32
        %get3A_749 = arith.index_cast %add3A_748 : i32 to index
        %get3A_750 = arith.constant 48 : index
        %get3A_751 = tpu.vector_load %arg8[%get3A_749, %get3A_750] {strides = array<i32>} : memref<200x64xf32, #tpu.memory_space<vmem>>, vector<1x16xf32>,
        %get3A_752 = vector.shape_cast %get3A_751 : vector<1x16xf32> to vector<16xf32>
        %add3A_753 = arith.addf %get3A_744, %get3A_752 : vector<16xf32>
        %add3A_754 = arith.constant 5 : i32
        %add3A_755 = arith.addi %add3A_234, %add3A_754 : i32
        %swap3A_756 = arith.index_cast %add3A_755 : i32 to index
        %swap3A_757 = arith.constant 48 : index
        %swap3A_758 = tpu.vector_load %arg13[%swap3A_756, %swap3A_757] {strides = array<i32>} : memref<104x64xf32, #tpu.memory_space<vmem>>, vector<1x16xf32>,
        %swap3A_759 = vector.shape_cast %swap3A_758 : vector<1x16xf32> to vector<16xf32>
        %swap3A_760 = vector.shape_cast %add3A_753 : vector<16xf32> to vector<1x16xf32>
        tpu.vector_store %arg13[%swap3A_756, %swap3A_757], %swap3A_760 {strides = array<i32>} : memref<104x64xf32, #tpu.memory_space<vmem>>, vector<1x16xf32>,
        %add3A_761 = arith.constant 6 : i32
        %add3A_762 = arith.addi %add3A_234, %add3A_761 : i32
        %get3A_763 = arith.index_cast %add3A_762 : i32 to index
        %get3A_764 = arith.constant 0 : index
        %get3A_765 = tpu.vector_load %arg11[%get3A_763, %get3A_764] {strides = array<i32>} : memref<104x128xf32, #tpu.memory_space<vmem>>, vector<1x16xf32>,
        %get3A_766 = vector.shape_cast %get3A_765 : vector<1x16xf32> to vector<16xf32>
        %add3A_767 = arith.constant 0 : i32
        %add3A_768 = arith.addi %add3A_767, %add3A_234 : i32
        %add3A_769 = arith.constant 6 : i32
        %add3A_770 = arith.addi %add3A_768, %add3A_769 : i32
        %get3A_771 = arith.index_cast %add3A_770 : i32 to index
        %get3A_772 = arith.constant 0 : index
        %get3A_773 = tpu.vector_load %arg8[%get3A_771, %get3A_772] {strides = array<i32>} : memref<200x64xf32, #tpu.memory_space<vmem>>, vector<1x16xf32>,
        %get3A_774 = vector.shape_cast %get3A_773 : vector<1x16xf32> to vector<16xf32>
        %add3A_775 = arith.addf %get3A_766, %get3A_774 : vector<16xf32>
        %add3A_776 = arith.constant 6 : i32
        %add3A_777 = arith.addi %add3A_234, %add3A_776 : i32
        %swap3A_778 = arith.index_cast %add3A_777 : i32 to index
        %swap3A_779 = arith.constant 0 : index
        %swap3A_780 = tpu.vector_load %arg13[%swap3A_778, %swap3A_779] {strides = array<i32>} : memref<104x64xf32, #tpu.memory_space<vmem>>, vector<1x16xf32>,
        %swap3A_781 = vector.shape_cast %swap3A_780 : vector<1x16xf32> to vector<16xf32>
        %swap3A_782 = vector.shape_cast %add3A_775 : vector<16xf32> to vector<1x16xf32>
        tpu.vector_store %arg13[%swap3A_778, %swap3A_779], %swap3A_782 {strides = array<i32>} : memref<104x64xf32, #tpu.memory_space<vmem>>, vector<1x16xf32>,
        %add3A_783 = arith.constant 6 : i32
        %add3A_784 = arith.addi %add3A_234, %add3A_783 : i32
        %get3A_785 = arith.index_cast %add3A_784 : i32 to index
        %get3A_786 = arith.constant 16 : index
        %get3A_787 = tpu.vector_load %arg11[%get3A_785, %get3A_786] {strides = array<i32>} : memref<104x128xf32, #tpu.memory_space<vmem>>, vector<1x16xf32>,
        %get3A_788 = vector.shape_cast %get3A_787 : vector<1x16xf32> to vector<16xf32>
        %add3A_789 = arith.constant 0 : i32
        %add3A_790 = arith.addi %add3A_789, %add3A_234 : i32
        %add3A_791 = arith.constant 6 : i32
        %add3A_792 = arith.addi %add3A_790, %add3A_791 : i32
        %get3A_793 = arith.index_cast %add3A_792 : i32 to index
        %get3A_794 = arith.constant 16 : index
        %get3A_795 = tpu.vector_load %arg8[%get3A_793, %get3A_794] {strides = array<i32>} : memref<200x64xf32, #tpu.memory_space<vmem>>, vector<1x16xf32>,
        %get3A_796 = vector.shape_cast %get3A_795 : vector<1x16xf32> to vector<16xf32>
        %add3A_797 = arith.addf %get3A_788, %get3A_796 : vector<16xf32>
        %add3A_798 = arith.constant 6 : i32
        %add3A_799 = arith.addi %add3A_234, %add3A_798 : i32
        %swap3A_800 = arith.index_cast %add3A_799 : i32 to index
        %swap3A_801 = arith.constant 16 : index
        %swap3A_802 = tpu.vector_load %arg13[%swap3A_800, %swap3A_801] {strides = array<i32>} : memref<104x64xf32, #tpu.memory_space<vmem>>, vector<1x16xf32>,
        %swap3A_803 = vector.shape_cast %swap3A_802 : vector<1x16xf32> to vector<16xf32>
        %swap3A_804 = vector.shape_cast %add3A_797 : vector<16xf32> to vector<1x16xf32>
        tpu.vector_store %arg13[%swap3A_800, %swap3A_801], %swap3A_804 {strides = array<i32>} : memref<104x64xf32, #tpu.memory_space<vmem>>, vector<1x16xf32>,
        %add3A_805 = arith.constant 6 : i32
        %add3A_806 = arith.addi %add3A_234, %add3A_805 : i32
        %get3A_807 = arith.index_cast %add3A_806 : i32 to index
        %get3A_808 = arith.constant 32 : index
        %get3A_809 = tpu.vector_load %arg11[%get3A_807, %get3A_808] {strides = array<i32>} : memref<104x128xf32, #tpu.memory_space<vmem>>, vector<1x16xf32>,
        %get3A_810 = vector.shape_cast %get3A_809 : vector<1x16xf32> to vector<16xf32>
        %add3A_811 = arith.constant 0 : i32
        %add3A_812 = arith.addi %add3A_811, %add3A_234 : i32
        %add3A_813 = arith.constant 6 : i32
        %add3A_814 = arith.addi %add3A_812, %add3A_813 : i32
        %get3A_815 = arith.index_cast %add3A_814 : i32 to index
        %get3A_816 = arith.constant 32 : index
        %get3A_817 = tpu.vector_load %arg8[%get3A_815, %get3A_816] {strides = array<i32>} : memref<200x64xf32, #tpu.memory_space<vmem>>, vector<1x16xf32>,
        %get3A_818 = vector.shape_cast %get3A_817 : vector<1x16xf32> to vector<16xf32>
        %add3A_819 = arith.addf %get3A_810, %get3A_818 : vector<16xf32>
        %add3A_820 = arith.constant 6 : i32
        %add3A_821 = arith.addi %add3A_234, %add3A_820 : i32
        %swap3A_822 = arith.index_cast %add3A_821 : i32 to index
        %swap3A_823 = arith.constant 32 : index
        %swap3A_824 = tpu.vector_load %arg13[%swap3A_822, %swap3A_823] {strides = array<i32>} : memref<104x64xf32, #tpu.memory_space<vmem>>, vector<1x16xf32>,
        %swap3A_825 = vector.shape_cast %swap3A_824 : vector<1x16xf32> to vector<16xf32>
        %swap3A_826 = vector.shape_cast %add3A_819 : vector<16xf32> to vector<1x16xf32>
        tpu.vector_store %arg13[%swap3A_822, %swap3A_823], %swap3A_826 {strides = array<i32>} : memref<104x64xf32, #tpu.memory_space<vmem>>, vector<1x16xf32>,
        %add3A_827 = arith.constant 6 : i32
        %add3A_828 = arith.addi %add3A_234, %add3A_827 : i32
        %get3A_829 = arith.index_cast %add3A_828 : i32 to index
        %get3A_830 = arith.constant 48 : index
        %get3A_831 = tpu.vector_load %arg11[%get3A_829, %get3A_830] {strides = array<i32>} : memref<104x128xf32, #tpu.memory_space<vmem>>, vector<1x16xf32>,
        %get3A_832 = vector.shape_cast %get3A_831 : vector<1x16xf32> to vector<16xf32>
        %add3A_833 = arith.constant 0 : i32
        %add3A_834 = arith.addi %add3A_833, %add3A_234 : i32
        %add3A_835 = arith.constant 6 : i32
        %add3A_836 = arith.addi %add3A_834, %add3A_835 : i32
        %get3A_837 = arith.index_cast %add3A_836 : i32 to index
        %get3A_838 = arith.constant 48 : index
        %get3A_839 = tpu.vector_load %arg8[%get3A_837, %get3A_838] {strides = array<i32>} : memref<200x64xf32, #tpu.memory_space<vmem>>, vector<1x16xf32>,
        %get3A_840 = vector.shape_cast %get3A_839 : vector<1x16xf32> to vector<16xf32>
        %add3A_841 = arith.addf %get3A_832, %get3A_840 : vector<16xf32>
        %add3A_842 = arith.constant 6 : i32
        %add3A_843 = arith.addi %add3A_234, %add3A_842 : i32
        %swap3A_844 = arith.index_cast %add3A_843 : i32 to index
        %swap3A_845 = arith.constant 48 : index
        %swap3A_846 = tpu.vector_load %arg13[%swap3A_844, %swap3A_845] {strides = array<i32>} : memref<104x64xf32, #tpu.memory_space<vmem>>, vector<1x16xf32>,
        %swap3A_847 = vector.shape_cast %swap3A_846 : vector<1x16xf32> to vector<16xf32>
        %swap3A_848 = vector.shape_cast %add3A_841 : vector<16xf32> to vector<1x16xf32>
        tpu.vector_store %arg13[%swap3A_844, %swap3A_845], %swap3A_848 {strides = array<i32>} : memref<104x64xf32, #tpu.memory_space<vmem>>, vector<1x16xf32>,
        %add3A_849 = arith.constant 7 : i32
        %add3A_850 = arith.addi %add3A_234, %add3A_849 : i32
        %get3A_851 = arith.index_cast %add3A_850 : i32 to index
        %get3A_852 = arith.constant 0 : index
        %get3A_853 = tpu.vector_load %arg11[%get3A_851, %get3A_852] {strides = array<i32>} : memref<104x128xf32, #tpu.memory_space<vmem>>, vector<1x16xf32>,
        %get3A_854 = vector.shape_cast %get3A_853 : vector<1x16xf32> to vector<16xf32>
        %add3A_855 = arith.constant 0 : i32
        %add3A_856 = arith.addi %add3A_855, %add3A_234 : i32
        %add3A_857 = arith.constant 7 : i32
        %add3A_858 = arith.addi %add3A_856, %add3A_857 : i32
        %get3A_859 = arith.index_cast %add3A_858 : i32 to index
        %get3A_860 = arith.constant 0 : index
        %get3A_861 = tpu.vector_load %arg8[%get3A_859, %get3A_860] {strides = array<i32>} : memref<200x64xf32, #tpu.memory_space<vmem>>, vector<1x16xf32>,
        %get3A_862 = vector.shape_cast %get3A_861 : vector<1x16xf32> to vector<16xf32>
        %add3A_863 = arith.addf %get3A_854, %get3A_862 : vector<16xf32>
        %add3A_864 = arith.constant 7 : i32
        %add3A_865 = arith.addi %add3A_234, %add3A_864 : i32
        %swap3A_866 = arith.index_cast %add3A_865 : i32 to index
        %swap3A_867 = arith.constant 0 : index
        %swap3A_868 = tpu.vector_load %arg13[%swap3A_866, %swap3A_867] {strides = array<i32>} : memref<104x64xf32, #tpu.memory_space<vmem>>, vector<1x16xf32>,
        %swap3A_869 = vector.shape_cast %swap3A_868 : vector<1x16xf32> to vector<16xf32>
        %swap3A_870 = vector.shape_cast %add3A_863 : vector<16xf32> to vector<1x16xf32>
        tpu.vector_store %arg13[%swap3A_866, %swap3A_867], %swap3A_870 {strides = array<i32>} : memref<104x64xf32, #tpu.memory_space<vmem>>, vector<1x16xf32>,
        %add3A_871 = arith.constant 7 : i32
        %add3A_872 = arith.addi %add3A_234, %add3A_871 : i32
        %get3A_873 = arith.index_cast %add3A_872 : i32 to index
        %get3A_874 = arith.constant 16 : index
        %get3A_875 = tpu.vector_load %arg11[%get3A_873, %get3A_874] {strides = array<i32>} : memref<104x128xf32, #tpu.memory_space<vmem>>, vector<1x16xf32>,
        %get3A_876 = vector.shape_cast %get3A_875 : vector<1x16xf32> to vector<16xf32>
        %add3A_877 = arith.constant 0 : i32
        %add3A_878 = arith.addi %add3A_877, %add3A_234 : i32
        %add3A_879 = arith.constant 7 : i32
        %add3A_880 = arith.addi %add3A_878, %add3A_879 : i32
        %get3A_881 = arith.index_cast %add3A_880 : i32 to index
        %get3A_882 = arith.constant 16 : index
        %get3A_883 = tpu.vector_load %arg8[%get3A_881, %get3A_882] {strides = array<i32>} : memref<200x64xf32, #tpu.memory_space<vmem>>, vector<1x16xf32>,
        %get3A_884 = vector.shape_cast %get3A_883 : vector<1x16xf32> to vector<16xf32>
        %add3A_885 = arith.addf %get3A_876, %get3A_884 : vector<16xf32>
        %add3A_886 = arith.constant 7 : i32
        %add3A_887 = arith.addi %add3A_234, %add3A_886 : i32
        %swap3A_888 = arith.index_cast %add3A_887 : i32 to index
        %swap3A_889 = arith.constant 16 : index
        %swap3A_890 = tpu.vector_load %arg13[%swap3A_888, %swap3A_889] {strides = array<i32>} : memref<104x64xf32, #tpu.memory_space<vmem>>, vector<1x16xf32>,
        %swap3A_891 = vector.shape_cast %swap3A_890 : vector<1x16xf32> to vector<16xf32>
        %swap3A_892 = vector.shape_cast %add3A_885 : vector<16xf32> to vector<1x16xf32>
        tpu.vector_store %arg13[%swap3A_888, %swap3A_889], %swap3A_892 {strides = array<i32>} : memref<104x64xf32, #tpu.memory_space<vmem>>, vector<1x16xf32>,
        %add3A_893 = arith.constant 7 : i32
        %add3A_894 = arith.addi %add3A_234, %add3A_893 : i32
        %get3A_895 = arith.index_cast %add3A_894 : i32 to index
        %get3A_896 = arith.constant 32 : index
        %get3A_897 = tpu.vector_load %arg11[%get3A_895, %get3A_896] {strides = array<i32>} : memref<104x128xf32, #tpu.memory_space<vmem>>, vector<1x16xf32>,
        %get3A_898 = vector.shape_cast %get3A_897 : vector<1x16xf32> to vector<16xf32>
        %add3A_899 = arith.constant 0 : i32
        %add3A_900 = arith.addi %add3A_899, %add3A_234 : i32
        %add3A_901 = arith.constant 7 : i32
        %add3A_902 = arith.addi %add3A_900, %add3A_901 : i32
        %get3A_903 = arith.index_cast %add3A_902 : i32 to index
        %get3A_904 = arith.constant 32 : index
        %get3A_905 = tpu.vector_load %arg8[%get3A_903, %get3A_904] {strides = array<i32>} : memref<200x64xf32, #tpu.memory_space<vmem>>, vector<1x16xf32>,
        %get3A_906 = vector.shape_cast %get3A_905 : vector<1x16xf32> to vector<16xf32>
        %add3A_907 = arith.addf %get3A_898, %get3A_906 : vector<16xf32>
        %add3A_908 = arith.constant 7 : i32
        %add3A_909 = arith.addi %add3A_234, %add3A_908 : i32
        %swap3A_910 = arith.index_cast %add3A_909 : i32 to index
        %swap3A_911 = arith.constant 32 : index
        %swap3A_912 = tpu.vector_load %arg13[%swap3A_910, %swap3A_911] {strides = array<i32>} : memref<104x64xf32, #tpu.memory_space<vmem>>, vector<1x16xf32>,
        %swap3A_913 = vector.shape_cast %swap3A_912 : vector<1x16xf32> to vector<16xf32>
        %swap3A_914 = vector.shape_cast %add3A_907 : vector<16xf32> to vector<1x16xf32>
        tpu.vector_store %arg13[%swap3A_910, %swap3A_911], %swap3A_914 {strides = array<i32>} : memref<104x64xf32, #tpu.memory_space<vmem>>, vector<1x16xf32>,
        %add3A_915 = arith.constant 7 : i32
        %add3A_916 = arith.addi %add3A_234, %add3A_915 : i32
        %get3A_917 = arith.index_cast %add3A_916 : i32 to index
        %get3A_918 = arith.constant 48 : index
        %get3A_919 = tpu.vector_load %arg11[%get3A_917, %get3A_918] {strides = array<i32>} : memref<104x128xf32, #tpu.memory_space<vmem>>, vector<1x16xf32>,
        %get3A_920 = vector.shape_cast %get3A_919 : vector<1x16xf32> to vector<16xf32>
        %add3A_921 = arith.constant 0 : i32
        %add3A_922 = arith.addi %add3A_921, %add3A_234 : i32
        %add3A_923 = arith.constant 7 : i32
        %add3A_924 = arith.addi %add3A_922, %add3A_923 : i32
        %get3A_925 = arith.index_cast %add3A_924 : i32 to index
        %get3A_926 = arith.constant 48 : index
        %get3A_927 = tpu.vector_load %arg8[%get3A_925, %get3A_926] {strides = array<i32>} : memref<200x64xf32, #tpu.memory_space<vmem>>, vector<1x16xf32>,
        %get3A_928 = vector.shape_cast %get3A_927 : vector<1x16xf32> to vector<16xf32>
        %add3A_929 = arith.addf %get3A_920, %get3A_928 : vector<16xf32>
        %add3A_930 = arith.constant 7 : i32
        %add3A_931 = arith.addi %add3A_234, %add3A_930 : i32
        %swap3A_932 = arith.index_cast %add3A_931 : i32 to index
        %swap3A_933 = arith.constant 48 : index
        %swap3A_934 = tpu.vector_load %arg13[%swap3A_932, %swap3A_933] {strides = array<i32>} : memref<104x64xf32, #tpu.memory_space<vmem>>, vector<1x16xf32>,
        %swap3A_935 = vector.shape_cast %swap3A_934 : vector<1x16xf32> to vector<16xf32>
        %swap3A_936 = vector.shape_cast %add3A_929 : vector<16xf32> to vector<1x16xf32>
        tpu.vector_store %arg13[%swap3A_932, %swap3A_933], %swap3A_936 {strides = array<i32>} : memref<104x64xf32, #tpu.memory_space<vmem>>, vector<1x16xf32>,
      }
      %scan3A_189 = arith.constant 13 : i32
      %add3A_190 = arith.addi %mul3A_2, %add3A_149 : i32
      %dma_start3A_191 = arith.constant 0 : i32
      %dma_start3A_192 = arith.constant 0 : i32
      %dma_start3A_193 = tpu.memref_slice %arg13[%dma_start3A_191, %dma_start3A_192] : memref<104x64xf32, #tpu.memory_space<vmem>> -> memref<104x64xf32, #tpu.memory_space<vmem>>
      %dma_start3A_194 = arith.constant 0 : i32
      %dma_start3A_195 = arith.constant 0 : i32
      %dma_start3A_196 = tpu.memref_slice %arg5[%add3A_190, %dma_start3A_194, %dma_start3A_195] : memref<1024x200x64xf32, #tpu.memory_space<hbm>> -> memref<1x104x64xf32, #tpu.memory_space<hbm>>
      %dma_start3A_197 = tpu.memref_squeeze %dma_start3A_196 : memref<1x104x64xf32, #tpu.memory_space<hbm>> -> memref<104x64xf32, #tpu.memory_space<hbm>>
      %dma_start3A_198 = arith.constant 0 : i32
      %dma_start3A_199 = arith.constant 0 : i32
      %dma_start3A_200 = tpu.memref_slice %arg5[%add3A_190, %dma_start3A_198, %dma_start3A_199] : memref<1024x200x64xf32, #tpu.memory_space<hbm>> -> memref<1x104x64xf32, #tpu.memory_space<hbm>>
      %dma_start3A_201 = tpu.memref_squeeze %dma_start3A_200 : memref<1x104x64xf32, #tpu.memory_space<hbm>> -> memref<104x64xf32, #tpu.memory_space<hbm>>
      %dma_start3A_202 = arith.constant 0 : i32
      %dma_start3A_203 = arith.constant 0 : i32
      %dma_start3A_204 = tpu.memref_slice %arg13[%dma_start3A_202, %dma_start3A_203] : memref<104x64xf32, #tpu.memory_space<vmem>> -> memref<104x64xf32, #tpu.memory_space<vmem>>
      tpu.enqueue_dma source(%dma_start3A_204 : memref<104x64xf32, #tpu.memory_space<vmem>>) target(%dma_start3A_201 : memref<104x64xf32, #tpu.memory_space<hbm>>) target_semaphore(%arg21 : memref<!tpu.dma_semaphore, #tpu.memory_space<semaphore_mem>>)
      %ge3A_205 = arith.constant 1 : i32
      %ge3A_206 = arith.cmpi sge, %add3A_149, %ge3A_205 : i32
      %convert_element_type3A_207 = arith.extui %ge3A_206 : i1 to i32
      %cond3A_208 = arith.constant 0 : i32
      %cond3A_209 = arith.cmpi ne, %convert_element_type3A_207, %cond3A_208 : i32
      scf.if %cond3A_209 {
        %dma_wait3A_230 = arith.constant 0 : i32
        %dma_wait3A_231 = arith.constant 0 : i32
        %dma_wait3A_232 = tpu.memref_slice %arg14[%dma_wait3A_230, %dma_wait3A_231] : memref<104x64xf32, #tpu.memory_space<vmem>> -> memref<96x64xf32, #tpu.memory_space<vmem>>
        %dma_wait3A_233 = arith.constant 104 : i32
        %dma_wait3A_234 = arith.constant 0 : i32
        %dma_wait3A_235 = tpu.memref_slice %arg5[%mul3A_2, %dma_wait3A_233, %dma_wait3A_234] : memref<1024x200x64xf32, #tpu.memory_space<hbm>> -> memref<1x96x64xf32, #tpu.memory_space<hbm>>
        %dma_wait3A_236 = tpu.memref_squeeze %dma_wait3A_235 : memref<1x96x64xf32, #tpu.memory_space<hbm>> -> memref<96x64xf32, #tpu.memory_space<hbm>>
        %dma_wait3A_237 = arith.constant 104 : i32
        %dma_wait3A_238 = arith.constant 0 : i32
        %dma_wait3A_239 = tpu.memref_slice %arg5[%mul3A_2, %dma_wait3A_237, %dma_wait3A_238] : memref<1024x200x64xf32, #tpu.memory_space<hbm>> -> memref<1x96x64xf32, #tpu.memory_space<hbm>>
        %dma_wait3A_240 = tpu.memref_squeeze %dma_wait3A_239 : memref<1x96x64xf32, #tpu.memory_space<hbm>> -> memref<96x64xf32, #tpu.memory_space<hbm>>
        %dma_wait3A_241 = arith.constant 0 : i32
        %dma_wait3A_242 = arith.constant 0 : i32
        %dma_wait3A_243 = tpu.memref_slice %arg14[%dma_wait3A_241, %dma_wait3A_242] : memref<104x64xf32, #tpu.memory_space<vmem>> -> memref<96x64xf32, #tpu.memory_space<vmem>>
        tpu.wait_dma2 semaphore(%arg22 : memref<!tpu.dma_semaphore, #tpu.memory_space<semaphore_mem>>) src(%dma_wait3A_243 : memref<96x64xf32, #tpu.memory_space<vmem>>) dst(%dma_wait3A_240 : memref<96x64xf32, #tpu.memory_space<hbm>>)
      } else {
      }
      %scan3A_210 = arith.constant 0 : i32
      %scan3A_211 = arith.constant 12 : i32
      %scan3A_212 = arith.addi %scan3A_210, %scan3A_211 : i32
      %scan3A_213 = arith.constant 1 : i32
      scf.for %scan3A_230 = %scan3A_210 to %scan3A_212 step %scan3A_213  : i32 {
        %mul3A_231 = arith.constant 8 : i32
        %mul3A_232 = arith.muli %scan3A_230, %mul3A_231 : i32
        %add3A_233 = arith.constant 0 : i32
        %add3A_234 = arith.addi %add3A_233, %mul3A_232 : i32
        %add3A_235 = arith.constant 0 : i32
        %add3A_236 = arith.addi %add3A_234, %add3A_235 : i32
        %get3A = arith.index_cast %add3A_236 : i32 to index
        %get3A_237 = arith.constant 0 : index
        %get3A_238 = tpu.vector_load %arg12[%get3A, %get3A_237] {strides = array<i32>} : memref<104x128xf32, #tpu.memory_space<vmem>>, vector<1x16xf32>,
        %get3A_239 = vector.shape_cast %get3A_238 : vector<1x16xf32> to vector<16xf32>
        %add3A_240 = arith.constant 104 : i32
        %add3A_241 = arith.addi %add3A_240, %add3A_234 : i32
        %add3A_242 = arith.constant 0 : i32
        %add3A_243 = arith.addi %add3A_241, %add3A_242 : i32
        %get3A_244 = arith.index_cast %add3A_243 : i32 to index
        %get3A_245 = arith.constant 0 : index
        %get3A_246 = tpu.vector_load %arg8[%get3A_244, %get3A_245] {strides = array<i32>} : memref<200x64xf32, #tpu.memory_space<vmem>>, vector<1x16xf32>,
        %get3A_247 = vector.shape_cast %get3A_246 : vector<1x16xf32> to vector<16xf32>
        %add3A_248 = arith.addf %get3A_239, %get3A_247 : vector<16xf32>
        %add3A_249 = arith.constant 0 : i32
        %add3A_250 = arith.addi %add3A_234, %add3A_249 : i32
        %swap3A = arith.index_cast %add3A_250 : i32 to index
        %swap3A_251 = arith.constant 0 : index
        %swap3A_252 = tpu.vector_load %arg14[%swap3A, %swap3A_251] {strides = array<i32>} : memref<104x64xf32, #tpu.memory_space<vmem>>, vector<1x16xf32>,
        %swap3A_253 = vector.shape_cast %swap3A_252 : vector<1x16xf32> to vector<16xf32>
        %swap3A_254 = vector.shape_cast %add3A_248 : vector<16xf32> to vector<1x16xf32>
        tpu.vector_store %arg14[%swap3A, %swap3A_251], %swap3A_254 {strides = array<i32>} : memref<104x64xf32, #tpu.memory_space<vmem>>, vector<1x16xf32>,
        %add3A_255 = arith.constant 0 : i32
        %add3A_256 = arith.addi %add3A_234, %add3A_255 : i32
        %get3A_257 = arith.index_cast %add3A_256 : i32 to index
        %get3A_258 = arith.constant 16 : index
        %get3A_259 = tpu.vector_load %arg12[%get3A_257, %get3A_258] {strides = array<i32>} : memref<104x128xf32, #tpu.memory_space<vmem>>, vector<1x16xf32>,
        %get3A_260 = vector.shape_cast %get3A_259 : vector<1x16xf32> to vector<16xf32>
        %add3A_261 = arith.constant 104 : i32
        %add3A_262 = arith.addi %add3A_261, %add3A_234 : i32
        %add3A_263 = arith.constant 0 : i32
        %add3A_264 = arith.addi %add3A_262, %add3A_263 : i32
        %get3A_265 = arith.index_cast %add3A_264 : i32 to index
        %get3A_266 = arith.constant 16 : index
        %get3A_267 = tpu.vector_load %arg8[%get3A_265, %get3A_266] {strides = array<i32>} : memref<200x64xf32, #tpu.memory_space<vmem>>, vector<1x16xf32>,
        %get3A_268 = vector.shape_cast %get3A_267 : vector<1x16xf32> to vector<16xf32>
        %add3A_269 = arith.addf %get3A_260, %get3A_268 : vector<16xf32>
        %add3A_270 = arith.constant 0 : i32
        %add3A_271 = arith.addi %add3A_234, %add3A_270 : i32
        %swap3A_272 = arith.index_cast %add3A_271 : i32 to index
        %swap3A_273 = arith.constant 16 : index
        %swap3A_274 = tpu.vector_load %arg14[%swap3A_272, %swap3A_273] {strides = array<i32>} : memref<104x64xf32, #tpu.memory_space<vmem>>, vector<1x16xf32>,
        %swap3A_275 = vector.shape_cast %swap3A_274 : vector<1x16xf32> to vector<16xf32>
        %swap3A_276 = vector.shape_cast %add3A_269 : vector<16xf32> to vector<1x16xf32>
        tpu.vector_store %arg14[%swap3A_272, %swap3A_273], %swap3A_276 {strides = array<i32>} : memref<104x64xf32, #tpu.memory_space<vmem>>, vector<1x16xf32>,
        %add3A_277 = arith.constant 0 : i32
        %add3A_278 = arith.addi %add3A_234, %add3A_277 : i32
        %get3A_279 = arith.index_cast %add3A_278 : i32 to index
        %get3A_280 = arith.constant 32 : index
        %get3A_281 = tpu.vector_load %arg12[%get3A_279, %get3A_280] {strides = array<i32>} : memref<104x128xf32, #tpu.memory_space<vmem>>, vector<1x16xf32>,
        %get3A_282 = vector.shape_cast %get3A_281 : vector<1x16xf32> to vector<16xf32>
        %add3A_283 = arith.constant 104 : i32
        %add3A_284 = arith.addi %add3A_283, %add3A_234 : i32
        %add3A_285 = arith.constant 0 : i32
        %add3A_286 = arith.addi %add3A_284, %add3A_285 : i32
        %get3A_287 = arith.index_cast %add3A_286 : i32 to index
        %get3A_288 = arith.constant 32 : index
        %get3A_289 = tpu.vector_load %arg8[%get3A_287, %get3A_288] {strides = array<i32>} : memref<200x64xf32, #tpu.memory_space<vmem>>, vector<1x16xf32>,
        %get3A_290 = vector.shape_cast %get3A_289 : vector<1x16xf32> to vector<16xf32>
        %add3A_291 = arith.addf %get3A_282, %get3A_290 : vector<16xf32>
        %add3A_292 = arith.constant 0 : i32
        %add3A_293 = arith.addi %add3A_234, %add3A_292 : i32
        %swap3A_294 = arith.index_cast %add3A_293 : i32 to index
        %swap3A_295 = arith.constant 32 : index
        %swap3A_296 = tpu.vector_load %arg14[%swap3A_294, %swap3A_295] {strides = array<i32>} : memref<104x64xf32, #tpu.memory_space<vmem>>, vector<1x16xf32>,
        %swap3A_297 = vector.shape_cast %swap3A_296 : vector<1x16xf32> to vector<16xf32>
        %swap3A_298 = vector.shape_cast %add3A_291 : vector<16xf32> to vector<1x16xf32>
        tpu.vector_store %arg14[%swap3A_294, %swap3A_295], %swap3A_298 {strides = array<i32>} : memref<104x64xf32, #tpu.memory_space<vmem>>, vector<1x16xf32>,
        %add3A_299 = arith.constant 0 : i32
        %add3A_300 = arith.addi %add3A_234, %add3A_299 : i32
        %get3A_301 = arith.index_cast %add3A_300 : i32 to index
        %get3A_302 = arith.constant 48 : index
        %get3A_303 = tpu.vector_load %arg12[%get3A_301, %get3A_302] {strides = array<i32>} : memref<104x128xf32, #tpu.memory_space<vmem>>, vector<1x16xf32>,
        %get3A_304 = vector.shape_cast %get3A_303 : vector<1x16xf32> to vector<16xf32>
        %add3A_305 = arith.constant 104 : i32
        %add3A_306 = arith.addi %add3A_305, %add3A_234 : i32
        %add3A_307 = arith.constant 0 : i32
        %add3A_308 = arith.addi %add3A_306, %add3A_307 : i32
        %get3A_309 = arith.index_cast %add3A_308 : i32 to index
        %get3A_310 = arith.constant 48 : index
        %get3A_311 = tpu.vector_load %arg8[%get3A_309, %get3A_310] {strides = array<i32>} : memref<200x64xf32, #tpu.memory_space<vmem>>, vector<1x16xf32>,
        %get3A_312 = vector.shape_cast %get3A_311 : vector<1x16xf32> to vector<16xf32>
        %add3A_313 = arith.addf %get3A_304, %get3A_312 : vector<16xf32>
        %add3A_314 = arith.constant 0 : i32
        %add3A_315 = arith.addi %add3A_234, %add3A_314 : i32
        %swap3A_316 = arith.index_cast %add3A_315 : i32 to index
        %swap3A_317 = arith.constant 48 : index
        %swap3A_318 = tpu.vector_load %arg14[%swap3A_316, %swap3A_317] {strides = array<i32>} : memref<104x64xf32, #tpu.memory_space<vmem>>, vector<1x16xf32>,
        %swap3A_319 = vector.shape_cast %swap3A_318 : vector<1x16xf32> to vector<16xf32>
        %swap3A_320 = vector.shape_cast %add3A_313 : vector<16xf32> to vector<1x16xf32>
        tpu.vector_store %arg14[%swap3A_316, %swap3A_317], %swap3A_320 {strides = array<i32>} : memref<104x64xf32, #tpu.memory_space<vmem>>, vector<1x16xf32>,
        %add3A_321 = arith.constant 1 : i32
        %add3A_322 = arith.addi %add3A_234, %add3A_321 : i32
        %get3A_323 = arith.index_cast %add3A_322 : i32 to index
        %get3A_324 = arith.constant 0 : index
        %get3A_325 = tpu.vector_load %arg12[%get3A_323, %get3A_324] {strides = array<i32>} : memref<104x128xf32, #tpu.memory_space<vmem>>, vector<1x16xf32>,
        %get3A_326 = vector.shape_cast %get3A_325 : vector<1x16xf32> to vector<16xf32>
        %add3A_327 = arith.constant 104 : i32
        %add3A_328 = arith.addi %add3A_327, %add3A_234 : i32
        %add3A_329 = arith.constant 1 : i32
        %add3A_330 = arith.addi %add3A_328, %add3A_329 : i32
        %get3A_331 = arith.index_cast %add3A_330 : i32 to index
        %get3A_332 = arith.constant 0 : index
        %get3A_333 = tpu.vector_load %arg8[%get3A_331, %get3A_332] {strides = array<i32>} : memref<200x64xf32, #tpu.memory_space<vmem>>, vector<1x16xf32>,
        %get3A_334 = vector.shape_cast %get3A_333 : vector<1x16xf32> to vector<16xf32>
        %add3A_335 = arith.addf %get3A_326, %get3A_334 : vector<16xf32>
        %add3A_336 = arith.constant 1 : i32
        %add3A_337 = arith.addi %add3A_234, %add3A_336 : i32
        %swap3A_338 = arith.index_cast %add3A_337 : i32 to index
        %swap3A_339 = arith.constant 0 : index
        %swap3A_340 = tpu.vector_load %arg14[%swap3A_338, %swap3A_339] {strides = array<i32>} : memref<104x64xf32, #tpu.memory_space<vmem>>, vector<1x16xf32>,
        %swap3A_341 = vector.shape_cast %swap3A_340 : vector<1x16xf32> to vector<16xf32>
        %swap3A_342 = vector.shape_cast %add3A_335 : vector<16xf32> to vector<1x16xf32>
        tpu.vector_store %arg14[%swap3A_338, %swap3A_339], %swap3A_342 {strides = array<i32>} : memref<104x64xf32, #tpu.memory_space<vmem>>, vector<1x16xf32>,
        %add3A_343 = arith.constant 1 : i32
        %add3A_344 = arith.addi %add3A_234, %add3A_343 : i32
        %get3A_345 = arith.index_cast %add3A_344 : i32 to index
        %get3A_346 = arith.constant 16 : index
        %get3A_347 = tpu.vector_load %arg12[%get3A_345, %get3A_346] {strides = array<i32>} : memref<104x128xf32, #tpu.memory_space<vmem>>, vector<1x16xf32>,
        %get3A_348 = vector.shape_cast %get3A_347 : vector<1x16xf32> to vector<16xf32>
        %add3A_349 = arith.constant 104 : i32
        %add3A_350 = arith.addi %add3A_349, %add3A_234 : i32
        %add3A_351 = arith.constant 1 : i32
        %add3A_352 = arith.addi %add3A_350, %add3A_351 : i32
        %get3A_353 = arith.index_cast %add3A_352 : i32 to index
        %get3A_354 = arith.constant 16 : index
        %get3A_355 = tpu.vector_load %arg8[%get3A_353, %get3A_354] {strides = array<i32>} : memref<200x64xf32, #tpu.memory_space<vmem>>, vector<1x16xf32>,
        %get3A_356 = vector.shape_cast %get3A_355 : vector<1x16xf32> to vector<16xf32>
        %add3A_357 = arith.addf %get3A_348, %get3A_356 : vector<16xf32>
        %add3A_358 = arith.constant 1 : i32
        %add3A_359 = arith.addi %add3A_234, %add3A_358 : i32
        %swap3A_360 = arith.index_cast %add3A_359 : i32 to index
        %swap3A_361 = arith.constant 16 : index
        %swap3A_362 = tpu.vector_load %arg14[%swap3A_360, %swap3A_361] {strides = array<i32>} : memref<104x64xf32, #tpu.memory_space<vmem>>, vector<1x16xf32>,
        %swap3A_363 = vector.shape_cast %swap3A_362 : vector<1x16xf32> to vector<16xf32>
        %swap3A_364 = vector.shape_cast %add3A_357 : vector<16xf32> to vector<1x16xf32>
        tpu.vector_store %arg14[%swap3A_360, %swap3A_361], %swap3A_364 {strides = array<i32>} : memref<104x64xf32, #tpu.memory_space<vmem>>, vector<1x16xf32>,
        %add3A_365 = arith.constant 1 : i32
        %add3A_366 = arith.addi %add3A_234, %add3A_365 : i32
        %get3A_367 = arith.index_cast %add3A_366 : i32 to index
        %get3A_368 = arith.constant 32 : index
        %get3A_369 = tpu.vector_load %arg12[%get3A_367, %get3A_368] {strides = array<i32>} : memref<104x128xf32, #tpu.memory_space<vmem>>, vector<1x16xf32>,
        %get3A_370 = vector.shape_cast %get3A_369 : vector<1x16xf32> to vector<16xf32>
        %add3A_371 = arith.constant 104 : i32
        %add3A_372 = arith.addi %add3A_371, %add3A_234 : i32
        %add3A_373 = arith.constant 1 : i32
        %add3A_374 = arith.addi %add3A_372, %add3A_373 : i32
        %get3A_375 = arith.index_cast %add3A_374 : i32 to index
        %get3A_376 = arith.constant 32 : index
        %get3A_377 = tpu.vector_load %arg8[%get3A_375, %get3A_376] {strides = array<i32>} : memref<200x64xf32, #tpu.memory_space<vmem>>, vector<1x16xf32>,
        %get3A_378 = vector.shape_cast %get3A_377 : vector<1x16xf32> to vector<16xf32>
        %add3A_379 = arith.addf %get3A_370, %get3A_378 : vector<16xf32>
        %add3A_380 = arith.constant 1 : i32
        %add3A_381 = arith.addi %add3A_234, %add3A_380 : i32
        %swap3A_382 = arith.index_cast %add3A_381 : i32 to index
        %swap3A_383 = arith.constant 32 : index
        %swap3A_384 = tpu.vector_load %arg14[%swap3A_382, %swap3A_383] {strides = array<i32>} : memref<104x64xf32, #tpu.memory_space<vmem>>, vector<1x16xf32>,
        %swap3A_385 = vector.shape_cast %swap3A_384 : vector<1x16xf32> to vector<16xf32>
        %swap3A_386 = vector.shape_cast %add3A_379 : vector<16xf32> to vector<1x16xf32>
        tpu.vector_store %arg14[%swap3A_382, %swap3A_383], %swap3A_386 {strides = array<i32>} : memref<104x64xf32, #tpu.memory_space<vmem>>, vector<1x16xf32>,
        %add3A_387 = arith.constant 1 : i32
        %add3A_388 = arith.addi %add3A_234, %add3A_387 : i32
        %get3A_389 = arith.index_cast %add3A_388 : i32 to index
        %get3A_390 = arith.constant 48 : index
        %get3A_391 = tpu.vector_load %arg12[%get3A_389, %get3A_390] {strides = array<i32>} : memref<104x128xf32, #tpu.memory_space<vmem>>, vector<1x16xf32>,
        %get3A_392 = vector.shape_cast %get3A_391 : vector<1x16xf32> to vector<16xf32>
        %add3A_393 = arith.constant 104 : i32
        %add3A_394 = arith.addi %add3A_393, %add3A_234 : i32
        %add3A_395 = arith.constant 1 : i32
        %add3A_396 = arith.addi %add3A_394, %add3A_395 : i32
        %get3A_397 = arith.index_cast %add3A_396 : i32 to index
        %get3A_398 = arith.constant 48 : index
        %get3A_399 = tpu.vector_load %arg8[%get3A_397, %get3A_398] {strides = array<i32>} : memref<200x64xf32, #tpu.memory_space<vmem>>, vector<1x16xf32>,
        %get3A_400 = vector.shape_cast %get3A_399 : vector<1x16xf32> to vector<16xf32>
        %add3A_401 = arith.addf %get3A_392, %get3A_400 : vector<16xf32>
        %add3A_402 = arith.constant 1 : i32
        %add3A_403 = arith.addi %add3A_234, %add3A_402 : i32
        %swap3A_404 = arith.index_cast %add3A_403 : i32 to index
        %swap3A_405 = arith.constant 48 : index
        %swap3A_406 = tpu.vector_load %arg14[%swap3A_404, %swap3A_405] {strides = array<i32>} : memref<104x64xf32, #tpu.memory_space<vmem>>, vector<1x16xf32>,
        %swap3A_407 = vector.shape_cast %swap3A_406 : vector<1x16xf32> to vector<16xf32>
        %swap3A_408 = vector.shape_cast %add3A_401 : vector<16xf32> to vector<1x16xf32>
        tpu.vector_store %arg14[%swap3A_404, %swap3A_405], %swap3A_408 {strides = array<i32>} : memref<104x64xf32, #tpu.memory_space<vmem>>, vector<1x16xf32>,
        %add3A_409 = arith.constant 2 : i32
        %add3A_410 = arith.addi %add3A_234, %add3A_409 : i32
        %get3A_411 = arith.index_cast %add3A_410 : i32 to index
        %get3A_412 = arith.constant 0 : index
        %get3A_413 = tpu.vector_load %arg12[%get3A_411, %get3A_412] {strides = array<i32>} : memref<104x128xf32, #tpu.memory_space<vmem>>, vector<1x16xf32>,
        %get3A_414 = vector.shape_cast %get3A_413 : vector<1x16xf32> to vector<16xf32>
        %add3A_415 = arith.constant 104 : i32
        %add3A_416 = arith.addi %add3A_415, %add3A_234 : i32
        %add3A_417 = arith.constant 2 : i32
        %add3A_418 = arith.addi %add3A_416, %add3A_417 : i32
        %get3A_419 = arith.index_cast %add3A_418 : i32 to index
        %get3A_420 = arith.constant 0 : index
        %get3A_421 = tpu.vector_load %arg8[%get3A_419, %get3A_420] {strides = array<i32>} : memref<200x64xf32, #tpu.memory_space<vmem>>, vector<1x16xf32>,
        %get3A_422 = vector.shape_cast %get3A_421 : vector<1x16xf32> to vector<16xf32>
        %add3A_423 = arith.addf %get3A_414, %get3A_422 : vector<16xf32>
        %add3A_424 = arith.constant 2 : i32
        %add3A_425 = arith.addi %add3A_234, %add3A_424 : i32
        %swap3A_426 = arith.index_cast %add3A_425 : i32 to index
        %swap3A_427 = arith.constant 0 : index
        %swap3A_428 = tpu.vector_load %arg14[%swap3A_426, %swap3A_427] {strides = array<i32>} : memref<104x64xf32, #tpu.memory_space<vmem>>, vector<1x16xf32>,
        %swap3A_429 = vector.shape_cast %swap3A_428 : vector<1x16xf32> to vector<16xf32>
        %swap3A_430 = vector.shape_cast %add3A_423 : vector<16xf32> to vector<1x16xf32>
        tpu.vector_store %arg14[%swap3A_426, %swap3A_427], %swap3A_430 {strides = array<i32>} : memref<104x64xf32, #tpu.memory_space<vmem>>, vector<1x16xf32>,
        %add3A_431 = arith.constant 2 : i32
        %add3A_432 = arith.addi %add3A_234, %add3A_431 : i32
        %get3A_433 = arith.index_cast %add3A_432 : i32 to index
        %get3A_434 = arith.constant 16 : index
        %get3A_435 = tpu.vector_load %arg12[%get3A_433, %get3A_434] {strides = array<i32>} : memref<104x128xf32, #tpu.memory_space<vmem>>, vector<1x16xf32>,
        %get3A_436 = vector.shape_cast %get3A_435 : vector<1x16xf32> to vector<16xf32>
        %add3A_437 = arith.constant 104 : i32
        %add3A_438 = arith.addi %add3A_437, %add3A_234 : i32
        %add3A_439 = arith.constant 2 : i32
        %add3A_440 = arith.addi %add3A_438, %add3A_439 : i32
        %get3A_441 = arith.index_cast %add3A_440 : i32 to index
        %get3A_442 = arith.constant 16 : index
        %get3A_443 = tpu.vector_load %arg8[%get3A_441, %get3A_442] {strides = array<i32>} : memref<200x64xf32, #tpu.memory_space<vmem>>, vector<1x16xf32>,
        %get3A_444 = vector.shape_cast %get3A_443 : vector<1x16xf32> to vector<16xf32>
        %add3A_445 = arith.addf %get3A_436, %get3A_444 : vector<16xf32>
        %add3A_446 = arith.constant 2 : i32
        %add3A_447 = arith.addi %add3A_234, %add3A_446 : i32
        %swap3A_448 = arith.index_cast %add3A_447 : i32 to index
        %swap3A_449 = arith.constant 16 : index
        %swap3A_450 = tpu.vector_load %arg14[%swap3A_448, %swap3A_449] {strides = array<i32>} : memref<104x64xf32, #tpu.memory_space<vmem>>, vector<1x16xf32>,
        %swap3A_451 = vector.shape_cast %swap3A_450 : vector<1x16xf32> to vector<16xf32>
        %swap3A_452 = vector.shape_cast %add3A_445 : vector<16xf32> to vector<1x16xf32>
        tpu.vector_store %arg14[%swap3A_448, %swap3A_449], %swap3A_452 {strides = array<i32>} : memref<104x64xf32, #tpu.memory_space<vmem>>, vector<1x16xf32>,
        %add3A_453 = arith.constant 2 : i32
        %add3A_454 = arith.addi %add3A_234, %add3A_453 : i32
        %get3A_455 = arith.index_cast %add3A_454 : i32 to index
        %get3A_456 = arith.constant 32 : index
        %get3A_457 = tpu.vector_load %arg12[%get3A_455, %get3A_456] {strides = array<i32>} : memref<104x128xf32, #tpu.memory_space<vmem>>, vector<1x16xf32>,
        %get3A_458 = vector.shape_cast %get3A_457 : vector<1x16xf32> to vector<16xf32>
        %add3A_459 = arith.constant 104 : i32
        %add3A_460 = arith.addi %add3A_459, %add3A_234 : i32
        %add3A_461 = arith.constant 2 : i32
        %add3A_462 = arith.addi %add3A_460, %add3A_461 : i32
        %get3A_463 = arith.index_cast %add3A_462 : i32 to index
        %get3A_464 = arith.constant 32 : index
        %get3A_465 = tpu.vector_load %arg8[%get3A_463, %get3A_464] {strides = array<i32>} : memref<200x64xf32, #tpu.memory_space<vmem>>, vector<1x16xf32>,
        %get3A_466 = vector.shape_cast %get3A_465 : vector<1x16xf32> to vector<16xf32>
        %add3A_467 = arith.addf %get3A_458, %get3A_466 : vector<16xf32>
        %add3A_468 = arith.constant 2 : i32
        %add3A_469 = arith.addi %add3A_234, %add3A_468 : i32
        %swap3A_470 = arith.index_cast %add3A_469 : i32 to index
        %swap3A_471 = arith.constant 32 : index
        %swap3A_472 = tpu.vector_load %arg14[%swap3A_470, %swap3A_471] {strides = array<i32>} : memref<104x64xf32, #tpu.memory_space<vmem>>, vector<1x16xf32>,
        %swap3A_473 = vector.shape_cast %swap3A_472 : vector<1x16xf32> to vector<16xf32>
        %swap3A_474 = vector.shape_cast %add3A_467 : vector<16xf32> to vector<1x16xf32>
        tpu.vector_store %arg14[%swap3A_470, %swap3A_471], %swap3A_474 {strides = array<i32>} : memref<104x64xf32, #tpu.memory_space<vmem>>, vector<1x16xf32>,
        %add3A_475 = arith.constant 2 : i32
        %add3A_476 = arith.addi %add3A_234, %add3A_475 : i32
        %get3A_477 = arith.index_cast %add3A_476 : i32 to index
        %get3A_478 = arith.constant 48 : index
        %get3A_479 = tpu.vector_load %arg12[%get3A_477, %get3A_478] {strides = array<i32>} : memref<104x128xf32, #tpu.memory_space<vmem>>, vector<1x16xf32>,
        %get3A_480 = vector.shape_cast %get3A_479 : vector<1x16xf32> to vector<16xf32>
        %add3A_481 = arith.constant 104 : i32
        %add3A_482 = arith.addi %add3A_481, %add3A_234 : i32
        %add3A_483 = arith.constant 2 : i32
        %add3A_484 = arith.addi %add3A_482, %add3A_483 : i32
        %get3A_485 = arith.index_cast %add3A_484 : i32 to index
        %get3A_486 = arith.constant 48 : index
        %get3A_487 = tpu.vector_load %arg8[%get3A_485, %get3A_486] {strides = array<i32>} : memref<200x64xf32, #tpu.memory_space<vmem>>, vector<1x16xf32>,
        %get3A_488 = vector.shape_cast %get3A_487 : vector<1x16xf32> to vector<16xf32>
        %add3A_489 = arith.addf %get3A_480, %get3A_488 : vector<16xf32>
        %add3A_490 = arith.constant 2 : i32
        %add3A_491 = arith.addi %add3A_234, %add3A_490 : i32
        %swap3A_492 = arith.index_cast %add3A_491 : i32 to index
        %swap3A_493 = arith.constant 48 : index
        %swap3A_494 = tpu.vector_load %arg14[%swap3A_492, %swap3A_493] {strides = array<i32>} : memref<104x64xf32, #tpu.memory_space<vmem>>, vector<1x16xf32>,
        %swap3A_495 = vector.shape_cast %swap3A_494 : vector<1x16xf32> to vector<16xf32>
        %swap3A_496 = vector.shape_cast %add3A_489 : vector<16xf32> to vector<1x16xf32>
        tpu.vector_store %arg14[%swap3A_492, %swap3A_493], %swap3A_496 {strides = array<i32>} : memref<104x64xf32, #tpu.memory_space<vmem>>, vector<1x16xf32>,
        %add3A_497 = arith.constant 3 : i32
        %add3A_498 = arith.addi %add3A_234, %add3A_497 : i32
        %get3A_499 = arith.index_cast %add3A_498 : i32 to index
        %get3A_500 = arith.constant 0 : index
        %get3A_501 = tpu.vector_load %arg12[%get3A_499, %get3A_500] {strides = array<i32>} : memref<104x128xf32, #tpu.memory_space<vmem>>, vector<1x16xf32>,
        %get3A_502 = vector.shape_cast %get3A_501 : vector<1x16xf32> to vector<16xf32>
        %add3A_503 = arith.constant 104 : i32
        %add3A_504 = arith.addi %add3A_503, %add3A_234 : i32
        %add3A_505 = arith.constant 3 : i32
        %add3A_506 = arith.addi %add3A_504, %add3A_505 : i32
        %get3A_507 = arith.index_cast %add3A_506 : i32 to index
        %get3A_508 = arith.constant 0 : index
        %get3A_509 = tpu.vector_load %arg8[%get3A_507, %get3A_508] {strides = array<i32>} : memref<200x64xf32, #tpu.memory_space<vmem>>, vector<1x16xf32>,
        %get3A_510 = vector.shape_cast %get3A_509 : vector<1x16xf32> to vector<16xf32>
        %add3A_511 = arith.addf %get3A_502, %get3A_510 : vector<16xf32>
        %add3A_512 = arith.constant 3 : i32
        %add3A_513 = arith.addi %add3A_234, %add3A_512 : i32
        %swap3A_514 = arith.index_cast %add3A_513 : i32 to index
        %swap3A_515 = arith.constant 0 : index
        %swap3A_516 = tpu.vector_load %arg14[%swap3A_514, %swap3A_515] {strides = array<i32>} : memref<104x64xf32, #tpu.memory_space<vmem>>, vector<1x16xf32>,
        %swap3A_517 = vector.shape_cast %swap3A_516 : vector<1x16xf32> to vector<16xf32>
        %swap3A_518 = vector.shape_cast %add3A_511 : vector<16xf32> to vector<1x16xf32>
        tpu.vector_store %arg14[%swap3A_514, %swap3A_515], %swap3A_518 {strides = array<i32>} : memref<104x64xf32, #tpu.memory_space<vmem>>, vector<1x16xf32>,
        %add3A_519 = arith.constant 3 : i32
        %add3A_520 = arith.addi %add3A_234, %add3A_519 : i32
        %get3A_521 = arith.index_cast %add3A_520 : i32 to index
        %get3A_522 = arith.constant 16 : index
        %get3A_523 = tpu.vector_load %arg12[%get3A_521, %get3A_522] {strides = array<i32>} : memref<104x128xf32, #tpu.memory_space<vmem>>, vector<1x16xf32>,
        %get3A_524 = vector.shape_cast %get3A_523 : vector<1x16xf32> to vector<16xf32>
        %add3A_525 = arith.constant 104 : i32
        %add3A_526 = arith.addi %add3A_525, %add3A_234 : i32
        %add3A_527 = arith.constant 3 : i32
        %add3A_528 = arith.addi %add3A_526, %add3A_527 : i32
        %get3A_529 = arith.index_cast %add3A_528 : i32 to index
        %get3A_530 = arith.constant 16 : index
        %get3A_531 = tpu.vector_load %arg8[%get3A_529, %get3A_530] {strides = array<i32>} : memref<200x64xf32, #tpu.memory_space<vmem>>, vector<1x16xf32>,
        %get3A_532 = vector.shape_cast %get3A_531 : vector<1x16xf32> to vector<16xf32>
        %add3A_533 = arith.addf %get3A_524, %get3A_532 : vector<16xf32>
        %add3A_534 = arith.constant 3 : i32
        %add3A_535 = arith.addi %add3A_234, %add3A_534 : i32
        %swap3A_536 = arith.index_cast %add3A_535 : i32 to index
        %swap3A_537 = arith.constant 16 : index
        %swap3A_538 = tpu.vector_load %arg14[%swap3A_536, %swap3A_537] {strides = array<i32>} : memref<104x64xf32, #tpu.memory_space<vmem>>, vector<1x16xf32>,
        %swap3A_539 = vector.shape_cast %swap3A_538 : vector<1x16xf32> to vector<16xf32>
        %swap3A_540 = vector.shape_cast %add3A_533 : vector<16xf32> to vector<1x16xf32>
        tpu.vector_store %arg14[%swap3A_536, %swap3A_537], %swap3A_540 {strides = array<i32>} : memref<104x64xf32, #tpu.memory_space<vmem>>, vector<1x16xf32>,
        %add3A_541 = arith.constant 3 : i32
        %add3A_542 = arith.addi %add3A_234, %add3A_541 : i32
        %get3A_543 = arith.index_cast %add3A_542 : i32 to index
        %get3A_544 = arith.constant 32 : index
        %get3A_545 = tpu.vector_load %arg12[%get3A_543, %get3A_544] {strides = array<i32>} : memref<104x128xf32, #tpu.memory_space<vmem>>, vector<1x16xf32>,
        %get3A_546 = vector.shape_cast %get3A_545 : vector<1x16xf32> to vector<16xf32>
        %add3A_547 = arith.constant 104 : i32
        %add3A_548 = arith.addi %add3A_547, %add3A_234 : i32
        %add3A_549 = arith.constant 3 : i32
        %add3A_550 = arith.addi %add3A_548, %add3A_549 : i32
        %get3A_551 = arith.index_cast %add3A_550 : i32 to index
        %get3A_552 = arith.constant 32 : index
        %get3A_553 = tpu.vector_load %arg8[%get3A_551, %get3A_552] {strides = array<i32>} : memref<200x64xf32, #tpu.memory_space<vmem>>, vector<1x16xf32>,
        %get3A_554 = vector.shape_cast %get3A_553 : vector<1x16xf32> to vector<16xf32>
        %add3A_555 = arith.addf %get3A_546, %get3A_554 : vector<16xf32>
        %add3A_556 = arith.constant 3 : i32
        %add3A_557 = arith.addi %add3A_234, %add3A_556 : i32
        %swap3A_558 = arith.index_cast %add3A_557 : i32 to index
        %swap3A_559 = arith.constant 32 : index
        %swap3A_560 = tpu.vector_load %arg14[%swap3A_558, %swap3A_559] {strides = array<i32>} : memref<104x64xf32, #tpu.memory_space<vmem>>, vector<1x16xf32>,
        %swap3A_561 = vector.shape_cast %swap3A_560 : vector<1x16xf32> to vector<16xf32>
        %swap3A_562 = vector.shape_cast %add3A_555 : vector<16xf32> to vector<1x16xf32>
        tpu.vector_store %arg14[%swap3A_558, %swap3A_559], %swap3A_562 {strides = array<i32>} : memref<104x64xf32, #tpu.memory_space<vmem>>, vector<1x16xf32>,
        %add3A_563 = arith.constant 3 : i32
        %add3A_564 = arith.addi %add3A_234, %add3A_563 : i32
        %get3A_565 = arith.index_cast %add3A_564 : i32 to index
        %get3A_566 = arith.constant 48 : index
        %get3A_567 = tpu.vector_load %arg12[%get3A_565, %get3A_566] {strides = array<i32>} : memref<104x128xf32, #tpu.memory_space<vmem>>, vector<1x16xf32>,
        %get3A_568 = vector.shape_cast %get3A_567 : vector<1x16xf32> to vector<16xf32>
        %add3A_569 = arith.constant 104 : i32
        %add3A_570 = arith.addi %add3A_569, %add3A_234 : i32
        %add3A_571 = arith.constant 3 : i32
        %add3A_572 = arith.addi %add3A_570, %add3A_571 : i32
        %get3A_573 = arith.index_cast %add3A_572 : i32 to index
        %get3A_574 = arith.constant 48 : index
        %get3A_575 = tpu.vector_load %arg8[%get3A_573, %get3A_574] {strides = array<i32>} : memref<200x64xf32, #tpu.memory_space<vmem>>, vector<1x16xf32>,
        %get3A_576 = vector.shape_cast %get3A_575 : vector<1x16xf32> to vector<16xf32>
        %add3A_577 = arith.addf %get3A_568, %get3A_576 : vector<16xf32>
        %add3A_578 = arith.constant 3 : i32
        %add3A_579 = arith.addi %add3A_234, %add3A_578 : i32
        %swap3A_580 = arith.index_cast %add3A_579 : i32 to index
        %swap3A_581 = arith.constant 48 : index
        %swap3A_582 = tpu.vector_load %arg14[%swap3A_580, %swap3A_581] {strides = array<i32>} : memref<104x64xf32, #tpu.memory_space<vmem>>, vector<1x16xf32>,
        %swap3A_583 = vector.shape_cast %swap3A_582 : vector<1x16xf32> to vector<16xf32>
        %swap3A_584 = vector.shape_cast %add3A_577 : vector<16xf32> to vector<1x16xf32>
        tpu.vector_store %arg14[%swap3A_580, %swap3A_581], %swap3A_584 {strides = array<i32>} : memref<104x64xf32, #tpu.memory_space<vmem>>, vector<1x16xf32>,
        %add3A_585 = arith.constant 4 : i32
        %add3A_586 = arith.addi %add3A_234, %add3A_585 : i32
        %get3A_587 = arith.index_cast %add3A_586 : i32 to index
        %get3A_588 = arith.constant 0 : index
        %get3A_589 = tpu.vector_load %arg12[%get3A_587, %get3A_588] {strides = array<i32>} : memref<104x128xf32, #tpu.memory_space<vmem>>, vector<1x16xf32>,
        %get3A_590 = vector.shape_cast %get3A_589 : vector<1x16xf32> to vector<16xf32>
        %add3A_591 = arith.constant 104 : i32
        %add3A_592 = arith.addi %add3A_591, %add3A_234 : i32
        %add3A_593 = arith.constant 4 : i32
        %add3A_594 = arith.addi %add3A_592, %add3A_593 : i32
        %get3A_595 = arith.index_cast %add3A_594 : i32 to index
        %get3A_596 = arith.constant 0 : index
        %get3A_597 = tpu.vector_load %arg8[%get3A_595, %get3A_596] {strides = array<i32>} : memref<200x64xf32, #tpu.memory_space<vmem>>, vector<1x16xf32>,
        %get3A_598 = vector.shape_cast %get3A_597 : vector<1x16xf32> to vector<16xf32>
        %add3A_599 = arith.addf %get3A_590, %get3A_598 : vector<16xf32>
        %add3A_600 = arith.constant 4 : i32
        %add3A_601 = arith.addi %add3A_234, %add3A_600 : i32
        %swap3A_602 = arith.index_cast %add3A_601 : i32 to index
        %swap3A_603 = arith.constant 0 : index
        %swap3A_604 = tpu.vector_load %arg14[%swap3A_602, %swap3A_603] {strides = array<i32>} : memref<104x64xf32, #tpu.memory_space<vmem>>, vector<1x16xf32>,
        %swap3A_605 = vector.shape_cast %swap3A_604 : vector<1x16xf32> to vector<16xf32>
        %swap3A_606 = vector.shape_cast %add3A_599 : vector<16xf32> to vector<1x16xf32>
        tpu.vector_store %arg14[%swap3A_602, %swap3A_603], %swap3A_606 {strides = array<i32>} : memref<104x64xf32, #tpu.memory_space<vmem>>, vector<1x16xf32>,
        %add3A_607 = arith.constant 4 : i32
        %add3A_608 = arith.addi %add3A_234, %add3A_607 : i32
        %get3A_609 = arith.index_cast %add3A_608 : i32 to index
        %get3A_610 = arith.constant 16 : index
        %get3A_611 = tpu.vector_load %arg12[%get3A_609, %get3A_610] {strides = array<i32>} : memref<104x128xf32, #tpu.memory_space<vmem>>, vector<1x16xf32>,
        %get3A_612 = vector.shape_cast %get3A_611 : vector<1x16xf32> to vector<16xf32>
        %add3A_613 = arith.constant 104 : i32
        %add3A_614 = arith.addi %add3A_613, %add3A_234 : i32
        %add3A_615 = arith.constant 4 : i32
        %add3A_616 = arith.addi %add3A_614, %add3A_615 : i32
        %get3A_617 = arith.index_cast %add3A_616 : i32 to index
        %get3A_618 = arith.constant 16 : index
        %get3A_619 = tpu.vector_load %arg8[%get3A_617, %get3A_618] {strides = array<i32>} : memref<200x64xf32, #tpu.memory_space<vmem>>, vector<1x16xf32>,
        %get3A_620 = vector.shape_cast %get3A_619 : vector<1x16xf32> to vector<16xf32>
        %add3A_621 = arith.addf %get3A_612, %get3A_620 : vector<16xf32>
        %add3A_622 = arith.constant 4 : i32
        %add3A_623 = arith.addi %add3A_234, %add3A_622 : i32
        %swap3A_624 = arith.index_cast %add3A_623 : i32 to index
        %swap3A_625 = arith.constant 16 : index
        %swap3A_626 = tpu.vector_load %arg14[%swap3A_624, %swap3A_625] {strides = array<i32>} : memref<104x64xf32, #tpu.memory_space<vmem>>, vector<1x16xf32>,
        %swap3A_627 = vector.shape_cast %swap3A_626 : vector<1x16xf32> to vector<16xf32>
        %swap3A_628 = vector.shape_cast %add3A_621 : vector<16xf32> to vector<1x16xf32>
        tpu.vector_store %arg14[%swap3A_624, %swap3A_625], %swap3A_628 {strides = array<i32>} : memref<104x64xf32, #tpu.memory_space<vmem>>, vector<1x16xf32>,
        %add3A_629 = arith.constant 4 : i32
        %add3A_630 = arith.addi %add3A_234, %add3A_629 : i32
        %get3A_631 = arith.index_cast %add3A_630 : i32 to index
        %get3A_632 = arith.constant 32 : index
        %get3A_633 = tpu.vector_load %arg12[%get3A_631, %get3A_632] {strides = array<i32>} : memref<104x128xf32, #tpu.memory_space<vmem>>, vector<1x16xf32>,
        %get3A_634 = vector.shape_cast %get3A_633 : vector<1x16xf32> to vector<16xf32>
        %add3A_635 = arith.constant 104 : i32
        %add3A_636 = arith.addi %add3A_635, %add3A_234 : i32
        %add3A_637 = arith.constant 4 : i32
        %add3A_638 = arith.addi %add3A_636, %add3A_637 : i32
        %get3A_639 = arith.index_cast %add3A_638 : i32 to index
        %get3A_640 = arith.constant 32 : index
        %get3A_641 = tpu.vector_load %arg8[%get3A_639, %get3A_640] {strides = array<i32>} : memref<200x64xf32, #tpu.memory_space<vmem>>, vector<1x16xf32>,
        %get3A_642 = vector.shape_cast %get3A_641 : vector<1x16xf32> to vector<16xf32>
        %add3A_643 = arith.addf %get3A_634, %get3A_642 : vector<16xf32>
        %add3A_644 = arith.constant 4 : i32
        %add3A_645 = arith.addi %add3A_234, %add3A_644 : i32
        %swap3A_646 = arith.index_cast %add3A_645 : i32 to index
        %swap3A_647 = arith.constant 32 : index
        %swap3A_648 = tpu.vector_load %arg14[%swap3A_646, %swap3A_647] {strides = array<i32>} : memref<104x64xf32, #tpu.memory_space<vmem>>, vector<1x16xf32>,
        %swap3A_649 = vector.shape_cast %swap3A_648 : vector<1x16xf32> to vector<16xf32>
        %swap3A_650 = vector.shape_cast %add3A_643 : vector<16xf32> to vector<1x16xf32>
        tpu.vector_store %arg14[%swap3A_646, %swap3A_647], %swap3A_650 {strides = array<i32>} : memref<104x64xf32, #tpu.memory_space<vmem>>, vector<1x16xf32>,
        %add3A_651 = arith.constant 4 : i32
        %add3A_652 = arith.addi %add3A_234, %add3A_651 : i32
        %get3A_653 = arith.index_cast %add3A_652 : i32 to index
        %get3A_654 = arith.constant 48 : index
        %get3A_655 = tpu.vector_load %arg12[%get3A_653, %get3A_654] {strides = array<i32>} : memref<104x128xf32, #tpu.memory_space<vmem>>, vector<1x16xf32>,
        %get3A_656 = vector.shape_cast %get3A_655 : vector<1x16xf32> to vector<16xf32>
        %add3A_657 = arith.constant 104 : i32
        %add3A_658 = arith.addi %add3A_657, %add3A_234 : i32
        %add3A_659 = arith.constant 4 : i32
        %add3A_660 = arith.addi %add3A_658, %add3A_659 : i32
        %get3A_661 = arith.index_cast %add3A_660 : i32 to index
        %get3A_662 = arith.constant 48 : index
        %get3A_663 = tpu.vector_load %arg8[%get3A_661, %get3A_662] {strides = array<i32>} : memref<200x64xf32, #tpu.memory_space<vmem>>, vector<1x16xf32>,
        %get3A_664 = vector.shape_cast %get3A_663 : vector<1x16xf32> to vector<16xf32>
        %add3A_665 = arith.addf %get3A_656, %get3A_664 : vector<16xf32>
        %add3A_666 = arith.constant 4 : i32
        %add3A_667 = arith.addi %add3A_234, %add3A_666 : i32
        %swap3A_668 = arith.index_cast %add3A_667 : i32 to index
        %swap3A_669 = arith.constant 48 : index
        %swap3A_670 = tpu.vector_load %arg14[%swap3A_668, %swap3A_669] {strides = array<i32>} : memref<104x64xf32, #tpu.memory_space<vmem>>, vector<1x16xf32>,
        %swap3A_671 = vector.shape_cast %swap3A_670 : vector<1x16xf32> to vector<16xf32>
        %swap3A_672 = vector.shape_cast %add3A_665 : vector<16xf32> to vector<1x16xf32>
        tpu.vector_store %arg14[%swap3A_668, %swap3A_669], %swap3A_672 {strides = array<i32>} : memref<104x64xf32, #tpu.memory_space<vmem>>, vector<1x16xf32>,
        %add3A_673 = arith.constant 5 : i32
        %add3A_674 = arith.addi %add3A_234, %add3A_673 : i32
        %get3A_675 = arith.index_cast %add3A_674 : i32 to index
        %get3A_676 = arith.constant 0 : index
        %get3A_677 = tpu.vector_load %arg12[%get3A_675, %get3A_676] {strides = array<i32>} : memref<104x128xf32, #tpu.memory_space<vmem>>, vector<1x16xf32>,
        %get3A_678 = vector.shape_cast %get3A_677 : vector<1x16xf32> to vector<16xf32>
        %add3A_679 = arith.constant 104 : i32
        %add3A_680 = arith.addi %add3A_679, %add3A_234 : i32
        %add3A_681 = arith.constant 5 : i32
        %add3A_682 = arith.addi %add3A_680, %add3A_681 : i32
        %get3A_683 = arith.index_cast %add3A_682 : i32 to index
        %get3A_684 = arith.constant 0 : index
        %get3A_685 = tpu.vector_load %arg8[%get3A_683, %get3A_684] {strides = array<i32>} : memref<200x64xf32, #tpu.memory_space<vmem>>, vector<1x16xf32>,
        %get3A_686 = vector.shape_cast %get3A_685 : vector<1x16xf32> to vector<16xf32>
        %add3A_687 = arith.addf %get3A_678, %get3A_686 : vector<16xf32>
        %add3A_688 = arith.constant 5 : i32
        %add3A_689 = arith.addi %add3A_234, %add3A_688 : i32
        %swap3A_690 = arith.index_cast %add3A_689 : i32 to index
        %swap3A_691 = arith.constant 0 : index
        %swap3A_692 = tpu.vector_load %arg14[%swap3A_690, %swap3A_691] {strides = array<i32>} : memref<104x64xf32, #tpu.memory_space<vmem>>, vector<1x16xf32>,
        %swap3A_693 = vector.shape_cast %swap3A_692 : vector<1x16xf32> to vector<16xf32>
        %swap3A_694 = vector.shape_cast %add3A_687 : vector<16xf32> to vector<1x16xf32>
        tpu.vector_store %arg14[%swap3A_690, %swap3A_691], %swap3A_694 {strides = array<i32>} : memref<104x64xf32, #tpu.memory_space<vmem>>, vector<1x16xf32>,
        %add3A_695 = arith.constant 5 : i32
        %add3A_696 = arith.addi %add3A_234, %add3A_695 : i32
        %get3A_697 = arith.index_cast %add3A_696 : i32 to index
        %get3A_698 = arith.constant 16 : index
        %get3A_699 = tpu.vector_load %arg12[%get3A_697, %get3A_698] {strides = array<i32>} : memref<104x128xf32, #tpu.memory_space<vmem>>, vector<1x16xf32>,
        %get3A_700 = vector.shape_cast %get3A_699 : vector<1x16xf32> to vector<16xf32>
        %add3A_701 = arith.constant 104 : i32
        %add3A_702 = arith.addi %add3A_701, %add3A_234 : i32
        %add3A_703 = arith.constant 5 : i32
        %add3A_704 = arith.addi %add3A_702, %add3A_703 : i32
        %get3A_705 = arith.index_cast %add3A_704 : i32 to index
        %get3A_706 = arith.constant 16 : index
        %get3A_707 = tpu.vector_load %arg8[%get3A_705, %get3A_706] {strides = array<i32>} : memref<200x64xf32, #tpu.memory_space<vmem>>, vector<1x16xf32>,
        %get3A_708 = vector.shape_cast %get3A_707 : vector<1x16xf32> to vector<16xf32>
        %add3A_709 = arith.addf %get3A_700, %get3A_708 : vector<16xf32>
        %add3A_710 = arith.constant 5 : i32
        %add3A_711 = arith.addi %add3A_234, %add3A_710 : i32
        %swap3A_712 = arith.index_cast %add3A_711 : i32 to index
        %swap3A_713 = arith.constant 16 : index
        %swap3A_714 = tpu.vector_load %arg14[%swap3A_712, %swap3A_713] {strides = array<i32>} : memref<104x64xf32, #tpu.memory_space<vmem>>, vector<1x16xf32>,
        %swap3A_715 = vector.shape_cast %swap3A_714 : vector<1x16xf32> to vector<16xf32>
        %swap3A_716 = vector.shape_cast %add3A_709 : vector<16xf32> to vector<1x16xf32>
        tpu.vector_store %arg14[%swap3A_712, %swap3A_713], %swap3A_716 {strides = array<i32>} : memref<104x64xf32, #tpu.memory_space<vmem>>, vector<1x16xf32>,
        %add3A_717 = arith.constant 5 : i32
        %add3A_718 = arith.addi %add3A_234, %add3A_717 : i32
        %get3A_719 = arith.index_cast %add3A_718 : i32 to index
        %get3A_720 = arith.constant 32 : index
        %get3A_721 = tpu.vector_load %arg12[%get3A_719, %get3A_720] {strides = array<i32>} : memref<104x128xf32, #tpu.memory_space<vmem>>, vector<1x16xf32>,
        %get3A_722 = vector.shape_cast %get3A_721 : vector<1x16xf32> to vector<16xf32>
        %add3A_723 = arith.constant 104 : i32
        %add3A_724 = arith.addi %add3A_723, %add3A_234 : i32
        %add3A_725 = arith.constant 5 : i32
        %add3A_726 = arith.addi %add3A_724, %add3A_725 : i32
        %get3A_727 = arith.index_cast %add3A_726 : i32 to index
        %get3A_728 = arith.constant 32 : index
        %get3A_729 = tpu.vector_load %arg8[%get3A_727, %get3A_728] {strides = array<i32>} : memref<200x64xf32, #tpu.memory_space<vmem>>, vector<1x16xf32>,
        %get3A_730 = vector.shape_cast %get3A_729 : vector<1x16xf32> to vector<16xf32>
        %add3A_731 = arith.addf %get3A_722, %get3A_730 : vector<16xf32>
        %add3A_732 = arith.constant 5 : i32
        %add3A_733 = arith.addi %add3A_234, %add3A_732 : i32
        %swap3A_734 = arith.index_cast %add3A_733 : i32 to index
        %swap3A_735 = arith.constant 32 : index
        %swap3A_736 = tpu.vector_load %arg14[%swap3A_734, %swap3A_735] {strides = array<i32>} : memref<104x64xf32, #tpu.memory_space<vmem>>, vector<1x16xf32>,
        %swap3A_737 = vector.shape_cast %swap3A_736 : vector<1x16xf32> to vector<16xf32>
        %swap3A_738 = vector.shape_cast %add3A_731 : vector<16xf32> to vector<1x16xf32>
        tpu.vector_store %arg14[%swap3A_734, %swap3A_735], %swap3A_738 {strides = array<i32>} : memref<104x64xf32, #tpu.memory_space<vmem>>, vector<1x16xf32>,
        %add3A_739 = arith.constant 5 : i32
        %add3A_740 = arith.addi %add3A_234, %add3A_739 : i32
        %get3A_741 = arith.index_cast %add3A_740 : i32 to index
        %get3A_742 = arith.constant 48 : index
        %get3A_743 = tpu.vector_load %arg12[%get3A_741, %get3A_742] {strides = array<i32>} : memref<104x128xf32, #tpu.memory_space<vmem>>, vector<1x16xf32>,
        %get3A_744 = vector.shape_cast %get3A_743 : vector<1x16xf32> to vector<16xf32>
        %add3A_745 = arith.constant 104 : i32
        %add3A_746 = arith.addi %add3A_745, %add3A_234 : i32
        %add3A_747 = arith.constant 5 : i32
        %add3A_748 = arith.addi %add3A_746, %add3A_747 : i32
        %get3A_749 = arith.index_cast %add3A_748 : i32 to index
        %get3A_750 = arith.constant 48 : index
        %get3A_751 = tpu.vector_load %arg8[%get3A_749, %get3A_750] {strides = array<i32>} : memref<200x64xf32, #tpu.memory_space<vmem>>, vector<1x16xf32>,
        %get3A_752 = vector.shape_cast %get3A_751 : vector<1x16xf32> to vector<16xf32>
        %add3A_753 = arith.addf %get3A_744, %get3A_752 : vector<16xf32>
        %add3A_754 = arith.constant 5 : i32
        %add3A_755 = arith.addi %add3A_234, %add3A_754 : i32
        %swap3A_756 = arith.index_cast %add3A_755 : i32 to index
        %swap3A_757 = arith.constant 48 : index
        %swap3A_758 = tpu.vector_load %arg14[%swap3A_756, %swap3A_757] {strides = array<i32>} : memref<104x64xf32, #tpu.memory_space<vmem>>, vector<1x16xf32>,
        %swap3A_759 = vector.shape_cast %swap3A_758 : vector<1x16xf32> to vector<16xf32>
        %swap3A_760 = vector.shape_cast %add3A_753 : vector<16xf32> to vector<1x16xf32>
        tpu.vector_store %arg14[%swap3A_756, %swap3A_757], %swap3A_760 {strides = array<i32>} : memref<104x64xf32, #tpu.memory_space<vmem>>, vector<1x16xf32>,
        %add3A_761 = arith.constant 6 : i32
        %add3A_762 = arith.addi %add3A_234, %add3A_761 : i32
        %get3A_763 = arith.index_cast %add3A_762 : i32 to index
        %get3A_764 = arith.constant 0 : index
        %get3A_765 = tpu.vector_load %arg12[%get3A_763, %get3A_764] {strides = array<i32>} : memref<104x128xf32, #tpu.memory_space<vmem>>, vector<1x16xf32>,
        %get3A_766 = vector.shape_cast %get3A_765 : vector<1x16xf32> to vector<16xf32>
        %add3A_767 = arith.constant 104 : i32
        %add3A_768 = arith.addi %add3A_767, %add3A_234 : i32
        %add3A_769 = arith.constant 6 : i32
        %add3A_770 = arith.addi %add3A_768, %add3A_769 : i32
        %get3A_771 = arith.index_cast %add3A_770 : i32 to index
        %get3A_772 = arith.constant 0 : index
        %get3A_773 = tpu.vector_load %arg8[%get3A_771, %get3A_772] {strides = array<i32>} : memref<200x64xf32, #tpu.memory_space<vmem>>, vector<1x16xf32>,
        %get3A_774 = vector.shape_cast %get3A_773 : vector<1x16xf32> to vector<16xf32>
        %add3A_775 = arith.addf %get3A_766, %get3A_774 : vector<16xf32>
        %add3A_776 = arith.constant 6 : i32
        %add3A_777 = arith.addi %add3A_234, %add3A_776 : i32
        %swap3A_778 = arith.index_cast %add3A_777 : i32 to index
        %swap3A_779 = arith.constant 0 : index
        %swap3A_780 = tpu.vector_load %arg14[%swap3A_778, %swap3A_779] {strides = array<i32>} : memref<104x64xf32, #tpu.memory_space<vmem>>, vector<1x16xf32>,
        %swap3A_781 = vector.shape_cast %swap3A_780 : vector<1x16xf32> to vector<16xf32>
        %swap3A_782 = vector.shape_cast %add3A_775 : vector<16xf32> to vector<1x16xf32>
        tpu.vector_store %arg14[%swap3A_778, %swap3A_779], %swap3A_782 {strides = array<i32>} : memref<104x64xf32, #tpu.memory_space<vmem>>, vector<1x16xf32>,
        %add3A_783 = arith.constant 6 : i32
        %add3A_784 = arith.addi %add3A_234, %add3A_783 : i32
        %get3A_785 = arith.index_cast %add3A_784 : i32 to index
        %get3A_786 = arith.constant 16 : index
        %get3A_787 = tpu.vector_load %arg12[%get3A_785, %get3A_786] {strides = array<i32>} : memref<104x128xf32, #tpu.memory_space<vmem>>, vector<1x16xf32>,
        %get3A_788 = vector.shape_cast %get3A_787 : vector<1x16xf32> to vector<16xf32>
        %add3A_789 = arith.constant 104 : i32
        %add3A_790 = arith.addi %add3A_789, %add3A_234 : i32
        %add3A_791 = arith.constant 6 : i32
        %add3A_792 = arith.addi %add3A_790, %add3A_791 : i32
        %get3A_793 = arith.index_cast %add3A_792 : i32 to index
        %get3A_794 = arith.constant 16 : index
        %get3A_795 = tpu.vector_load %arg8[%get3A_793, %get3A_794] {strides = array<i32>} : memref<200x64xf32, #tpu.memory_space<vmem>>, vector<1x16xf32>,
        %get3A_796 = vector.shape_cast %get3A_795 : vector<1x16xf32> to vector<16xf32>
        %add3A_797 = arith.addf %get3A_788, %get3A_796 : vector<16xf32>
        %add3A_798 = arith.constant 6 : i32
        %add3A_799 = arith.addi %add3A_234, %add3A_798 : i32
        %swap3A_800 = arith.index_cast %add3A_799 : i32 to index
        %swap3A_801 = arith.constant 16 : index
        %swap3A_802 = tpu.vector_load %arg14[%swap3A_800, %swap3A_801] {strides = array<i32>} : memref<104x64xf32, #tpu.memory_space<vmem>>, vector<1x16xf32>,
        %swap3A_803 = vector.shape_cast %swap3A_802 : vector<1x16xf32> to vector<16xf32>
        %swap3A_804 = vector.shape_cast %add3A_797 : vector<16xf32> to vector<1x16xf32>
        tpu.vector_store %arg14[%swap3A_800, %swap3A_801], %swap3A_804 {strides = array<i32>} : memref<104x64xf32, #tpu.memory_space<vmem>>, vector<1x16xf32>,
        %add3A_805 = arith.constant 6 : i32
        %add3A_806 = arith.addi %add3A_234, %add3A_805 : i32
        %get3A_807 = arith.index_cast %add3A_806 : i32 to index
        %get3A_808 = arith.constant 32 : index
        %get3A_809 = tpu.vector_load %arg12[%get3A_807, %get3A_808] {strides = array<i32>} : memref<104x128xf32, #tpu.memory_space<vmem>>, vector<1x16xf32>,
        %get3A_810 = vector.shape_cast %get3A_809 : vector<1x16xf32> to vector<16xf32>
        %add3A_811 = arith.constant 104 : i32
        %add3A_812 = arith.addi %add3A_811, %add3A_234 : i32
        %add3A_813 = arith.constant 6 : i32
        %add3A_814 = arith.addi %add3A_812, %add3A_813 : i32
        %get3A_815 = arith.index_cast %add3A_814 : i32 to index
        %get3A_816 = arith.constant 32 : index
        %get3A_817 = tpu.vector_load %arg8[%get3A_815, %get3A_816] {strides = array<i32>} : memref<200x64xf32, #tpu.memory_space<vmem>>, vector<1x16xf32>,
        %get3A_818 = vector.shape_cast %get3A_817 : vector<1x16xf32> to vector<16xf32>
        %add3A_819 = arith.addf %get3A_810, %get3A_818 : vector<16xf32>
        %add3A_820 = arith.constant 6 : i32
        %add3A_821 = arith.addi %add3A_234, %add3A_820 : i32
        %swap3A_822 = arith.index_cast %add3A_821 : i32 to index
        %swap3A_823 = arith.constant 32 : index
        %swap3A_824 = tpu.vector_load %arg14[%swap3A_822, %swap3A_823] {strides = array<i32>} : memref<104x64xf32, #tpu.memory_space<vmem>>, vector<1x16xf32>,
        %swap3A_825 = vector.shape_cast %swap3A_824 : vector<1x16xf32> to vector<16xf32>
        %swap3A_826 = vector.shape_cast %add3A_819 : vector<16xf32> to vector<1x16xf32>
        tpu.vector_store %arg14[%swap3A_822, %swap3A_823], %swap3A_826 {strides = array<i32>} : memref<104x64xf32, #tpu.memory_space<vmem>>, vector<1x16xf32>,
        %add3A_827 = arith.constant 6 : i32
        %add3A_828 = arith.addi %add3A_234, %add3A_827 : i32
        %get3A_829 = arith.index_cast %add3A_828 : i32 to index
        %get3A_830 = arith.constant 48 : index
        %get3A_831 = tpu.vector_load %arg12[%get3A_829, %get3A_830] {strides = array<i32>} : memref<104x128xf32, #tpu.memory_space<vmem>>, vector<1x16xf32>,
        %get3A_832 = vector.shape_cast %get3A_831 : vector<1x16xf32> to vector<16xf32>
        %add3A_833 = arith.constant 104 : i32
        %add3A_834 = arith.addi %add3A_833, %add3A_234 : i32
        %add3A_835 = arith.constant 6 : i32
        %add3A_836 = arith.addi %add3A_834, %add3A_835 : i32
        %get3A_837 = arith.index_cast %add3A_836 : i32 to index
        %get3A_838 = arith.constant 48 : index
        %get3A_839 = tpu.vector_load %arg8[%get3A_837, %get3A_838] {strides = array<i32>} : memref<200x64xf32, #tpu.memory_space<vmem>>, vector<1x16xf32>,
        %get3A_840 = vector.shape_cast %get3A_839 : vector<1x16xf32> to vector<16xf32>
        %add3A_841 = arith.addf %get3A_832, %get3A_840 : vector<16xf32>
        %add3A_842 = arith.constant 6 : i32
        %add3A_843 = arith.addi %add3A_234, %add3A_842 : i32
        %swap3A_844 = arith.index_cast %add3A_843 : i32 to index
        %swap3A_845 = arith.constant 48 : index
        %swap3A_846 = tpu.vector_load %arg14[%swap3A_844, %swap3A_845] {strides = array<i32>} : memref<104x64xf32, #tpu.memory_space<vmem>>, vector<1x16xf32>,
        %swap3A_847 = vector.shape_cast %swap3A_846 : vector<1x16xf32> to vector<16xf32>
        %swap3A_848 = vector.shape_cast %add3A_841 : vector<16xf32> to vector<1x16xf32>
        tpu.vector_store %arg14[%swap3A_844, %swap3A_845], %swap3A_848 {strides = array<i32>} : memref<104x64xf32, #tpu.memory_space<vmem>>, vector<1x16xf32>,
        %add3A_849 = arith.constant 7 : i32
        %add3A_850 = arith.addi %add3A_234, %add3A_849 : i32
        %get3A_851 = arith.index_cast %add3A_850 : i32 to index
        %get3A_852 = arith.constant 0 : index
        %get3A_853 = tpu.vector_load %arg12[%get3A_851, %get3A_852] {strides = array<i32>} : memref<104x128xf32, #tpu.memory_space<vmem>>, vector<1x16xf32>,
        %get3A_854 = vector.shape_cast %get3A_853 : vector<1x16xf32> to vector<16xf32>
        %add3A_855 = arith.constant 104 : i32
        %add3A_856 = arith.addi %add3A_855, %add3A_234 : i32
        %add3A_857 = arith.constant 7 : i32
        %add3A_858 = arith.addi %add3A_856, %add3A_857 : i32
        %get3A_859 = arith.index_cast %add3A_858 : i32 to index
        %get3A_860 = arith.constant 0 : index
        %get3A_861 = tpu.vector_load %arg8[%get3A_859, %get3A_860] {strides = array<i32>} : memref<200x64xf32, #tpu.memory_space<vmem>>, vector<1x16xf32>,
        %get3A_862 = vector.shape_cast %get3A_861 : vector<1x16xf32> to vector<16xf32>
        %add3A_863 = arith.addf %get3A_854, %get3A_862 : vector<16xf32>
        %add3A_864 = arith.constant 7 : i32
        %add3A_865 = arith.addi %add3A_234, %add3A_864 : i32
        %swap3A_866 = arith.index_cast %add3A_865 : i32 to index
        %swap3A_867 = arith.constant 0 : index
        %swap3A_868 = tpu.vector_load %arg14[%swap3A_866, %swap3A_867] {strides = array<i32>} : memref<104x64xf32, #tpu.memory_space<vmem>>, vector<1x16xf32>,
        %swap3A_869 = vector.shape_cast %swap3A_868 : vector<1x16xf32> to vector<16xf32>
        %swap3A_870 = vector.shape_cast %add3A_863 : vector<16xf32> to vector<1x16xf32>
        tpu.vector_store %arg14[%swap3A_866, %swap3A_867], %swap3A_870 {strides = array<i32>} : memref<104x64xf32, #tpu.memory_space<vmem>>, vector<1x16xf32>,
        %add3A_871 = arith.constant 7 : i32
        %add3A_872 = arith.addi %add3A_234, %add3A_871 : i32
        %get3A_873 = arith.index_cast %add3A_872 : i32 to index
        %get3A_874 = arith.constant 16 : index
        %get3A_875 = tpu.vector_load %arg12[%get3A_873, %get3A_874] {strides = array<i32>} : memref<104x128xf32, #tpu.memory_space<vmem>>, vector<1x16xf32>,
        %get3A_876 = vector.shape_cast %get3A_875 : vector<1x16xf32> to vector<16xf32>
        %add3A_877 = arith.constant 104 : i32
        %add3A_878 = arith.addi %add3A_877, %add3A_234 : i32
        %add3A_879 = arith.constant 7 : i32
        %add3A_880 = arith.addi %add3A_878, %add3A_879 : i32
        %get3A_881 = arith.index_cast %add3A_880 : i32 to index
        %get3A_882 = arith.constant 16 : index
        %get3A_883 = tpu.vector_load %arg8[%get3A_881, %get3A_882] {strides = array<i32>} : memref<200x64xf32, #tpu.memory_space<vmem>>, vector<1x16xf32>,
        %get3A_884 = vector.shape_cast %get3A_883 : vector<1x16xf32> to vector<16xf32>
        %add3A_885 = arith.addf %get3A_876, %get3A_884 : vector<16xf32>
        %add3A_886 = arith.constant 7 : i32
        %add3A_887 = arith.addi %add3A_234, %add3A_886 : i32
        %swap3A_888 = arith.index_cast %add3A_887 : i32 to index
        %swap3A_889 = arith.constant 16 : index
        %swap3A_890 = tpu.vector_load %arg14[%swap3A_888, %swap3A_889] {strides = array<i32>} : memref<104x64xf32, #tpu.memory_space<vmem>>, vector<1x16xf32>,
        %swap3A_891 = vector.shape_cast %swap3A_890 : vector<1x16xf32> to vector<16xf32>
        %swap3A_892 = vector.shape_cast %add3A_885 : vector<16xf32> to vector<1x16xf32>
        tpu.vector_store %arg14[%swap3A_888, %swap3A_889], %swap3A_892 {strides = array<i32>} : memref<104x64xf32, #tpu.memory_space<vmem>>, vector<1x16xf32>,
        %add3A_893 = arith.constant 7 : i32
        %add3A_894 = arith.addi %add3A_234, %add3A_893 : i32
        %get3A_895 = arith.index_cast %add3A_894 : i32 to index
        %get3A_896 = arith.constant 32 : index
        %get3A_897 = tpu.vector_load %arg12[%get3A_895, %get3A_896] {strides = array<i32>} : memref<104x128xf32, #tpu.memory_space<vmem>>, vector<1x16xf32>,
        %get3A_898 = vector.shape_cast %get3A_897 : vector<1x16xf32> to vector<16xf32>
        %add3A_899 = arith.constant 104 : i32
        %add3A_900 = arith.addi %add3A_899, %add3A_234 : i32
        %add3A_901 = arith.constant 7 : i32
        %add3A_902 = arith.addi %add3A_900, %add3A_901 : i32
        %get3A_903 = arith.index_cast %add3A_902 : i32 to index
        %get3A_904 = arith.constant 32 : index
        %get3A_905 = tpu.vector_load %arg8[%get3A_903, %get3A_904] {strides = array<i32>} : memref<200x64xf32, #tpu.memory_space<vmem>>, vector<1x16xf32>,
        %get3A_906 = vector.shape_cast %get3A_905 : vector<1x16xf32> to vector<16xf32>
        %add3A_907 = arith.addf %get3A_898, %get3A_906 : vector<16xf32>
        %add3A_908 = arith.constant 7 : i32
        %add3A_909 = arith.addi %add3A_234, %add3A_908 : i32
        %swap3A_910 = arith.index_cast %add3A_909 : i32 to index
        %swap3A_911 = arith.constant 32 : index
        %swap3A_912 = tpu.vector_load %arg14[%swap3A_910, %swap3A_911] {strides = array<i32>} : memref<104x64xf32, #tpu.memory_space<vmem>>, vector<1x16xf32>,
        %swap3A_913 = vector.shape_cast %swap3A_912 : vector<1x16xf32> to vector<16xf32>
        %swap3A_914 = vector.shape_cast %add3A_907 : vector<16xf32> to vector<1x16xf32>
        tpu.vector_store %arg14[%swap3A_910, %swap3A_911], %swap3A_914 {strides = array<i32>} : memref<104x64xf32, #tpu.memory_space<vmem>>, vector<1x16xf32>,
        %add3A_915 = arith.constant 7 : i32
        %add3A_916 = arith.addi %add3A_234, %add3A_915 : i32
        %get3A_917 = arith.index_cast %add3A_916 : i32 to index
        %get3A_918 = arith.constant 48 : index
        %get3A_919 = tpu.vector_load %arg12[%get3A_917, %get3A_918] {strides = array<i32>} : memref<104x128xf32, #tpu.memory_space<vmem>>, vector<1x16xf32>,
        %get3A_920 = vector.shape_cast %get3A_919 : vector<1x16xf32> to vector<16xf32>
        %add3A_921 = arith.constant 104 : i32
        %add3A_922 = arith.addi %add3A_921, %add3A_234 : i32
        %add3A_923 = arith.constant 7 : i32
        %add3A_924 = arith.addi %add3A_922, %add3A_923 : i32
        %get3A_925 = arith.index_cast %add3A_924 : i32 to index
        %get3A_926 = arith.constant 48 : index
        %get3A_927 = tpu.vector_load %arg8[%get3A_925, %get3A_926] {strides = array<i32>} : memref<200x64xf32, #tpu.memory_space<vmem>>, vector<1x16xf32>,
        %get3A_928 = vector.shape_cast %get3A_927 : vector<1x16xf32> to vector<16xf32>
        %add3A_929 = arith.addf %get3A_920, %get3A_928 : vector<16xf32>
        %add3A_930 = arith.constant 7 : i32
        %add3A_931 = arith.addi %add3A_234, %add3A_930 : i32
        %swap3A_932 = arith.index_cast %add3A_931 : i32 to index
        %swap3A_933 = arith.constant 48 : index
        %swap3A_934 = tpu.vector_load %arg14[%swap3A_932, %swap3A_933] {strides = array<i32>} : memref<104x64xf32, #tpu.memory_space<vmem>>, vector<1x16xf32>,
        %swap3A_935 = vector.shape_cast %swap3A_934 : vector<1x16xf32> to vector<16xf32>
        %swap3A_936 = vector.shape_cast %add3A_929 : vector<16xf32> to vector<1x16xf32>
        tpu.vector_store %arg14[%swap3A_932, %swap3A_933], %swap3A_936 {strides = array<i32>} : memref<104x64xf32, #tpu.memory_space<vmem>>, vector<1x16xf32>,
      }
      %scan3A_214 = arith.constant 12 : i32
      %add3A_215 = arith.addi %mul3A_2, %add3A_149 : i32
      %dma_start3A_216 = arith.constant 0 : i32
      %dma_start3A_217 = arith.constant 0 : i32
      %dma_start3A_218 = tpu.memref_slice %arg14[%dma_start3A_216, %dma_start3A_217] : memref<104x64xf32, #tpu.memory_space<vmem>> -> memref<96x64xf32, #tpu.memory_space<vmem>>
      %dma_start3A_219 = arith.constant 104 : i32
      %dma_start3A_220 = arith.constant 0 : i32
      %dma_start3A_221 = tpu.memref_slice %arg5[%add3A_215, %dma_start3A_219, %dma_start3A_220] : memref<1024x200x64xf32, #tpu.memory_space<hbm>> -> memref<1x96x64xf32, #tpu.memory_space<hbm>>
      %dma_start3A_222 = tpu.memref_squeeze %dma_start3A_221 : memref<1x96x64xf32, #tpu.memory_space<hbm>> -> memref<96x64xf32, #tpu.memory_space<hbm>>
      %dma_start3A_223 = arith.constant 104 : i32
      %dma_start3A_224 = arith.constant 0 : i32
      %dma_start3A_225 = tpu.memref_slice %arg5[%add3A_215, %dma_start3A_223, %dma_start3A_224] : memref<1024x200x64xf32, #tpu.memory_space<hbm>> -> memref<1x96x64xf32, #tpu.memory_space<hbm>>
      %dma_start3A_226 = tpu.memref_squeeze %dma_start3A_225 : memref<1x96x64xf32, #tpu.memory_space<hbm>> -> memref<96x64xf32, #tpu.memory_space<hbm>>
      %dma_start3A_227 = arith.constant 0 : i32
      %dma_start3A_228 = arith.constant 0 : i32
      %dma_start3A_229 = tpu.memref_slice %arg14[%dma_start3A_227, %dma_start3A_228] : memref<104x64xf32, #tpu.memory_space<vmem>> -> memref<96x64xf32, #tpu.memory_space<vmem>>
      tpu.enqueue_dma source(%dma_start3A_229 : memref<96x64xf32, #tpu.memory_space<vmem>>) target(%dma_start3A_226 : memref<96x64xf32, #tpu.memory_space<hbm>>) target_semaphore(%arg22 : memref<!tpu.dma_semaphore, #tpu.memory_space<semaphore_mem>>)
    }
    %scan3A_36 = arith.constant 16 : i32
    %dma_wait3A_37 = arith.constant 0 : i32
    %dma_wait3A_38 = arith.constant 0 : i32
    %dma_wait3A_39 = tpu.memref_slice %arg13[%dma_wait3A_37, %dma_wait3A_38] : memref<104x64xf32, #tpu.memory_space<vmem>> -> memref<104x64xf32, #tpu.memory_space<vmem>>
    %dma_wait3A_40 = arith.constant 0 : i32
    %dma_wait3A_41 = arith.constant 0 : i32
    %dma_wait3A_42 = tpu.memref_slice %arg5[%mul3A_2, %dma_wait3A_40, %dma_wait3A_41] : memref<1024x200x64xf32, #tpu.memory_space<hbm>> -> memref<1x104x64xf32, #tpu.memory_space<hbm>>
    %dma_wait3A_43 = tpu.memref_squeeze %dma_wait3A_42 : memref<1x104x64xf32, #tpu.memory_space<hbm>> -> memref<104x64xf32, #tpu.memory_space<hbm>>
    %dma_wait3A_44 = arith.constant 0 : i32
    %dma_wait3A_45 = arith.constant 0 : i32
    %dma_wait3A_46 = tpu.memref_slice %arg5[%mul3A_2, %dma_wait3A_44, %dma_wait3A_45] : memref<1024x200x64xf32, #tpu.memory_space<hbm>> -> memref<1x104x64xf32, #tpu.memory_space<hbm>>
    %dma_wait3A_47 = tpu.memref_squeeze %dma_wait3A_46 : memref<1x104x64xf32, #tpu.memory_space<hbm>> -> memref<104x64xf32, #tpu.memory_space<hbm>>
    %dma_wait3A_48 = arith.constant 0 : i32
    %dma_wait3A_49 = arith.constant 0 : i32
    %dma_wait3A_50 = tpu.memref_slice %arg13[%dma_wait3A_48, %dma_wait3A_49] : memref<104x64xf32, #tpu.memory_space<vmem>> -> memref<104x64xf32, #tpu.memory_space<vmem>>
    tpu.wait_dma2 semaphore(%arg21 : memref<!tpu.dma_semaphore, #tpu.memory_space<semaphore_mem>>) src(%dma_wait3A_50 : memref<104x64xf32, #tpu.memory_space<vmem>>) dst(%dma_wait3A_47 : memref<104x64xf32, #tpu.memory_space<hbm>>)
    %dma_wait3A_51 = arith.constant 0 : i32
    %dma_wait3A_52 = arith.constant 0 : i32
    %dma_wait3A_53 = tpu.memref_slice %arg14[%dma_wait3A_51, %dma_wait3A_52] : memref<104x64xf32, #tpu.memory_space<vmem>> -> memref<96x64xf32, #tpu.memory_space<vmem>>
    %dma_wait3A_54 = arith.constant 104 : i32
    %dma_wait3A_55 = arith.constant 0 : i32
    %dma_wait3A_56 = tpu.memref_slice %arg5[%mul3A_2, %dma_wait3A_54, %dma_wait3A_55] : memref<1024x200x64xf32, #tpu.memory_space<hbm>> -> memref<1x96x64xf32, #tpu.memory_space<hbm>>
    %dma_wait3A_57 = tpu.memref_squeeze %dma_wait3A_56 : memref<1x96x64xf32, #tpu.memory_space<hbm>> -> memref<96x64xf32, #tpu.memory_space<hbm>>
    %dma_wait3A_58 = arith.constant 104 : i32
    %dma_wait3A_59 = arith.constant 0 : i32
    %dma_wait3A_60 = tpu.memref_slice %arg5[%mul3A_2, %dma_wait3A_58, %dma_wait3A_59] : memref<1024x200x64xf32, #tpu.memory_space<hbm>> -> memref<1x96x64xf32, #tpu.memory_space<hbm>>
    %dma_wait3A_61 = tpu.memref_squeeze %dma_wait3A_60 : memref<1x96x64xf32, #tpu.memory_space<hbm>> -> memref<96x64xf32, #tpu.memory_space<hbm>>
    %dma_wait3A_62 = arith.constant 0 : i32
    %dma_wait3A_63 = arith.constant 0 : i32
    %dma_wait3A_64 = tpu.memref_slice %arg14[%dma_wait3A_62, %dma_wait3A_63] : memref<104x64xf32, #tpu.memory_space<vmem>> -> memref<96x64xf32, #tpu.memory_space<vmem>>
    tpu.wait_dma2 semaphore(%arg22 : memref<!tpu.dma_semaphore, #tpu.memory_space<semaphore_mem>>) src(%dma_wait3A_64 : memref<96x64xf32, #tpu.memory_space<vmem>>) dst(%dma_wait3A_61 : memref<96x64xf32, #tpu.memory_space<hbm>>)
    return
  }
}

</mosaic_0001>

<sc_bundles>
// kernel: kernel.3.cloned.1.call-start
scs
__scs_entry_jumppad:
0x0: {  	(pc) =	sbr.rel $0x88, $3  }
0x1: {  	(tag) =	ssettag $0x0;
	lr =	simm.s32 $0x1  }
0x2: {  	[smem:$0x3F9E] =	sst lr;
	_ =	strace $0xD0000000  }
0x3: {  	_ = 	snop  }
0x4: {  	_ = 	snop  }
0x5: {  	_ = 	snop  }
0x6: {  	_ = 	snop  }
0x7: {  	_ = 	snop  }
__scs_overlays_trampoline_lowered:
0x8: {  	[smem:$0x3FAD] =	sst s0  }
0x9: {  	[smem:$0x3FAE] =	sst s1  }
0xa: {  	[smem:$0x3FAF] =	sst s2  }
0xb: {  	[smem:$0x3FB0] =	sst s3  }
0xc: {  	[smem:$0x3FB1] =	sst s4  }
0xd: {  	[smem:$0x3FB2] =	sst s5  }
0xe: {  	[smem:$0x3FB3] =	sst s6  }
0xf: {  	[smem:$0x3FB4] =	sst s7  }
0x10: {  	[smem:$0x3FB5] =	sst s8  }
0x11: {  	[smem:$0x3FB6] =	sst s9;
	s0 =	simm.s32 @!p0 $0x0  }
0x12: {  	s1 =	sld [smem:$0x3F9C];
	s0 =	simm.s32 @p0 $0x1  }
0x13: {  	[smem:$0x3FB7] =	sst s0;
	s0 =	simm.s32 @!p1 $0x0  }
0x14: {  	s2 =	sld [smem:$0x3F9B];
	s0 =	simm.s32 @p1 $0x1  }
0x15: {  	[smem:$0x3FB8] =	sst s0;
	s0 =	simm.s32 @!p2 $0x0  }
0x16: {  	s3 =	sld [smem:$0x3FDB];
	s0 =	simm.s32 @p2 $0x1  }
0x17: {  	s4 =	simm.s32 $0x1BF5;
	[smem:$0x3FBA] =	sst s0  }
0x18: {  	s0 =	sld [smem:$0x3F9D];
	_ =	swait.ge [sflag:s4], $0x0  }
0x19: {  	s7 =	sld [smem:$0x3F9E]  }
0x1a: {  	s8 =	sadd.s32 $0xFFFFE003, lr  }
0x1b: {  	s9 =	sadd.s32 $0xFFFFFEF7, lr;
	s5 =	simm.s32 $0xFFFFFFFF;
	p2 =	slt.u32 s8, $0xFFFFF086  }
0x1c: {  	p1 =	slt.u32 s9, $0xF7A;
	s5 =	simm.s32 @!p2 $0x0  }
0x1d: {  	s5 =	simm.s32 @p1 $0x1;
	p0 =	seq.s32 s7, s2  }
0x1e: {  	s7 =	smul.u32 @!p0 $0xF7A, s2;
	p2 =	seq.s32 @!p0 s5, $0x0  }
0x1f: {  	s9 =	smul.u32 $0xF7A, s1;
	s8 =	simm.s32 @!p0 $0x1BF5;
	p2 =	por !p2, p0  }
0x20: {  	[sflag:s8] =	ssyncset.s32 @!p0 $0xFFFFF086;
	s6 =	sadd.s32 @!p0 s3, s7;
	s7 =	simm.s32 @!p0 $0x108  }
0x21: {  	s3 =	sadd.s32 s3, s9;
	s6 =	sadd.s32 @!p0 $0x88, s6;
	s7 =	simm.s32 @p2 $0x1082  }
0x22: {  	[simem:s7], [sflag:s8] =	dma.local @!p0 [hbm:s6], $0xF7A  }
0x23: {  	s9 =	sor.u32 $0xD0000000, s2;
	s6 =	simm.s32 $0x108;
	_ =	swait.ge @!p0 [sflag:s8], $0x0  }
0x24: {  	s3 =	sadd.s32 $0x88, s3;
	s6 =	simm.s32 @!p1 $0x1082;
	[sflag:s4] =	ssyncset.s32 $0xFFFFF086  }
0x25: {  	[simem:s6], [sflag:s4] =	dma.local [hbm:s3], $0xF7A  }
0x26: {  	[smem:$0x3F9E] =	sst s1;
	(tag) =	ssettag s2;
	_ =	strace s9  }
0x27: {  	s1 =	sld [smem:$0x3FAE]  }
0x28: {  	s2 =	sld [smem:$0x3FAF]  }
0x29: {  	s4 =	sld [smem:$0x3FB1]  }
0x2a: {  	p0 =	seq.s32 s5, $0x0;
	s5 =	sld [smem:$0x3FB2]  }
0x2b: {  	s6 =	sld [smem:$0x3FB3]  }
0x2c: {  	s7 =	sld [smem:$0x3FB4]  }
0x2d: {  	s3 =	simm.s32 $0x108;
	s8 =	sld [smem:$0x3FB5]  }
0x2e: {  	s3 =	simm.s32 @!p0 $0x1082;
	s9 =	sld [smem:$0x3FB6]  }
0x2f: {  	lr =	sadd.s32 s0, s3;
	s0 =	sld [smem:$0x3FAD]  }
0x30: {  	s3 =	sld [smem:$0x3FB0]  }
0x31: {  	[smem:$0x3FB9] =	sst s10  }
0x32: {  	s10 =	sld [smem:$0x3FB7];
	_ =	sdelay $0x3  }
0x33: {  	p0 =	seq.s32 s10, $0x1;
	s10 =	sld [smem:$0x3FB9];
	_ =	sdelay $0x3  }
0x34: {  	[smem:$0x3FB9] =	sst s10  }
0x35: {  	s10 =	sld [smem:$0x3FB8];
	_ =	sdelay $0x3  }
0x36: {  	p1 =	seq.s32 s10, $0x1;
	s10 =	sld [smem:$0x3FB9];
	_ =	sdelay $0x3  }
0x37: {  	[smem:$0x3FB9] =	sst s10  }
0x38: {  	s10 =	sld [smem:$0x3FBA]  }
0x39: {  	_ = 	snop;
	(pc) =	sbr.ind lr, $3  }
0x3a: {  	_ = 	snop  }
0x3b: {  	_ = 	snop  }
0x3c: {  	p2 =	seq.s32 s10, $0x1;
	s10 =	sld [smem:$0x3FB9]  }
0x3d: {  	_ =	shalt  }
0x3e: {  	_ =	shalt  }
0x3f: {  	_ =	shalt  }
0x40: {  	_ =	shalt  }
0x41: {  	_ =	shalt  }
0x42: {  	_ =	shalt  }
0x43: {  	_ =	shalt  }
0x44: {  	_ =	shalt  }
0x45: {  	_ =	shalt  }
0x46: {  	_ =	shalt  }
0x47: {  	_ =	shalt  }
0x48: {  	_ =	shalt  }
0x49: {  	_ =	shalt  }
0x4a: {  	_ =	shalt  }
0x4b: {  	_ =	shalt  }
0x4c: {  	_ =	shalt  }
0x4d: {  	_ =	shalt  }
0x4e: {  	_ =	shalt  }
0x4f: {  	_ =	shalt  }
0x50: {  	_ =	shalt  }
0x51: {  	_ =	shalt  }
0x52: {  	_ =	shalt  }
0x53: {  	_ =	shalt  }
0x54: {  	_ =	shalt  }
0x55: {  	_ =	shalt  }
0x56: {  	_ =	shalt  }
0x57: {  	_ =	shalt  }
0x58: {  	_ =	shalt  }
0x59: {  	_ =	shalt  }
0x5a: {  	_ =	shalt  }
0x5b: {  	_ =	shalt  }
0x5c: {  	_ =	shalt  }
0x5d: {  	_ =	shalt  }
0x5e: {  	_ =	shalt  }
0x5f: {  	_ =	shalt  }
0x60: {  	_ =	shalt  }
0x61: {  	_ =	shalt  }
0x62: {  	_ =	shalt  }
0x63: {  	_ =	shalt  }
0x64: {  	_ =	shalt  }
0x65: {  	_ =	shalt  }
0x66: {  	_ =	shalt  }
0x67: {  	_ =	shalt  }
0x68: {  	_ =	shalt  }
0x69: {  	_ =	shalt  }
0x6a: {  	_ =	shalt  }
0x6b: {  	_ =	shalt  }
0x6c: {  	_ =	shalt  }
0x6d: {  	_ =	shalt  }
0x6e: {  	_ =	shalt  }
0x6f: {  	_ =	shalt  }
0x70: {  	_ =	shalt  }
0x71: {  	_ =	shalt  }
0x72: {  	_ =	shalt  }
0x73: {  	_ =	shalt  }
0x74: {  	_ =	shalt  }
0x75: {  	_ =	shalt  }
0x76: {  	_ =	shalt  }
0x77: {  	_ =	shalt  }
0x78: {  	_ =	shalt  }
0x79: {  	_ =	shalt  }
0x7a: {  	_ =	shalt  }
0x7b: {  	_ =	shalt  }
0x7c: {  	_ =	shalt  }
0x7d: {  	_ =	shalt  }
0x7e: {  	_ =	shalt  }
0x7f: {  	_ =	shalt  }
0x80: {  	_ =	shalt  }
0x81: {  	_ =	shalt  }
0x82: {  	_ =	shalt  }
0x83: {  	_ =	shalt  }
0x84: {  	_ =	shalt  }
0x85: {  	_ =	shalt  }
0x86: {  	_ =	shalt  }
0x87: {  	_ =	shalt  }
.Lfunc_end0:
.L_simem_size_0:
called_computation_lowered:
.L_overlay_start_0:
0x88: {  	s2 =	sld [smem:$0x3FD9]  }
0x89: {  	s3 =	sld [smem:$0x3FFE];
	_ =	sdelay $0x1  }
0x8a: {  	s1 =	srdreg.scid  }
0x8b: {  	s0 =	sand.u32 $0x1, s1  }
0x8c: {  	s16 =	sshll.u32 s0, $0xA;
	s2 =	sadd.s32 s3, s2  }
0x8d: {  	s2 =	sadd.s32 s2, s16  }
0x8e: {  	[smem:$0x3FC5] =	sst s2  }
0x8f: {  	_ = 	snop  }
0x90: {  	(tm) =	ssettm $0x1  }
0x91: {  	s17 =	sld [smem:$0x3FFB];
	_ =	sdelay $0x3  }
0x92: {  	_ =	strace s17  }
0x93: {  	s2 =	sld [smem:$0x3FFC];
	_ =	sdelay $0x3  }
0x94: {  	_ =	strace s2  }
0x95: {  	s2 =	sld [smem:$0x3FFD];
	_ =	sdelay $0x3  }
0x96: {  	_ =	strace s2  }
0x97: {  	_ =	strace $0x8FFFFFFF  }
0x98: {  	s18 =	sld [smem:$0x3FDB];
	_ =	sdelay $0x1  }
0x99: {  	s19 =	simm.s32 $_scs_section_size  }
0x9a: {  	s4 =	simm.s32 $_size__tile_overlayer_lowered;
	s5 =	simm.s32 $_tile_overlayer_lowered  }
0x9b: {  	s22 =	simm.s32 $0x1BFF;
	s21 =	sshll.u32 s5, $0x1;
	s2 =	sadd.s32 s19, s18  }
0x9c: {  	s6 =	simm.s32 $0x0;
	s20 =	sshll.u32 s4, $0x1;
	s4 =	sadd.s32 s21, s2  }
0x9d: {  	[timem:s6], [sflag:s22] =	dma.local [hbm:s4], s20  }
0x9e: {  	_ =	swait.ge [sflag:s22], s20  }
0x9f: {  	s3 =	ssub.s32 $0x0, s20;
	[sflag:s22] =	ssyncset.done $0x0  }
0xa0: {  	[sflag:s22] =	ssyncadd.s32 s3;
	_ =	sdelay $0x1  }
0xa1: {  	s23 =	simm.s32 $0x1B8B  }
0xa2: {  	_ =	swait.ge [sflag:s23], $0x1  }
0xa3: {  	[sflag:s23] =	ssyncset.done $0x0  }
0xa4: {  	s25 =	simm.s32 $0x1B8E;
	s24 =	sld [smem:$0x3FFE];
	[sflag:s23] =	ssyncadd.s32 $0xFFFFFFFF  }
0xa5: {  	s26 =	simm.s32 $execute0_lowered;
	[smem:$0x3FD2] =	sst s25  }
0xa6: {  	s4 =	sshll.u32 s26, $0x1;
	_ =	strace $0x80000046;
	[dreg:$0x1] =	wrdreg $0xFFFFFFFF  }
0xa7: {  	s28 =	simm.s32 $_size_execute0_lowered;
	s2 =	sadd.s32 s2, s4;
	[dreg:$0x0] =	wrdreg $0x0  }
0xa8: {  	s4 =	sshll.u32 s28, $0x1;
	[dreg:$0x2] =	wrdreg s2  }
0xa9: {  	[dreg:$0x3] =	wrdreg s4  }
0xaa: {  	[dreg:$0x4] =	wrdreg $0xC0  }
0xab: {  	_ =	task [dreg:s6], $0x5FFFF  }
0xac: {  	[dreg:$0x1] =	wrdreg $0xFFFFFFFF  }
0xad: {  	[dreg:$0x0] =	wrdreg $0x60  }
0xae: {  	[dreg:$0x2] =	wrdreg s24  }
0xaf: {  	[dreg:$0x3] =	wrdreg $0x9  }
0xb0: {  	_ =	task.clear_ibuf [dreg:s6], $0x4FFFF;
	_ =	strace $0x90000046  }
0xb1: {  	s29 =	simm.s32 $0x9;
	_ =	strace $0x80000048  }
0xb2: {  	_ =	swait.ge [sflag:s29], $0x1  }
0xb3: {  	[sflag:s29] =	ssyncadd.s32 $0xFFFFFFFF  }
0xb4: {  	_ =	strace $0x90000048  }
0xb5: {  	_ =	sfence  }
0xb6: {  	s30 =	sld [smem:$0x0];
	_ =	sdelay $0x2  }
0xb7: {  	s31 =	sshll.u32 s1, $0xD;
	s1 =	sshrl.u32 s1, $0x2  }
0xb8: {  	s3 =	sand.u32 $0x4000, s31;
	s1 =	sadd.s32 s1, s30  }
0xb9: {  	s0 =	sor.u32 s3, s0;
	s1 =	sshll.u32 s1, $0x11  }
0xba: {  	s0 =	sor.u32 s1, s0  }
0xbb: {  	s0 =	sadd.s32 $0x8F2B, s0  }
0xbc: {  	[sflag:s0] =	ssyncadd.remote.s32 $0x1  }
0xbd: {  	_ =	sfence.sel $0xFFFF  }
0xbe: {  	[dreg:$0x0] =	wrdreg $0xFFFFFFFF;
	(pc) =	sbr.abs _section_cstart, $3  }
0xbf: {  	[dreg:$0x1] =	wrdreg $0xFFFFFFFF  }
0xc0: {  	_ =	task.clear_ibuf [dreg:s6], $0x2FFFF;
	_ =	strace $0x9FFFFFFF  }
0xc1: {  	(tm) =	ssettm $0x7FFFFFFF  }
tec
execute0_lowered:
.L_overlay_start_1:
0x0: {  	(tag) =	ssettag $0x1  }
0x1: {  	s0 =	rddreg [dreg:$0x0];
	s2 =	simm.s32 $0x0;
	s1 =	srdreg.scid  }
0x2: {  	s3 =	stileid.u32;
	s14 =	simm.s32 $0x9;
	s15 =	simm.s32 $0x1  }
0x3: {  	s16 =	simm.s32 $0x68;
	s18 =	simm.s32 $0x60;
	s20 =	simm.s32 $0x100  }
0x4: {  	s21 =	simm.s32 $0x2;
	s22 =	simm.s32 $0xCE00;
	s23 =	simm.s32 $0x168  }
0x5: {  	s24 =	simm.s32 $0x10200;
	s28 =	simm.s32 $0x13600;
	s29 =	simm.s32 $0x16A00  }
0x6: {  	s30 =	simm.s32 $0x7;
	s31 =	simm.s32 $0x8;
	[smem:$0x7FF] =	sst s2  }
0x7: {  	s1 =	sand.u32 $0x1, s1;
	s3 =	sshll.u32 s3, $0x1;
	s4 =	sadd.s32 $0x7600, s0  }
0x8: {  	s6 =	sadd.s32 $0x400, s0;
	_ =	strace $0x80000047;
	s5 =	sor.u32 s1, s3  }
0x9: {  	s3 =	sadd.s32 $0x1200, s0;
	[dreg:$0x2] =	wrdreg s6;
	s25 =	ssub.s32 $0x2, s1  }
0xa: {  	s8 =	smul.u32 $0x320, s5;
	s1 =	sshrl.u32 s25, $0x1;
	s7 =	sshll.u32 s5, $0x5  }
0xb: {  	s6 =	sadd.s32 $0x18E000, s0;
	s0 =	ssub.s32 s25, s1;
	s10 =	sor.u32 $0x2, s7  }
0xc: {  	s11 =	sor.u32 $0x3, s7;
	s8 =	sadd.s32 s3, s8;
	s0 =	smax.u32 s0, $0x1  }
0xd: {  	s25 =	simm.s32 $0x3;
	s26 =	sadd.s32 $0x19, s8;
	[dreg:$0x4] =	wrdreg s0  }
0xe: {  	s0 =	simm.s32 $0x0;
	[dreg:$0x3] =	wrdreg s26;
	s26 =	simm.s32 $0x4  }
.LBB2_1:
0xf: {  	s1 =	rddreg [dreg:$0x2];
	s5 =	simm.s32 $0x200  }
0x10: {  	[tilespmem:s5], [sflag:$0x9] =	stream.linear.gather [hbm4b:s1+s2], $0x6400, $0x38;
	[tilespmem:$0x19E00] =	vst v63  }
0x11: {  	_ =	swait.ge [sflag:s14], $0x6400  }
0x12: {  	[sflag:s14] =	ssyncset.done $0x0  }
0x13: {  	[sflag:s14] =	ssyncadd.s32 $0xFFFF9C00  }
0x14: {  	[tilespmem:s2], [sflag:$0x1] =	stream.linear.gather [hbm4b:s8+s2], $0xC8, $0x38;
	[tilespmem:$0x19E00] =	vst v63  }
0x15: {  	_ =	swait.ge [sflag:s15], $0xC8  }
0x16: {  	[sflag:s15] =	ssyncset.done $0x0  }
0x17: {  	s13 =	simm.s32 $0x6600;
	[sflag:s15] =	ssyncadd.s32 $0xFFFFFF38  }
0x18: {  	[tilespmem:s13], [sflag:$0x3] =	stream.indirect.gather [hbm4b:s4+s16], $0x80, s2, s16, $0xb8;
	[tilespmem:$0x19E00] =	vst v63  }
0x19: {  	s17 =	simm.s32 $0x9A00  }
0x1a: {  	[tilespmem:s17], [sflag:$0x4] =	stream.indirect.gather [hbm4b:s4+s18], $0x80, s16, s18, $0xb8;
	[tilespmem:$0x19E00] =	vst v63  }
0x1b: {  	s1 =	simm.s32 $0x0;
	s19 =	rddreg [dreg:$0x3]  }
0x1c: {  	[tilespmem:s20], [sflag:$0x2] =	stream.linear.gather [hbm4b:s19+s2], $0xC8, $0x38;
	[tilespmem:$0x19E00] =	vst v63  }
.LBB2_2:
0x1d: {  	_ =	swait.ge [sflag:s21], $0xC8  }
0x1e: {  	[sflag:s21] =	ssyncset.done $0x0  }
0x1f: {  	[sflag:s21] =	ssyncadd.s32 $0xFFFFFF38  }
0x20: {  	[tilespmem:s22], [sflag:$0x5] =	stream.indirect.gather [hbm4b:s4+s16], $0x80, s20, s16, $0xb8;
	[tilespmem:$0x19E00] =	vst v63  }
0x21: {  	p0 =	seq.s32 s1, $0xF  }
0x22: {  	[tilespmem:s24], [sflag:$0x6] =	stream.indirect.gather [hbm4b:s4+s18], $0x80, s23, s18, $0xb8;
	[tilespmem:$0x19E00] =	vst v63  }
0x23: {  	p1 =	seq.s32 @!p0 s1, $0x0;
	_ =	swait.ge [sflag:s25], $0x3400  }
0x24: {  	s17 =	sshll.u32 s1, $0x1;
	p1 =	por p0, !p1;
	[sflag:s25] =	ssyncset.done $0x0  }
.Ltmp0:
0x25: {  	s5 =	sadd.s32 @!p0 s17, s10;
	[sflag:s25] =	ssyncadd.s32 $0xFFFFCC00;
	(pc) =	sbr.rel @!p1 .LBB2_3-.Ltmp0, $4  }
0x26: {  	s5 =	smul.u32 @!p0 $0x19, s5;
	_ =	swait.ge [sflag:s26], $0x3000  }
0x27: {  	[sflag:s26] =	ssyncset.done $0x0  }
0x28: {  	s9 =	simm.s32 @!p0 $0x0;
	s5 =	sadd.s32 @!p0 s3, s5;
	[sflag:s26] =	ssyncadd.s32 $0xFFFFD000  }
0x29: {  	[tilespmem:s9], [sflag:$0x1] =	stream.linear.gather @!p0 [hbm4b:s5+s9], $0xC8, $0x38;
	[tilespmem:$0x19E00] =	vst v63  }
.Ltmp1:
0x2a: {  	(pc) =	sbr.rel .LBB2_5-.Ltmp1, $4  }
0x2b: {  	_ = 	snop  }
0x2c: {  	_ =	swait.ge [sflag:s30], $0x3400  }
0x2d: {  	[sflag:s30] =	ssyncset.done $0x0  }
0x2e: {  	p1 =	por $0x0, $0x0;
	[sflag:s30] =	ssyncadd.s32 $0xFFFFCC00  }
.LBB2_3:
0x2f: {  	p1 =	por @!p0 $0x1, $0x1  }
.LBB2_5:
0x30: {  	s13 =	simm.s32 $0x0  }
0x31: {  	v0 =	vld [tilespmem:s13+$0x69B0]  }
0x32: {  	v1 =	vld [tilespmem:s13+$0x5B0]  }
0x33: {  	v2 =	vld [tilespmem:s13+$0x6600]  }
0x34: {  	v3 =	vld [tilespmem:s13+$0x200]  }
0x35: {  	v4 =	vld [tilespmem:s13+$0x6610]  }
0x36: {  	v5 =	vld [tilespmem:s13+$0x210]  }
0x37: {  	v6 =	vld [tilespmem:s13+$0x6620]  }
0x38: {  	v7 =	vld [tilespmem:s13+$0x6630];
	v0 =	vadd.f32 v1, v0  }
0x39: {  	v1 =	vld [tilespmem:s13+$0x220]  }
0x3a: {  	v2 =	vadd.f32 v3, v2;
	[tilespmem:s13+$0x139B0] =	vst v0;
	v0 =	vld [tilespmem:s13+$0x230]  }
0x3b: {  	v3 =	vld [tilespmem:s13+$0x6680]  }
0x3c: {  	[tilespmem:s13+$0x13600] =	vst v2;
	v2 =	vadd.f32 v5, v4;
	v4 =	vld [tilespmem:s13+$0x280]  }
0x3d: {  	v5 =	vld [tilespmem:s13+$0x290]  }
0x3e: {  	[tilespmem:s13+$0x13610] =	vst v2;
	v2 =	vld [tilespmem:s13+$0x6690];
	v1 =	vadd.f32 v1, v6  }
0x3f: {  	v6 =	vld [tilespmem:s13+$0x2A0];
	v0 =	vadd.f32 v0, v7  }
0x40: {  	[tilespmem:s13+$0x13620] =	vst v1;
	v1 =	vld [tilespmem:s13+$0x66A0]  }
0x41: {  	[tilespmem:s13+$0x13630] =	vst v0;
	v0 =	vadd.f32 v4, v3;
	v3 =	vld [tilespmem:s13+$0x66B0]  }
0x42: {  	v4 =	vld [tilespmem:s13+$0x2B0]  }
0x43: {  	[tilespmem:s13+$0x13680] =	vst v0;
	v0 =	vadd.f32 v5, v2;
	v2 =	vld [tilespmem:s13+$0x6700]  }
0x44: {  	v5 =	vld [tilespmem:s13+$0x300]  }
0x45: {  	[tilespmem:s13+$0x13690] =	vst v0;
	v0 =	vadd.f32 v6, v1;
	v1 =	vld [tilespmem:s13+$0x6710]  }
0x46: {  	v6 =	vld [tilespmem:s13+$0x310]  }
0x47: {  	[tilespmem:s13+$0x136A0] =	vst v0;
	v0 =	vadd.f32 v4, v3;
	v3 =	vld [tilespmem:s13+$0x6720]  }
0x48: {  	v4 =	vld [tilespmem:s13+$0x320]  }
0x49: {  	[tilespmem:s13+$0x136B0] =	vst v0;
	v0 =	vadd.f32 v5, v2;
	v2 =	vld [tilespmem:s13+$0x6730]  }
0x4a: {  	v5 =	vld [tilespmem:s13+$0x330]  }
0x4b: {  	[tilespmem:s13+$0x13700] =	vst v0;
	v0 =	vadd.f32 v6, v1;
	v1 =	vld [tilespmem:s13+$0x6780]  }
0x4c: {  	v6 =	vld [tilespmem:s13+$0x380]  }
0x4d: {  	[tilespmem:s13+$0x13710] =	vst v0;
	v0 =	vadd.f32 v4, v3;
	v3 =	vld [tilespmem:s13+$0x6790]  }
0x4e: {  	v4 =	vld [tilespmem:s13+$0x390]  }
0x4f: {  	[tilespmem:s13+$0x13720] =	vst v0;
	v0 =	vadd.f32 v5, v2;
	v2 =	vld [tilespmem:s13+$0x67A0]  }
0x50: {  	v5 =	vld [tilespmem:s13+$0x3A0]  }
0x51: {  	[tilespmem:s13+$0x13730] =	vst v0;
	v0 =	vadd.f32 v6, v1;
	v1 =	vld [tilespmem:s13+$0x67B0]  }
0x52: {  	v6 =	vld [tilespmem:s13+$0x3B0]  }
0x53: {  	[tilespmem:s13+$0x13780] =	vst v0;
	v0 =	vadd.f32 v4, v3;
	v3 =	vld [tilespmem:s13+$0x6800]  }
0x54: {  	v4 =	vld [tilespmem:s13+$0x400]  }
0x55: {  	[tilespmem:s13+$0x13790] =	vst v0;
	v0 =	vadd.f32 v5, v2;
	v2 =	vld [tilespmem:s13+$0x6810]  }
0x56: {  	v5 =	vld [tilespmem:s13+$0x410]  }
0x57: {  	[tilespmem:s13+$0x137A0] =	vst v0;
	v0 =	vadd.f32 v6, v1;
	v1 =	vld [tilespmem:s13+$0x6820]  }
0x58: {  	v6 =	vld [tilespmem:s13+$0x420]  }
0x59: {  	[tilespmem:s13+$0x137B0] =	vst v0;
	v0 =	vadd.f32 v4, v3;
	v3 =	vld [tilespmem:s13+$0x6830]  }
0x5a: {  	v4 =	vld [tilespmem:s13+$0x430]  }
0x5b: {  	[tilespmem:s13+$0x13800] =	vst v0;
	v0 =	vadd.f32 v5, v2;
	v2 =	vld [tilespmem:s13+$0x6880]  }
0x5c: {  	v5 =	vld [tilespmem:s13+$0x480]  }
0x5d: {  	[tilespmem:s13+$0x13810] =	vst v0;
	v0 =	vadd.f32 v6, v1;
	v1 =	vld [tilespmem:s13+$0x6890]  }
0x5e: {  	v6 =	vld [tilespmem:s13+$0x490]  }
0x5f: {  	[tilespmem:s13+$0x13820] =	vst v0;
	v0 =	vadd.f32 v4, v3;
	v3 =	vld [tilespmem:s13+$0x68A0]  }
0x60: {  	v4 =	vld [tilespmem:s13+$0x4A0]  }
0x61: {  	[tilespmem:s13+$0x13830] =	vst v0;
	v0 =	vadd.f32 v5, v2;
	v2 =	vld [tilespmem:s13+$0x68B0]  }
0x62: {  	v5 =	vld [tilespmem:s13+$0x4B0]  }
0x63: {  	[tilespmem:s13+$0x13880] =	vst v0;
	v0 =	vadd.f32 v6, v1;
	v1 =	vld [tilespmem:s13+$0x6900]  }
0x64: {  	v6 =	vld [tilespmem:s13+$0x500]  }
0x65: {  	[tilespmem:s13+$0x13890] =	vst v0;
	v0 =	vadd.f32 v4, v3;
	v3 =	vld [tilespmem:s13+$0x6910]  }
0x66: {  	v4 =	vld [tilespmem:s13+$0x510]  }
0x67: {  	[tilespmem:s13+$0x138A0] =	vst v0;
	v0 =	vadd.f32 v5, v2;
	v2 =	vld [tilespmem:s13+$0x6920]  }
0x68: {  	v5 =	vld [tilespmem:s13+$0x520]  }
0x69: {  	[tilespmem:s13+$0x138B0] =	vst v0;
	v0 =	vadd.f32 v6, v1;
	v1 =	vld [tilespmem:s13+$0x6930]  }
0x6a: {  	v6 =	vld [tilespmem:s13+$0x530]  }
0x6b: {  	v8 =	vld [tilespmem:s13+$0x580]  }
0x6c: {  	v7 =	vld [tilespmem:s13+$0x6980];
	[tilespmem:s13+$0x13900] =	vst v0;
	v0 =	vadd.f32 v4, v3  }
0x6d: {  	v3 =	vld [tilespmem:s13+$0x590]  }
0x6e: {  	[tilespmem:s13+$0x13910] =	vst v0;
	v0 =	vadd.f32 v5, v2;
	v2 =	vld [tilespmem:s13+$0x6990]  }
0x6f: {  	v4 =	vld [tilespmem:s13+$0x5A0];
	v5 =	vadd.f32 v6, v1  }
0x70: {  	s5 =	simm.s32 $0x400;
	[tilespmem:s13+$0x13920] =	vst v0;
	v0 =	vld [tilespmem:s13+$0x69A0]  }
0x71: {  	s19 =	simm.s32 $0x2000;
	v1 =	vld [tilespmem:s5+$0x69B0];
	[tilespmem:s13+$0x13930] =	vst v5;
	v5 =	vadd.f32 v8, v7  }
.LBB2_6:
0x72: {  	p2 =	sne.s32 s19, $0xC000;
	v6 =	vld [tilespmem:s5+$0x5B0]  }
0x73: {  	v7 =	vld [tilespmem:s5+$0x6600];
	[tilespmem:s13+$0x13980] =	vst v5;
	v2 =	vadd.f32 v3, v2  }
0x74: {  	v3 =	vld [tilespmem:s5+$0x200]  }
0x75: {  	v5 =	vld [tilespmem:s5+$0x6610];
	[tilespmem:s13+$0x13990] =	vst v2;
	v0 =	vadd.f32 v4, v0  }
0x76: {  	v2 =	vld [tilespmem:s5+$0x210]  }
0x77: {  	v4 =	vld [tilespmem:s5+$0x6620];
	v1 =	vadd.f32 v6, v1;
	[tilespmem:s13+$0x139A0] =	vst v0;
	s13 =	smov.u32 s5  }
0x78: {  	v0 =	vld [tilespmem:s13+$0x220]  }
0x79: {  	v3 =	vadd.f32 v3, v7;
	v6 =	vld [tilespmem:s13+$0x6630];
	[tilespmem:s13+$0x139B0] =	vst v1  }
0x7a: {  	v1 =	vld [tilespmem:s13+$0x230]  }
0x7b: {  	[tilespmem:s13+$0x13600] =	vst v3;
	v2 =	vadd.f32 v2, v5;
	v3 =	vld [tilespmem:s13+$0x6680]  }
0x7c: {  	v5 =	vld [tilespmem:s13+$0x280]  }
0x7d: {  	[tilespmem:s13+$0x13610] =	vst v2;
	v0 =	vadd.f32 v0, v4;
	v2 =	vld [tilespmem:s13+$0x6690]  }
0x7e: {  	v4 =	vld [tilespmem:s13+$0x290]  }
0x7f: {  	[tilespmem:s13+$0x13620] =	vst v0;
	v0 =	vadd.f32 v1, v6;
	v1 =	vld [tilespmem:s13+$0x66A0]  }
0x80: {  	v6 =	vld [tilespmem:s13+$0x2A0]  }
0x81: {  	[tilespmem:s13+$0x13630] =	vst v0;
	v0 =	vadd.f32 v5, v3;
	v3 =	vld [tilespmem:s13+$0x66B0]  }
0x82: {  	v5 =	vld [tilespmem:s13+$0x2B0]  }
0x83: {  	[tilespmem:s13+$0x13680] =	vst v0;
	v0 =	vadd.f32 v4, v2;
	v2 =	vld [tilespmem:s13+$0x6700]  }
0x84: {  	v4 =	vld [tilespmem:s13+$0x300]  }
0x85: {  	[tilespmem:s13+$0x13690] =	vst v0;
	v0 =	vadd.f32 v6, v1;
	v1 =	vld [tilespmem:s13+$0x6710]  }
0x86: {  	v6 =	vld [tilespmem:s13+$0x310]  }
0x87: {  	[tilespmem:s13+$0x136A0] =	vst v0;
	v0 =	vadd.f32 v5, v3;
	v3 =	vld [tilespmem:s13+$0x6720]  }
0x88: {  	v5 =	vld [tilespmem:s13+$0x320]  }
0x89: {  	[tilespmem:s13+$0x136B0] =	vst v0;
	v0 =	vadd.f32 v4, v2;
	v2 =	vld [tilespmem:s13+$0x6730]  }
0x8a: {  	v4 =	vld [tilespmem:s13+$0x330]  }
0x8b: {  	[tilespmem:s13+$0x13700] =	vst v0;
	v0 =	vadd.f32 v6, v1;
	v1 =	vld [tilespmem:s13+$0x6780]  }
0x8c: {  	v6 =	vld [tilespmem:s13+$0x380]  }
0x8d: {  	[tilespmem:s13+$0x13710] =	vst v0;
	v0 =	vadd.f32 v5, v3;
	v3 =	vld [tilespmem:s13+$0x6790]  }
0x8e: {  	v5 =	vld [tilespmem:s13+$0x390]  }
0x8f: {  	[tilespmem:s13+$0x13720] =	vst v0;
	v0 =	vadd.f32 v4, v2;
	v2 =	vld [tilespmem:s13+$0x67A0]  }
0x90: {  	v4 =	vld [tilespmem:s13+$0x3A0]  }
0x91: {  	[tilespmem:s13+$0x13730] =	vst v0;
	v0 =	vadd.f32 v6, v1;
	v1 =	vld [tilespmem:s13+$0x67B0]  }
0x92: {  	v6 =	vld [tilespmem:s13+$0x3B0]  }
0x93: {  	[tilespmem:s13+$0x13780] =	vst v0;
	v0 =	vadd.f32 v5, v3;
	v3 =	vld [tilespmem:s13+$0x6800]  }
0x94: {  	v5 =	vld [tilespmem:s13+$0x400]  }
0x95: {  	[tilespmem:s13+$0x13790] =	vst v0;
	v0 =	vadd.f32 v4, v2;
	v2 =	vld [tilespmem:s13+$0x6810]  }
0x96: {  	v4 =	vld [tilespmem:s13+$0x410]  }
0x97: {  	[tilespmem:s13+$0x137A0] =	vst v0;
	v0 =	vadd.f32 v6, v1;
	v1 =	vld [tilespmem:s13+$0x6820]  }
0x98: {  	v6 =	vld [tilespmem:s13+$0x420]  }
0x99: {  	[tilespmem:s13+$0x137B0] =	vst v0;
	v0 =	vadd.f32 v5, v3;
	v3 =	vld [tilespmem:s13+$0x6830]  }
0x9a: {  	v5 =	vld [tilespmem:s13+$0x430]  }
0x9b: {  	[tilespmem:s13+$0x13800] =	vst v0;
	v0 =	vadd.f32 v4, v2;
	v2 =	vld [tilespmem:s13+$0x6880]  }
0x9c: {  	v4 =	vld [tilespmem:s13+$0x480]  }
0x9d: {  	[tilespmem:s13+$0x13810] =	vst v0;
	v0 =	vadd.f32 v6, v1;
	v1 =	vld [tilespmem:s13+$0x6890]  }
0x9e: {  	v6 =	vld [tilespmem:s13+$0x490]  }
0x9f: {  	[tilespmem:s13+$0x13820] =	vst v0;
	v0 =	vadd.f32 v5, v3;
	v3 =	vld [tilespmem:s13+$0x68A0]  }
0xa0: {  	v5 =	vld [tilespmem:s13+$0x4A0]  }
0xa1: {  	[tilespmem:s13+$0x13830] =	vst v0;
	v0 =	vadd.f32 v4, v2;
	v2 =	vld [tilespmem:s13+$0x68B0]  }
0xa2: {  	v4 =	vld [tilespmem:s13+$0x4B0]  }
0xa3: {  	[tilespmem:s13+$0x13880] =	vst v0;
	v0 =	vadd.f32 v6, v1;
	v1 =	vld [tilespmem:s13+$0x6900]  }
0xa4: {  	v6 =	vld [tilespmem:s13+$0x500]  }
0xa5: {  	[tilespmem:s13+$0x13890] =	vst v0;
	v0 =	vadd.f32 v5, v3;
	v3 =	vld [tilespmem:s13+$0x6910]  }
0xa6: {  	v5 =	vld [tilespmem:s13+$0x510]  }
0xa7: {  	[tilespmem:s13+$0x138A0] =	vst v0;
	v0 =	vadd.f32 v4, v2;
	v2 =	vld [tilespmem:s13+$0x6920]  }
0xa8: {  	v4 =	vld [tilespmem:s13+$0x520]  }
0xa9: {  	[tilespmem:s13+$0x138B0] =	vst v0;
	v0 =	vadd.f32 v6, v1;
	v1 =	vld [tilespmem:s13+$0x6930]  }
0xaa: {  	v6 =	vld [tilespmem:s13+$0x530]  }
0xab: {  	[tilespmem:s13+$0x13900] =	vst v0;
	v0 =	vadd.f32 v5, v3;
	v5 =	vld [tilespmem:s13+$0x6980]  }
0xac: {  	v7 =	vld [tilespmem:s13+$0x580]  }
.Ltmp2:
0xad: {  	[tilespmem:s13+$0x13910] =	vst v0;
	v0 =	vadd.f32 v4, v2;
	v2 =	vld [tilespmem:s13+$0x6990];
	(pc) =	sbr.rel @p2 .LBB2_6-.Ltmp2, $4  }
0xae: {  	v3 =	vld [tilespmem:s13+$0x590]  }
0xaf: {  	[tilespmem:s13+$0x13920] =	vst v0;
	v6 =	vadd.f32 v6, v1;
	v0 =	vld [tilespmem:s13+$0x69A0]  }
0xb0: {  	s5 =	sshra.s32 s19, $0x2;
	v4 =	vld [tilespmem:s13+$0x5A0]  }
0xb1: {  	s19 =	sadd.s32 $0x1000, s19;
	v1 =	vld [tilespmem:s5+$0x69B0];
	[tilespmem:s13+$0x13930] =	vst v6;
	v5 =	vadd.f32 v7, v5  }
0xb2: {  	v6 =	vld [tilespmem:s5+$0x5B0]  }
0xb3: {  	v7 =	vld [tilespmem:s5+$0x6600];
	[tilespmem:s13+$0x13980] =	vst v5;
	v2 =	vadd.f32 v3, v2  }
0xb4: {  	v3 =	vld [tilespmem:s5+$0x200]  }
0xb5: {  	v5 =	vld [tilespmem:s5+$0x6610];
	[tilespmem:s13+$0x13990] =	vst v2;
	v0 =	vadd.f32 v4, v0  }
0xb6: {  	v2 =	vld [tilespmem:s5+$0x210]  }
0xb7: {  	v4 =	vld [tilespmem:s5+$0x6620];
	[tilespmem:s13+$0x139A0] =	vst v0  }
0xb8: {  	v0 =	vadd.f32 v6, v1;
	v1 =	vld [tilespmem:s5+$0x220]  }
0xb9: {  	v6 =	vld [tilespmem:s5+$0x6630]  }
0xba: {  	v3 =	vadd.f32 v3, v7;
	[tilespmem:s5+$0x139B0] =	vst v0;
	v0 =	vld [tilespmem:s5+$0x230]  }
0xbb: {  	v7 =	vld [tilespmem:s5+$0x5A0]  }
0xbc: {  	[tilespmem:s5+$0x13600] =	vst v3;
	v2 =	vadd.f32 v2, v5;
	v3 =	vld [tilespmem:s5+$0x6680]  }
0xbd: {  	v5 =	vld [tilespmem:s5+$0x280]  }
0xbe: {  	[tilespmem:s5+$0x13610] =	vst v2;
	v2 =	vld [tilespmem:s5+$0x6690]  }
0xbf: {  	v1 =	vadd.f32 v1, v4;
	v4 =	vld [tilespmem:s5+$0x290]  }
0xc0: {  	v0 =	vadd.f32 v0, v6;
	v6 =	vld [tilespmem:s5+$0x2A0]  }
0xc1: {  	[tilespmem:s5+$0x13620] =	vst v1;
	v1 =	vld [tilespmem:s5+$0x66A0]  }
0xc2: {  	[tilespmem:s5+$0x13630] =	vst v0;
	v0 =	vadd.f32 v5, v3;
	v3 =	vld [tilespmem:s5+$0x66B0]  }
0xc3: {  	v5 =	vld [tilespmem:s5+$0x2B0]  }
0xc4: {  	[tilespmem:s5+$0x13680] =	vst v0;
	v0 =	vadd.f32 v4, v2;
	v2 =	vld [tilespmem:s5+$0x6700]  }
0xc5: {  	v4 =	vld [tilespmem:s5+$0x300]  }
0xc6: {  	[tilespmem:s5+$0x13690] =	vst v0;
	v0 =	vadd.f32 v6, v1;
	v1 =	vld [tilespmem:s5+$0x6710]  }
0xc7: {  	v6 =	vld [tilespmem:s5+$0x310]  }
0xc8: {  	[tilespmem:s5+$0x136A0] =	vst v0;
	v0 =	vadd.f32 v5, v3;
	v3 =	vld [tilespmem:s5+$0x6720]  }
0xc9: {  	v5 =	vld [tilespmem:s5+$0x320]  }
0xca: {  	[tilespmem:s5+$0x136B0] =	vst v0;
	v0 =	vadd.f32 v4, v2;
	v2 =	vld [tilespmem:s5+$0x6730]  }
0xcb: {  	v4 =	vld [tilespmem:s5+$0x330]  }
0xcc: {  	[tilespmem:s5+$0x13700] =	vst v0;
	v0 =	vadd.f32 v6, v1;
	v1 =	vld [tilespmem:s5+$0x6780]  }
0xcd: {  	v6 =	vld [tilespmem:s5+$0x380]  }
0xce: {  	[tilespmem:s5+$0x13710] =	vst v0;
	v0 =	vadd.f32 v5, v3;
	v3 =	vld [tilespmem:s5+$0x6790]  }
0xcf: {  	v5 =	vld [tilespmem:s5+$0x390]  }
0xd0: {  	[tilespmem:s5+$0x13720] =	vst v0;
	v0 =	vadd.f32 v4, v2;
	v2 =	vld [tilespmem:s5+$0x67A0]  }
0xd1: {  	v4 =	vld [tilespmem:s5+$0x3A0]  }
0xd2: {  	[tilespmem:s5+$0x13730] =	vst v0;
	v0 =	vadd.f32 v6, v1;
	v1 =	vld [tilespmem:s5+$0x67B0]  }
0xd3: {  	v6 =	vld [tilespmem:s5+$0x3B0]  }
0xd4: {  	[tilespmem:s5+$0x13780] =	vst v0;
	v0 =	vadd.f32 v5, v3;
	v3 =	vld [tilespmem:s5+$0x6800]  }
0xd5: {  	v5 =	vld [tilespmem:s5+$0x400]  }
0xd6: {  	[tilespmem:s5+$0x13790] =	vst v0;
	v0 =	vadd.f32 v4, v2;
	v2 =	vld [tilespmem:s5+$0x6810]  }
0xd7: {  	v4 =	vld [tilespmem:s5+$0x410]  }
0xd8: {  	[tilespmem:s5+$0x137A0] =	vst v0;
	v0 =	vadd.f32 v6, v1;
	v1 =	vld [tilespmem:s5+$0x6820]  }
0xd9: {  	v6 =	vld [tilespmem:s5+$0x420]  }
0xda: {  	[tilespmem:s5+$0x137B0] =	vst v0;
	v0 =	vadd.f32 v5, v3;
	v3 =	vld [tilespmem:s5+$0x6830]  }
0xdb: {  	v5 =	vld [tilespmem:s5+$0x430]  }
0xdc: {  	[tilespmem:s5+$0x13800] =	vst v0;
	v0 =	vadd.f32 v4, v2;
	v2 =	vld [tilespmem:s5+$0x6880]  }
0xdd: {  	v4 =	vld [tilespmem:s5+$0x480]  }
0xde: {  	[tilespmem:s5+$0x13810] =	vst v0;
	v0 =	vadd.f32 v6, v1;
	v1 =	vld [tilespmem:s5+$0x6890]  }
0xdf: {  	v6 =	vld [tilespmem:s5+$0x490]  }
0xe0: {  	[tilespmem:s5+$0x13820] =	vst v0;
	v0 =	vadd.f32 v5, v3;
	v3 =	vld [tilespmem:s5+$0x68A0]  }
0xe1: {  	v5 =	vld [tilespmem:s5+$0x4A0]  }
0xe2: {  	[tilespmem:s5+$0x13830] =	vst v0;
	v0 =	vadd.f32 v4, v2;
	v2 =	vld [tilespmem:s5+$0x68B0]  }
0xe3: {  	v4 =	vld [tilespmem:s5+$0x4B0]  }
0xe4: {  	[tilespmem:s5+$0x13880] =	vst v0;
	v0 =	vadd.f32 v6, v1;
	v1 =	vld [tilespmem:s5+$0x6900]  }
0xe5: {  	v6 =	vld [tilespmem:s5+$0x500]  }
0xe6: {  	[tilespmem:s5+$0x13890] =	vst v0;
	v0 =	vadd.f32 v5, v3;
	v3 =	vld [tilespmem:s5+$0x6910]  }
0xe7: {  	v5 =	vld [tilespmem:s5+$0x510]  }
0xe8: {  	[tilespmem:s5+$0x138A0] =	vst v0;
	v0 =	vadd.f32 v4, v2;
	v2 =	vld [tilespmem:s5+$0x6920]  }
0xe9: {  	v4 =	vld [tilespmem:s5+$0x520]  }
0xea: {  	[tilespmem:s5+$0x138B0] =	vst v0;
	v0 =	vadd.f32 v6, v1;
	v1 =	vld [tilespmem:s5+$0x6930]  }
0xeb: {  	v6 =	vld [tilespmem:s5+$0x530]  }
0xec: {  	[tilespmem:s5+$0x13900] =	vst v0;
	v0 =	vadd.f32 v5, v3;
	v3 =	vld [tilespmem:s5+$0x6980]  }
0xed: {  	v5 =	vld [tilespmem:s5+$0x580]  }
0xee: {  	[tilespmem:s5+$0x13910] =	vst v0;
	v0 =	vadd.f32 v4, v2;
	v2 =	vld [tilespmem:s5+$0x6990]  }
0xef: {  	v4 =	vld [tilespmem:s5+$0x590]  }
0xf0: {  	[tilespmem:s5+$0x13920] =	vst v0;
	v0 =	vld [tilespmem:s5+$0x69A0];
	_ =	sdelay $0x1  }
0xf1: {  	v1 =	vadd.f32 v6, v1  }
0xf2: {  	s9 =	sor.u32 s7, s17;
	v3 =	vadd.f32 v5, v3  }
0xf3: {  	s9 =	smul.u32 $0x6400, s9;
	[tilespmem:s5+$0x13930] =	vst v1;
	v1 =	vadd.f32 v4, v2  }
0xf4: {  	[tilespmem:s5+$0x13980] =	vst v3;
	v0 =	vadd.f32 v7, v0  }
0xf5: {  	s9 =	sshrl.u32 s9, $0x3;
	[tilespmem:s5+$0x13990] =	vst v1  }
0xf6: {  	s13 =	sadd.s32 s6, s9;
	[tilespmem:s5+$0x139A0] =	vst v0;
	s5 =	simm.s32 @!p1 $0x8  }
0xf7: {  	[hbm4b:s13+s2] =	stream.linear.scatter [tilespmem:s28], [sflag:$0x7], $0x3400, $0x38;
	[tilespmem:$0x19E00] =	vst v63  }
0xf8: {  	_ =	swait.ge @!p1 [sflag:s5], $0x3000  }
0xf9: {  	[sflag:s5] =	ssyncset.done @!p1 $0x0  }
0xfa: {  	s19 =	simm.s32 $0x0;
	[sflag:s5] =	ssyncadd.s32 @!p1 $0xFFFFD000  }
0xfb: {  	v0 =	vld [tilespmem:s19+$0x9DB0]  }
0xfc: {  	v1 =	vld [tilespmem:s19+$0x39B0]  }
0xfd: {  	v2 =	vld [tilespmem:s19+$0x9A00]  }
0xfe: {  	v3 =	vld [tilespmem:s19+$0x3600]  }
0xff: {  	v4 =	vld [tilespmem:s19+$0x9A10]  }
0x100: {  	v5 =	vld [tilespmem:s19+$0x3610]  }
0x101: {  	v6 =	vld [tilespmem:s19+$0x9A20]  }
0x102: {  	v7 =	vld [tilespmem:s19+$0x9A30];
	v0 =	vadd.f32 v1, v0  }
0x103: {  	v1 =	vld [tilespmem:s19+$0x3620]  }
0x104: {  	v2 =	vadd.f32 v3, v2;
	[tilespmem:s19+$0x16DB0] =	vst v0;
	v0 =	vld [tilespmem:s19+$0x3630]  }
0x105: {  	v3 =	vld [tilespmem:s19+$0x9A80]  }
0x106: {  	[tilespmem:s19+$0x16A00] =	vst v2;
	v2 =	vadd.f32 v5, v4;
	v4 =	vld [tilespmem:s19+$0x3680]  }
0x107: {  	v5 =	vld [tilespmem:s19+$0x3690]  }
0x108: {  	[tilespmem:s19+$0x16A10] =	vst v2;
	v2 =	vld [tilespmem:s19+$0x9A90];
	v1 =	vadd.f32 v1, v6  }
0x109: {  	v6 =	vld [tilespmem:s19+$0x36A0];
	v0 =	vadd.f32 v0, v7  }
0x10a: {  	[tilespmem:s19+$0x16A20] =	vst v1;
	v1 =	vld [tilespmem:s19+$0x9AA0]  }
0x10b: {  	[tilespmem:s19+$0x16A30] =	vst v0;
	v0 =	vadd.f32 v4, v3;
	v3 =	vld [tilespmem:s19+$0x9AB0]  }
0x10c: {  	v4 =	vld [tilespmem:s19+$0x36B0]  }
0x10d: {  	[tilespmem:s19+$0x16A80] =	vst v0;
	v0 =	vadd.f32 v5, v2;
	v2 =	vld [tilespmem:s19+$0x9B00]  }
0x10e: {  	v5 =	vld [tilespmem:s19+$0x3700]  }
0x10f: {  	[tilespmem:s19+$0x16A90] =	vst v0;
	v0 =	vadd.f32 v6, v1;
	v1 =	vld [tilespmem:s19+$0x9B10]  }
0x110: {  	v6 =	vld [tilespmem:s19+$0x3710]  }
0x111: {  	[tilespmem:s19+$0x16AA0] =	vst v0;
	v0 =	vadd.f32 v4, v3;
	v3 =	vld [tilespmem:s19+$0x9B20]  }
0x112: {  	v4 =	vld [tilespmem:s19+$0x3720]  }
0x113: {  	[tilespmem:s19+$0x16AB0] =	vst v0;
	v0 =	vadd.f32 v5, v2;
	v2 =	vld [tilespmem:s19+$0x9B30]  }
0x114: {  	v5 =	vld [tilespmem:s19+$0x3730]  }
0x115: {  	[tilespmem:s19+$0x16B00] =	vst v0;
	v0 =	vadd.f32 v6, v1;
	v1 =	vld [tilespmem:s19+$0x9B80]  }
0x116: {  	v6 =	vld [tilespmem:s19+$0x3780]  }
0x117: {  	[tilespmem:s19+$0x16B10] =	vst v0;
	v0 =	vadd.f32 v4, v3;
	v3 =	vld [tilespmem:s19+$0x9B90]  }
0x118: {  	v4 =	vld [tilespmem:s19+$0x3790]  }
0x119: {  	[tilespmem:s19+$0x16B20] =	vst v0;
	v0 =	vadd.f32 v5, v2;
	v2 =	vld [tilespmem:s19+$0x9BA0]  }
0x11a: {  	v5 =	vld [tilespmem:s19+$0x37A0]  }
0x11b: {  	[tilespmem:s19+$0x16B30] =	vst v0;
	v0 =	vadd.f32 v6, v1;
	v1 =	vld [tilespmem:s19+$0x9BB0]  }
0x11c: {  	v6 =	vld [tilespmem:s19+$0x37B0]  }
0x11d: {  	[tilespmem:s19+$0x16B80] =	vst v0;
	v0 =	vadd.f32 v4, v3;
	v3 =	vld [tilespmem:s19+$0x9C00]  }
0x11e: {  	v4 =	vld [tilespmem:s19+$0x3800]  }
0x11f: {  	[tilespmem:s19+$0x16B90] =	vst v0;
	v0 =	vadd.f32 v5, v2;
	v2 =	vld [tilespmem:s19+$0x9C10]  }
0x120: {  	v5 =	vld [tilespmem:s19+$0x3810]  }
0x121: {  	[tilespmem:s19+$0x16BA0] =	vst v0;
	v0 =	vadd.f32 v6, v1;
	v1 =	vld [tilespmem:s19+$0x9C20]  }
0x122: {  	v6 =	vld [tilespmem:s19+$0x3820]  }
0x123: {  	[tilespmem:s19+$0x16BB0] =	vst v0;
	v0 =	vadd.f32 v4, v3;
	v3 =	vld [tilespmem:s19+$0x9C30]  }
0x124: {  	v4 =	vld [tilespmem:s19+$0x3830]  }
0x125: {  	[tilespmem:s19+$0x16C00] =	vst v0;
	v0 =	vadd.f32 v5, v2;
	v2 =	vld [tilespmem:s19+$0x9C80]  }
0x126: {  	v5 =	vld [tilespmem:s19+$0x3880]  }
0x127: {  	[tilespmem:s19+$0x16C10] =	vst v0;
	v0 =	vadd.f32 v6, v1;
	v1 =	vld [tilespmem:s19+$0x9C90]  }
0x128: {  	v6 =	vld [tilespmem:s19+$0x3890]  }
0x129: {  	[tilespmem:s19+$0x16C20] =	vst v0;
	v0 =	vadd.f32 v4, v3;
	v3 =	vld [tilespmem:s19+$0x9CA0]  }
0x12a: {  	v4 =	vld [tilespmem:s19+$0x38A0]  }
0x12b: {  	[tilespmem:s19+$0x16C30] =	vst v0;
	v0 =	vadd.f32 v5, v2;
	v2 =	vld [tilespmem:s19+$0x9CB0]  }
0x12c: {  	v5 =	vld [tilespmem:s19+$0x38B0]  }
0x12d: {  	[tilespmem:s19+$0x16C80] =	vst v0;
	v0 =	vadd.f32 v6, v1;
	v1 =	vld [tilespmem:s19+$0x9D00]  }
0x12e: {  	v6 =	vld [tilespmem:s19+$0x3900]  }
0x12f: {  	[tilespmem:s19+$0x16C90] =	vst v0;
	v0 =	vadd.f32 v4, v3;
	v3 =	vld [tilespmem:s19+$0x9D10]  }
0x130: {  	v4 =	vld [tilespmem:s19+$0x3910]  }
0x131: {  	[tilespmem:s19+$0x16CA0] =	vst v0;
	v0 =	vadd.f32 v5, v2;
	v2 =	vld [tilespmem:s19+$0x9D20]  }
0x132: {  	v5 =	vld [tilespmem:s19+$0x3920]  }
0x133: {  	[tilespmem:s19+$0x16CB0] =	vst v0;
	v0 =	vadd.f32 v6, v1;
	v1 =	vld [tilespmem:s19+$0x9D30]  }
0x134: {  	v6 =	vld [tilespmem:s19+$0x3930]  }
0x135: {  	v8 =	vld [tilespmem:s19+$0x3980]  }
0x136: {  	v7 =	vld [tilespmem:s19+$0x9D80];
	[tilespmem:s19+$0x16D00] =	vst v0;
	v0 =	vadd.f32 v4, v3  }
0x137: {  	v3 =	vld [tilespmem:s19+$0x3990]  }
0x138: {  	[tilespmem:s19+$0x16D10] =	vst v0;
	v0 =	vadd.f32 v5, v2;
	v2 =	vld [tilespmem:s19+$0x9D90]  }
0x139: {  	v4 =	vld [tilespmem:s19+$0x39A0];
	v5 =	vadd.f32 v6, v1  }
0x13a: {  	s9 =	simm.s32 $0x400;
	[tilespmem:s19+$0x16D20] =	vst v0;
	v0 =	vld [tilespmem:s19+$0x9DA0]  }
0x13b: {  	s5 =	simm.s32 $0x2000;
	v1 =	vld [tilespmem:s9+$0x9DB0];
	[tilespmem:s19+$0x16D30] =	vst v5;
	v5 =	vadd.f32 v8, v7  }
.LBB2_8:
0x13c: {  	p1 =	sne.s32 s5, $0xB000;
	v6 =	vld [tilespmem:s9+$0x39B0]  }
0x13d: {  	v7 =	vld [tilespmem:s9+$0x9A00];
	[tilespmem:s19+$0x16D80] =	vst v5;
	v2 =	vadd.f32 v3, v2  }
0x13e: {  	v3 =	vld [tilespmem:s9+$0x3600]  }
0x13f: {  	v5 =	vld [tilespmem:s9+$0x9A10];
	[tilespmem:s19+$0x16D90] =	vst v2;
	v0 =	vadd.f32 v4, v0  }
0x140: {  	v2 =	vld [tilespmem:s9+$0x3610]  }
0x141: {  	v4 =	vld [tilespmem:s9+$0x9A20];
	v1 =	vadd.f32 v6, v1;
	[tilespmem:s19+$0x16DA0] =	vst v0;
	s19 =	smov.u32 s9  }
0x142: {  	v0 =	vld [tilespmem:s19+$0x3620]  }
0x143: {  	v3 =	vadd.f32 v3, v7;
	v6 =	vld [tilespmem:s19+$0x9A30];
	[tilespmem:s19+$0x16DB0] =	vst v1  }
0x144: {  	v1 =	vld [tilespmem:s19+$0x3630]  }
0x145: {  	[tilespmem:s19+$0x16A00] =	vst v3;
	v2 =	vadd.f32 v2, v5;
	v3 =	vld [tilespmem:s19+$0x9A80]  }
0x146: {  	v5 =	vld [tilespmem:s19+$0x3680]  }
0x147: {  	[tilespmem:s19+$0x16A10] =	vst v2;
	v0 =	vadd.f32 v0, v4;
	v2 =	vld [tilespmem:s19+$0x9A90]  }
0x148: {  	v4 =	vld [tilespmem:s19+$0x3690]  }
0x149: {  	[tilespmem:s19+$0x16A20] =	vst v0;
	v0 =	vadd.f32 v1, v6;
	v1 =	vld [tilespmem:s19+$0x9AA0]  }
0x14a: {  	v6 =	vld [tilespmem:s19+$0x36A0]  }
0x14b: {  	[tilespmem:s19+$0x16A30] =	vst v0;
	v0 =	vadd.f32 v5, v3;
	v3 =	vld [tilespmem:s19+$0x9AB0]  }
0x14c: {  	v5 =	vld [tilespmem:s19+$0x36B0]  }
0x14d: {  	[tilespmem:s19+$0x16A80] =	vst v0;
	v0 =	vadd.f32 v4, v2;
	v2 =	vld [tilespmem:s19+$0x9B00]  }
0x14e: {  	v4 =	vld [tilespmem:s19+$0x3700]  }
0x14f: {  	[tilespmem:s19+$0x16A90] =	vst v0;
	v0 =	vadd.f32 v6, v1;
	v1 =	vld [tilespmem:s19+$0x9B10]  }
0x150: {  	v6 =	vld [tilespmem:s19+$0x3710]  }
0x151: {  	[tilespmem:s19+$0x16AA0] =	vst v0;
	v0 =	vadd.f32 v5, v3;
	v3 =	vld [tilespmem:s19+$0x9B20]  }
0x152: {  	v5 =	vld [tilespmem:s19+$0x3720]  }
0x153: {  	[tilespmem:s19+$0x16AB0] =	vst v0;
	v0 =	vadd.f32 v4, v2;
	v2 =	vld [tilespmem:s19+$0x9B30]  }
0x154: {  	v4 =	vld [tilespmem:s19+$0x3730]  }
0x155: {  	[tilespmem:s19+$0x16B00] =	vst v0;
	v0 =	vadd.f32 v6, v1;
	v1 =	vld [tilespmem:s19+$0x9B80]  }
0x156: {  	v6 =	vld [tilespmem:s19+$0x3780]  }
0x157: {  	[tilespmem:s19+$0x16B10] =	vst v0;
	v0 =	vadd.f32 v5, v3;
	v3 =	vld [tilespmem:s19+$0x9B90]  }
0x158: {  	v5 =	vld [tilespmem:s19+$0x3790]  }
0x159: {  	[tilespmem:s19+$0x16B20] =	vst v0;
	v0 =	vadd.f32 v4, v2;
	v2 =	vld [tilespmem:s19+$0x9BA0]  }
0x15a: {  	v4 =	vld [tilespmem:s19+$0x37A0]  }
0x15b: {  	[tilespmem:s19+$0x16B30] =	vst v0;
	v0 =	vadd.f32 v6, v1;
	v1 =	vld [tilespmem:s19+$0x9BB0]  }
0x15c: {  	v6 =	vld [tilespmem:s19+$0x37B0]  }
0x15d: {  	[tilespmem:s19+$0x16B80] =	vst v0;
	v0 =	vadd.f32 v5, v3;
	v3 =	vld [tilespmem:s19+$0x9C00]  }
0x15e: {  	v5 =	vld [tilespmem:s19+$0x3800]  }
0x15f: {  	[tilespmem:s19+$0x16B90] =	vst v0;
	v0 =	vadd.f32 v4, v2;
	v2 =	vld [tilespmem:s19+$0x9C10]  }
0x160: {  	v4 =	vld [tilespmem:s19+$0x3810]  }
0x161: {  	[tilespmem:s19+$0x16BA0] =	vst v0;
	v0 =	vadd.f32 v6, v1;
	v1 =	vld [tilespmem:s19+$0x9C20]  }
0x162: {  	v6 =	vld [tilespmem:s19+$0x3820]  }
0x163: {  	[tilespmem:s19+$0x16BB0] =	vst v0;
	v0 =	vadd.f32 v5, v3;
	v3 =	vld [tilespmem:s19+$0x9C30]  }
0x164: {  	v5 =	vld [tilespmem:s19+$0x3830]  }
0x165: {  	[tilespmem:s19+$0x16C00] =	vst v0;
	v0 =	vadd.f32 v4, v2;
	v2 =	vld [tilespmem:s19+$0x9C80]  }
0x166: {  	v4 =	vld [tilespmem:s19+$0x3880]  }
0x167: {  	[tilespmem:s19+$0x16C10] =	vst v0;
	v0 =	vadd.f32 v6, v1;
	v1 =	vld [tilespmem:s19+$0x9C90]  }
0x168: {  	v6 =	vld [tilespmem:s19+$0x3890]  }
0x169: {  	[tilespmem:s19+$0x16C20] =	vst v0;
	v0 =	vadd.f32 v5, v3;
	v3 =	vld [tilespmem:s19+$0x9CA0]  }
0x16a: {  	v5 =	vld [tilespmem:s19+$0x38A0]  }
0x16b: {  	[tilespmem:s19+$0x16C30] =	vst v0;
	v0 =	vadd.f32 v4, v2;
	v2 =	vld [tilespmem:s19+$0x9CB0]  }
0x16c: {  	v4 =	vld [tilespmem:s19+$0x38B0]  }
0x16d: {  	[tilespmem:s19+$0x16C80] =	vst v0;
	v0 =	vadd.f32 v6, v1;
	v1 =	vld [tilespmem:s19+$0x9D00]  }
0x16e: {  	v6 =	vld [tilespmem:s19+$0x3900]  }
0x16f: {  	[tilespmem:s19+$0x16C90] =	vst v0;
	v0 =	vadd.f32 v5, v3;
	v3 =	vld [tilespmem:s19+$0x9D10]  }
0x170: {  	v5 =	vld [tilespmem:s19+$0x3910]  }
0x171: {  	[tilespmem:s19+$0x16CA0] =	vst v0;
	v0 =	vadd.f32 v4, v2;
	v2 =	vld [tilespmem:s19+$0x9D20]  }
0x172: {  	v4 =	vld [tilespmem:s19+$0x3920]  }
0x173: {  	[tilespmem:s19+$0x16CB0] =	vst v0;
	v0 =	vadd.f32 v6, v1;
	v1 =	vld [tilespmem:s19+$0x9D30]  }
0x174: {  	v6 =	vld [tilespmem:s19+$0x3930]  }
0x175: {  	[tilespmem:s19+$0x16D00] =	vst v0;
	v0 =	vadd.f32 v5, v3;
	v5 =	vld [tilespmem:s19+$0x9D80]  }
0x176: {  	v7 =	vld [tilespmem:s19+$0x3980]  }
.Ltmp3:
0x177: {  	[tilespmem:s19+$0x16D10] =	vst v0;
	v0 =	vadd.f32 v4, v2;
	v2 =	vld [tilespmem:s19+$0x9D90];
	(pc) =	sbr.rel @p1 .LBB2_8-.Ltmp3, $4  }
0x178: {  	v3 =	vld [tilespmem:s19+$0x3990]  }
0x179: {  	[tilespmem:s19+$0x16D20] =	vst v0;
	v6 =	vadd.f32 v6, v1;
	v0 =	vld [tilespmem:s19+$0x9DA0]  }
0x17a: {  	s9 =	sshra.s32 s5, $0x2;
	v4 =	vld [tilespmem:s19+$0x39A0]  }
0x17b: {  	s5 =	sadd.s32 $0x1000, s5;
	v1 =	vld [tilespmem:s9+$0x9DB0];
	[tilespmem:s19+$0x16D30] =	vst v6;
	v5 =	vadd.f32 v7, v5  }
0x17c: {  	v6 =	vld [tilespmem:s9+$0x39B0]  }
0x17d: {  	v7 =	vld [tilespmem:s9+$0x9A00];
	[tilespmem:s19+$0x16D80] =	vst v5;
	v2 =	vadd.f32 v3, v2  }
0x17e: {  	v3 =	vld [tilespmem:s9+$0x3600]  }
0x17f: {  	v5 =	vld [tilespmem:s9+$0x9A10];
	[tilespmem:s19+$0x16D90] =	vst v2;
	v0 =	vadd.f32 v4, v0  }
0x180: {  	v2 =	vld [tilespmem:s9+$0x3610]  }
0x181: {  	v4 =	vld [tilespmem:s9+$0x9A20];
	[tilespmem:s19+$0x16DA0] =	vst v0  }
0x182: {  	v0 =	vadd.f32 v6, v1;
	v1 =	vld [tilespmem:s9+$0x3620]  }
0x183: {  	v6 =	vld [tilespmem:s9+$0x9A30]  }
0x184: {  	v3 =	vadd.f32 v3, v7;
	[tilespmem:s9+$0x16DB0] =	vst v0;
	v0 =	vld [tilespmem:s9+$0x3630]  }
0x185: {  	v7 =	vld [tilespmem:s9+$0x39A0]  }
0x186: {  	[tilespmem:s9+$0x16A00] =	vst v3;
	v2 =	vadd.f32 v2, v5;
	v3 =	vld [tilespmem:s9+$0x9A80]  }
0x187: {  	v5 =	vld [tilespmem:s9+$0x3680]  }
0x188: {  	[tilespmem:s9+$0x16A10] =	vst v2;
	v2 =	vld [tilespmem:s9+$0x9A90]  }
0x189: {  	v1 =	vadd.f32 v1, v4;
	v4 =	vld [tilespmem:s9+$0x3690]  }
0x18a: {  	v0 =	vadd.f32 v0, v6;
	v6 =	vld [tilespmem:s9+$0x36A0]  }
0x18b: {  	[tilespmem:s9+$0x16A20] =	vst v1;
	v1 =	vld [tilespmem:s9+$0x9AA0]  }
0x18c: {  	[tilespmem:s9+$0x16A30] =	vst v0;
	v0 =	vadd.f32 v5, v3;
	v3 =	vld [tilespmem:s9+$0x9AB0]  }
0x18d: {  	v5 =	vld [tilespmem:s9+$0x36B0]  }
0x18e: {  	[tilespmem:s9+$0x16A80] =	vst v0;
	v0 =	vadd.f32 v4, v2;
	v2 =	vld [tilespmem:s9+$0x9B00]  }
0x18f: {  	v4 =	vld [tilespmem:s9+$0x3700]  }
0x190: {  	[tilespmem:s9+$0x16A90] =	vst v0;
	v0 =	vadd.f32 v6, v1;
	v1 =	vld [tilespmem:s9+$0x9B10]  }
0x191: {  	v6 =	vld [tilespmem:s9+$0x3710]  }
0x192: {  	[tilespmem:s9+$0x16AA0] =	vst v0;
	v0 =	vadd.f32 v5, v3;
	v3 =	vld [tilespmem:s9+$0x9B20]  }
0x193: {  	v5 =	vld [tilespmem:s9+$0x3720]  }
0x194: {  	[tilespmem:s9+$0x16AB0] =	vst v0;
	v0 =	vadd.f32 v4, v2;
	v2 =	vld [tilespmem:s9+$0x9B30]  }
0x195: {  	v4 =	vld [tilespmem:s9+$0x3730]  }
0x196: {  	[tilespmem:s9+$0x16B00] =	vst v0;
	v0 =	vadd.f32 v6, v1;
	v1 =	vld [tilespmem:s9+$0x9B80]  }
0x197: {  	v6 =	vld [tilespmem:s9+$0x3780]  }
0x198: {  	[tilespmem:s9+$0x16B10] =	vst v0;
	v0 =	vadd.f32 v5, v3;
	v3 =	vld [tilespmem:s9+$0x9B90]  }
0x199: {  	v5 =	vld [tilespmem:s9+$0x3790]  }
0x19a: {  	[tilespmem:s9+$0x16B20] =	vst v0;
	v0 =	vadd.f32 v4, v2;
	v2 =	vld [tilespmem:s9+$0x9BA0]  }
0x19b: {  	v4 =	vld [tilespmem:s9+$0x37A0]  }
0x19c: {  	[tilespmem:s9+$0x16B30] =	vst v0;
	v0 =	vadd.f32 v6, v1;
	v1 =	vld [tilespmem:s9+$0x9BB0]  }
0x19d: {  	v6 =	vld [tilespmem:s9+$0x37B0]  }
0x19e: {  	[tilespmem:s9+$0x16B80] =	vst v0;
	v0 =	vadd.f32 v5, v3;
	v3 =	vld [tilespmem:s9+$0x9C00]  }
0x19f: {  	v5 =	vld [tilespmem:s9+$0x3800]  }
0x1a0: {  	[tilespmem:s9+$0x16B90] =	vst v0;
	v0 =	vadd.f32 v4, v2;
	v2 =	vld [tilespmem:s9+$0x9C10]  }
0x1a1: {  	v4 =	vld [tilespmem:s9+$0x3810]  }
0x1a2: {  	[tilespmem:s9+$0x16BA0] =	vst v0;
	v0 =	vadd.f32 v6, v1;
	v1 =	vld [tilespmem:s9+$0x9C20]  }
0x1a3: {  	v6 =	vld [tilespmem:s9+$0x3820]  }
0x1a4: {  	[tilespmem:s9+$0x16BB0] =	vst v0;
	v0 =	vadd.f32 v5, v3;
	v3 =	vld [tilespmem:s9+$0x9C30]  }
0x1a5: {  	v5 =	vld [tilespmem:s9+$0x3830]  }
0x1a6: {  	[tilespmem:s9+$0x16C00] =	vst v0;
	v0 =	vadd.f32 v4, v2;
	v2 =	vld [tilespmem:s9+$0x9C80]  }
0x1a7: {  	v4 =	vld [tilespmem:s9+$0x3880]  }
0x1a8: {  	[tilespmem:s9+$0x16C10] =	vst v0;
	v0 =	vadd.f32 v6, v1;
	v1 =	vld [tilespmem:s9+$0x9C90]  }
0x1a9: {  	v6 =	vld [tilespmem:s9+$0x3890]  }
0x1aa: {  	[tilespmem:s9+$0x16C20] =	vst v0;
	v0 =	vadd.f32 v5, v3;
	v3 =	vld [tilespmem:s9+$0x9CA0]  }
0x1ab: {  	v5 =	vld [tilespmem:s9+$0x38A0]  }
0x1ac: {  	[tilespmem:s9+$0x16C30] =	vst v0;
	v0 =	vadd.f32 v4, v2;
	v2 =	vld [tilespmem:s9+$0x9CB0]  }
0x1ad: {  	v4 =	vld [tilespmem:s9+$0x38B0]  }
0x1ae: {  	[tilespmem:s9+$0x16C80] =	vst v0;
	v0 =	vadd.f32 v6, v1;
	v1 =	vld [tilespmem:s9+$0x9D00]  }
0x1af: {  	v6 =	vld [tilespmem:s9+$0x3900]  }
0x1b0: {  	[tilespmem:s9+$0x16C90] =	vst v0;
	v0 =	vadd.f32 v5, v3;
	v3 =	vld [tilespmem:s9+$0x9D10]  }
0x1b1: {  	v5 =	vld [tilespmem:s9+$0x3910]  }
0x1b2: {  	[tilespmem:s9+$0x16CA0] =	vst v0;
	v0 =	vadd.f32 v4, v2;
	v2 =	vld [tilespmem:s9+$0x9D20]  }
0x1b3: {  	v4 =	vld [tilespmem:s9+$0x3920]  }
0x1b4: {  	[tilespmem:s9+$0x16CB0] =	vst v0;
	v0 =	vadd.f32 v6, v1;
	v1 =	vld [tilespmem:s9+$0x9D30]  }
0x1b5: {  	v6 =	vld [tilespmem:s9+$0x3930]  }
0x1b6: {  	[tilespmem:s9+$0x16D00] =	vst v0;
	v0 =	vadd.f32 v5, v3;
	v3 =	vld [tilespmem:s9+$0x9D80]  }
0x1b7: {  	v5 =	vld [tilespmem:s9+$0x3980]  }
0x1b8: {  	[tilespmem:s9+$0x16D10] =	vst v0;
	v0 =	vadd.f32 v4, v2;
	v2 =	vld [tilespmem:s9+$0x9D90]  }
0x1b9: {  	v4 =	vld [tilespmem:s9+$0x3990]  }
0x1ba: {  	[tilespmem:s9+$0x16D20] =	vst v0;
	v0 =	vld [tilespmem:s9+$0x9DA0];
	_ =	sdelay $0x1  }
0x1bb: {  	v1 =	vadd.f32 v6, v1  }
0x1bc: {  	v3 =	vadd.f32 v5, v3  }
0x1bd: {  	[tilespmem:s9+$0x16D30] =	vst v1;
	v1 =	vadd.f32 v4, v2  }
0x1be: {  	[tilespmem:s9+$0x16D80] =	vst v3;
	v0 =	vadd.f32 v7, v0  }
0x1bf: {  	[tilespmem:s9+$0x16D90] =	vst v1  }
0x1c0: {  	s5 =	sadd.s32 $0x680, s13;
	[tilespmem:s9+$0x16DA0] =	vst v0  }
0x1c1: {  	[hbm4b:s5+s2] =	stream.linear.scatter [tilespmem:s29], [sflag:$0x8], $0x3000, $0x38;
	[tilespmem:$0x19E00] =	vst v63  }
0x1c2: {  	s5 =	simm.s32 @p0 $0x5  }
0x1c3: {  	_ =	swait.ge @p0 [sflag:s5], $0x3400  }
0x1c4: {  	[sflag:s5] =	ssyncset.done @p0 $0x0  }
0x1c5: {  	[sflag:s5] =	ssyncadd.s32 @p0 $0xFFFFCC00;
	s5 =	simm.s32 @p0 $0x6  }
0x1c6: {  	_ =	swait.ge @p0 [sflag:s5], $0x3000  }
0x1c7: {  	[sflag:s5] =	ssyncset.done @p0 $0x0  }
0x1c8: {  	[sflag:s5] =	ssyncadd.s32 @p0 $0xFFFFD000;
	s5 =	simm.s32 @!p0 $0x1  }
0x1c9: {  	_ =	swait.ge @!p0 [sflag:s5], $0xC8  }
0x1ca: {  	s19 =	simm.s32 @!p0 $0x6600;
	[sflag:s5] =	ssyncset.done @!p0 $0x0  }
0x1cb: {  	s9 =	simm.s32 @!p0 $0x0;
	[sflag:s5] =	ssyncadd.s32 @!p0 $0xFFFFFF38;
	s5 =	simm.s32 @!p0 $0x68  }
0x1cc: {  	[tilespmem:s19], [sflag:$0x3] =	stream.indirect.gather @!p0 [hbm4b:s4+s5], $0x80, s9, s5, $0xb8;
	[tilespmem:$0x19E00] =	vst v63  }
0x1cd: {  	s12 =	simm.s32 @!p0 $0x9A00;
	s19 =	simm.s32 @!p0 $0x60  }
0x1ce: {  	[tilespmem:s12], [sflag:$0x4] =	stream.indirect.gather @!p0 [hbm4b:s4+s19], $0x80, s5, s19, $0xb8;
	[tilespmem:$0x19E00] =	vst v63  }
0x1cf: {  	s5 =	simm.s32 @!p0 $0x5  }
0x1d0: {  	_ =	swait.ge @!p0 [sflag:s5], $0x3400  }
0x1d1: {  	[sflag:s5] =	ssyncset.done @!p0 $0x0  }
0x1d2: {  	s12 =	sadd.s32 @!p0 s17, s11;
	[sflag:s5] =	ssyncadd.s32 @!p0 $0xFFFFCC00;
	s5 =	simm.s32 @!p0 $0x6  }
0x1d3: {  	s12 =	smul.u32 @!p0 $0x19, s12;
	_ =	swait.ge @!p0 [sflag:s5], $0x3000  }
0x1d4: {  	[sflag:s5] =	ssyncset.done @!p0 $0x0  }
0x1d5: {  	[sflag:s5] =	ssyncadd.s32 @!p0 $0xFFFFD000;
	s5 =	sadd.s32 @!p0 s3, s12;
	s12 =	simm.s32 @!p0 $0x100  }
0x1d6: {  	[tilespmem:s12], [sflag:$0x2] =	stream.linear.gather @!p0 [hbm4b:s5+s9], $0xC8, $0x38;
	[tilespmem:$0x19E00] =	vst v63  }
0x1d7: {  	_ =	swait.ge [sflag:s30], $0x3400  }
0x1d8: {  	[sflag:s30] =	ssyncset.done $0x0  }
0x1d9: {  	s17 =	simm.s32 $0x0;
	[sflag:s30] =	ssyncadd.s32 $0xFFFFCC00  }
0x1da: {  	v0 =	vld [tilespmem:s17+$0xD1B0]  }
0x1db: {  	v1 =	vld [tilespmem:s17+$0x5B0]  }
0x1dc: {  	v2 =	vld [tilespmem:s17+$0xCE00]  }
0x1dd: {  	v3 =	vld [tilespmem:s17+$0x200]  }
0x1de: {  	v4 =	vld [tilespmem:s17+$0xCE10]  }
0x1df: {  	v5 =	vld [tilespmem:s17+$0x210]  }
0x1e0: {  	v6 =	vld [tilespmem:s17+$0xCE20]  }
0x1e1: {  	v7 =	vld [tilespmem:s17+$0xCE30];
	v0 =	vadd.f32 v1, v0  }
0x1e2: {  	v1 =	vld [tilespmem:s17+$0x220]  }
0x1e3: {  	v2 =	vadd.f32 v3, v2;
	[tilespmem:s17+$0x139B0] =	vst v0;
	v0 =	vld [tilespmem:s17+$0x230]  }
0x1e4: {  	v3 =	vld [tilespmem:s17+$0xCE80]  }
0x1e5: {  	[tilespmem:s17+$0x13600] =	vst v2;
	v2 =	vadd.f32 v5, v4;
	v4 =	vld [tilespmem:s17+$0x280]  }
0x1e6: {  	v5 =	vld [tilespmem:s17+$0x290]  }
0x1e7: {  	[tilespmem:s17+$0x13610] =	vst v2;
	v2 =	vld [tilespmem:s17+$0xCE90];
	v1 =	vadd.f32 v1, v6  }
0x1e8: {  	v6 =	vld [tilespmem:s17+$0x2A0];
	v0 =	vadd.f32 v0, v7  }
0x1e9: {  	[tilespmem:s17+$0x13620] =	vst v1;
	v1 =	vld [tilespmem:s17+$0xCEA0]  }
0x1ea: {  	[tilespmem:s17+$0x13630] =	vst v0;
	v0 =	vadd.f32 v4, v3;
	v3 =	vld [tilespmem:s17+$0xCEB0]  }
0x1eb: {  	v4 =	vld [tilespmem:s17+$0x2B0]  }
0x1ec: {  	[tilespmem:s17+$0x13680] =	vst v0;
	v0 =	vadd.f32 v5, v2;
	v2 =	vld [tilespmem:s17+$0xCF00]  }
0x1ed: {  	v5 =	vld [tilespmem:s17+$0x300]  }
0x1ee: {  	[tilespmem:s17+$0x13690] =	vst v0;
	v0 =	vadd.f32 v6, v1;
	v1 =	vld [tilespmem:s17+$0xCF10]  }
0x1ef: {  	v6 =	vld [tilespmem:s17+$0x310]  }
0x1f0: {  	[tilespmem:s17+$0x136A0] =	vst v0;
	v0 =	vadd.f32 v4, v3;
	v3 =	vld [tilespmem:s17+$0xCF20]  }
0x1f1: {  	v4 =	vld [tilespmem:s17+$0x320]  }
0x1f2: {  	[tilespmem:s17+$0x136B0] =	vst v0;
	v0 =	vadd.f32 v5, v2;
	v2 =	vld [tilespmem:s17+$0xCF30]  }
0x1f3: {  	v5 =	vld [tilespmem:s17+$0x330]  }
0x1f4: {  	[tilespmem:s17+$0x13700] =	vst v0;
	v0 =	vadd.f32 v6, v1;
	v1 =	vld [tilespmem:s17+$0xCF80]  }
0x1f5: {  	v6 =	vld [tilespmem:s17+$0x380]  }
0x1f6: {  	[tilespmem:s17+$0x13710] =	vst v0;
	v0 =	vadd.f32 v4, v3;
	v3 =	vld [tilespmem:s17+$0xCF90]  }
0x1f7: {  	v4 =	vld [tilespmem:s17+$0x390]  }
0x1f8: {  	[tilespmem:s17+$0x13720] =	vst v0;
	v0 =	vadd.f32 v5, v2;
	v2 =	vld [tilespmem:s17+$0xCFA0]  }
0x1f9: {  	v5 =	vld [tilespmem:s17+$0x3A0]  }
0x1fa: {  	[tilespmem:s17+$0x13730] =	vst v0;
	v0 =	vadd.f32 v6, v1;
	v1 =	vld [tilespmem:s17+$0xCFB0]  }
0x1fb: {  	v6 =	vld [tilespmem:s17+$0x3B0]  }
0x1fc: {  	[tilespmem:s17+$0x13780] =	vst v0;
	v0 =	vadd.f32 v4, v3;
	v3 =	vld [tilespmem:s17+$0xD000]  }
0x1fd: {  	v4 =	vld [tilespmem:s17+$0x400]  }
0x1fe: {  	[tilespmem:s17+$0x13790] =	vst v0;
	v0 =	vadd.f32 v5, v2;
	v2 =	vld [tilespmem:s17+$0xD010]  }
0x1ff: {  	v5 =	vld [tilespmem:s17+$0x410]  }
0x200: {  	[tilespmem:s17+$0x137A0] =	vst v0;
	v0 =	vadd.f32 v6, v1;
	v1 =	vld [tilespmem:s17+$0xD020]  }
0x201: {  	v6 =	vld [tilespmem:s17+$0x420]  }
0x202: {  	[tilespmem:s17+$0x137B0] =	vst v0;
	v0 =	vadd.f32 v4, v3;
	v3 =	vld [tilespmem:s17+$0xD030]  }
0x203: {  	v4 =	vld [tilespmem:s17+$0x430]  }
0x204: {  	[tilespmem:s17+$0x13800] =	vst v0;
	v0 =	vadd.f32 v5, v2;
	v2 =	vld [tilespmem:s17+$0xD080]  }
0x205: {  	v5 =	vld [tilespmem:s17+$0x480]  }
0x206: {  	[tilespmem:s17+$0x13810] =	vst v0;
	v0 =	vadd.f32 v6, v1;
	v1 =	vld [tilespmem:s17+$0xD090]  }
0x207: {  	v6 =	vld [tilespmem:s17+$0x490]  }
0x208: {  	[tilespmem:s17+$0x13820] =	vst v0;
	v0 =	vadd.f32 v4, v3;
	v3 =	vld [tilespmem:s17+$0xD0A0]  }
0x209: {  	v4 =	vld [tilespmem:s17+$0x4A0]  }
0x20a: {  	[tilespmem:s17+$0x13830] =	vst v0;
	v0 =	vadd.f32 v5, v2;
	v2 =	vld [tilespmem:s17+$0xD0B0]  }
0x20b: {  	v5 =	vld [tilespmem:s17+$0x4B0]  }
0x20c: {  	[tilespmem:s17+$0x13880] =	vst v0;
	v0 =	vadd.f32 v6, v1;
	v1 =	vld [tilespmem:s17+$0xD100]  }
0x20d: {  	v6 =	vld [tilespmem:s17+$0x500]  }
0x20e: {  	[tilespmem:s17+$0x13890] =	vst v0;
	v0 =	vadd.f32 v4, v3;
	v3 =	vld [tilespmem:s17+$0xD110]  }
0x20f: {  	v4 =	vld [tilespmem:s17+$0x510]  }
0x210: {  	[tilespmem:s17+$0x138A0] =	vst v0;
	v0 =	vadd.f32 v5, v2;
	v2 =	vld [tilespmem:s17+$0xD120]  }
0x211: {  	v5 =	vld [tilespmem:s17+$0x520]  }
0x212: {  	[tilespmem:s17+$0x138B0] =	vst v0;
	v0 =	vadd.f32 v6, v1;
	v1 =	vld [tilespmem:s17+$0xD130]  }
0x213: {  	v6 =	vld [tilespmem:s17+$0x530]  }
0x214: {  	v8 =	vld [tilespmem:s17+$0x580]  }
0x215: {  	v7 =	vld [tilespmem:s17+$0xD180];
	[tilespmem:s17+$0x13900] =	vst v0;
	v0 =	vadd.f32 v4, v3  }
0x216: {  	v3 =	vld [tilespmem:s17+$0x590]  }
0x217: {  	[tilespmem:s17+$0x13910] =	vst v0;
	v0 =	vadd.f32 v5, v2;
	v2 =	vld [tilespmem:s17+$0xD190]  }
0x218: {  	v4 =	vld [tilespmem:s17+$0x5A0];
	v5 =	vadd.f32 v6, v1  }
0x219: {  	s9 =	simm.s32 $0x400;
	[tilespmem:s17+$0x13920] =	vst v0;
	v0 =	vld [tilespmem:s17+$0xD1A0]  }
0x21a: {  	s5 =	simm.s32 $0x2000;
	v1 =	vld [tilespmem:s9+$0xD1B0];
	[tilespmem:s17+$0x13930] =	vst v5;
	v5 =	vadd.f32 v8, v7  }
.LBB2_10:
0x21b: {  	p0 =	sne.s32 s5, $0xC000;
	v6 =	vld [tilespmem:s9+$0x5B0]  }
0x21c: {  	v7 =	vld [tilespmem:s9+$0xCE00];
	[tilespmem:s17+$0x13980] =	vst v5;
	v2 =	vadd.f32 v3, v2  }
0x21d: {  	v3 =	vld [tilespmem:s9+$0x200]  }
0x21e: {  	v5 =	vld [tilespmem:s9+$0xCE10];
	[tilespmem:s17+$0x13990] =	vst v2;
	v0 =	vadd.f32 v4, v0  }
0x21f: {  	v2 =	vld [tilespmem:s9+$0x210]  }
0x220: {  	v4 =	vld [tilespmem:s9+$0xCE20];
	v1 =	vadd.f32 v6, v1;
	[tilespmem:s17+$0x139A0] =	vst v0;
	s17 =	smov.u32 s9  }
0x221: {  	v0 =	vld [tilespmem:s17+$0x220]  }
0x222: {  	v3 =	vadd.f32 v3, v7;
	v6 =	vld [tilespmem:s17+$0xCE30];
	[tilespmem:s17+$0x139B0] =	vst v1  }
0x223: {  	v1 =	vld [tilespmem:s17+$0x230]  }
0x224: {  	[tilespmem:s17+$0x13600] =	vst v3;
	v2 =	vadd.f32 v2, v5;
	v3 =	vld [tilespmem:s17+$0xCE80]  }
0x225: {  	v5 =	vld [tilespmem:s17+$0x280]  }
0x226: {  	[tilespmem:s17+$0x13610] =	vst v2;
	v0 =	vadd.f32 v0, v4;
	v2 =	vld [tilespmem:s17+$0xCE90]  }
0x227: {  	v4 =	vld [tilespmem:s17+$0x290]  }
0x228: {  	[tilespmem:s17+$0x13620] =	vst v0;
	v0 =	vadd.f32 v1, v6;
	v1 =	vld [tilespmem:s17+$0xCEA0]  }
0x229: {  	v6 =	vld [tilespmem:s17+$0x2A0]  }
0x22a: {  	[tilespmem:s17+$0x13630] =	vst v0;
	v0 =	vadd.f32 v5, v3;
	v3 =	vld [tilespmem:s17+$0xCEB0]  }
0x22b: {  	v5 =	vld [tilespmem:s17+$0x2B0]  }
0x22c: {  	[tilespmem:s17+$0x13680] =	vst v0;
	v0 =	vadd.f32 v4, v2;
	v2 =	vld [tilespmem:s17+$0xCF00]  }
0x22d: {  	v4 =	vld [tilespmem:s17+$0x300]  }
0x22e: {  	[tilespmem:s17+$0x13690] =	vst v0;
	v0 =	vadd.f32 v6, v1;
	v1 =	vld [tilespmem:s17+$0xCF10]  }
0x22f: {  	v6 =	vld [tilespmem:s17+$0x310]  }
0x230: {  	[tilespmem:s17+$0x136A0] =	vst v0;
	v0 =	vadd.f32 v5, v3;
	v3 =	vld [tilespmem:s17+$0xCF20]  }
0x231: {  	v5 =	vld [tilespmem:s17+$0x320]  }
0x232: {  	[tilespmem:s17+$0x136B0] =	vst v0;
	v0 =	vadd.f32 v4, v2;
	v2 =	vld [tilespmem:s17+$0xCF30]  }
0x233: {  	v4 =	vld [tilespmem:s17+$0x330]  }
0x234: {  	[tilespmem:s17+$0x13700] =	vst v0;
	v0 =	vadd.f32 v6, v1;
	v1 =	vld [tilespmem:s17+$0xCF80]  }
0x235: {  	v6 =	vld [tilespmem:s17+$0x380]  }
0x236: {  	[tilespmem:s17+$0x13710] =	vst v0;
	v0 =	vadd.f32 v5, v3;
	v3 =	vld [tilespmem:s17+$0xCF90]  }
0x237: {  	v5 =	vld [tilespmem:s17+$0x390]  }
0x238: {  	[tilespmem:s17+$0x13720] =	vst v0;
	v0 =	vadd.f32 v4, v2;
	v2 =	vld [tilespmem:s17+$0xCFA0]  }
0x239: {  	v4 =	vld [tilespmem:s17+$0x3A0]  }
0x23a: {  	[tilespmem:s17+$0x13730] =	vst v0;
	v0 =	vadd.f32 v6, v1;
	v1 =	vld [tilespmem:s17+$0xCFB0]  }
0x23b: {  	v6 =	vld [tilespmem:s17+$0x3B0]  }
0x23c: {  	[tilespmem:s17+$0x13780] =	vst v0;
	v0 =	vadd.f32 v5, v3;
	v3 =	vld [tilespmem:s17+$0xD000]  }
0x23d: {  	v5 =	vld [tilespmem:s17+$0x400]  }
0x23e: {  	[tilespmem:s17+$0x13790] =	vst v0;
	v0 =	vadd.f32 v4, v2;
	v2 =	vld [tilespmem:s17+$0xD010]  }
0x23f: {  	v4 =	vld [tilespmem:s17+$0x410]  }
0x240: {  	[tilespmem:s17+$0x137A0] =	vst v0;
	v0 =	vadd.f32 v6, v1;
	v1 =	vld [tilespmem:s17+$0xD020]  }
0x241: {  	v6 =	vld [tilespmem:s17+$0x420]  }
0x242: {  	[tilespmem:s17+$0x137B0] =	vst v0;
	v0 =	vadd.f32 v5, v3;
	v3 =	vld [tilespmem:s17+$0xD030]  }
0x243: {  	v5 =	vld [tilespmem:s17+$0x430]  }
0x244: {  	[tilespmem:s17+$0x13800] =	vst v0;
	v0 =	vadd.f32 v4, v2;
	v2 =	vld [tilespmem:s17+$0xD080]  }
0x245: {  	v4 =	vld [tilespmem:s17+$0x480]  }
0x246: {  	[tilespmem:s17+$0x13810] =	vst v0;
	v0 =	vadd.f32 v6, v1;
	v1 =	vld [tilespmem:s17+$0xD090]  }
0x247: {  	v6 =	vld [tilespmem:s17+$0x490]  }
0x248: {  	[tilespmem:s17+$0x13820] =	vst v0;
	v0 =	vadd.f32 v5, v3;
	v3 =	vld [tilespmem:s17+$0xD0A0]  }
0x249: {  	v5 =	vld [tilespmem:s17+$0x4A0]  }
0x24a: {  	[tilespmem:s17+$0x13830] =	vst v0;
	v0 =	vadd.f32 v4, v2;
	v2 =	vld [tilespmem:s17+$0xD0B0]  }
0x24b: {  	v4 =	vld [tilespmem:s17+$0x4B0]  }
0x24c: {  	[tilespmem:s17+$0x13880] =	vst v0;
	v0 =	vadd.f32 v6, v1;
	v1 =	vld [tilespmem:s17+$0xD100]  }
0x24d: {  	v6 =	vld [tilespmem:s17+$0x500]  }
0x24e: {  	[tilespmem:s17+$0x13890] =	vst v0;
	v0 =	vadd.f32 v5, v3;
	v3 =	vld [tilespmem:s17+$0xD110]  }
0x24f: {  	v5 =	vld [tilespmem:s17+$0x510]  }
0x250: {  	[tilespmem:s17+$0x138A0] =	vst v0;
	v0 =	vadd.f32 v4, v2;
	v2 =	vld [tilespmem:s17+$0xD120]  }
0x251: {  	v4 =	vld [tilespmem:s17+$0x520]  }
0x252: {  	[tilespmem:s17+$0x138B0] =	vst v0;
	v0 =	vadd.f32 v6, v1;
	v1 =	vld [tilespmem:s17+$0xD130]  }
0x253: {  	v6 =	vld [tilespmem:s17+$0x530]  }
0x254: {  	[tilespmem:s17+$0x13900] =	vst v0;
	v0 =	vadd.f32 v5, v3;
	v5 =	vld [tilespmem:s17+$0xD180]  }
0x255: {  	v7 =	vld [tilespmem:s17+$0x580]  }
.Ltmp4:
0x256: {  	[tilespmem:s17+$0x13910] =	vst v0;
	v0 =	vadd.f32 v4, v2;
	v2 =	vld [tilespmem:s17+$0xD190];
	(pc) =	sbr.rel @p0 .LBB2_10-.Ltmp4, $4  }
0x257: {  	v3 =	vld [tilespmem:s17+$0x590]  }
0x258: {  	[tilespmem:s17+$0x13920] =	vst v0;
	v6 =	vadd.f32 v6, v1;
	v0 =	vld [tilespmem:s17+$0xD1A0]  }
0x259: {  	s9 =	sshra.s32 s5, $0x2;
	v4 =	vld [tilespmem:s17+$0x5A0]  }
0x25a: {  	s5 =	sadd.s32 $0x1000, s5;
	v1 =	vld [tilespmem:s9+$0xD1B0];
	[tilespmem:s17+$0x13930] =	vst v6;
	v5 =	vadd.f32 v7, v5  }
0x25b: {  	v6 =	vld [tilespmem:s9+$0x5B0]  }
0x25c: {  	v7 =	vld [tilespmem:s9+$0xCE00];
	[tilespmem:s17+$0x13980] =	vst v5;
	v2 =	vadd.f32 v3, v2  }
0x25d: {  	v3 =	vld [tilespmem:s9+$0x200]  }
0x25e: {  	v5 =	vld [tilespmem:s9+$0xCE10];
	[tilespmem:s17+$0x13990] =	vst v2;
	v0 =	vadd.f32 v4, v0  }
0x25f: {  	v2 =	vld [tilespmem:s9+$0x210]  }
0x260: {  	v4 =	vld [tilespmem:s9+$0xCE20];
	[tilespmem:s17+$0x139A0] =	vst v0  }
0x261: {  	v0 =	vadd.f32 v6, v1;
	v1 =	vld [tilespmem:s9+$0x220]  }
0x262: {  	v6 =	vld [tilespmem:s9+$0xCE30]  }
0x263: {  	v3 =	vadd.f32 v3, v7;
	[tilespmem:s9+$0x139B0] =	vst v0;
	v0 =	vld [tilespmem:s9+$0x230]  }
0x264: {  	v7 =	vld [tilespmem:s9+$0x5A0]  }
0x265: {  	[tilespmem:s9+$0x13600] =	vst v3;
	v2 =	vadd.f32 v2, v5;
	v3 =	vld [tilespmem:s9+$0xCE80]  }
0x266: {  	v5 =	vld [tilespmem:s9+$0x280]  }
0x267: {  	[tilespmem:s9+$0x13610] =	vst v2;
	v2 =	vld [tilespmem:s9+$0xCE90]  }
0x268: {  	v1 =	vadd.f32 v1, v4;
	v4 =	vld [tilespmem:s9+$0x290]  }
0x269: {  	v0 =	vadd.f32 v0, v6;
	v6 =	vld [tilespmem:s9+$0x2A0]  }
0x26a: {  	[tilespmem:s9+$0x13620] =	vst v1;
	v1 =	vld [tilespmem:s9+$0xCEA0]  }
0x26b: {  	[tilespmem:s9+$0x13630] =	vst v0;
	v0 =	vadd.f32 v5, v3;
	v3 =	vld [tilespmem:s9+$0xCEB0]  }
0x26c: {  	v5 =	vld [tilespmem:s9+$0x2B0]  }
0x26d: {  	[tilespmem:s9+$0x13680] =	vst v0;
	v0 =	vadd.f32 v4, v2;
	v2 =	vld [tilespmem:s9+$0xCF00]  }
0x26e: {  	v4 =	vld [tilespmem:s9+$0x300]  }
0x26f: {  	[tilespmem:s9+$0x13690] =	vst v0;
	v0 =	vadd.f32 v6, v1;
	v1 =	vld [tilespmem:s9+$0xCF10]  }
0x270: {  	v6 =	vld [tilespmem:s9+$0x310]  }
0x271: {  	[tilespmem:s9+$0x136A0] =	vst v0;
	v0 =	vadd.f32 v5, v3;
	v3 =	vld [tilespmem:s9+$0xCF20]  }
0x272: {  	v5 =	vld [tilespmem:s9+$0x320]  }
0x273: {  	[tilespmem:s9+$0x136B0] =	vst v0;
	v0 =	vadd.f32 v4, v2;
	v2 =	vld [tilespmem:s9+$0xCF30]  }
0x274: {  	v4 =	vld [tilespmem:s9+$0x330]  }
0x275: {  	[tilespmem:s9+$0x13700] =	vst v0;
	v0 =	vadd.f32 v6, v1;
	v1 =	vld [tilespmem:s9+$0xCF80]  }
0x276: {  	v6 =	vld [tilespmem:s9+$0x380]  }
0x277: {  	[tilespmem:s9+$0x13710] =	vst v0;
	v0 =	vadd.f32 v5, v3;
	v3 =	vld [tilespmem:s9+$0xCF90]  }
0x278: {  	v5 =	vld [tilespmem:s9+$0x390]  }
0x279: {  	[tilespmem:s9+$0x13720] =	vst v0;
	v0 =	vadd.f32 v4, v2;
	v2 =	vld [tilespmem:s9+$0xCFA0]  }
0x27a: {  	v4 =	vld [tilespmem:s9+$0x3A0]  }
0x27b: {  	[tilespmem:s9+$0x13730] =	vst v0;
	v0 =	vadd.f32 v6, v1;
	v1 =	vld [tilespmem:s9+$0xCFB0]  }
0x27c: {  	v6 =	vld [tilespmem:s9+$0x3B0]  }
0x27d: {  	[tilespmem:s9+$0x13780] =	vst v0;
	v0 =	vadd.f32 v5, v3;
	v3 =	vld [tilespmem:s9+$0xD000]  }
0x27e: {  	v5 =	vld [tilespmem:s9+$0x400]  }
0x27f: {  	[tilespmem:s9+$0x13790] =	vst v0;
	v0 =	vadd.f32 v4, v2;
	v2 =	vld [tilespmem:s9+$0xD010]  }
0x280: {  	v4 =	vld [tilespmem:s9+$0x410]  }
0x281: {  	[tilespmem:s9+$0x137A0] =	vst v0;
	v0 =	vadd.f32 v6, v1;
	v1 =	vld [tilespmem:s9+$0xD020]  }
0x282: {  	v6 =	vld [tilespmem:s9+$0x420]  }
0x283: {  	[tilespmem:s9+$0x137B0] =	vst v0;
	v0 =	vadd.f32 v5, v3;
	v3 =	vld [tilespmem:s9+$0xD030]  }
0x284: {  	v5 =	vld [tilespmem:s9+$0x430]  }
0x285: {  	[tilespmem:s9+$0x13800] =	vst v0;
	v0 =	vadd.f32 v4, v2;
	v2 =	vld [tilespmem:s9+$0xD080]  }
0x286: {  	v4 =	vld [tilespmem:s9+$0x480]  }
0x287: {  	[tilespmem:s9+$0x13810] =	vst v0;
	v0 =	vadd.f32 v6, v1;
	v1 =	vld [tilespmem:s9+$0xD090]  }
0x288: {  	v6 =	vld [tilespmem:s9+$0x490]  }
0x289: {  	[tilespmem:s9+$0x13820] =	vst v0;
	v0 =	vadd.f32 v5, v3;
	v3 =	vld [tilespmem:s9+$0xD0A0]  }
0x28a: {  	v5 =	vld [tilespmem:s9+$0x4A0]  }
0x28b: {  	[tilespmem:s9+$0x13830] =	vst v0;
	v0 =	vadd.f32 v4, v2;
	v2 =	vld [tilespmem:s9+$0xD0B0]  }
0x28c: {  	v4 =	vld [tilespmem:s9+$0x4B0]  }
0x28d: {  	[tilespmem:s9+$0x13880] =	vst v0;
	v0 =	vadd.f32 v6, v1;
	v1 =	vld [tilespmem:s9+$0xD100]  }
0x28e: {  	v6 =	vld [tilespmem:s9+$0x500]  }
0x28f: {  	[tilespmem:s9+$0x13890] =	vst v0;
	v0 =	vadd.f32 v5, v3;
	v3 =	vld [tilespmem:s9+$0xD110]  }
0x290: {  	v5 =	vld [tilespmem:s9+$0x510]  }
0x291: {  	[tilespmem:s9+$0x138A0] =	vst v0;
	v0 =	vadd.f32 v4, v2;
	v2 =	vld [tilespmem:s9+$0xD120]  }
0x292: {  	v4 =	vld [tilespmem:s9+$0x520]  }
0x293: {  	[tilespmem:s9+$0x138B0] =	vst v0;
	v0 =	vadd.f32 v6, v1;
	v1 =	vld [tilespmem:s9+$0xD130]  }
0x294: {  	v6 =	vld [tilespmem:s9+$0x530]  }
0x295: {  	[tilespmem:s9+$0x13900] =	vst v0;
	v0 =	vadd.f32 v5, v3;
	v3 =	vld [tilespmem:s9+$0xD180]  }
0x296: {  	v5 =	vld [tilespmem:s9+$0x580]  }
0x297: {  	[tilespmem:s9+$0x13910] =	vst v0;
	v0 =	vadd.f32 v4, v2;
	v2 =	vld [tilespmem:s9+$0xD190]  }
0x298: {  	v4 =	vld [tilespmem:s9+$0x590]  }
0x299: {  	[tilespmem:s9+$0x13920] =	vst v0;
	v0 =	vld [tilespmem:s9+$0xD1A0];
	_ =	sdelay $0x1  }
0x29a: {  	v1 =	vadd.f32 v6, v1  }
0x29b: {  	v3 =	vadd.f32 v5, v3  }
0x29c: {  	[tilespmem:s9+$0x13930] =	vst v1;
	v1 =	vadd.f32 v4, v2  }
0x29d: {  	[tilespmem:s9+$0x13980] =	vst v3;
	v0 =	vadd.f32 v7, v0  }
0x29e: {  	[tilespmem:s9+$0x13990] =	vst v1  }
0x29f: {  	s5 =	sadd.s32 $0xC80, s13;
	s19 =	simm.s32 $0x0;
	[tilespmem:s9+$0x139A0] =	vst v0  }
0x2a0: {  	[hbm4b:s5+s19] =	stream.linear.scatter [tilespmem:s28], [sflag:$0x7], $0x3400, $0x38;
	[tilespmem:$0x19E00] =	vst v63  }
0x2a1: {  	_ =	swait.ge [sflag:s31], $0x3000  }
0x2a2: {  	[sflag:s31] =	ssyncset.done $0x0  }
0x2a3: {  	s17 =	simm.s32 $0x0;
	[sflag:s31] =	ssyncadd.s32 $0xFFFFD000  }
0x2a4: {  	v0 =	vld [tilespmem:s17+$0x105B0]  }
0x2a5: {  	v1 =	vld [tilespmem:s17+$0x39B0]  }
0x2a6: {  	v2 =	vld [tilespmem:s17+$0x10200]  }
0x2a7: {  	v3 =	vld [tilespmem:s17+$0x3600]  }
0x2a8: {  	v4 =	vld [tilespmem:s17+$0x10210]  }
0x2a9: {  	v5 =	vld [tilespmem:s17+$0x3610]  }
0x2aa: {  	v6 =	vld [tilespmem:s17+$0x10220]  }
0x2ab: {  	v7 =	vld [tilespmem:s17+$0x10230];
	v0 =	vadd.f32 v1, v0  }
0x2ac: {  	v1 =	vld [tilespmem:s17+$0x3620]  }
0x2ad: {  	v2 =	vadd.f32 v3, v2;
	[tilespmem:s17+$0x16DB0] =	vst v0;
	v0 =	vld [tilespmem:s17+$0x3630]  }
0x2ae: {  	v3 =	vld [tilespmem:s17+$0x10280]  }
0x2af: {  	[tilespmem:s17+$0x16A00] =	vst v2;
	v2 =	vadd.f32 v5, v4;
	v4 =	vld [tilespmem:s17+$0x3680]  }
0x2b0: {  	v5 =	vld [tilespmem:s17+$0x3690]  }
0x2b1: {  	[tilespmem:s17+$0x16A10] =	vst v2;
	v2 =	vld [tilespmem:s17+$0x10290];
	v1 =	vadd.f32 v1, v6  }
0x2b2: {  	v6 =	vld [tilespmem:s17+$0x36A0];
	v0 =	vadd.f32 v0, v7  }
0x2b3: {  	[tilespmem:s17+$0x16A20] =	vst v1;
	v1 =	vld [tilespmem:s17+$0x102A0]  }
0x2b4: {  	[tilespmem:s17+$0x16A30] =	vst v0;
	v0 =	vadd.f32 v4, v3;
	v3 =	vld [tilespmem:s17+$0x102B0]  }
0x2b5: {  	v4 =	vld [tilespmem:s17+$0x36B0]  }
0x2b6: {  	[tilespmem:s17+$0x16A80] =	vst v0;
	v0 =	vadd.f32 v5, v2;
	v2 =	vld [tilespmem:s17+$0x10300]  }
0x2b7: {  	v5 =	vld [tilespmem:s17+$0x3700]  }
0x2b8: {  	[tilespmem:s17+$0x16A90] =	vst v0;
	v0 =	vadd.f32 v6, v1;
	v1 =	vld [tilespmem:s17+$0x10310]  }
0x2b9: {  	v6 =	vld [tilespmem:s17+$0x3710]  }
0x2ba: {  	[tilespmem:s17+$0x16AA0] =	vst v0;
	v0 =	vadd.f32 v4, v3;
	v3 =	vld [tilespmem:s17+$0x10320]  }
0x2bb: {  	v4 =	vld [tilespmem:s17+$0x3720]  }
0x2bc: {  	[tilespmem:s17+$0x16AB0] =	vst v0;
	v0 =	vadd.f32 v5, v2;
	v2 =	vld [tilespmem:s17+$0x10330]  }
0x2bd: {  	v5 =	vld [tilespmem:s17+$0x3730]  }
0x2be: {  	[tilespmem:s17+$0x16B00] =	vst v0;
	v0 =	vadd.f32 v6, v1;
	v1 =	vld [tilespmem:s17+$0x10380]  }
0x2bf: {  	v6 =	vld [tilespmem:s17+$0x3780]  }
0x2c0: {  	[tilespmem:s17+$0x16B10] =	vst v0;
	v0 =	vadd.f32 v4, v3;
	v3 =	vld [tilespmem:s17+$0x10390]  }
0x2c1: {  	v4 =	vld [tilespmem:s17+$0x3790]  }
0x2c2: {  	[tilespmem:s17+$0x16B20] =	vst v0;
	v0 =	vadd.f32 v5, v2;
	v2 =	vld [tilespmem:s17+$0x103A0]  }
0x2c3: {  	v5 =	vld [tilespmem:s17+$0x37A0]  }
0x2c4: {  	[tilespmem:s17+$0x16B30] =	vst v0;
	v0 =	vadd.f32 v6, v1;
	v1 =	vld [tilespmem:s17+$0x103B0]  }
0x2c5: {  	v6 =	vld [tilespmem:s17+$0x37B0]  }
0x2c6: {  	[tilespmem:s17+$0x16B80] =	vst v0;
	v0 =	vadd.f32 v4, v3;
	v3 =	vld [tilespmem:s17+$0x10400]  }
0x2c7: {  	v4 =	vld [tilespmem:s17+$0x3800]  }
0x2c8: {  	[tilespmem:s17+$0x16B90] =	vst v0;
	v0 =	vadd.f32 v5, v2;
	v2 =	vld [tilespmem:s17+$0x10410]  }
0x2c9: {  	v5 =	vld [tilespmem:s17+$0x3810]  }
0x2ca: {  	[tilespmem:s17+$0x16BA0] =	vst v0;
	v0 =	vadd.f32 v6, v1;
	v1 =	vld [tilespmem:s17+$0x10420]  }
0x2cb: {  	v6 =	vld [tilespmem:s17+$0x3820]  }
0x2cc: {  	[tilespmem:s17+$0x16BB0] =	vst v0;
	v0 =	vadd.f32 v4, v3;
	v3 =	vld [tilespmem:s17+$0x10430]  }
0x2cd: {  	v4 =	vld [tilespmem:s17+$0x3830]  }
0x2ce: {  	[tilespmem:s17+$0x16C00] =	vst v0;
	v0 =	vadd.f32 v5, v2;
	v2 =	vld [tilespmem:s17+$0x10480]  }
0x2cf: {  	v5 =	vld [tilespmem:s17+$0x3880]  }
0x2d0: {  	[tilespmem:s17+$0x16C10] =	vst v0;
	v0 =	vadd.f32 v6, v1;
	v1 =	vld [tilespmem:s17+$0x10490]  }
0x2d1: {  	v6 =	vld [tilespmem:s17+$0x3890]  }
0x2d2: {  	[tilespmem:s17+$0x16C20] =	vst v0;
	v0 =	vadd.f32 v4, v3;
	v3 =	vld [tilespmem:s17+$0x104A0]  }
0x2d3: {  	v4 =	vld [tilespmem:s17+$0x38A0]  }
0x2d4: {  	[tilespmem:s17+$0x16C30] =	vst v0;
	v0 =	vadd.f32 v5, v2;
	v2 =	vld [tilespmem:s17+$0x104B0]  }
0x2d5: {  	v5 =	vld [tilespmem:s17+$0x38B0]  }
0x2d6: {  	[tilespmem:s17+$0x16C80] =	vst v0;
	v0 =	vadd.f32 v6, v1;
	v1 =	vld [tilespmem:s17+$0x10500]  }
0x2d7: {  	v6 =	vld [tilespmem:s17+$0x3900]  }
0x2d8: {  	[tilespmem:s17+$0x16C90] =	vst v0;
	v0 =	vadd.f32 v4, v3;
	v3 =	vld [tilespmem:s17+$0x10510]  }
0x2d9: {  	v4 =	vld [tilespmem:s17+$0x3910]  }
0x2da: {  	[tilespmem:s17+$0x16CA0] =	vst v0;
	v0 =	vadd.f32 v5, v2;
	v2 =	vld [tilespmem:s17+$0x10520]  }
0x2db: {  	v5 =	vld [tilespmem:s17+$0x3920]  }
0x2dc: {  	[tilespmem:s17+$0x16CB0] =	vst v0;
	v0 =	vadd.f32 v6, v1;
	v1 =	vld [tilespmem:s17+$0x10530]  }
0x2dd: {  	v6 =	vld [tilespmem:s17+$0x3930]  }
0x2de: {  	v8 =	vld [tilespmem:s17+$0x3980]  }
0x2df: {  	v7 =	vld [tilespmem:s17+$0x10580];
	[tilespmem:s17+$0x16D00] =	vst v0;
	v0 =	vadd.f32 v4, v3  }
0x2e0: {  	v3 =	vld [tilespmem:s17+$0x3990]  }
0x2e1: {  	[tilespmem:s17+$0x16D10] =	vst v0;
	v0 =	vadd.f32 v5, v2;
	v2 =	vld [tilespmem:s17+$0x10590]  }
0x2e2: {  	v4 =	vld [tilespmem:s17+$0x39A0];
	v5 =	vadd.f32 v6, v1  }
0x2e3: {  	s9 =	simm.s32 $0x400;
	[tilespmem:s17+$0x16D20] =	vst v0;
	v0 =	vld [tilespmem:s17+$0x105A0]  }
0x2e4: {  	s5 =	simm.s32 $0x2000;
	v1 =	vld [tilespmem:s9+$0x105B0];
	[tilespmem:s17+$0x16D30] =	vst v5;
	v5 =	vadd.f32 v8, v7  }
.LBB2_12:
0x2e5: {  	p0 =	sne.s32 s5, $0xB000;
	v6 =	vld [tilespmem:s9+$0x39B0]  }
0x2e6: {  	v7 =	vld [tilespmem:s9+$0x10200];
	[tilespmem:s17+$0x16D80] =	vst v5;
	v2 =	vadd.f32 v3, v2  }
0x2e7: {  	v3 =	vld [tilespmem:s9+$0x3600]  }
0x2e8: {  	v5 =	vld [tilespmem:s9+$0x10210];
	[tilespmem:s17+$0x16D90] =	vst v2;
	v0 =	vadd.f32 v4, v0  }
0x2e9: {  	v2 =	vld [tilespmem:s9+$0x3610]  }
0x2ea: {  	v4 =	vld [tilespmem:s9+$0x10220];
	v1 =	vadd.f32 v6, v1;
	[tilespmem:s17+$0x16DA0] =	vst v0;
	s17 =	smov.u32 s9  }
0x2eb: {  	v0 =	vld [tilespmem:s17+$0x3620]  }
0x2ec: {  	v3 =	vadd.f32 v3, v7;
	v6 =	vld [tilespmem:s17+$0x10230];
	[tilespmem:s17+$0x16DB0] =	vst v1  }
0x2ed: {  	v1 =	vld [tilespmem:s17+$0x3630]  }
0x2ee: {  	[tilespmem:s17+$0x16A00] =	vst v3;
	v2 =	vadd.f32 v2, v5;
	v3 =	vld [tilespmem:s17+$0x10280]  }
0x2ef: {  	v5 =	vld [tilespmem:s17+$0x3680]  }
0x2f0: {  	[tilespmem:s17+$0x16A10] =	vst v2;
	v0 =	vadd.f32 v0, v4;
	v2 =	vld [tilespmem:s17+$0x10290]  }
0x2f1: {  	v4 =	vld [tilespmem:s17+$0x3690]  }
0x2f2: {  	[tilespmem:s17+$0x16A20] =	vst v0;
	v0 =	vadd.f32 v1, v6;
	v1 =	vld [tilespmem:s17+$0x102A0]  }
0x2f3: {  	v6 =	vld [tilespmem:s17+$0x36A0]  }
0x2f4: {  	[tilespmem:s17+$0x16A30] =	vst v0;
	v0 =	vadd.f32 v5, v3;
	v3 =	vld [tilespmem:s17+$0x102B0]  }
0x2f5: {  	v5 =	vld [tilespmem:s17+$0x36B0]  }
0x2f6: {  	[tilespmem:s17+$0x16A80] =	vst v0;
	v0 =	vadd.f32 v4, v2;
	v2 =	vld [tilespmem:s17+$0x10300]  }
0x2f7: {  	v4 =	vld [tilespmem:s17+$0x3700]  }
0x2f8: {  	[tilespmem:s17+$0x16A90] =	vst v0;
	v0 =	vadd.f32 v6, v1;
	v1 =	vld [tilespmem:s17+$0x10310]  }
0x2f9: {  	v6 =	vld [tilespmem:s17+$0x3710]  }
0x2fa: {  	[tilespmem:s17+$0x16AA0] =	vst v0;
	v0 =	vadd.f32 v5, v3;
	v3 =	vld [tilespmem:s17+$0x10320]  }
0x2fb: {  	v5 =	vld [tilespmem:s17+$0x3720]  }
0x2fc: {  	[tilespmem:s17+$0x16AB0] =	vst v0;
	v0 =	vadd.f32 v4, v2;
	v2 =	vld [tilespmem:s17+$0x10330]  }
0x2fd: {  	v4 =	vld [tilespmem:s17+$0x3730]  }
0x2fe: {  	[tilespmem:s17+$0x16B00] =	vst v0;
	v0 =	vadd.f32 v6, v1;
	v1 =	vld [tilespmem:s17+$0x10380]  }
0x2ff: {  	v6 =	vld [tilespmem:s17+$0x3780]  }
0x300: {  	[tilespmem:s17+$0x16B10] =	vst v0;
	v0 =	vadd.f32 v5, v3;
	v3 =	vld [tilespmem:s17+$0x10390]  }
0x301: {  	v5 =	vld [tilespmem:s17+$0x3790]  }
0x302: {  	[tilespmem:s17+$0x16B20] =	vst v0;
	v0 =	vadd.f32 v4, v2;
	v2 =	vld [tilespmem:s17+$0x103A0]  }
0x303: {  	v4 =	vld [tilespmem:s17+$0x37A0]  }
0x304: {  	[tilespmem:s17+$0x16B30] =	vst v0;
	v0 =	vadd.f32 v6, v1;
	v1 =	vld [tilespmem:s17+$0x103B0]  }
0x305: {  	v6 =	vld [tilespmem:s17+$0x37B0]  }
0x306: {  	[tilespmem:s17+$0x16B80] =	vst v0;
	v0 =	vadd.f32 v5, v3;
	v3 =	vld [tilespmem:s17+$0x10400]  }
0x307: {  	v5 =	vld [tilespmem:s17+$0x3800]  }
0x308: {  	[tilespmem:s17+$0x16B90] =	vst v0;
	v0 =	vadd.f32 v4, v2;
	v2 =	vld [tilespmem:s17+$0x10410]  }
0x309: {  	v4 =	vld [tilespmem:s17+$0x3810]  }
0x30a: {  	[tilespmem:s17+$0x16BA0] =	vst v0;
	v0 =	vadd.f32 v6, v1;
	v1 =	vld [tilespmem:s17+$0x10420]  }
0x30b: {  	v6 =	vld [tilespmem:s17+$0x3820]  }
0x30c: {  	[tilespmem:s17+$0x16BB0] =	vst v0;
	v0 =	vadd.f32 v5, v3;
	v3 =	vld [tilespmem:s17+$0x10430]  }
0x30d: {  	v5 =	vld [tilespmem:s17+$0x3830]  }
0x30e: {  	[tilespmem:s17+$0x16C00] =	vst v0;
	v0 =	vadd.f32 v4, v2;
	v2 =	vld [tilespmem:s17+$0x10480]  }
0x30f: {  	v4 =	vld [tilespmem:s17+$0x3880]  }
0x310: {  	[tilespmem:s17+$0x16C10] =	vst v0;
	v0 =	vadd.f32 v6, v1;
	v1 =	vld [tilespmem:s17+$0x10490]  }
0x311: {  	v6 =	vld [tilespmem:s17+$0x3890]  }
0x312: {  	[tilespmem:s17+$0x16C20] =	vst v0;
	v0 =	vadd.f32 v5, v3;
	v3 =	vld [tilespmem:s17+$0x104A0]  }
0x313: {  	v5 =	vld [tilespmem:s17+$0x38A0]  }
0x314: {  	[tilespmem:s17+$0x16C30] =	vst v0;
	v0 =	vadd.f32 v4, v2;
	v2 =	vld [tilespmem:s17+$0x104B0]  }
0x315: {  	v4 =	vld [tilespmem:s17+$0x38B0]  }
0x316: {  	[tilespmem:s17+$0x16C80] =	vst v0;
	v0 =	vadd.f32 v6, v1;
	v1 =	vld [tilespmem:s17+$0x10500]  }
0x317: {  	v6 =	vld [tilespmem:s17+$0x3900]  }
0x318: {  	[tilespmem:s17+$0x16C90] =	vst v0;
	v0 =	vadd.f32 v5, v3;
	v3 =	vld [tilespmem:s17+$0x10510]  }
0x319: {  	v5 =	vld [tilespmem:s17+$0x3910]  }
0x31a: {  	[tilespmem:s17+$0x16CA0] =	vst v0;
	v0 =	vadd.f32 v4, v2;
	v2 =	vld [tilespmem:s17+$0x10520]  }
0x31b: {  	v4 =	vld [tilespmem:s17+$0x3920]  }
0x31c: {  	[tilespmem:s17+$0x16CB0] =	vst v0;
	v0 =	vadd.f32 v6, v1;
	v1 =	vld [tilespmem:s17+$0x10530]  }
0x31d: {  	v6 =	vld [tilespmem:s17+$0x3930]  }
0x31e: {  	[tilespmem:s17+$0x16D00] =	vst v0;
	v0 =	vadd.f32 v5, v3;
	v5 =	vld [tilespmem:s17+$0x10580]  }
0x31f: {  	v7 =	vld [tilespmem:s17+$0x3980]  }
.Ltmp5:
0x320: {  	[tilespmem:s17+$0x16D10] =	vst v0;
	v0 =	vadd.f32 v4, v2;
	v2 =	vld [tilespmem:s17+$0x10590];
	(pc) =	sbr.rel @p0 .LBB2_12-.Ltmp5, $4  }
0x321: {  	v3 =	vld [tilespmem:s17+$0x3990]  }
0x322: {  	[tilespmem:s17+$0x16D20] =	vst v0;
	v6 =	vadd.f32 v6, v1;
	v0 =	vld [tilespmem:s17+$0x105A0]  }
0x323: {  	s9 =	sshra.s32 s5, $0x2;
	v4 =	vld [tilespmem:s17+$0x39A0]  }
0x324: {  	s5 =	sadd.s32 $0x1000, s5;
	v1 =	vld [tilespmem:s9+$0x105B0];
	[tilespmem:s17+$0x16D30] =	vst v6;
	v5 =	vadd.f32 v7, v5  }
0x325: {  	v6 =	vld [tilespmem:s9+$0x39B0]  }
0x326: {  	v7 =	vld [tilespmem:s9+$0x10200];
	[tilespmem:s17+$0x16D80] =	vst v5;
	v2 =	vadd.f32 v3, v2  }
0x327: {  	v35 =	vld [tilespmem:s9+$0x3600]  }
0x328: {  	v5 =	vld [tilespmem:s9+$0x10210];
	[tilespmem:s17+$0x16D90] =	vst v2;
	v0 =	vadd.f32 v4, v0  }
0x329: {  	v2 =	vld [tilespmem:s9+$0x3610]  }
0x32a: {  	v36 =	vld [tilespmem:s9+$0x10220];
	[tilespmem:s17+$0x16DA0] =	vst v0  }
0x32b: {  	v38 =	vld [tilespmem:s9+$0x3620]  }
0x32c: {  	v39 =	vld [tilespmem:s9+$0x10230]  }
0x32d: {  	v40 =	vld [tilespmem:s9+$0x3630]  }
0x32e: {  	v41 =	vld [tilespmem:s9+$0x10280]  }
0x32f: {  	v42 =	vld [tilespmem:s9+$0x3680]  }
0x330: {  	v43 =	vld [tilespmem:s9+$0x10290]  }
0x331: {  	v44 =	vld [tilespmem:s9+$0x3690]  }
0x332: {  	v45 =	vld [tilespmem:s9+$0x102A0]  }
0x333: {  	v46 =	vld [tilespmem:s9+$0x36A0]  }
0x334: {  	v48 =	vld [tilespmem:s9+$0x102B0]  }
0x335: {  	v49 =	vld [tilespmem:s9+$0x36B0]  }
0x336: {  	v51 =	vld [tilespmem:s9+$0x10300]  }
0x337: {  	v52 =	vld [tilespmem:s9+$0x3700]  }
0x338: {  	v54 =	vld [tilespmem:s9+$0x10310]  }
0x339: {  	v55 =	vld [tilespmem:s9+$0x3710]  }
0x33a: {  	v57 =	vld [tilespmem:s9+$0x10320]  }
0x33b: {  	v58 =	vld [tilespmem:s9+$0x3720]  }
0x33c: {  	v60 =	vld [tilespmem:s9+$0x10330]  }
0x33d: {  	v61 =	vld [tilespmem:s9+$0x3730]  }
0x33e: {  	v63 =	vld [tilespmem:s9+$0x10380]  }
0x33f: {  	v9 =	vld [tilespmem:s9+$0x3780]  }
0x340: {  	v11 =	vld [tilespmem:s9+$0x10390]  }
0x341: {  	v12 =	vld [tilespmem:s9+$0x3790]  }
0x342: {  	v14 =	vld [tilespmem:s9+$0x103A0]  }
0x343: {  	v15 =	vld [tilespmem:s9+$0x37A0]  }
0x344: {  	v17 =	vld [tilespmem:s9+$0x103B0]  }
0x345: {  	v18 =	vld [tilespmem:s9+$0x37B0]  }
0x346: {  	v20 =	vld [tilespmem:s9+$0x10400]  }
0x347: {  	v21 =	vld [tilespmem:s9+$0x3800]  }
0x348: {  	v23 =	vld [tilespmem:s9+$0x10410]  }
0x349: {  	v37 =	vadd.f32 v6, v1;
	v24 =	vld [tilespmem:s9+$0x3810]  }
0x34a: {  	v26 =	vld [tilespmem:s9+$0x10420];
	v3 =	vadd.f32 v35, v7  }
0x34b: {  	v27 =	vld [tilespmem:s9+$0x3820];
	[tilespmem:s9+$0x16DB0] =	vst v37;
	v2 =	vadd.f32 v2, v5  }
0x34c: {  	v29 =	vld [tilespmem:s9+$0x10430];
	[tilespmem:s9+$0x16A00] =	vst v3;
	v1 =	vadd.f32 v38, v36  }
0x34d: {  	v30 =	vld [tilespmem:s9+$0x3830];
	[tilespmem:s9+$0x16A10] =	vst v2;
	v0 =	vadd.f32 v40, v39  }
0x34e: {  	v32 =	vld [tilespmem:s9+$0x10480];
	v47 =	vadd.f32 v42, v41;
	[tilespmem:s9+$0x16A20] =	vst v1  }
0x34f: {  	v33 =	vld [tilespmem:s9+$0x3880];
	v50 =	vadd.f32 v44, v43;
	[tilespmem:s9+$0x16A30] =	vst v0  }
0x350: {  	v35 =	vld [tilespmem:s9+$0x10490];
	v53 =	vadd.f32 v46, v45;
	[tilespmem:s9+$0x16A80] =	vst v47  }
0x351: {  	v56 =	vadd.f32 v49, v48;
	v36 =	vld [tilespmem:s9+$0x3890];
	[tilespmem:s9+$0x16A90] =	vst v50  }
0x352: {  	v59 =	vadd.f32 v52, v51;
	v38 =	vld [tilespmem:s9+$0x104A0];
	[tilespmem:s9+$0x16AA0] =	vst v53  }
0x353: {  	v62 =	vadd.f32 v55, v54;
	v39 =	vld [tilespmem:s9+$0x38A0];
	[tilespmem:s9+$0x16AB0] =	vst v56  }
0x354: {  	v10 =	vadd.f32 v58, v57;
	v41 =	vld [tilespmem:s9+$0x104B0];
	[tilespmem:s9+$0x16B00] =	vst v59  }
0x355: {  	v13 =	vadd.f32 v61, v60;
	v42 =	vld [tilespmem:s9+$0x38B0];
	[tilespmem:s9+$0x16B10] =	vst v62  }
0x356: {  	v16 =	vadd.f32 v9, v63;
	v44 =	vld [tilespmem:s9+$0x10500];
	[tilespmem:s9+$0x16B20] =	vst v10  }
0x357: {  	v19 =	vadd.f32 v12, v11;
	v45 =	vld [tilespmem:s9+$0x3900];
	[tilespmem:s9+$0x16B30] =	vst v13  }
0x358: {  	v22 =	vadd.f32 v15, v14;
	v48 =	vld [tilespmem:s9+$0x3910];
	[tilespmem:s9+$0x16B80] =	vst v16  }
0x359: {  	v25 =	vadd.f32 v18, v17;
	v51 =	vld [tilespmem:s9+$0x3920];
	[tilespmem:s9+$0x16B90] =	vst v19  }
0x35a: {  	v28 =	vadd.f32 v21, v20;
	v54 =	vld [tilespmem:s9+$0x3930];
	[tilespmem:s9+$0x16BA0] =	vst v22  }
0x35b: {  	v31 =	vadd.f32 v24, v23;
	v57 =	vld [tilespmem:s9+$0x3980];
	[tilespmem:s9+$0x16BB0] =	vst v25  }
0x35c: {  	v34 =	vadd.f32 v27, v26;
	v60 =	vld [tilespmem:s9+$0x3990];
	[tilespmem:s9+$0x16C00] =	vst v28  }
0x35d: {  	v37 =	vadd.f32 v30, v29;
	v61 =	vld [tilespmem:s9+$0x105A0];
	[tilespmem:s9+$0x16C10] =	vst v31  }
0x35e: {  	v40 =	vadd.f32 v33, v32;
	[tilespmem:s9+$0x16C20] =	vst v34;
	v47 =	vld [tilespmem:s9+$0x10510]  }
0x35f: {  	[tilespmem:s9+$0x16C30] =	vst v37;
	v50 =	vld [tilespmem:s9+$0x10520];
	v43 =	vadd.f32 v36, v35  }
0x360: {  	[tilespmem:s9+$0x16C80] =	vst v40;
	v53 =	vld [tilespmem:s9+$0x10530];
	v46 =	vadd.f32 v39, v38  }
0x361: {  	v56 =	vld [tilespmem:s9+$0x10580];
	v49 =	vadd.f32 v42, v41;
	[tilespmem:s9+$0x16C90] =	vst v43  }
0x362: {  	v59 =	vld [tilespmem:s9+$0x10590];
	v52 =	vadd.f32 v45, v44;
	[tilespmem:s9+$0x16CA0] =	vst v46  }
0x363: {  	v62 =	vld [tilespmem:s9+$0x39A0];
	[tilespmem:s9+$0x16CB0] =	vst v49;
	v55 =	vadd.f32 v48, v47  }
0x364: {  	[tilespmem:s9+$0x16D00] =	vst v52;
	v58 =	vadd.f32 v51, v50  }
0x365: {  	s1 =	sadd.s32 $0x1, s1;
	v1 =	vadd.f32 v54, v53;
	[tilespmem:s9+$0x16D10] =	vst v55  }
0x366: {  	p0 =	sne.s32 s1, $0x10;
	v3 =	vadd.f32 v57, v56;
	[tilespmem:s9+$0x16D20] =	vst v58  }
.Ltmp6:
0x367: {  	v63 =	vadd.f32 v60, v59;
	[tilespmem:s9+$0x16D30] =	vst v1;
	(pc) =	sbr.rel @p0 .LBB2_2-.Ltmp6, $4  }
0x368: {  	v0 =	vadd.f32 v62, v61;
	[tilespmem:s9+$0x16D80] =	vst v3  }
0x369: {  	[tilespmem:s9+$0x16D90] =	vst v63  }
0x36a: {  	s5 =	sadd.s32 $0x1300, s13;
	[tilespmem:s9+$0x16DA0] =	vst v0  }
0x36b: {  	[hbm4b:s5+s2] =	stream.linear.scatter [tilespmem:s29], [sflag:$0x8], $0x3000, $0x38;
	[tilespmem:$0x19E00] =	vst v63  }
0x36c: {  	_ =	swait.ge [sflag:s30], $0x3400  }
0x36d: {  	[sflag:s30] =	ssyncset.done $0x0  }
0x36e: {  	[sflag:s30] =	ssyncadd.s32 $0xFFFFCC00  }
0x36f: {  	_ =	swait.ge [sflag:s31], $0x3000  }
0x370: {  	s0 =	sadd.s32 $0x1, s0;
	s1 =	rddreg [dreg:$0x4]  }
0x371: {  	p0 =	sne.s32 s0, s1  }
.Ltmp7:
0x372: {  	_ = 	snop;
	(pc) =	sbr.rel @p0 .LBB2_1-.Ltmp7, $3  }
0x373: {  	_ =	sdelay $0x1  }
0x374: {  	[sflag:s31] =	ssyncset.done $0x0  }
0x375: {  	[sflag:s31] =	ssyncadd.s32 $0xFFFFD000  }
0x376: {  	_ =	sfence.sel $0x180000  }
0x377: {  	[bflag:$0x0] =	sbarrier.arrive $0xFFFF  }
0x378: {  	_ =	strace $0x90000047  }
0x379: {  	s0 =	stileid.u32;
	[bflag:$0x2] =	sbarrier.arrive $0xFFFF  }
0x37a: {  	p0 =	sne.s32 s0, $0x0;
	s0 =	rddreg [dreg:$0x1]  }
0x37b: {  	s0 =	sadd.s32 @!p0 $0x100000, s0  }
0x37c: {  	[sflag:s0] =	ssyncadd.tile.s32 @!p0 $0x1;
	_ =	shalt  }
.Lfunc_end2:
_tile_overlayer_lowered:
.L_overlay_start_2:
0x37d: {  	(tag) =	ssettag $0x2  }
0x37e: {  	s0 =	rddreg [dreg:$0x0];
	s2 =	stileid.u32  }
0x37f: {  	s1 =	rddreg [dreg:$0x1];
	p0 =	sne.s32 s2, $0x0  }
0x380: {  	s3 =	rddreg [dreg:$0x2];
	[bflag:$0x3] =	sbarrier.arrive $0xFFFF;
	s2 =	simm.s32 @!p0 $0x1C09  }
0x381: {  	[timem:s3], [sflag:s2] =	dma.local @!p0 [hbm:s0], s1  }
0x382: {  	s0 =	simm.s32 @!p0 $0x9  }
0x383: {  	_ =	swait.ge @!p0 [sflag:s0], s1  }
0x384: {  	s1 =	ssub.s32 @!p0 $0x0, s1;
	[sflag:s0] =	ssyncset.done @!p0 $0x0  }
0x385: {  	[sflag:s0] =	ssyncadd.s32 @!p0 s1  }
0x386: {  	[bflag:$0x3] =	sbarrier.arrive $0xFFFF  }
0x387: {  	_ =	shalt  }

</sc_bundles>
